<compile_context>
chip_gen: v7x
topology: tpu7x:2x2x1
jax: 0.10.2.dev20260603
libtpu: 0.0.44.dev20260713+nightly
codegen_flags: <defaults>
</compile_context>

<pallas_src>
import jax
import jax.numpy as jnp
from jax import lax
from jax.experimental import pallas as pl
from jax.experimental.pallas import tpu as pltpu
from jax.experimental.pallas import tpu_sc as plsc

DIM = 4096
N_EXPERTS = 64
TOPK = 8
N_GROUPS = 8
GROUP_SIZE = N_EXPERTS // N_GROUPS
TOPK_GROUPS = 4
ROUTE_SCALE = 2.5
N_TOK = 8192

BLOCK_T = 1024
NW = 32
TPW = N_TOK // NW



def _dense(x, wT, b2, tpw):
    n = x.shape[0]
    nblk = n // tpw
    bt = min(BLOCK_T, n)

    def _dense_block(x_ref, wT_ref, b_ref, s_out_ref, o_out_ref):
        xv = x_ref[...]
        wTv = wT_ref[...]
        logits = jnp.dot(xv, wTv, preferred_element_type=jnp.float32)
        lt = logits.T
        origT = jax.nn.sigmoid(lt)
        sT = origT + b_ref[...]
        for q in range(bt // tpw):
            s_out_ref[q] = sT[:, q * tpw:(q + 1) * tpw]
            o_out_ref[q] = origT[:, q * tpw:(q + 1) * tpw]

    return pl.pallas_call(
        _dense_block,
        grid=(n // bt,),
        in_specs=[
            pl.BlockSpec((bt, DIM), lambda i: (i, 0)),
            pl.BlockSpec((DIM, N_EXPERTS), lambda i: (0, 0)),
            pl.BlockSpec((N_EXPERTS, 1), lambda i: (0, 0)),
        ],
        out_specs=[
            pl.BlockSpec((bt // tpw, N_EXPERTS, tpw), lambda i: (i, 0, 0)),
            pl.BlockSpec((bt // tpw, N_EXPERTS, tpw), lambda i: (i, 0, 0)),
        ],
        out_shape=[
            jax.ShapeDtypeStruct((nblk, N_EXPERTS, tpw), jnp.float32),
            jax.ShapeDtypeStruct((nblk, N_EXPERTS, tpw), jnp.float32),
        ],
        compiler_params=pltpu.CompilerParams(
            dimension_semantics=("arbitrary",),
        ),
    )(x, wT, b2)



def _make_route_body(tpw):
  def _route_body(s_hbm, o_hbm, w_hbm, i_hbm, s_v, o_v, vt, it, wo, io):
    w = lax.axis_index("s") * 2 + lax.axis_index("c")
    pltpu.sync_copy(s_hbm.at[w], s_v)
    pltpu.sync_copy(o_hbm.at[w], o_v)
    lanes = lax.iota(jnp.int32, 16)

    for e in range(N_EXPERTS):
        it[pl.ds((N_EXPERTS + e) * 16, 16)] = jnp.full((16,), e, jnp.int32)

    def slab(j, carry):
        t0 = j * 16

        gkey = []
        for g in range(N_GROUPS):
            v0 = s_v[pl.ds(g * GROUP_SIZE * tpw + t0, 16)]
            v1 = s_v[pl.ds((g * GROUP_SIZE + 1) * tpw + t0, 16)]
            m1 = jnp.maximum(v0, v1)
            m2 = jnp.minimum(v0, v1)
            for e in range(2, GROUP_SIZE):
                v = s_v[pl.ds((g * GROUP_SIZE + e) * tpw + t0, 16)]
                m2 = jnp.maximum(m2, jnp.minimum(m1, v))
                m1 = jnp.maximum(m1, v)
            gkey.append(m1 + m2)

        gval = [None] * 16
        gidx = [None] * 16
        for g in range(N_GROUPS):
            gval[8 + g] = gkey[g]
            gidx[8 + g] = jnp.full((16,), g, jnp.int32)
        for nd in range(7, 0, -1):
            take = gval[2 * nd] >= gval[2 * nd + 1]
            gval[nd] = jnp.where(take, gval[2 * nd], gval[2 * nd + 1])
            gidx[nd] = jnp.where(take, gidx[2 * nd], gidx[2 * nd + 1])
        for _ in range(TOPK_GROUPS):
            gstar = gidx[1]
            for g in range(N_GROUPS):
                rm = gstar == g
                gval[8 + g] = jnp.where(rm, -jnp.inf, gval[8 + g])
            for nd in range(7, 0, -1):
                take = gval[2 * nd] >= gval[2 * nd + 1]
                gval[nd] = jnp.where(take, gval[2 * nd], gval[2 * nd + 1])
                gidx[nd] = jnp.where(take, gidx[2 * nd], gidx[2 * nd + 1])
        fl = [gval[8 + g] == -jnp.inf for g in range(N_GROUPS)]

        for e in range(N_EXPERTS):
            v = s_v[pl.ds(e * tpw + t0, 16)]
            leaf = jnp.where(fl[e // GROUP_SIZE], v, -jnp.inf)
            vt[pl.ds((N_EXPERTS + e) * 16, 16)] = leaf
        for nd in range(N_EXPERTS - 1, 0, -1):
            a = vt[pl.ds(2 * nd * 16, 16)]
            b = vt[pl.ds((2 * nd + 1) * 16, 16)]
            ia = it[pl.ds(2 * nd * 16, 16)]
            ib = it[pl.ds((2 * nd + 1) * 16, 16)]
            take = a >= b
            vt[pl.ds(nd * 16, 16)] = jnp.where(take, a, b)
            it[pl.ds(nd * 16, 16)] = jnp.where(take, ia, ib)

        wks = []
        wsum = jnp.zeros((16,), jnp.float32)
        for k in range(TOPK):
            estar = it[pl.ds(16, 16)]
            io[pl.ds(k * tpw + t0, 16)] = estar
            wk = plsc.load_gather(o_v, [estar * tpw + t0 + lanes])
            wks.append(wk)
            wsum = wsum + wk
            if k < TOPK - 1:
                la = (estar + N_EXPERTS) * 16 + lanes
                plsc.store_scatter(vt, [la], jnp.full((16,), -jnp.inf, jnp.float32))
                node = lax.shift_right_logical(estar + N_EXPERTS, 1)
                for _ in range(6):
                    c0a = node * 32 + lanes
                    c1a = node * 32 + 16 + lanes
                    av = plsc.load_gather(vt, [c0a])
                    bv = plsc.load_gather(vt, [c1a])
                    ai = plsc.load_gather(it, [c0a])
                    bi = plsc.load_gather(it, [c1a])
                    take = av >= bv
                    na = node * 16 + lanes
                    plsc.store_scatter(vt, [na], jnp.where(take, av, bv))
                    plsc.store_scatter(it, [na], jnp.where(take, ai, bi))
                    node = lax.shift_right_logical(node, 1)
        for k in range(TOPK):
            wo[pl.ds(k * tpw + t0, 16)] = (wks[k] / wsum) * ROUTE_SCALE
        return carry

    lax.fori_loop(0, tpw // 16, slab, 0)
    pltpu.sync_copy(wo, w_hbm.at[w])
    pltpu.sync_copy(io, i_hbm.at[w])
  return _route_body


def _route(s3, o3, tpw):
    mesh = plsc.VectorSubcoreMesh(core_axis_name="c", subcore_axis_name="s")
    call = pl.kernel(
        _make_route_body(tpw),
        out_type=[
            jax.ShapeDtypeStruct((NW, TOPK * tpw), jnp.float32),
            jax.ShapeDtypeStruct((NW, TOPK * tpw), jnp.int32),
        ],
        mesh=mesh,
        scratch_types=[
            pltpu.VMEM((N_EXPERTS * tpw,), jnp.float32),
            pltpu.VMEM((N_EXPERTS * tpw,), jnp.float32),
            pltpu.VMEM((2 * N_EXPERTS * 16,), jnp.float32),
            pltpu.VMEM((2 * N_EXPERTS * 16,), jnp.int32),
            pltpu.VMEM((TOPK * tpw,), jnp.float32),
            pltpu.VMEM((TOPK * tpw,), jnp.int32),
        ],
        compiler_params=pltpu.CompilerParams(needs_layout_passes=False),
    )
    return call(s3, o3)


def kernel(x, weight, bias):
    n = x.shape[0]
    wT = weight.T
    b2 = bias.reshape(N_EXPERTS, 1)
    tpw = n // NW
    s3, o3 = _dense(x, wT, b2, tpw)
    w3, i3 = _route(s3.reshape(NW, N_EXPERTS * tpw),
                    o3.reshape(NW, N_EXPERTS * tpw), tpw)
    w_out = w3.reshape(NW, TOPK, tpw).transpose(0, 2, 1).reshape(n, TOPK)
    idx_out = i3.reshape(NW, TOPK, tpw).transpose(0, 2, 1).reshape(n, TOPK)
    return w_out, idx_out

# --- scband reference (transcript-rebuilt; emitter-appended) ---
"""Pipeline reference for scband-deep-seek-v3-gate-38955353375115 (READ-ONLY COPY).

The authoritative reference and input builder live on the scoring server;
editing this copy changes nothing except your own understanding.
"""

import jax, jax.numpy as jnp
import numpy as np

DIM = 4096
N_EXPERTS = 64
TOPK = 8
N_GROUPS = 8
TOPK_GROUPS = 4
ROUTE_SCALE = 2.5
N_TOK = 8192


def setup_inputs(seed: int = 0):
    key = jax.random.key(seed)
    k1, k2, _ = jax.random.split(key, 3)
    x = jax.random.normal(k1, (N_TOK, DIM), dtype=jnp.float32)
    weight = jax.random.normal(k2, (N_EXPERTS, DIM), dtype=jnp.float32) * 0.02
    bias = jnp.zeros((N_EXPERTS,), dtype=jnp.float32)
    return {"x": x, "weight": weight, "bias": bias}


def reference(x, weight, bias):
    # scores = F.linear(x, weight)
    scores = x @ weight.T
    # score_func == 'sigmoid'
    scores = jax.nn.sigmoid(scores)
    original_scores = scores
    # bias is not None
    scores = scores + bias[None, :]
    n = x.shape[0]
    # n_groups > 1 branch, bias present -> group score = sum of top-2 per group
    sg = scores.reshape(n, N_GROUPS, -1)
    group_scores = jnp.sum(jax.lax.top_k(sg, 2)[0], axis=-1)
    gidx = jax.lax.top_k(group_scores, TOPK_GROUPS)[1]
    mask = jnp.ones((n, N_GROUPS), dtype=bool).at[jnp.arange(n)[:, None], gidx].set(False)
    masked = jnp.where(mask[:, :, None], -jnp.inf, sg).reshape(n, -1)
    idx = jax.lax.top_k(masked, TOPK)[1]
    weights = jnp.take_along_axis(original_scores, idx, axis=1)
    # sigmoid score_func -> normalize
    weights = weights / jnp.sum(weights, axis=-1, keepdims=True)
    weights = weights * ROUTE_SCALE
    return weights.astype(x.dtype), idx

if __name__ == "__main__":
    import jax
    _d = setup_inputs()
    print(jax.jit(kernel)(*tuple(_d.values())))

</pallas_src>

<mosaic_0001>
#map = affine_map<(d0, d1) -> (0, 0)>
module attributes {stable_mosaic.version = 14 : i64} {
  func.func @_route_body(%arg0: i32, %arg1: i32, %arg2: memref<32x16384xf32, #tpu.memory_space<hbm>>, %arg3: memref<32x16384xf32, #tpu.memory_space<hbm>>, %arg4: memref<32x2048xf32, #tpu.memory_space<hbm>>, %arg5: memref<32x2048xi32, #tpu.memory_space<hbm>>, %arg6: memref<16384xf32, #tpu.memory_space<vmem>>, %arg7: memref<16384xf32, #tpu.memory_space<vmem>>, %arg8: memref<2048xf32, #tpu.memory_space<vmem>>, %arg9: memref<2048xi32, #tpu.memory_space<vmem>>, %arg10: memref<2048xf32, #tpu.memory_space<vmem>>, %arg11: memref<2048xi32, #tpu.memory_space<vmem>>) attributes {dimension_semantics = [#tpu.dimension_semantics<core_parallel>, #tpu.dimension_semantics<subcore_parallel>], iteration_bounds = array<i64: 2, 16>, scalar_prefetch = 0 : i64, scratch_operands = 6 : i64, tpu.core_type = #tpu.core_type<sc_vector_subcore>, window_params = [{transform_indices = #map}, {transform_indices = #map}, {transform_indices = #map}, {transform_indices = #map}]} {
    %mul3A = arith.constant 2 : i32
    %mul3A_0 = arith.muli %arg1, %mul3A : i32
    %add3A = arith.addi %mul3A_0, %arg0 : i32
    "tpu.region"() ({
      %run_scoped3A = tpu.sem_alloc : memref<!tpu.dma_semaphore, #tpu.memory_space<semaphore_mem>>
      %dma_start3A = arith.constant 0 : i32
      %dma_start3A_260 = tpu.memref_slice %arg2[%add3A, %dma_start3A] : memref<32x16384xf32, #tpu.memory_space<hbm>> -> memref<1x16384xf32, #tpu.memory_space<hbm>>
      %dma_start3A_261 = tpu.memref_squeeze %dma_start3A_260 : memref<1x16384xf32, #tpu.memory_space<hbm>> -> memref<16384xf32, #tpu.memory_space<hbm>>
      %dma_start3A_262 = arith.constant 0 : i32
      %dma_start3A_263 = tpu.memref_slice %arg2[%add3A, %dma_start3A_262] : memref<32x16384xf32, #tpu.memory_space<hbm>> -> memref<1x16384xf32, #tpu.memory_space<hbm>>
      %dma_start3A_264 = tpu.memref_squeeze %dma_start3A_263 : memref<1x16384xf32, #tpu.memory_space<hbm>> -> memref<16384xf32, #tpu.memory_space<hbm>>
      tpu.enqueue_dma source(%dma_start3A_264 : memref<16384xf32, #tpu.memory_space<hbm>>) target(%arg6 : memref<16384xf32, #tpu.memory_space<vmem>>) target_semaphore(%run_scoped3A : memref<!tpu.dma_semaphore, #tpu.memory_space<semaphore_mem>>)
      %dma_wait3A = arith.constant 0 : i32
      %dma_wait3A_265 = tpu.memref_slice %arg2[%add3A, %dma_wait3A] : memref<32x16384xf32, #tpu.memory_space<hbm>> -> memref<1x16384xf32, #tpu.memory_space<hbm>>
      %dma_wait3A_266 = tpu.memref_squeeze %dma_wait3A_265 : memref<1x16384xf32, #tpu.memory_space<hbm>> -> memref<16384xf32, #tpu.memory_space<hbm>>
      %dma_wait3A_267 = arith.constant 0 : i32
      %dma_wait3A_268 = tpu.memref_slice %arg2[%add3A, %dma_wait3A_267] : memref<32x16384xf32, #tpu.memory_space<hbm>> -> memref<1x16384xf32, #tpu.memory_space<hbm>>
      %dma_wait3A_269 = tpu.memref_squeeze %dma_wait3A_268 : memref<1x16384xf32, #tpu.memory_space<hbm>> -> memref<16384xf32, #tpu.memory_space<hbm>>
      tpu.wait_dma2 semaphore(%run_scoped3A : memref<!tpu.dma_semaphore, #tpu.memory_space<semaphore_mem>>) src(%dma_wait3A_269 : memref<16384xf32, #tpu.memory_space<hbm>>) dst(%arg6 : memref<16384xf32, #tpu.memory_space<vmem>>)
      tpu.yield
    }) : () -> ()
    "tpu.region"() ({
      %run_scoped3A = tpu.sem_alloc : memref<!tpu.dma_semaphore, #tpu.memory_space<semaphore_mem>>
      %dma_start3A = arith.constant 0 : i32
      %dma_start3A_260 = tpu.memref_slice %arg3[%add3A, %dma_start3A] : memref<32x16384xf32, #tpu.memory_space<hbm>> -> memref<1x16384xf32, #tpu.memory_space<hbm>>
      %dma_start3A_261 = tpu.memref_squeeze %dma_start3A_260 : memref<1x16384xf32, #tpu.memory_space<hbm>> -> memref<16384xf32, #tpu.memory_space<hbm>>
      %dma_start3A_262 = arith.constant 0 : i32
      %dma_start3A_263 = tpu.memref_slice %arg3[%add3A, %dma_start3A_262] : memref<32x16384xf32, #tpu.memory_space<hbm>> -> memref<1x16384xf32, #tpu.memory_space<hbm>>
      %dma_start3A_264 = tpu.memref_squeeze %dma_start3A_263 : memref<1x16384xf32, #tpu.memory_space<hbm>> -> memref<16384xf32, #tpu.memory_space<hbm>>
      tpu.enqueue_dma source(%dma_start3A_264 : memref<16384xf32, #tpu.memory_space<hbm>>) target(%arg7 : memref<16384xf32, #tpu.memory_space<vmem>>) target_semaphore(%run_scoped3A : memref<!tpu.dma_semaphore, #tpu.memory_space<semaphore_mem>>)
      %dma_wait3A = arith.constant 0 : i32
      %dma_wait3A_265 = tpu.memref_slice %arg3[%add3A, %dma_wait3A] : memref<32x16384xf32, #tpu.memory_space<hbm>> -> memref<1x16384xf32, #tpu.memory_space<hbm>>
      %dma_wait3A_266 = tpu.memref_squeeze %dma_wait3A_265 : memref<1x16384xf32, #tpu.memory_space<hbm>> -> memref<16384xf32, #tpu.memory_space<hbm>>
      %dma_wait3A_267 = arith.constant 0 : i32
      %dma_wait3A_268 = tpu.memref_slice %arg3[%add3A, %dma_wait3A_267] : memref<32x16384xf32, #tpu.memory_space<hbm>> -> memref<1x16384xf32, #tpu.memory_space<hbm>>
      %dma_wait3A_269 = tpu.memref_squeeze %dma_wait3A_268 : memref<1x16384xf32, #tpu.memory_space<hbm>> -> memref<16384xf32, #tpu.memory_space<hbm>>
      tpu.wait_dma2 semaphore(%run_scoped3A : memref<!tpu.dma_semaphore, #tpu.memory_space<semaphore_mem>>) src(%dma_wait3A_269 : memref<16384xf32, #tpu.memory_space<hbm>>) dst(%arg7 : memref<16384xf32, #tpu.memory_space<vmem>>)
      tpu.yield
    }) : () -> ()
    %iota3A = tpu.iota {dimensions = array<i32: 0>} : vector<16xi32>
    %broadcast_in_dim3A = arith.constant 0 : i32
    %broadcast_in_dim3A_1 = vector.broadcast %broadcast_in_dim3A : i32 to vector<16xi32>
    %swap3A = arith.constant 1024 : index
    %swap3A_2 = tpu.vector_load %arg9[%swap3A] {strides = array<i32>} : memref<2048xi32, #tpu.memory_space<vmem>>, vector<16xi32>,
    tpu.vector_store %arg9[%swap3A], %broadcast_in_dim3A_1 {strides = array<i32>} : memref<2048xi32, #tpu.memory_space<vmem>>, vector<16xi32>,
    %broadcast_in_dim3A_3 = arith.constant 1 : i32
    %broadcast_in_dim3A_4 = vector.broadcast %broadcast_in_dim3A_3 : i32 to vector<16xi32>
    %swap3A_5 = arith.constant 1040 : index
    %swap3A_6 = tpu.vector_load %arg9[%swap3A_5] {strides = array<i32>} : memref<2048xi32, #tpu.memory_space<vmem>>, vector<16xi32>,
    tpu.vector_store %arg9[%swap3A_5], %broadcast_in_dim3A_4 {strides = array<i32>} : memref<2048xi32, #tpu.memory_space<vmem>>, vector<16xi32>,
    %broadcast_in_dim3A_7 = arith.constant 2 : i32
    %broadcast_in_dim3A_8 = vector.broadcast %broadcast_in_dim3A_7 : i32 to vector<16xi32>
    %swap3A_9 = arith.constant 1056 : index
    %swap3A_10 = tpu.vector_load %arg9[%swap3A_9] {strides = array<i32>} : memref<2048xi32, #tpu.memory_space<vmem>>, vector<16xi32>,
    tpu.vector_store %arg9[%swap3A_9], %broadcast_in_dim3A_8 {strides = array<i32>} : memref<2048xi32, #tpu.memory_space<vmem>>, vector<16xi32>,
    %broadcast_in_dim3A_11 = arith.constant 3 : i32
    %broadcast_in_dim3A_12 = vector.broadcast %broadcast_in_dim3A_11 : i32 to vector<16xi32>
    %swap3A_13 = arith.constant 1072 : index
    %swap3A_14 = tpu.vector_load %arg9[%swap3A_13] {strides = array<i32>} : memref<2048xi32, #tpu.memory_space<vmem>>, vector<16xi32>,
    tpu.vector_store %arg9[%swap3A_13], %broadcast_in_dim3A_12 {strides = array<i32>} : memref<2048xi32, #tpu.memory_space<vmem>>, vector<16xi32>,
    %broadcast_in_dim3A_15 = arith.constant 4 : i32
    %broadcast_in_dim3A_16 = vector.broadcast %broadcast_in_dim3A_15 : i32 to vector<16xi32>
    %swap3A_17 = arith.constant 1088 : index
    %swap3A_18 = tpu.vector_load %arg9[%swap3A_17] {strides = array<i32>} : memref<2048xi32, #tpu.memory_space<vmem>>, vector<16xi32>,
    tpu.vector_store %arg9[%swap3A_17], %broadcast_in_dim3A_16 {strides = array<i32>} : memref<2048xi32, #tpu.memory_space<vmem>>, vector<16xi32>,
    %broadcast_in_dim3A_19 = arith.constant 5 : i32
    %broadcast_in_dim3A_20 = vector.broadcast %broadcast_in_dim3A_19 : i32 to vector<16xi32>
    %swap3A_21 = arith.constant 1104 : index
    %swap3A_22 = tpu.vector_load %arg9[%swap3A_21] {strides = array<i32>} : memref<2048xi32, #tpu.memory_space<vmem>>, vector<16xi32>,
    tpu.vector_store %arg9[%swap3A_21], %broadcast_in_dim3A_20 {strides = array<i32>} : memref<2048xi32, #tpu.memory_space<vmem>>, vector<16xi32>,
    %broadcast_in_dim3A_23 = arith.constant 6 : i32
    %broadcast_in_dim3A_24 = vector.broadcast %broadcast_in_dim3A_23 : i32 to vector<16xi32>
    %swap3A_25 = arith.constant 1120 : index
    %swap3A_26 = tpu.vector_load %arg9[%swap3A_25] {strides = array<i32>} : memref<2048xi32, #tpu.memory_space<vmem>>, vector<16xi32>,
    tpu.vector_store %arg9[%swap3A_25], %broadcast_in_dim3A_24 {strides = array<i32>} : memref<2048xi32, #tpu.memory_space<vmem>>, vector<16xi32>,
    %broadcast_in_dim3A_27 = arith.constant 7 : i32
    %broadcast_in_dim3A_28 = vector.broadcast %broadcast_in_dim3A_27 : i32 to vector<16xi32>
    %swap3A_29 = arith.constant 1136 : index
    %swap3A_30 = tpu.vector_load %arg9[%swap3A_29] {strides = array<i32>} : memref<2048xi32, #tpu.memory_space<vmem>>, vector<16xi32>,
    tpu.vector_store %arg9[%swap3A_29], %broadcast_in_dim3A_28 {strides = array<i32>} : memref<2048xi32, #tpu.memory_space<vmem>>, vector<16xi32>,
    %broadcast_in_dim3A_31 = arith.constant 8 : i32
    %broadcast_in_dim3A_32 = vector.broadcast %broadcast_in_dim3A_31 : i32 to vector<16xi32>
    %swap3A_33 = arith.constant 1152 : index
    %swap3A_34 = tpu.vector_load %arg9[%swap3A_33] {strides = array<i32>} : memref<2048xi32, #tpu.memory_space<vmem>>, vector<16xi32>,
    tpu.vector_store %arg9[%swap3A_33], %broadcast_in_dim3A_32 {strides = array<i32>} : memref<2048xi32, #tpu.memory_space<vmem>>, vector<16xi32>,
    %broadcast_in_dim3A_35 = arith.constant 9 : i32
    %broadcast_in_dim3A_36 = vector.broadcast %broadcast_in_dim3A_35 : i32 to vector<16xi32>
    %swap3A_37 = arith.constant 1168 : index
    %swap3A_38 = tpu.vector_load %arg9[%swap3A_37] {strides = array<i32>} : memref<2048xi32, #tpu.memory_space<vmem>>, vector<16xi32>,
    tpu.vector_store %arg9[%swap3A_37], %broadcast_in_dim3A_36 {strides = array<i32>} : memref<2048xi32, #tpu.memory_space<vmem>>, vector<16xi32>,
    %broadcast_in_dim3A_39 = arith.constant 10 : i32
    %broadcast_in_dim3A_40 = vector.broadcast %broadcast_in_dim3A_39 : i32 to vector<16xi32>
    %swap3A_41 = arith.constant 1184 : index
    %swap3A_42 = tpu.vector_load %arg9[%swap3A_41] {strides = array<i32>} : memref<2048xi32, #tpu.memory_space<vmem>>, vector<16xi32>,
    tpu.vector_store %arg9[%swap3A_41], %broadcast_in_dim3A_40 {strides = array<i32>} : memref<2048xi32, #tpu.memory_space<vmem>>, vector<16xi32>,
    %broadcast_in_dim3A_43 = arith.constant 11 : i32
    %broadcast_in_dim3A_44 = vector.broadcast %broadcast_in_dim3A_43 : i32 to vector<16xi32>
    %swap3A_45 = arith.constant 1200 : index
    %swap3A_46 = tpu.vector_load %arg9[%swap3A_45] {strides = array<i32>} : memref<2048xi32, #tpu.memory_space<vmem>>, vector<16xi32>,
    tpu.vector_store %arg9[%swap3A_45], %broadcast_in_dim3A_44 {strides = array<i32>} : memref<2048xi32, #tpu.memory_space<vmem>>, vector<16xi32>,
    %broadcast_in_dim3A_47 = arith.constant 12 : i32
    %broadcast_in_dim3A_48 = vector.broadcast %broadcast_in_dim3A_47 : i32 to vector<16xi32>
    %swap3A_49 = arith.constant 1216 : index
    %swap3A_50 = tpu.vector_load %arg9[%swap3A_49] {strides = array<i32>} : memref<2048xi32, #tpu.memory_space<vmem>>, vector<16xi32>,
    tpu.vector_store %arg9[%swap3A_49], %broadcast_in_dim3A_48 {strides = array<i32>} : memref<2048xi32, #tpu.memory_space<vmem>>, vector<16xi32>,
    %broadcast_in_dim3A_51 = arith.constant 13 : i32
    %broadcast_in_dim3A_52 = vector.broadcast %broadcast_in_dim3A_51 : i32 to vector<16xi32>
    %swap3A_53 = arith.constant 1232 : index
    %swap3A_54 = tpu.vector_load %arg9[%swap3A_53] {strides = array<i32>} : memref<2048xi32, #tpu.memory_space<vmem>>, vector<16xi32>,
    tpu.vector_store %arg9[%swap3A_53], %broadcast_in_dim3A_52 {strides = array<i32>} : memref<2048xi32, #tpu.memory_space<vmem>>, vector<16xi32>,
    %broadcast_in_dim3A_55 = arith.constant 14 : i32
    %broadcast_in_dim3A_56 = vector.broadcast %broadcast_in_dim3A_55 : i32 to vector<16xi32>
    %swap3A_57 = arith.constant 1248 : index
    %swap3A_58 = tpu.vector_load %arg9[%swap3A_57] {strides = array<i32>} : memref<2048xi32, #tpu.memory_space<vmem>>, vector<16xi32>,
    tpu.vector_store %arg9[%swap3A_57], %broadcast_in_dim3A_56 {strides = array<i32>} : memref<2048xi32, #tpu.memory_space<vmem>>, vector<16xi32>,
    %broadcast_in_dim3A_59 = arith.constant 15 : i32
    %broadcast_in_dim3A_60 = vector.broadcast %broadcast_in_dim3A_59 : i32 to vector<16xi32>
    %swap3A_61 = arith.constant 1264 : index
    %swap3A_62 = tpu.vector_load %arg9[%swap3A_61] {strides = array<i32>} : memref<2048xi32, #tpu.memory_space<vmem>>, vector<16xi32>,
    tpu.vector_store %arg9[%swap3A_61], %broadcast_in_dim3A_60 {strides = array<i32>} : memref<2048xi32, #tpu.memory_space<vmem>>, vector<16xi32>,
    %broadcast_in_dim3A_63 = arith.constant 16 : i32
    %broadcast_in_dim3A_64 = vector.broadcast %broadcast_in_dim3A_63 : i32 to vector<16xi32>
    %swap3A_65 = arith.constant 1280 : index
    %swap3A_66 = tpu.vector_load %arg9[%swap3A_65] {strides = array<i32>} : memref<2048xi32, #tpu.memory_space<vmem>>, vector<16xi32>,
    tpu.vector_store %arg9[%swap3A_65], %broadcast_in_dim3A_64 {strides = array<i32>} : memref<2048xi32, #tpu.memory_space<vmem>>, vector<16xi32>,
    %broadcast_in_dim3A_67 = arith.constant 17 : i32
    %broadcast_in_dim3A_68 = vector.broadcast %broadcast_in_dim3A_67 : i32 to vector<16xi32>
    %swap3A_69 = arith.constant 1296 : index
    %swap3A_70 = tpu.vector_load %arg9[%swap3A_69] {strides = array<i32>} : memref<2048xi32, #tpu.memory_space<vmem>>, vector<16xi32>,
    tpu.vector_store %arg9[%swap3A_69], %broadcast_in_dim3A_68 {strides = array<i32>} : memref<2048xi32, #tpu.memory_space<vmem>>, vector<16xi32>,
    %broadcast_in_dim3A_71 = arith.constant 18 : i32
    %broadcast_in_dim3A_72 = vector.broadcast %broadcast_in_dim3A_71 : i32 to vector<16xi32>
    %swap3A_73 = arith.constant 1312 : index
    %swap3A_74 = tpu.vector_load %arg9[%swap3A_73] {strides = array<i32>} : memref<2048xi32, #tpu.memory_space<vmem>>, vector<16xi32>,
    tpu.vector_store %arg9[%swap3A_73], %broadcast_in_dim3A_72 {strides = array<i32>} : memref<2048xi32, #tpu.memory_space<vmem>>, vector<16xi32>,
    %broadcast_in_dim3A_75 = arith.constant 19 : i32
    %broadcast_in_dim3A_76 = vector.broadcast %broadcast_in_dim3A_75 : i32 to vector<16xi32>
    %swap3A_77 = arith.constant 1328 : index
    %swap3A_78 = tpu.vector_load %arg9[%swap3A_77] {strides = array<i32>} : memref<2048xi32, #tpu.memory_space<vmem>>, vector<16xi32>,
    tpu.vector_store %arg9[%swap3A_77], %broadcast_in_dim3A_76 {strides = array<i32>} : memref<2048xi32, #tpu.memory_space<vmem>>, vector<16xi32>,
    %broadcast_in_dim3A_79 = arith.constant 20 : i32
    %broadcast_in_dim3A_80 = vector.broadcast %broadcast_in_dim3A_79 : i32 to vector<16xi32>
    %swap3A_81 = arith.constant 1344 : index
    %swap3A_82 = tpu.vector_load %arg9[%swap3A_81] {strides = array<i32>} : memref<2048xi32, #tpu.memory_space<vmem>>, vector<16xi32>,
    tpu.vector_store %arg9[%swap3A_81], %broadcast_in_dim3A_80 {strides = array<i32>} : memref<2048xi32, #tpu.memory_space<vmem>>, vector<16xi32>,
    %broadcast_in_dim3A_83 = arith.constant 21 : i32
    %broadcast_in_dim3A_84 = vector.broadcast %broadcast_in_dim3A_83 : i32 to vector<16xi32>
    %swap3A_85 = arith.constant 1360 : index
    %swap3A_86 = tpu.vector_load %arg9[%swap3A_85] {strides = array<i32>} : memref<2048xi32, #tpu.memory_space<vmem>>, vector<16xi32>,
    tpu.vector_store %arg9[%swap3A_85], %broadcast_in_dim3A_84 {strides = array<i32>} : memref<2048xi32, #tpu.memory_space<vmem>>, vector<16xi32>,
    %broadcast_in_dim3A_87 = arith.constant 22 : i32
    %broadcast_in_dim3A_88 = vector.broadcast %broadcast_in_dim3A_87 : i32 to vector<16xi32>
    %swap3A_89 = arith.constant 1376 : index
    %swap3A_90 = tpu.vector_load %arg9[%swap3A_89] {strides = array<i32>} : memref<2048xi32, #tpu.memory_space<vmem>>, vector<16xi32>,
    tpu.vector_store %arg9[%swap3A_89], %broadcast_in_dim3A_88 {strides = array<i32>} : memref<2048xi32, #tpu.memory_space<vmem>>, vector<16xi32>,
    %broadcast_in_dim3A_91 = arith.constant 23 : i32
    %broadcast_in_dim3A_92 = vector.broadcast %broadcast_in_dim3A_91 : i32 to vector<16xi32>
    %swap3A_93 = arith.constant 1392 : index
    %swap3A_94 = tpu.vector_load %arg9[%swap3A_93] {strides = array<i32>} : memref<2048xi32, #tpu.memory_space<vmem>>, vector<16xi32>,
    tpu.vector_store %arg9[%swap3A_93], %broadcast_in_dim3A_92 {strides = array<i32>} : memref<2048xi32, #tpu.memory_space<vmem>>, vector<16xi32>,
    %broadcast_in_dim3A_95 = arith.constant 24 : i32
    %broadcast_in_dim3A_96 = vector.broadcast %broadcast_in_dim3A_95 : i32 to vector<16xi32>
    %swap3A_97 = arith.constant 1408 : index
    %swap3A_98 = tpu.vector_load %arg9[%swap3A_97] {strides = array<i32>} : memref<2048xi32, #tpu.memory_space<vmem>>, vector<16xi32>,
    tpu.vector_store %arg9[%swap3A_97], %broadcast_in_dim3A_96 {strides = array<i32>} : memref<2048xi32, #tpu.memory_space<vmem>>, vector<16xi32>,
    %broadcast_in_dim3A_99 = arith.constant 25 : i32
    %broadcast_in_dim3A_100 = vector.broadcast %broadcast_in_dim3A_99 : i32 to vector<16xi32>
    %swap3A_101 = arith.constant 1424 : index
    %swap3A_102 = tpu.vector_load %arg9[%swap3A_101] {strides = array<i32>} : memref<2048xi32, #tpu.memory_space<vmem>>, vector<16xi32>,
    tpu.vector_store %arg9[%swap3A_101], %broadcast_in_dim3A_100 {strides = array<i32>} : memref<2048xi32, #tpu.memory_space<vmem>>, vector<16xi32>,
    %broadcast_in_dim3A_103 = arith.constant 26 : i32
    %broadcast_in_dim3A_104 = vector.broadcast %broadcast_in_dim3A_103 : i32 to vector<16xi32>
    %swap3A_105 = arith.constant 1440 : index
    %swap3A_106 = tpu.vector_load %arg9[%swap3A_105] {strides = array<i32>} : memref<2048xi32, #tpu.memory_space<vmem>>, vector<16xi32>,
    tpu.vector_store %arg9[%swap3A_105], %broadcast_in_dim3A_104 {strides = array<i32>} : memref<2048xi32, #tpu.memory_space<vmem>>, vector<16xi32>,
    %broadcast_in_dim3A_107 = arith.constant 27 : i32
    %broadcast_in_dim3A_108 = vector.broadcast %broadcast_in_dim3A_107 : i32 to vector<16xi32>
    %swap3A_109 = arith.constant 1456 : index
    %swap3A_110 = tpu.vector_load %arg9[%swap3A_109] {strides = array<i32>} : memref<2048xi32, #tpu.memory_space<vmem>>, vector<16xi32>,
    tpu.vector_store %arg9[%swap3A_109], %broadcast_in_dim3A_108 {strides = array<i32>} : memref<2048xi32, #tpu.memory_space<vmem>>, vector<16xi32>,
    %broadcast_in_dim3A_111 = arith.constant 28 : i32
    %broadcast_in_dim3A_112 = vector.broadcast %broadcast_in_dim3A_111 : i32 to vector<16xi32>
    %swap3A_113 = arith.constant 1472 : index
    %swap3A_114 = tpu.vector_load %arg9[%swap3A_113] {strides = array<i32>} : memref<2048xi32, #tpu.memory_space<vmem>>, vector<16xi32>,
    tpu.vector_store %arg9[%swap3A_113], %broadcast_in_dim3A_112 {strides = array<i32>} : memref<2048xi32, #tpu.memory_space<vmem>>, vector<16xi32>,
    %broadcast_in_dim3A_115 = arith.constant 29 : i32
    %broadcast_in_dim3A_116 = vector.broadcast %broadcast_in_dim3A_115 : i32 to vector<16xi32>
    %swap3A_117 = arith.constant 1488 : index
    %swap3A_118 = tpu.vector_load %arg9[%swap3A_117] {strides = array<i32>} : memref<2048xi32, #tpu.memory_space<vmem>>, vector<16xi32>,
    tpu.vector_store %arg9[%swap3A_117], %broadcast_in_dim3A_116 {strides = array<i32>} : memref<2048xi32, #tpu.memory_space<vmem>>, vector<16xi32>,
    %broadcast_in_dim3A_119 = arith.constant 30 : i32
    %broadcast_in_dim3A_120 = vector.broadcast %broadcast_in_dim3A_119 : i32 to vector<16xi32>
    %swap3A_121 = arith.constant 1504 : index
    %swap3A_122 = tpu.vector_load %arg9[%swap3A_121] {strides = array<i32>} : memref<2048xi32, #tpu.memory_space<vmem>>, vector<16xi32>,
    tpu.vector_store %arg9[%swap3A_121], %broadcast_in_dim3A_120 {strides = array<i32>} : memref<2048xi32, #tpu.memory_space<vmem>>, vector<16xi32>,
    %broadcast_in_dim3A_123 = arith.constant 31 : i32
    %broadcast_in_dim3A_124 = vector.broadcast %broadcast_in_dim3A_123 : i32 to vector<16xi32>
    %swap3A_125 = arith.constant 1520 : index
    %swap3A_126 = tpu.vector_load %arg9[%swap3A_125] {strides = array<i32>} : memref<2048xi32, #tpu.memory_space<vmem>>, vector<16xi32>,
    tpu.vector_store %arg9[%swap3A_125], %broadcast_in_dim3A_124 {strides = array<i32>} : memref<2048xi32, #tpu.memory_space<vmem>>, vector<16xi32>,
    %broadcast_in_dim3A_127 = arith.constant 32 : i32
    %broadcast_in_dim3A_128 = vector.broadcast %broadcast_in_dim3A_127 : i32 to vector<16xi32>
    %swap3A_129 = arith.constant 1536 : index
    %swap3A_130 = tpu.vector_load %arg9[%swap3A_129] {strides = array<i32>} : memref<2048xi32, #tpu.memory_space<vmem>>, vector<16xi32>,
    tpu.vector_store %arg9[%swap3A_129], %broadcast_in_dim3A_128 {strides = array<i32>} : memref<2048xi32, #tpu.memory_space<vmem>>, vector<16xi32>,
    %broadcast_in_dim3A_131 = arith.constant 33 : i32
    %broadcast_in_dim3A_132 = vector.broadcast %broadcast_in_dim3A_131 : i32 to vector<16xi32>
    %swap3A_133 = arith.constant 1552 : index
    %swap3A_134 = tpu.vector_load %arg9[%swap3A_133] {strides = array<i32>} : memref<2048xi32, #tpu.memory_space<vmem>>, vector<16xi32>,
    tpu.vector_store %arg9[%swap3A_133], %broadcast_in_dim3A_132 {strides = array<i32>} : memref<2048xi32, #tpu.memory_space<vmem>>, vector<16xi32>,
    %broadcast_in_dim3A_135 = arith.constant 34 : i32
    %broadcast_in_dim3A_136 = vector.broadcast %broadcast_in_dim3A_135 : i32 to vector<16xi32>
    %swap3A_137 = arith.constant 1568 : index
    %swap3A_138 = tpu.vector_load %arg9[%swap3A_137] {strides = array<i32>} : memref<2048xi32, #tpu.memory_space<vmem>>, vector<16xi32>,
    tpu.vector_store %arg9[%swap3A_137], %broadcast_in_dim3A_136 {strides = array<i32>} : memref<2048xi32, #tpu.memory_space<vmem>>, vector<16xi32>,
    %broadcast_in_dim3A_139 = arith.constant 35 : i32
    %broadcast_in_dim3A_140 = vector.broadcast %broadcast_in_dim3A_139 : i32 to vector<16xi32>
    %swap3A_141 = arith.constant 1584 : index
    %swap3A_142 = tpu.vector_load %arg9[%swap3A_141] {strides = array<i32>} : memref<2048xi32, #tpu.memory_space<vmem>>, vector<16xi32>,
    tpu.vector_store %arg9[%swap3A_141], %broadcast_in_dim3A_140 {strides = array<i32>} : memref<2048xi32, #tpu.memory_space<vmem>>, vector<16xi32>,
    %broadcast_in_dim3A_143 = arith.constant 36 : i32
    %broadcast_in_dim3A_144 = vector.broadcast %broadcast_in_dim3A_143 : i32 to vector<16xi32>
    %swap3A_145 = arith.constant 1600 : index
    %swap3A_146 = tpu.vector_load %arg9[%swap3A_145] {strides = array<i32>} : memref<2048xi32, #tpu.memory_space<vmem>>, vector<16xi32>,
    tpu.vector_store %arg9[%swap3A_145], %broadcast_in_dim3A_144 {strides = array<i32>} : memref<2048xi32, #tpu.memory_space<vmem>>, vector<16xi32>,
    %broadcast_in_dim3A_147 = arith.constant 37 : i32
    %broadcast_in_dim3A_148 = vector.broadcast %broadcast_in_dim3A_147 : i32 to vector<16xi32>
    %swap3A_149 = arith.constant 1616 : index
    %swap3A_150 = tpu.vector_load %arg9[%swap3A_149] {strides = array<i32>} : memref<2048xi32, #tpu.memory_space<vmem>>, vector<16xi32>,
    tpu.vector_store %arg9[%swap3A_149], %broadcast_in_dim3A_148 {strides = array<i32>} : memref<2048xi32, #tpu.memory_space<vmem>>, vector<16xi32>,
    %broadcast_in_dim3A_151 = arith.constant 38 : i32
    %broadcast_in_dim3A_152 = vector.broadcast %broadcast_in_dim3A_151 : i32 to vector<16xi32>
    %swap3A_153 = arith.constant 1632 : index
    %swap3A_154 = tpu.vector_load %arg9[%swap3A_153] {strides = array<i32>} : memref<2048xi32, #tpu.memory_space<vmem>>, vector<16xi32>,
    tpu.vector_store %arg9[%swap3A_153], %broadcast_in_dim3A_152 {strides = array<i32>} : memref<2048xi32, #tpu.memory_space<vmem>>, vector<16xi32>,
    %broadcast_in_dim3A_155 = arith.constant 39 : i32
    %broadcast_in_dim3A_156 = vector.broadcast %broadcast_in_dim3A_155 : i32 to vector<16xi32>
    %swap3A_157 = arith.constant 1648 : index
    %swap3A_158 = tpu.vector_load %arg9[%swap3A_157] {strides = array<i32>} : memref<2048xi32, #tpu.memory_space<vmem>>, vector<16xi32>,
    tpu.vector_store %arg9[%swap3A_157], %broadcast_in_dim3A_156 {strides = array<i32>} : memref<2048xi32, #tpu.memory_space<vmem>>, vector<16xi32>,
    %broadcast_in_dim3A_159 = arith.constant 40 : i32
    %broadcast_in_dim3A_160 = vector.broadcast %broadcast_in_dim3A_159 : i32 to vector<16xi32>
    %swap3A_161 = arith.constant 1664 : index
    %swap3A_162 = tpu.vector_load %arg9[%swap3A_161] {strides = array<i32>} : memref<2048xi32, #tpu.memory_space<vmem>>, vector<16xi32>,
    tpu.vector_store %arg9[%swap3A_161], %broadcast_in_dim3A_160 {strides = array<i32>} : memref<2048xi32, #tpu.memory_space<vmem>>, vector<16xi32>,
    %broadcast_in_dim3A_163 = arith.constant 41 : i32
    %broadcast_in_dim3A_164 = vector.broadcast %broadcast_in_dim3A_163 : i32 to vector<16xi32>
    %swap3A_165 = arith.constant 1680 : index
    %swap3A_166 = tpu.vector_load %arg9[%swap3A_165] {strides = array<i32>} : memref<2048xi32, #tpu.memory_space<vmem>>, vector<16xi32>,
    tpu.vector_store %arg9[%swap3A_165], %broadcast_in_dim3A_164 {strides = array<i32>} : memref<2048xi32, #tpu.memory_space<vmem>>, vector<16xi32>,
    %broadcast_in_dim3A_167 = arith.constant 42 : i32
    %broadcast_in_dim3A_168 = vector.broadcast %broadcast_in_dim3A_167 : i32 to vector<16xi32>
    %swap3A_169 = arith.constant 1696 : index
    %swap3A_170 = tpu.vector_load %arg9[%swap3A_169] {strides = array<i32>} : memref<2048xi32, #tpu.memory_space<vmem>>, vector<16xi32>,
    tpu.vector_store %arg9[%swap3A_169], %broadcast_in_dim3A_168 {strides = array<i32>} : memref<2048xi32, #tpu.memory_space<vmem>>, vector<16xi32>,
    %broadcast_in_dim3A_171 = arith.constant 43 : i32
    %broadcast_in_dim3A_172 = vector.broadcast %broadcast_in_dim3A_171 : i32 to vector<16xi32>
    %swap3A_173 = arith.constant 1712 : index
    %swap3A_174 = tpu.vector_load %arg9[%swap3A_173] {strides = array<i32>} : memref<2048xi32, #tpu.memory_space<vmem>>, vector<16xi32>,
    tpu.vector_store %arg9[%swap3A_173], %broadcast_in_dim3A_172 {strides = array<i32>} : memref<2048xi32, #tpu.memory_space<vmem>>, vector<16xi32>,
    %broadcast_in_dim3A_175 = arith.constant 44 : i32
    %broadcast_in_dim3A_176 = vector.broadcast %broadcast_in_dim3A_175 : i32 to vector<16xi32>
    %swap3A_177 = arith.constant 1728 : index
    %swap3A_178 = tpu.vector_load %arg9[%swap3A_177] {strides = array<i32>} : memref<2048xi32, #tpu.memory_space<vmem>>, vector<16xi32>,
    tpu.vector_store %arg9[%swap3A_177], %broadcast_in_dim3A_176 {strides = array<i32>} : memref<2048xi32, #tpu.memory_space<vmem>>, vector<16xi32>,
    %broadcast_in_dim3A_179 = arith.constant 45 : i32
    %broadcast_in_dim3A_180 = vector.broadcast %broadcast_in_dim3A_179 : i32 to vector<16xi32>
    %swap3A_181 = arith.constant 1744 : index
    %swap3A_182 = tpu.vector_load %arg9[%swap3A_181] {strides = array<i32>} : memref<2048xi32, #tpu.memory_space<vmem>>, vector<16xi32>,
    tpu.vector_store %arg9[%swap3A_181], %broadcast_in_dim3A_180 {strides = array<i32>} : memref<2048xi32, #tpu.memory_space<vmem>>, vector<16xi32>,
    %broadcast_in_dim3A_183 = arith.constant 46 : i32
    %broadcast_in_dim3A_184 = vector.broadcast %broadcast_in_dim3A_183 : i32 to vector<16xi32>
    %swap3A_185 = arith.constant 1760 : index
    %swap3A_186 = tpu.vector_load %arg9[%swap3A_185] {strides = array<i32>} : memref<2048xi32, #tpu.memory_space<vmem>>, vector<16xi32>,
    tpu.vector_store %arg9[%swap3A_185], %broadcast_in_dim3A_184 {strides = array<i32>} : memref<2048xi32, #tpu.memory_space<vmem>>, vector<16xi32>,
    %broadcast_in_dim3A_187 = arith.constant 47 : i32
    %broadcast_in_dim3A_188 = vector.broadcast %broadcast_in_dim3A_187 : i32 to vector<16xi32>
    %swap3A_189 = arith.constant 1776 : index
    %swap3A_190 = tpu.vector_load %arg9[%swap3A_189] {strides = array<i32>} : memref<2048xi32, #tpu.memory_space<vmem>>, vector<16xi32>,
    tpu.vector_store %arg9[%swap3A_189], %broadcast_in_dim3A_188 {strides = array<i32>} : memref<2048xi32, #tpu.memory_space<vmem>>, vector<16xi32>,
    %broadcast_in_dim3A_191 = arith.constant 48 : i32
    %broadcast_in_dim3A_192 = vector.broadcast %broadcast_in_dim3A_191 : i32 to vector<16xi32>
    %swap3A_193 = arith.constant 1792 : index
    %swap3A_194 = tpu.vector_load %arg9[%swap3A_193] {strides = array<i32>} : memref<2048xi32, #tpu.memory_space<vmem>>, vector<16xi32>,
    tpu.vector_store %arg9[%swap3A_193], %broadcast_in_dim3A_192 {strides = array<i32>} : memref<2048xi32, #tpu.memory_space<vmem>>, vector<16xi32>,
    %broadcast_in_dim3A_195 = arith.constant 49 : i32
    %broadcast_in_dim3A_196 = vector.broadcast %broadcast_in_dim3A_195 : i32 to vector<16xi32>
    %swap3A_197 = arith.constant 1808 : index
    %swap3A_198 = tpu.vector_load %arg9[%swap3A_197] {strides = array<i32>} : memref<2048xi32, #tpu.memory_space<vmem>>, vector<16xi32>,
    tpu.vector_store %arg9[%swap3A_197], %broadcast_in_dim3A_196 {strides = array<i32>} : memref<2048xi32, #tpu.memory_space<vmem>>, vector<16xi32>,
    %broadcast_in_dim3A_199 = arith.constant 50 : i32
    %broadcast_in_dim3A_200 = vector.broadcast %broadcast_in_dim3A_199 : i32 to vector<16xi32>
    %swap3A_201 = arith.constant 1824 : index
    %swap3A_202 = tpu.vector_load %arg9[%swap3A_201] {strides = array<i32>} : memref<2048xi32, #tpu.memory_space<vmem>>, vector<16xi32>,
    tpu.vector_store %arg9[%swap3A_201], %broadcast_in_dim3A_200 {strides = array<i32>} : memref<2048xi32, #tpu.memory_space<vmem>>, vector<16xi32>,
    %broadcast_in_dim3A_203 = arith.constant 51 : i32
    %broadcast_in_dim3A_204 = vector.broadcast %broadcast_in_dim3A_203 : i32 to vector<16xi32>
    %swap3A_205 = arith.constant 1840 : index
    %swap3A_206 = tpu.vector_load %arg9[%swap3A_205] {strides = array<i32>} : memref<2048xi32, #tpu.memory_space<vmem>>, vector<16xi32>,
    tpu.vector_store %arg9[%swap3A_205], %broadcast_in_dim3A_204 {strides = array<i32>} : memref<2048xi32, #tpu.memory_space<vmem>>, vector<16xi32>,
    %broadcast_in_dim3A_207 = arith.constant 52 : i32
    %broadcast_in_dim3A_208 = vector.broadcast %broadcast_in_dim3A_207 : i32 to vector<16xi32>
    %swap3A_209 = arith.constant 1856 : index
    %swap3A_210 = tpu.vector_load %arg9[%swap3A_209] {strides = array<i32>} : memref<2048xi32, #tpu.memory_space<vmem>>, vector<16xi32>,
    tpu.vector_store %arg9[%swap3A_209], %broadcast_in_dim3A_208 {strides = array<i32>} : memref<2048xi32, #tpu.memory_space<vmem>>, vector<16xi32>,
    %broadcast_in_dim3A_211 = arith.constant 53 : i32
    %broadcast_in_dim3A_212 = vector.broadcast %broadcast_in_dim3A_211 : i32 to vector<16xi32>
    %swap3A_213 = arith.constant 1872 : index
    %swap3A_214 = tpu.vector_load %arg9[%swap3A_213] {strides = array<i32>} : memref<2048xi32, #tpu.memory_space<vmem>>, vector<16xi32>,
    tpu.vector_store %arg9[%swap3A_213], %broadcast_in_dim3A_212 {strides = array<i32>} : memref<2048xi32, #tpu.memory_space<vmem>>, vector<16xi32>,
    %broadcast_in_dim3A_215 = arith.constant 54 : i32
    %broadcast_in_dim3A_216 = vector.broadcast %broadcast_in_dim3A_215 : i32 to vector<16xi32>
    %swap3A_217 = arith.constant 1888 : index
    %swap3A_218 = tpu.vector_load %arg9[%swap3A_217] {strides = array<i32>} : memref<2048xi32, #tpu.memory_space<vmem>>, vector<16xi32>,
    tpu.vector_store %arg9[%swap3A_217], %broadcast_in_dim3A_216 {strides = array<i32>} : memref<2048xi32, #tpu.memory_space<vmem>>, vector<16xi32>,
    %broadcast_in_dim3A_219 = arith.constant 55 : i32
    %broadcast_in_dim3A_220 = vector.broadcast %broadcast_in_dim3A_219 : i32 to vector<16xi32>
    %swap3A_221 = arith.constant 1904 : index
    %swap3A_222 = tpu.vector_load %arg9[%swap3A_221] {strides = array<i32>} : memref<2048xi32, #tpu.memory_space<vmem>>, vector<16xi32>,
    tpu.vector_store %arg9[%swap3A_221], %broadcast_in_dim3A_220 {strides = array<i32>} : memref<2048xi32, #tpu.memory_space<vmem>>, vector<16xi32>,
    %broadcast_in_dim3A_223 = arith.constant 56 : i32
    %broadcast_in_dim3A_224 = vector.broadcast %broadcast_in_dim3A_223 : i32 to vector<16xi32>
    %swap3A_225 = arith.constant 1920 : index
    %swap3A_226 = tpu.vector_load %arg9[%swap3A_225] {strides = array<i32>} : memref<2048xi32, #tpu.memory_space<vmem>>, vector<16xi32>,
    tpu.vector_store %arg9[%swap3A_225], %broadcast_in_dim3A_224 {strides = array<i32>} : memref<2048xi32, #tpu.memory_space<vmem>>, vector<16xi32>,
    %broadcast_in_dim3A_227 = arith.constant 57 : i32
    %broadcast_in_dim3A_228 = vector.broadcast %broadcast_in_dim3A_227 : i32 to vector<16xi32>
    %swap3A_229 = arith.constant 1936 : index
    %swap3A_230 = tpu.vector_load %arg9[%swap3A_229] {strides = array<i32>} : memref<2048xi32, #tpu.memory_space<vmem>>, vector<16xi32>,
    tpu.vector_store %arg9[%swap3A_229], %broadcast_in_dim3A_228 {strides = array<i32>} : memref<2048xi32, #tpu.memory_space<vmem>>, vector<16xi32>,
    %broadcast_in_dim3A_231 = arith.constant 58 : i32
    %broadcast_in_dim3A_232 = vector.broadcast %broadcast_in_dim3A_231 : i32 to vector<16xi32>
    %swap3A_233 = arith.constant 1952 : index
    %swap3A_234 = tpu.vector_load %arg9[%swap3A_233] {strides = array<i32>} : memref<2048xi32, #tpu.memory_space<vmem>>, vector<16xi32>,
    tpu.vector_store %arg9[%swap3A_233], %broadcast_in_dim3A_232 {strides = array<i32>} : memref<2048xi32, #tpu.memory_space<vmem>>, vector<16xi32>,
    %broadcast_in_dim3A_235 = arith.constant 59 : i32
    %broadcast_in_dim3A_236 = vector.broadcast %broadcast_in_dim3A_235 : i32 to vector<16xi32>
    %swap3A_237 = arith.constant 1968 : index
    %swap3A_238 = tpu.vector_load %arg9[%swap3A_237] {strides = array<i32>} : memref<2048xi32, #tpu.memory_space<vmem>>, vector<16xi32>,
    tpu.vector_store %arg9[%swap3A_237], %broadcast_in_dim3A_236 {strides = array<i32>} : memref<2048xi32, #tpu.memory_space<vmem>>, vector<16xi32>,
    %broadcast_in_dim3A_239 = arith.constant 60 : i32
    %broadcast_in_dim3A_240 = vector.broadcast %broadcast_in_dim3A_239 : i32 to vector<16xi32>
    %swap3A_241 = arith.constant 1984 : index
    %swap3A_242 = tpu.vector_load %arg9[%swap3A_241] {strides = array<i32>} : memref<2048xi32, #tpu.memory_space<vmem>>, vector<16xi32>,
    tpu.vector_store %arg9[%swap3A_241], %broadcast_in_dim3A_240 {strides = array<i32>} : memref<2048xi32, #tpu.memory_space<vmem>>, vector<16xi32>,
    %broadcast_in_dim3A_243 = arith.constant 61 : i32
    %broadcast_in_dim3A_244 = vector.broadcast %broadcast_in_dim3A_243 : i32 to vector<16xi32>
    %swap3A_245 = arith.constant 2000 : index
    %swap3A_246 = tpu.vector_load %arg9[%swap3A_245] {strides = array<i32>} : memref<2048xi32, #tpu.memory_space<vmem>>, vector<16xi32>,
    tpu.vector_store %arg9[%swap3A_245], %broadcast_in_dim3A_244 {strides = array<i32>} : memref<2048xi32, #tpu.memory_space<vmem>>, vector<16xi32>,
    %broadcast_in_dim3A_247 = arith.constant 62 : i32
    %broadcast_in_dim3A_248 = vector.broadcast %broadcast_in_dim3A_247 : i32 to vector<16xi32>
    %swap3A_249 = arith.constant 2016 : index
    %swap3A_250 = tpu.vector_load %arg9[%swap3A_249] {strides = array<i32>} : memref<2048xi32, #tpu.memory_space<vmem>>, vector<16xi32>,
    tpu.vector_store %arg9[%swap3A_249], %broadcast_in_dim3A_248 {strides = array<i32>} : memref<2048xi32, #tpu.memory_space<vmem>>, vector<16xi32>,
    %broadcast_in_dim3A_251 = arith.constant 63 : i32
    %broadcast_in_dim3A_252 = vector.broadcast %broadcast_in_dim3A_251 : i32 to vector<16xi32>
    %swap3A_253 = arith.constant 2032 : index
    %swap3A_254 = tpu.vector_load %arg9[%swap3A_253] {strides = array<i32>} : memref<2048xi32, #tpu.memory_space<vmem>>, vector<16xi32>,
    tpu.vector_store %arg9[%swap3A_253], %broadcast_in_dim3A_252 {strides = array<i32>} : memref<2048xi32, #tpu.memory_space<vmem>>, vector<16xi32>,
    %scan3A = arith.constant 0 : i32
    %scan3A_255 = arith.constant 0 : i32
    %scan3A_256 = arith.constant 16 : i32
    %scan3A_257 = arith.addi %scan3A_255, %scan3A_256 : i32
    %scan3A_258 = arith.constant 1 : i32
    scf.for %scan3A_260 = %scan3A_255 to %scan3A_257 step %scan3A_258  : i32 {
      %mul3A_261 = arith.constant 16 : i32
      %mul3A_262 = arith.muli %scan3A_260, %mul3A_261 : i32
      %add3A_263 = arith.constant 0 : i32
      %add3A_264 = arith.addi %add3A_263, %mul3A_262 : i32
      %get3A = arith.index_cast %add3A_264 : i32 to index
      %get3A_265 = tpu.vector_load %arg6[%get3A] {strides = array<i32>} : memref<16384xf32, #tpu.memory_space<vmem>>, vector<16xf32>,
      %add3A_266 = arith.constant 256 : i32
      %add3A_267 = arith.addi %add3A_266, %mul3A_262 : i32
      %get3A_268 = arith.index_cast %add3A_267 : i32 to index
      %get3A_269 = tpu.vector_load %arg6[%get3A_268] {strides = array<i32>} : memref<16384xf32, #tpu.memory_space<vmem>>, vector<16xf32>,
      %max3A = arith.maximumf %get3A_265, %get3A_269 : vector<16xf32>
      %min3A = arith.minimumf %get3A_265, %get3A_269 : vector<16xf32>
      %add3A_270 = arith.constant 512 : i32
      %add3A_271 = arith.addi %add3A_270, %mul3A_262 : i32
      %get3A_272 = arith.index_cast %add3A_271 : i32 to index
      %get3A_273 = tpu.vector_load %arg6[%get3A_272] {strides = array<i32>} : memref<16384xf32, #tpu.memory_space<vmem>>, vector<16xf32>,
      %min3A_274 = arith.minimumf %max3A, %get3A_273 : vector<16xf32>
      %max3A_275 = arith.maximumf %min3A, %min3A_274 : vector<16xf32>
      %max3A_276 = arith.maximumf %max3A, %get3A_273 : vector<16xf32>
      %add3A_277 = arith.constant 768 : i32
      %add3A_278 = arith.addi %add3A_277, %mul3A_262 : i32
      %get3A_279 = arith.index_cast %add3A_278 : i32 to index
      %get3A_280 = tpu.vector_load %arg6[%get3A_279] {strides = array<i32>} : memref<16384xf32, #tpu.memory_space<vmem>>, vector<16xf32>,
      %min3A_281 = arith.minimumf %max3A_276, %get3A_280 : vector<16xf32>
      %max3A_282 = arith.maximumf %max3A_275, %min3A_281 : vector<16xf32>
      %max3A_283 = arith.maximumf %max3A_276, %get3A_280 : vector<16xf32>
      %add3A_284 = arith.constant 1024 : i32
      %add3A_285 = arith.addi %add3A_284, %mul3A_262 : i32
      %get3A_286 = arith.index_cast %add3A_285 : i32 to index
      %get3A_287 = tpu.vector_load %arg6[%get3A_286] {strides = array<i32>} : memref<16384xf32, #tpu.memory_space<vmem>>, vector<16xf32>,
      %min3A_288 = arith.minimumf %max3A_283, %get3A_287 : vector<16xf32>
      %max3A_289 = arith.maximumf %max3A_282, %min3A_288 : vector<16xf32>
      %max3A_290 = arith.maximumf %max3A_283, %get3A_287 : vector<16xf32>
      %add3A_291 = arith.constant 1280 : i32
      %add3A_292 = arith.addi %add3A_291, %mul3A_262 : i32
      %get3A_293 = arith.index_cast %add3A_292 : i32 to index
      %get3A_294 = tpu.vector_load %arg6[%get3A_293] {strides = array<i32>} : memref<16384xf32, #tpu.memory_space<vmem>>, vector<16xf32>,
      %min3A_295 = arith.minimumf %max3A_290, %get3A_294 : vector<16xf32>
      %max3A_296 = arith.maximumf %max3A_289, %min3A_295 : vector<16xf32>
      %max3A_297 = arith.maximumf %max3A_290, %get3A_294 : vector<16xf32>
      %add3A_298 = arith.constant 1536 : i32
      %add3A_299 = arith.addi %add3A_298, %mul3A_262 : i32
      %get3A_300 = arith.index_cast %add3A_299 : i32 to index
      %get3A_301 = tpu.vector_load %arg6[%get3A_300] {strides = array<i32>} : memref<16384xf32, #tpu.memory_space<vmem>>, vector<16xf32>,
      %min3A_302 = arith.minimumf %max3A_297, %get3A_301 : vector<16xf32>
      %max3A_303 = arith.maximumf %max3A_296, %min3A_302 : vector<16xf32>
      %max3A_304 = arith.maximumf %max3A_297, %get3A_301 : vector<16xf32>
      %add3A_305 = arith.constant 1792 : i32
      %add3A_306 = arith.addi %add3A_305, %mul3A_262 : i32
      %get3A_307 = arith.index_cast %add3A_306 : i32 to index
      %get3A_308 = tpu.vector_load %arg6[%get3A_307] {strides = array<i32>} : memref<16384xf32, #tpu.memory_space<vmem>>, vector<16xf32>,
      %min3A_309 = arith.minimumf %max3A_304, %get3A_308 : vector<16xf32>
      %max3A_310 = arith.maximumf %max3A_303, %min3A_309 : vector<16xf32>
      %max3A_311 = arith.maximumf %max3A_304, %get3A_308 : vector<16xf32>
      %add3A_312 = arith.addf %max3A_311, %max3A_310 : vector<16xf32>
      %add3A_313 = arith.constant 2048 : i32
      %add3A_314 = arith.addi %add3A_313, %mul3A_262 : i32
      %get3A_315 = arith.index_cast %add3A_314 : i32 to index
      %get3A_316 = tpu.vector_load %arg6[%get3A_315] {strides = array<i32>} : memref<16384xf32, #tpu.memory_space<vmem>>, vector<16xf32>,
      %add3A_317 = arith.constant 2304 : i32
      %add3A_318 = arith.addi %add3A_317, %mul3A_262 : i32
      %get3A_319 = arith.index_cast %add3A_318 : i32 to index
      %get3A_320 = tpu.vector_load %arg6[%get3A_319] {strides = array<i32>} : memref<16384xf32, #tpu.memory_space<vmem>>, vector<16xf32>,
      %max3A_321 = arith.maximumf %get3A_316, %get3A_320 : vector<16xf32>
      %min3A_322 = arith.minimumf %get3A_316, %get3A_320 : vector<16xf32>
      %add3A_323 = arith.constant 2560 : i32
      %add3A_324 = arith.addi %add3A_323, %mul3A_262 : i32
      %get3A_325 = arith.index_cast %add3A_324 : i32 to index
      %get3A_326 = tpu.vector_load %arg6[%get3A_325] {strides = array<i32>} : memref<16384xf32, #tpu.memory_space<vmem>>, vector<16xf32>,
      %min3A_327 = arith.minimumf %max3A_321, %get3A_326 : vector<16xf32>
      %max3A_328 = arith.maximumf %min3A_322, %min3A_327 : vector<16xf32>
      %max3A_329 = arith.maximumf %max3A_321, %get3A_326 : vector<16xf32>
      %add3A_330 = arith.constant 2816 : i32
      %add3A_331 = arith.addi %add3A_330, %mul3A_262 : i32
      %get3A_332 = arith.index_cast %add3A_331 : i32 to index
      %get3A_333 = tpu.vector_load %arg6[%get3A_332] {strides = array<i32>} : memref<16384xf32, #tpu.memory_space<vmem>>, vector<16xf32>,
      %min3A_334 = arith.minimumf %max3A_329, %get3A_333 : vector<16xf32>
      %max3A_335 = arith.maximumf %max3A_328, %min3A_334 : vector<16xf32>
      %max3A_336 = arith.maximumf %max3A_329, %get3A_333 : vector<16xf32>
      %add3A_337 = arith.constant 3072 : i32
      %add3A_338 = arith.addi %add3A_337, %mul3A_262 : i32
      %get3A_339 = arith.index_cast %add3A_338 : i32 to index
      %get3A_340 = tpu.vector_load %arg6[%get3A_339] {strides = array<i32>} : memref<16384xf32, #tpu.memory_space<vmem>>, vector<16xf32>,
      %min3A_341 = arith.minimumf %max3A_336, %get3A_340 : vector<16xf32>
      %max3A_342 = arith.maximumf %max3A_335, %min3A_341 : vector<16xf32>
      %max3A_343 = arith.maximumf %max3A_336, %get3A_340 : vector<16xf32>
      %add3A_344 = arith.constant 3328 : i32
      %add3A_345 = arith.addi %add3A_344, %mul3A_262 : i32
      %get3A_346 = arith.index_cast %add3A_345 : i32 to index
      %get3A_347 = tpu.vector_load %arg6[%get3A_346] {strides = array<i32>} : memref<16384xf32, #tpu.memory_space<vmem>>, vector<16xf32>,
      %min3A_348 = arith.minimumf %max3A_343, %get3A_347 : vector<16xf32>
      %max3A_349 = arith.maximumf %max3A_342, %min3A_348 : vector<16xf32>
      %max3A_350 = arith.maximumf %max3A_343, %get3A_347 : vector<16xf32>
      %add3A_351 = arith.constant 3584 : i32
      %add3A_352 = arith.addi %add3A_351, %mul3A_262 : i32
      %get3A_353 = arith.index_cast %add3A_352 : i32 to index
      %get3A_354 = tpu.vector_load %arg6[%get3A_353] {strides = array<i32>} : memref<16384xf32, #tpu.memory_space<vmem>>, vector<16xf32>,
      %min3A_355 = arith.minimumf %max3A_350, %get3A_354 : vector<16xf32>
      %max3A_356 = arith.maximumf %max3A_349, %min3A_355 : vector<16xf32>
      %max3A_357 = arith.maximumf %max3A_350, %get3A_354 : vector<16xf32>
      %add3A_358 = arith.constant 3840 : i32
      %add3A_359 = arith.addi %add3A_358, %mul3A_262 : i32
      %get3A_360 = arith.index_cast %add3A_359 : i32 to index
      %get3A_361 = tpu.vector_load %arg6[%get3A_360] {strides = array<i32>} : memref<16384xf32, #tpu.memory_space<vmem>>, vector<16xf32>,
      %min3A_362 = arith.minimumf %max3A_357, %get3A_361 : vector<16xf32>
      %max3A_363 = arith.maximumf %max3A_356, %min3A_362 : vector<16xf32>
      %max3A_364 = arith.maximumf %max3A_357, %get3A_361 : vector<16xf32>
      %add3A_365 = arith.addf %max3A_364, %max3A_363 : vector<16xf32>
      %add3A_366 = arith.constant 4096 : i32
      %add3A_367 = arith.addi %add3A_366, %mul3A_262 : i32
      %get3A_368 = arith.index_cast %add3A_367 : i32 to index
      %get3A_369 = tpu.vector_load %arg6[%get3A_368] {strides = array<i32>} : memref<16384xf32, #tpu.memory_space<vmem>>, vector<16xf32>,
      %add3A_370 = arith.constant 4352 : i32
      %add3A_371 = arith.addi %add3A_370, %mul3A_262 : i32
      %get3A_372 = arith.index_cast %add3A_371 : i32 to index
      %get3A_373 = tpu.vector_load %arg6[%get3A_372] {strides = array<i32>} : memref<16384xf32, #tpu.memory_space<vmem>>, vector<16xf32>,
      %max3A_374 = arith.maximumf %get3A_369, %get3A_373 : vector<16xf32>
      %min3A_375 = arith.minimumf %get3A_369, %get3A_373 : vector<16xf32>
      %add3A_376 = arith.constant 4608 : i32
      %add3A_377 = arith.addi %add3A_376, %mul3A_262 : i32
      %get3A_378 = arith.index_cast %add3A_377 : i32 to index
      %get3A_379 = tpu.vector_load %arg6[%get3A_378] {strides = array<i32>} : memref<16384xf32, #tpu.memory_space<vmem>>, vector<16xf32>,
      %min3A_380 = arith.minimumf %max3A_374, %get3A_379 : vector<16xf32>
      %max3A_381 = arith.maximumf %min3A_375, %min3A_380 : vector<16xf32>
      %max3A_382 = arith.maximumf %max3A_374, %get3A_379 : vector<16xf32>
      %add3A_383 = arith.constant 4864 : i32
      %add3A_384 = arith.addi %add3A_383, %mul3A_262 : i32
      %get3A_385 = arith.index_cast %add3A_384 : i32 to index
      %get3A_386 = tpu.vector_load %arg6[%get3A_385] {strides = array<i32>} : memref<16384xf32, #tpu.memory_space<vmem>>, vector<16xf32>,
      %min3A_387 = arith.minimumf %max3A_382, %get3A_386 : vector<16xf32>
      %max3A_388 = arith.maximumf %max3A_381, %min3A_387 : vector<16xf32>
      %max3A_389 = arith.maximumf %max3A_382, %get3A_386 : vector<16xf32>
      %add3A_390 = arith.constant 5120 : i32
      %add3A_391 = arith.addi %add3A_390, %mul3A_262 : i32
      %get3A_392 = arith.index_cast %add3A_391 : i32 to index
      %get3A_393 = tpu.vector_load %arg6[%get3A_392] {strides = array<i32>} : memref<16384xf32, #tpu.memory_space<vmem>>, vector<16xf32>,
      %min3A_394 = arith.minimumf %max3A_389, %get3A_393 : vector<16xf32>
      %max3A_395 = arith.maximumf %max3A_388, %min3A_394 : vector<16xf32>
      %max3A_396 = arith.maximumf %max3A_389, %get3A_393 : vector<16xf32>
      %add3A_397 = arith.constant 5376 : i32
      %add3A_398 = arith.addi %add3A_397, %mul3A_262 : i32
      %get3A_399 = arith.index_cast %add3A_398 : i32 to index
      %get3A_400 = tpu.vector_load %arg6[%get3A_399] {strides = array<i32>} : memref<16384xf32, #tpu.memory_space<vmem>>, vector<16xf32>,
      %min3A_401 = arith.minimumf %max3A_396, %get3A_400 : vector<16xf32>
      %max3A_402 = arith.maximumf %max3A_395, %min3A_401 : vector<16xf32>
      %max3A_403 = arith.maximumf %max3A_396, %get3A_400 : vector<16xf32>
      %add3A_404 = arith.constant 5632 : i32
      %add3A_405 = arith.addi %add3A_404, %mul3A_262 : i32
      %get3A_406 = arith.index_cast %add3A_405 : i32 to index
      %get3A_407 = tpu.vector_load %arg6[%get3A_406] {strides = array<i32>} : memref<16384xf32, #tpu.memory_space<vmem>>, vector<16xf32>,
      %min3A_408 = arith.minimumf %max3A_403, %get3A_407 : vector<16xf32>
      %max3A_409 = arith.maximumf %max3A_402, %min3A_408 : vector<16xf32>
      %max3A_410 = arith.maximumf %max3A_403, %get3A_407 : vector<16xf32>
      %add3A_411 = arith.constant 5888 : i32
      %add3A_412 = arith.addi %add3A_411, %mul3A_262 : i32
      %get3A_413 = arith.index_cast %add3A_412 : i32 to index
      %get3A_414 = tpu.vector_load %arg6[%get3A_413] {strides = array<i32>} : memref<16384xf32, #tpu.memory_space<vmem>>, vector<16xf32>,
      %min3A_415 = arith.minimumf %max3A_410, %get3A_414 : vector<16xf32>
      %max3A_416 = arith.maximumf %max3A_409, %min3A_415 : vector<16xf32>
      %max3A_417 = arith.maximumf %max3A_410, %get3A_414 : vector<16xf32>
      %add3A_418 = arith.addf %max3A_417, %max3A_416 : vector<16xf32>
      %add3A_419 = arith.constant 6144 : i32
      %add3A_420 = arith.addi %add3A_419, %mul3A_262 : i32
      %get3A_421 = arith.index_cast %add3A_420 : i32 to index
      %get3A_422 = tpu.vector_load %arg6[%get3A_421] {strides = array<i32>} : memref<16384xf32, #tpu.memory_space<vmem>>, vector<16xf32>,
      %add3A_423 = arith.constant 6400 : i32
      %add3A_424 = arith.addi %add3A_423, %mul3A_262 : i32
      %get3A_425 = arith.index_cast %add3A_424 : i32 to index
      %get3A_426 = tpu.vector_load %arg6[%get3A_425] {strides = array<i32>} : memref<16384xf32, #tpu.memory_space<vmem>>, vector<16xf32>,
      %max3A_427 = arith.maximumf %get3A_422, %get3A_426 : vector<16xf32>
      %min3A_428 = arith.minimumf %get3A_422, %get3A_426 : vector<16xf32>
      %add3A_429 = arith.constant 6656 : i32
      %add3A_430 = arith.addi %add3A_429, %mul3A_262 : i32
      %get3A_431 = arith.index_cast %add3A_430 : i32 to index
      %get3A_432 = tpu.vector_load %arg6[%get3A_431] {strides = array<i32>} : memref<16384xf32, #tpu.memory_space<vmem>>, vector<16xf32>,
      %min3A_433 = arith.minimumf %max3A_427, %get3A_432 : vector<16xf32>
      %max3A_434 = arith.maximumf %min3A_428, %min3A_433 : vector<16xf32>
      %max3A_435 = arith.maximumf %max3A_427, %get3A_432 : vector<16xf32>
      %add3A_436 = arith.constant 6912 : i32
      %add3A_437 = arith.addi %add3A_436, %mul3A_262 : i32
      %get3A_438 = arith.index_cast %add3A_437 : i32 to index
      %get3A_439 = tpu.vector_load %arg6[%get3A_438] {strides = array<i32>} : memref<16384xf32, #tpu.memory_space<vmem>>, vector<16xf32>,
      %min3A_440 = arith.minimumf %max3A_435, %get3A_439 : vector<16xf32>
      %max3A_441 = arith.maximumf %max3A_434, %min3A_440 : vector<16xf32>
      %max3A_442 = arith.maximumf %max3A_435, %get3A_439 : vector<16xf32>
      %add3A_443 = arith.constant 7168 : i32
      %add3A_444 = arith.addi %add3A_443, %mul3A_262 : i32
      %get3A_445 = arith.index_cast %add3A_444 : i32 to index
      %get3A_446 = tpu.vector_load %arg6[%get3A_445] {strides = array<i32>} : memref<16384xf32, #tpu.memory_space<vmem>>, vector<16xf32>,
      %min3A_447 = arith.minimumf %max3A_442, %get3A_446 : vector<16xf32>
      %max3A_448 = arith.maximumf %max3A_441, %min3A_447 : vector<16xf32>
      %max3A_449 = arith.maximumf %max3A_442, %get3A_446 : vector<16xf32>
      %add3A_450 = arith.constant 7424 : i32
      %add3A_451 = arith.addi %add3A_450, %mul3A_262 : i32
      %get3A_452 = arith.index_cast %add3A_451 : i32 to index
      %get3A_453 = tpu.vector_load %arg6[%get3A_452] {strides = array<i32>} : memref<16384xf32, #tpu.memory_space<vmem>>, vector<16xf32>,
      %min3A_454 = arith.minimumf %max3A_449, %get3A_453 : vector<16xf32>
      %max3A_455 = arith.maximumf %max3A_448, %min3A_454 : vector<16xf32>
      %max3A_456 = arith.maximumf %max3A_449, %get3A_453 : vector<16xf32>
      %add3A_457 = arith.constant 7680 : i32
      %add3A_458 = arith.addi %add3A_457, %mul3A_262 : i32
      %get3A_459 = arith.index_cast %add3A_458 : i32 to index
      %get3A_460 = tpu.vector_load %arg6[%get3A_459] {strides = array<i32>} : memref<16384xf32, #tpu.memory_space<vmem>>, vector<16xf32>,
      %min3A_461 = arith.minimumf %max3A_456, %get3A_460 : vector<16xf32>
      %max3A_462 = arith.maximumf %max3A_455, %min3A_461 : vector<16xf32>
      %max3A_463 = arith.maximumf %max3A_456, %get3A_460 : vector<16xf32>
      %add3A_464 = arith.constant 7936 : i32
      %add3A_465 = arith.addi %add3A_464, %mul3A_262 : i32
      %get3A_466 = arith.index_cast %add3A_465 : i32 to index
      %get3A_467 = tpu.vector_load %arg6[%get3A_466] {strides = array<i32>} : memref<16384xf32, #tpu.memory_space<vmem>>, vector<16xf32>,
      %min3A_468 = arith.minimumf %max3A_463, %get3A_467 : vector<16xf32>
      %max3A_469 = arith.maximumf %max3A_462, %min3A_468 : vector<16xf32>
      %max3A_470 = arith.maximumf %max3A_463, %get3A_467 : vector<16xf32>
      %add3A_471 = arith.addf %max3A_470, %max3A_469 : vector<16xf32>
      %add3A_472 = arith.constant 8192 : i32
      %add3A_473 = arith.addi %add3A_472, %mul3A_262 : i32
      %get3A_474 = arith.index_cast %add3A_473 : i32 to index
      %get3A_475 = tpu.vector_load %arg6[%get3A_474] {strides = array<i32>} : memref<16384xf32, #tpu.memory_space<vmem>>, vector<16xf32>,
      %add3A_476 = arith.constant 8448 : i32
      %add3A_477 = arith.addi %add3A_476, %mul3A_262 : i32
      %get3A_478 = arith.index_cast %add3A_477 : i32 to index
      %get3A_479 = tpu.vector_load %arg6[%get3A_478] {strides = array<i32>} : memref<16384xf32, #tpu.memory_space<vmem>>, vector<16xf32>,
      %max3A_480 = arith.maximumf %get3A_475, %get3A_479 : vector<16xf32>
      %min3A_481 = arith.minimumf %get3A_475, %get3A_479 : vector<16xf32>
      %add3A_482 = arith.constant 8704 : i32
      %add3A_483 = arith.addi %add3A_482, %mul3A_262 : i32
      %get3A_484 = arith.index_cast %add3A_483 : i32 to index
      %get3A_485 = tpu.vector_load %arg6[%get3A_484] {strides = array<i32>} : memref<16384xf32, #tpu.memory_space<vmem>>, vector<16xf32>,
      %min3A_486 = arith.minimumf %max3A_480, %get3A_485 : vector<16xf32>
      %max3A_487 = arith.maximumf %min3A_481, %min3A_486 : vector<16xf32>
      %max3A_488 = arith.maximumf %max3A_480, %get3A_485 : vector<16xf32>
      %add3A_489 = arith.constant 8960 : i32
      %add3A_490 = arith.addi %add3A_489, %mul3A_262 : i32
      %get3A_491 = arith.index_cast %add3A_490 : i32 to index
      %get3A_492 = tpu.vector_load %arg6[%get3A_491] {strides = array<i32>} : memref<16384xf32, #tpu.memory_space<vmem>>, vector<16xf32>,
      %min3A_493 = arith.minimumf %max3A_488, %get3A_492 : vector<16xf32>
      %max3A_494 = arith.maximumf %max3A_487, %min3A_493 : vector<16xf32>
      %max3A_495 = arith.maximumf %max3A_488, %get3A_492 : vector<16xf32>
      %add3A_496 = arith.constant 9216 : i32
      %add3A_497 = arith.addi %add3A_496, %mul3A_262 : i32
      %get3A_498 = arith.index_cast %add3A_497 : i32 to index
      %get3A_499 = tpu.vector_load %arg6[%get3A_498] {strides = array<i32>} : memref<16384xf32, #tpu.memory_space<vmem>>, vector<16xf32>,
      %min3A_500 = arith.minimumf %max3A_495, %get3A_499 : vector<16xf32>
      %max3A_501 = arith.maximumf %max3A_494, %min3A_500 : vector<16xf32>
      %max3A_502 = arith.maximumf %max3A_495, %get3A_499 : vector<16xf32>
      %add3A_503 = arith.constant 9472 : i32
      %add3A_504 = arith.addi %add3A_503, %mul3A_262 : i32
      %get3A_505 = arith.index_cast %add3A_504 : i32 to index
      %get3A_506 = tpu.vector_load %arg6[%get3A_505] {strides = array<i32>} : memref<16384xf32, #tpu.memory_space<vmem>>, vector<16xf32>,
      %min3A_507 = arith.minimumf %max3A_502, %get3A_506 : vector<16xf32>
      %max3A_508 = arith.maximumf %max3A_501, %min3A_507 : vector<16xf32>
      %max3A_509 = arith.maximumf %max3A_502, %get3A_506 : vector<16xf32>
      %add3A_510 = arith.constant 9728 : i32
      %add3A_511 = arith.addi %add3A_510, %mul3A_262 : i32
      %get3A_512 = arith.index_cast %add3A_511 : i32 to index
      %get3A_513 = tpu.vector_load %arg6[%get3A_512] {strides = array<i32>} : memref<16384xf32, #tpu.memory_space<vmem>>, vector<16xf32>,
      %min3A_514 = arith.minimumf %max3A_509, %get3A_513 : vector<16xf32>
      %max3A_515 = arith.maximumf %max3A_508, %min3A_514 : vector<16xf32>
      %max3A_516 = arith.maximumf %max3A_509, %get3A_513 : vector<16xf32>
      %add3A_517 = arith.constant 9984 : i32
      %add3A_518 = arith.addi %add3A_517, %mul3A_262 : i32
      %get3A_519 = arith.index_cast %add3A_518 : i32 to index
      %get3A_520 = tpu.vector_load %arg6[%get3A_519] {strides = array<i32>} : memref<16384xf32, #tpu.memory_space<vmem>>, vector<16xf32>,
      %min3A_521 = arith.minimumf %max3A_516, %get3A_520 : vector<16xf32>
      %max3A_522 = arith.maximumf %max3A_515, %min3A_521 : vector<16xf32>
      %max3A_523 = arith.maximumf %max3A_516, %get3A_520 : vector<16xf32>
      %add3A_524 = arith.addf %max3A_523, %max3A_522 : vector<16xf32>
      %add3A_525 = arith.constant 10240 : i32
      %add3A_526 = arith.addi %add3A_525, %mul3A_262 : i32
      %get3A_527 = arith.index_cast %add3A_526 : i32 to index
      %get3A_528 = tpu.vector_load %arg6[%get3A_527] {strides = array<i32>} : memref<16384xf32, #tpu.memory_space<vmem>>, vector<16xf32>,
      %add3A_529 = arith.constant 10496 : i32
      %add3A_530 = arith.addi %add3A_529, %mul3A_262 : i32
      %get3A_531 = arith.index_cast %add3A_530 : i32 to index
      %get3A_532 = tpu.vector_load %arg6[%get3A_531] {strides = array<i32>} : memref<16384xf32, #tpu.memory_space<vmem>>, vector<16xf32>,
      %max3A_533 = arith.maximumf %get3A_528, %get3A_532 : vector<16xf32>
      %min3A_534 = arith.minimumf %get3A_528, %get3A_532 : vector<16xf32>
      %add3A_535 = arith.constant 10752 : i32
      %add3A_536 = arith.addi %add3A_535, %mul3A_262 : i32
      %get3A_537 = arith.index_cast %add3A_536 : i32 to index
      %get3A_538 = tpu.vector_load %arg6[%get3A_537] {strides = array<i32>} : memref<16384xf32, #tpu.memory_space<vmem>>, vector<16xf32>,
      %min3A_539 = arith.minimumf %max3A_533, %get3A_538 : vector<16xf32>
      %max3A_540 = arith.maximumf %min3A_534, %min3A_539 : vector<16xf32>
      %max3A_541 = arith.maximumf %max3A_533, %get3A_538 : vector<16xf32>
      %add3A_542 = arith.constant 11008 : i32
      %add3A_543 = arith.addi %add3A_542, %mul3A_262 : i32
      %get3A_544 = arith.index_cast %add3A_543 : i32 to index
      %get3A_545 = tpu.vector_load %arg6[%get3A_544] {strides = array<i32>} : memref<16384xf32, #tpu.memory_space<vmem>>, vector<16xf32>,
      %min3A_546 = arith.minimumf %max3A_541, %get3A_545 : vector<16xf32>
      %max3A_547 = arith.maximumf %max3A_540, %min3A_546 : vector<16xf32>
      %max3A_548 = arith.maximumf %max3A_541, %get3A_545 : vector<16xf32>
      %add3A_549 = arith.constant 11264 : i32
      %add3A_550 = arith.addi %add3A_549, %mul3A_262 : i32
      %get3A_551 = arith.index_cast %add3A_550 : i32 to index
      %get3A_552 = tpu.vector_load %arg6[%get3A_551] {strides = array<i32>} : memref<16384xf32, #tpu.memory_space<vmem>>, vector<16xf32>,
      %min3A_553 = arith.minimumf %max3A_548, %get3A_552 : vector<16xf32>
      %max3A_554 = arith.maximumf %max3A_547, %min3A_553 : vector<16xf32>
      %max3A_555 = arith.maximumf %max3A_548, %get3A_552 : vector<16xf32>
      %add3A_556 = arith.constant 11520 : i32
      %add3A_557 = arith.addi %add3A_556, %mul3A_262 : i32
      %get3A_558 = arith.index_cast %add3A_557 : i32 to index
      %get3A_559 = tpu.vector_load %arg6[%get3A_558] {strides = array<i32>} : memref<16384xf32, #tpu.memory_space<vmem>>, vector<16xf32>,
      %min3A_560 = arith.minimumf %max3A_555, %get3A_559 : vector<16xf32>
      %max3A_561 = arith.maximumf %max3A_554, %min3A_560 : vector<16xf32>
      %max3A_562 = arith.maximumf %max3A_555, %get3A_559 : vector<16xf32>
      %add3A_563 = arith.constant 11776 : i32
      %add3A_564 = arith.addi %add3A_563, %mul3A_262 : i32
      %get3A_565 = arith.index_cast %add3A_564 : i32 to index
      %get3A_566 = tpu.vector_load %arg6[%get3A_565] {strides = array<i32>} : memref<16384xf32, #tpu.memory_space<vmem>>, vector<16xf32>,
      %min3A_567 = arith.minimumf %max3A_562, %get3A_566 : vector<16xf32>
      %max3A_568 = arith.maximumf %max3A_561, %min3A_567 : vector<16xf32>
      %max3A_569 = arith.maximumf %max3A_562, %get3A_566 : vector<16xf32>
      %add3A_570 = arith.constant 12032 : i32
      %add3A_571 = arith.addi %add3A_570, %mul3A_262 : i32
      %get3A_572 = arith.index_cast %add3A_571 : i32 to index
      %get3A_573 = tpu.vector_load %arg6[%get3A_572] {strides = array<i32>} : memref<16384xf32, #tpu.memory_space<vmem>>, vector<16xf32>,
      %min3A_574 = arith.minimumf %max3A_569, %get3A_573 : vector<16xf32>
      %max3A_575 = arith.maximumf %max3A_568, %min3A_574 : vector<16xf32>
      %max3A_576 = arith.maximumf %max3A_569, %get3A_573 : vector<16xf32>
      %add3A_577 = arith.addf %max3A_576, %max3A_575 : vector<16xf32>
      %add3A_578 = arith.constant 12288 : i32
      %add3A_579 = arith.addi %add3A_578, %mul3A_262 : i32
      %get3A_580 = arith.index_cast %add3A_579 : i32 to index
      %get3A_581 = tpu.vector_load %arg6[%get3A_580] {strides = array<i32>} : memref<16384xf32, #tpu.memory_space<vmem>>, vector<16xf32>,
      %add3A_582 = arith.constant 12544 : i32
      %add3A_583 = arith.addi %add3A_582, %mul3A_262 : i32
      %get3A_584 = arith.index_cast %add3A_583 : i32 to index
      %get3A_585 = tpu.vector_load %arg6[%get3A_584] {strides = array<i32>} : memref<16384xf32, #tpu.memory_space<vmem>>, vector<16xf32>,
      %max3A_586 = arith.maximumf %get3A_581, %get3A_585 : vector<16xf32>
      %min3A_587 = arith.minimumf %get3A_581, %get3A_585 : vector<16xf32>
      %add3A_588 = arith.constant 12800 : i32
      %add3A_589 = arith.addi %add3A_588, %mul3A_262 : i32
      %get3A_590 = arith.index_cast %add3A_589 : i32 to index
      %get3A_591 = tpu.vector_load %arg6[%get3A_590] {strides = array<i32>} : memref<16384xf32, #tpu.memory_space<vmem>>, vector<16xf32>,
      %min3A_592 = arith.minimumf %max3A_586, %get3A_591 : vector<16xf32>
      %max3A_593 = arith.maximumf %min3A_587, %min3A_592 : vector<16xf32>
      %max3A_594 = arith.maximumf %max3A_586, %get3A_591 : vector<16xf32>
      %add3A_595 = arith.constant 13056 : i32
      %add3A_596 = arith.addi %add3A_595, %mul3A_262 : i32
      %get3A_597 = arith.index_cast %add3A_596 : i32 to index
      %get3A_598 = tpu.vector_load %arg6[%get3A_597] {strides = array<i32>} : memref<16384xf32, #tpu.memory_space<vmem>>, vector<16xf32>,
      %min3A_599 = arith.minimumf %max3A_594, %get3A_598 : vector<16xf32>
      %max3A_600 = arith.maximumf %max3A_593, %min3A_599 : vector<16xf32>
      %max3A_601 = arith.maximumf %max3A_594, %get3A_598 : vector<16xf32>
      %add3A_602 = arith.constant 13312 : i32
      %add3A_603 = arith.addi %add3A_602, %mul3A_262 : i32
      %get3A_604 = arith.index_cast %add3A_603 : i32 to index
      %get3A_605 = tpu.vector_load %arg6[%get3A_604] {strides = array<i32>} : memref<16384xf32, #tpu.memory_space<vmem>>, vector<16xf32>,
      %min3A_606 = arith.minimumf %max3A_601, %get3A_605 : vector<16xf32>
      %max3A_607 = arith.maximumf %max3A_600, %min3A_606 : vector<16xf32>
      %max3A_608 = arith.maximumf %max3A_601, %get3A_605 : vector<16xf32>
      %add3A_609 = arith.constant 13568 : i32
      %add3A_610 = arith.addi %add3A_609, %mul3A_262 : i32
      %get3A_611 = arith.index_cast %add3A_610 : i32 to index
      %get3A_612 = tpu.vector_load %arg6[%get3A_611] {strides = array<i32>} : memref<16384xf32, #tpu.memory_space<vmem>>, vector<16xf32>,
      %min3A_613 = arith.minimumf %max3A_608, %get3A_612 : vector<16xf32>
      %max3A_614 = arith.maximumf %max3A_607, %min3A_613 : vector<16xf32>
      %max3A_615 = arith.maximumf %max3A_608, %get3A_612 : vector<16xf32>
      %add3A_616 = arith.constant 13824 : i32
      %add3A_617 = arith.addi %add3A_616, %mul3A_262 : i32
      %get3A_618 = arith.index_cast %add3A_617 : i32 to index
      %get3A_619 = tpu.vector_load %arg6[%get3A_618] {strides = array<i32>} : memref<16384xf32, #tpu.memory_space<vmem>>, vector<16xf32>,
      %min3A_620 = arith.minimumf %max3A_615, %get3A_619 : vector<16xf32>
      %max3A_621 = arith.maximumf %max3A_614, %min3A_620 : vector<16xf32>
      %max3A_622 = arith.maximumf %max3A_615, %get3A_619 : vector<16xf32>
      %add3A_623 = arith.constant 14080 : i32
      %add3A_624 = arith.addi %add3A_623, %mul3A_262 : i32
      %get3A_625 = arith.index_cast %add3A_624 : i32 to index
      %get3A_626 = tpu.vector_load %arg6[%get3A_625] {strides = array<i32>} : memref<16384xf32, #tpu.memory_space<vmem>>, vector<16xf32>,
      %min3A_627 = arith.minimumf %max3A_622, %get3A_626 : vector<16xf32>
      %max3A_628 = arith.maximumf %max3A_621, %min3A_627 : vector<16xf32>
      %max3A_629 = arith.maximumf %max3A_622, %get3A_626 : vector<16xf32>
      %add3A_630 = arith.addf %max3A_629, %max3A_628 : vector<16xf32>
      %add3A_631 = arith.constant 14336 : i32
      %add3A_632 = arith.addi %add3A_631, %mul3A_262 : i32
      %get3A_633 = arith.index_cast %add3A_632 : i32 to index
      %get3A_634 = tpu.vector_load %arg6[%get3A_633] {strides = array<i32>} : memref<16384xf32, #tpu.memory_space<vmem>>, vector<16xf32>,
      %add3A_635 = arith.constant 14592 : i32
      %add3A_636 = arith.addi %add3A_635, %mul3A_262 : i32
      %get3A_637 = arith.index_cast %add3A_636 : i32 to index
      %get3A_638 = tpu.vector_load %arg6[%get3A_637] {strides = array<i32>} : memref<16384xf32, #tpu.memory_space<vmem>>, vector<16xf32>,
      %max3A_639 = arith.maximumf %get3A_634, %get3A_638 : vector<16xf32>
      %min3A_640 = arith.minimumf %get3A_634, %get3A_638 : vector<16xf32>
      %add3A_641 = arith.constant 14848 : i32
      %add3A_642 = arith.addi %add3A_641, %mul3A_262 : i32
      %get3A_643 = arith.index_cast %add3A_642 : i32 to index
      %get3A_644 = tpu.vector_load %arg6[%get3A_643] {strides = array<i32>} : memref<16384xf32, #tpu.memory_space<vmem>>, vector<16xf32>,
      %min3A_645 = arith.minimumf %max3A_639, %get3A_644 : vector<16xf32>
      %max3A_646 = arith.maximumf %min3A_640, %min3A_645 : vector<16xf32>
      %max3A_647 = arith.maximumf %max3A_639, %get3A_644 : vector<16xf32>
      %add3A_648 = arith.constant 15104 : i32
      %add3A_649 = arith.addi %add3A_648, %mul3A_262 : i32
      %get3A_650 = arith.index_cast %add3A_649 : i32 to index
      %get3A_651 = tpu.vector_load %arg6[%get3A_650] {strides = array<i32>} : memref<16384xf32, #tpu.memory_space<vmem>>, vector<16xf32>,
      %min3A_652 = arith.minimumf %max3A_647, %get3A_651 : vector<16xf32>
      %max3A_653 = arith.maximumf %max3A_646, %min3A_652 : vector<16xf32>
      %max3A_654 = arith.maximumf %max3A_647, %get3A_651 : vector<16xf32>
      %add3A_655 = arith.constant 15360 : i32
      %add3A_656 = arith.addi %add3A_655, %mul3A_262 : i32
      %get3A_657 = arith.index_cast %add3A_656 : i32 to index
      %get3A_658 = tpu.vector_load %arg6[%get3A_657] {strides = array<i32>} : memref<16384xf32, #tpu.memory_space<vmem>>, vector<16xf32>,
      %min3A_659 = arith.minimumf %max3A_654, %get3A_658 : vector<16xf32>
      %max3A_660 = arith.maximumf %max3A_653, %min3A_659 : vector<16xf32>
      %max3A_661 = arith.maximumf %max3A_654, %get3A_658 : vector<16xf32>
      %add3A_662 = arith.constant 15616 : i32
      %add3A_663 = arith.addi %add3A_662, %mul3A_262 : i32
      %get3A_664 = arith.index_cast %add3A_663 : i32 to index
      %get3A_665 = tpu.vector_load %arg6[%get3A_664] {strides = array<i32>} : memref<16384xf32, #tpu.memory_space<vmem>>, vector<16xf32>,
      %min3A_666 = arith.minimumf %max3A_661, %get3A_665 : vector<16xf32>
      %max3A_667 = arith.maximumf %max3A_660, %min3A_666 : vector<16xf32>
      %max3A_668 = arith.maximumf %max3A_661, %get3A_665 : vector<16xf32>
      %add3A_669 = arith.constant 15872 : i32
      %add3A_670 = arith.addi %add3A_669, %mul3A_262 : i32
      %get3A_671 = arith.index_cast %add3A_670 : i32 to index
      %get3A_672 = tpu.vector_load %arg6[%get3A_671] {strides = array<i32>} : memref<16384xf32, #tpu.memory_space<vmem>>, vector<16xf32>,
      %min3A_673 = arith.minimumf %max3A_668, %get3A_672 : vector<16xf32>
      %max3A_674 = arith.maximumf %max3A_667, %min3A_673 : vector<16xf32>
      %max3A_675 = arith.maximumf %max3A_668, %get3A_672 : vector<16xf32>
      %add3A_676 = arith.constant 16128 : i32
      %add3A_677 = arith.addi %add3A_676, %mul3A_262 : i32
      %get3A_678 = arith.index_cast %add3A_677 : i32 to index
      %get3A_679 = tpu.vector_load %arg6[%get3A_678] {strides = array<i32>} : memref<16384xf32, #tpu.memory_space<vmem>>, vector<16xf32>,
      %min3A_680 = arith.minimumf %max3A_675, %get3A_679 : vector<16xf32>
      %max3A_681 = arith.maximumf %max3A_674, %min3A_680 : vector<16xf32>
      %max3A_682 = arith.maximumf %max3A_675, %get3A_679 : vector<16xf32>
      %add3A_683 = arith.addf %max3A_682, %max3A_681 : vector<16xf32>
      %broadcast_in_dim3A_684 = arith.constant 0 : i32
      %broadcast_in_dim3A_685 = vector.broadcast %broadcast_in_dim3A_684 : i32 to vector<16xi32>
      %broadcast_in_dim3A_686 = arith.constant 1 : i32
      %broadcast_in_dim3A_687 = vector.broadcast %broadcast_in_dim3A_686 : i32 to vector<16xi32>
      %broadcast_in_dim3A_688 = arith.constant 2 : i32
      %broadcast_in_dim3A_689 = vector.broadcast %broadcast_in_dim3A_688 : i32 to vector<16xi32>
      %broadcast_in_dim3A_690 = arith.constant 3 : i32
      %broadcast_in_dim3A_691 = vector.broadcast %broadcast_in_dim3A_690 : i32 to vector<16xi32>
      %broadcast_in_dim3A_692 = arith.constant 4 : i32
      %broadcast_in_dim3A_693 = vector.broadcast %broadcast_in_dim3A_692 : i32 to vector<16xi32>
      %broadcast_in_dim3A_694 = arith.constant 5 : i32
      %broadcast_in_dim3A_695 = vector.broadcast %broadcast_in_dim3A_694 : i32 to vector<16xi32>
      %broadcast_in_dim3A_696 = arith.constant 6 : i32
      %broadcast_in_dim3A_697 = vector.broadcast %broadcast_in_dim3A_696 : i32 to vector<16xi32>
      %broadcast_in_dim3A_698 = arith.constant 7 : i32
      %broadcast_in_dim3A_699 = vector.broadcast %broadcast_in_dim3A_698 : i32 to vector<16xi32>
      %ge3A = arith.cmpf oge, %add3A_630, %add3A_683 : vector<16xf32>
      %select_n3A = arith.select %ge3A, %add3A_630, %add3A_683 : vector<16xi1>, vector<16xf32>
      %select_n3A_700 = arith.select %ge3A, %broadcast_in_dim3A_697, %broadcast_in_dim3A_699 : vector<16xi1>, vector<16xi32>
      %ge3A_701 = arith.cmpf oge, %add3A_524, %add3A_577 : vector<16xf32>
      %select_n3A_702 = arith.select %ge3A_701, %add3A_524, %add3A_577 : vector<16xi1>, vector<16xf32>
      %select_n3A_703 = arith.select %ge3A_701, %broadcast_in_dim3A_693, %broadcast_in_dim3A_695 : vector<16xi1>, vector<16xi32>
      %ge3A_704 = arith.cmpf oge, %add3A_418, %add3A_471 : vector<16xf32>
      %select_n3A_705 = arith.select %ge3A_704, %add3A_418, %add3A_471 : vector<16xi1>, vector<16xf32>
      %select_n3A_706 = arith.select %ge3A_704, %broadcast_in_dim3A_689, %broadcast_in_dim3A_691 : vector<16xi1>, vector<16xi32>
      %ge3A_707 = arith.cmpf oge, %add3A_312, %add3A_365 : vector<16xf32>
      %select_n3A_708 = arith.select %ge3A_707, %add3A_312, %add3A_365 : vector<16xi1>, vector<16xf32>
      %select_n3A_709 = arith.select %ge3A_707, %broadcast_in_dim3A_685, %broadcast_in_dim3A_687 : vector<16xi1>, vector<16xi32>
      %ge3A_710 = arith.cmpf oge, %select_n3A_702, %select_n3A : vector<16xf32>
      %select_n3A_711 = arith.select %ge3A_710, %select_n3A_702, %select_n3A : vector<16xi1>, vector<16xf32>
      %select_n3A_712 = arith.select %ge3A_710, %select_n3A_703, %select_n3A_700 : vector<16xi1>, vector<16xi32>
      %ge3A_713 = arith.cmpf oge, %select_n3A_708, %select_n3A_705 : vector<16xf32>
      %select_n3A_714 = arith.select %ge3A_713, %select_n3A_708, %select_n3A_705 : vector<16xi1>, vector<16xf32>
      %select_n3A_715 = arith.select %ge3A_713, %select_n3A_709, %select_n3A_706 : vector<16xi1>, vector<16xi32>
      %ge3A_716 = arith.cmpf oge, %select_n3A_714, %select_n3A_711 : vector<16xf32>
      %select_n3A_717 = arith.select %ge3A_716, %select_n3A_714, %select_n3A_711 : vector<16xi1>, vector<16xf32>
      %select_n3A_718 = arith.select %ge3A_716, %select_n3A_715, %select_n3A_712 : vector<16xi1>, vector<16xi32>
      %eq3A = arith.constant 0 : i32
      %eq3A_719 = vector.broadcast %eq3A : i32 to vector<16xi32>
      %eq3A_720 = arith.cmpi eq, %select_n3A_718, %eq3A_719 : vector<16xi32>
      %jit3A = arith.constant 0xFF800000 : f32
      %broadcast_in_dim3A_721 = vector.broadcast %jit3A : f32 to vector<16xf32>
      %select_n3A_722 = arith.select %eq3A_720, %broadcast_in_dim3A_721, %add3A_312 : vector<16xi1>, vector<16xf32>
      %eq3A_723 = arith.constant 1 : i32
      %eq3A_724 = vector.broadcast %eq3A_723 : i32 to vector<16xi32>
      %eq3A_725 = arith.cmpi eq, %select_n3A_718, %eq3A_724 : vector<16xi32>
      %jit3A_726 = arith.constant 0xFF800000 : f32
      %broadcast_in_dim3A_727 = vector.broadcast %jit3A_726 : f32 to vector<16xf32>
      %select_n3A_728 = arith.select %eq3A_725, %broadcast_in_dim3A_727, %add3A_365 : vector<16xi1>, vector<16xf32>
      %eq3A_729 = arith.constant 2 : i32
      %eq3A_730 = vector.broadcast %eq3A_729 : i32 to vector<16xi32>
      %eq3A_731 = arith.cmpi eq, %select_n3A_718, %eq3A_730 : vector<16xi32>
      %jit3A_732 = arith.constant 0xFF800000 : f32
      %broadcast_in_dim3A_733 = vector.broadcast %jit3A_732 : f32 to vector<16xf32>
      %select_n3A_734 = arith.select %eq3A_731, %broadcast_in_dim3A_733, %add3A_418 : vector<16xi1>, vector<16xf32>
      %eq3A_735 = arith.constant 3 : i32
      %eq3A_736 = vector.broadcast %eq3A_735 : i32 to vector<16xi32>
      %eq3A_737 = arith.cmpi eq, %select_n3A_718, %eq3A_736 : vector<16xi32>
      %jit3A_738 = arith.constant 0xFF800000 : f32
      %broadcast_in_dim3A_739 = vector.broadcast %jit3A_738 : f32 to vector<16xf32>
      %select_n3A_740 = arith.select %eq3A_737, %broadcast_in_dim3A_739, %add3A_471 : vector<16xi1>, vector<16xf32>
      %eq3A_741 = arith.constant 4 : i32
      %eq3A_742 = vector.broadcast %eq3A_741 : i32 to vector<16xi32>
      %eq3A_743 = arith.cmpi eq, %select_n3A_718, %eq3A_742 : vector<16xi32>
      %jit3A_744 = arith.constant 0xFF800000 : f32
      %broadcast_in_dim3A_745 = vector.broadcast %jit3A_744 : f32 to vector<16xf32>
      %select_n3A_746 = arith.select %eq3A_743, %broadcast_in_dim3A_745, %add3A_524 : vector<16xi1>, vector<16xf32>
      %eq3A_747 = arith.constant 5 : i32
      %eq3A_748 = vector.broadcast %eq3A_747 : i32 to vector<16xi32>
      %eq3A_749 = arith.cmpi eq, %select_n3A_718, %eq3A_748 : vector<16xi32>
      %jit3A_750 = arith.constant 0xFF800000 : f32
      %broadcast_in_dim3A_751 = vector.broadcast %jit3A_750 : f32 to vector<16xf32>
      %select_n3A_752 = arith.select %eq3A_749, %broadcast_in_dim3A_751, %add3A_577 : vector<16xi1>, vector<16xf32>
      %eq3A_753 = arith.constant 6 : i32
      %eq3A_754 = vector.broadcast %eq3A_753 : i32 to vector<16xi32>
      %eq3A_755 = arith.cmpi eq, %select_n3A_718, %eq3A_754 : vector<16xi32>
      %jit3A_756 = arith.constant 0xFF800000 : f32
      %broadcast_in_dim3A_757 = vector.broadcast %jit3A_756 : f32 to vector<16xf32>
      %select_n3A_758 = arith.select %eq3A_755, %broadcast_in_dim3A_757, %add3A_630 : vector<16xi1>, vector<16xf32>
      %eq3A_759 = arith.constant 7 : i32
      %eq3A_760 = vector.broadcast %eq3A_759 : i32 to vector<16xi32>
      %eq3A_761 = arith.cmpi eq, %select_n3A_718, %eq3A_760 : vector<16xi32>
      %jit3A_762 = arith.constant 0xFF800000 : f32
      %broadcast_in_dim3A_763 = vector.broadcast %jit3A_762 : f32 to vector<16xf32>
      %select_n3A_764 = arith.select %eq3A_761, %broadcast_in_dim3A_763, %add3A_683 : vector<16xi1>, vector<16xf32>
      %ge3A_765 = arith.cmpf oge, %select_n3A_758, %select_n3A_764 : vector<16xf32>
      %select_n3A_766 = arith.select %ge3A_765, %select_n3A_758, %select_n3A_764 : vector<16xi1>, vector<16xf32>
      %select_n3A_767 = arith.select %ge3A_765, %broadcast_in_dim3A_697, %broadcast_in_dim3A_699 : vector<16xi1>, vector<16xi32>
      %ge3A_768 = arith.cmpf oge, %select_n3A_746, %select_n3A_752 : vector<16xf32>
      %select_n3A_769 = arith.select %ge3A_768, %select_n3A_746, %select_n3A_752 : vector<16xi1>, vector<16xf32>
      %select_n3A_770 = arith.select %ge3A_768, %broadcast_in_dim3A_693, %broadcast_in_dim3A_695 : vector<16xi1>, vector<16xi32>
      %ge3A_771 = arith.cmpf oge, %select_n3A_734, %select_n3A_740 : vector<16xf32>
      %select_n3A_772 = arith.select %ge3A_771, %select_n3A_734, %select_n3A_740 : vector<16xi1>, vector<16xf32>
      %select_n3A_773 = arith.select %ge3A_771, %broadcast_in_dim3A_689, %broadcast_in_dim3A_691 : vector<16xi1>, vector<16xi32>
      %ge3A_774 = arith.cmpf oge, %select_n3A_722, %select_n3A_728 : vector<16xf32>
      %select_n3A_775 = arith.select %ge3A_774, %select_n3A_722, %select_n3A_728 : vector<16xi1>, vector<16xf32>
      %select_n3A_776 = arith.select %ge3A_774, %broadcast_in_dim3A_685, %broadcast_in_dim3A_687 : vector<16xi1>, vector<16xi32>
      %ge3A_777 = arith.cmpf oge, %select_n3A_769, %select_n3A_766 : vector<16xf32>
      %select_n3A_778 = arith.select %ge3A_777, %select_n3A_769, %select_n3A_766 : vector<16xi1>, vector<16xf32>
      %select_n3A_779 = arith.select %ge3A_777, %select_n3A_770, %select_n3A_767 : vector<16xi1>, vector<16xi32>
      %ge3A_780 = arith.cmpf oge, %select_n3A_775, %select_n3A_772 : vector<16xf32>
      %select_n3A_781 = arith.select %ge3A_780, %select_n3A_775, %select_n3A_772 : vector<16xi1>, vector<16xf32>
      %select_n3A_782 = arith.select %ge3A_780, %select_n3A_776, %select_n3A_773 : vector<16xi1>, vector<16xi32>
      %ge3A_783 = arith.cmpf oge, %select_n3A_781, %select_n3A_778 : vector<16xf32>
      %select_n3A_784 = arith.select %ge3A_783, %select_n3A_781, %select_n3A_778 : vector<16xi1>, vector<16xf32>
      %select_n3A_785 = arith.select %ge3A_783, %select_n3A_782, %select_n3A_779 : vector<16xi1>, vector<16xi32>
      %eq3A_786 = arith.constant 0 : i32
      %eq3A_787 = vector.broadcast %eq3A_786 : i32 to vector<16xi32>
      %eq3A_788 = arith.cmpi eq, %select_n3A_785, %eq3A_787 : vector<16xi32>
      %jit3A_789 = arith.constant 0xFF800000 : f32
      %broadcast_in_dim3A_790 = vector.broadcast %jit3A_789 : f32 to vector<16xf32>
      %select_n3A_791 = arith.select %eq3A_788, %broadcast_in_dim3A_790, %select_n3A_722 : vector<16xi1>, vector<16xf32>
      %eq3A_792 = arith.constant 1 : i32
      %eq3A_793 = vector.broadcast %eq3A_792 : i32 to vector<16xi32>
      %eq3A_794 = arith.cmpi eq, %select_n3A_785, %eq3A_793 : vector<16xi32>
      %jit3A_795 = arith.constant 0xFF800000 : f32
      %broadcast_in_dim3A_796 = vector.broadcast %jit3A_795 : f32 to vector<16xf32>
      %select_n3A_797 = arith.select %eq3A_794, %broadcast_in_dim3A_796, %select_n3A_728 : vector<16xi1>, vector<16xf32>
      %eq3A_798 = arith.constant 2 : i32
      %eq3A_799 = vector.broadcast %eq3A_798 : i32 to vector<16xi32>
      %eq3A_800 = arith.cmpi eq, %select_n3A_785, %eq3A_799 : vector<16xi32>
      %jit3A_801 = arith.constant 0xFF800000 : f32
      %broadcast_in_dim3A_802 = vector.broadcast %jit3A_801 : f32 to vector<16xf32>
      %select_n3A_803 = arith.select %eq3A_800, %broadcast_in_dim3A_802, %select_n3A_734 : vector<16xi1>, vector<16xf32>
      %eq3A_804 = arith.constant 3 : i32
      %eq3A_805 = vector.broadcast %eq3A_804 : i32 to vector<16xi32>
      %eq3A_806 = arith.cmpi eq, %select_n3A_785, %eq3A_805 : vector<16xi32>
      %jit3A_807 = arith.constant 0xFF800000 : f32
      %broadcast_in_dim3A_808 = vector.broadcast %jit3A_807 : f32 to vector<16xf32>
      %select_n3A_809 = arith.select %eq3A_806, %broadcast_in_dim3A_808, %select_n3A_740 : vector<16xi1>, vector<16xf32>
      %eq3A_810 = arith.constant 4 : i32
      %eq3A_811 = vector.broadcast %eq3A_810 : i32 to vector<16xi32>
      %eq3A_812 = arith.cmpi eq, %select_n3A_785, %eq3A_811 : vector<16xi32>
      %jit3A_813 = arith.constant 0xFF800000 : f32
      %broadcast_in_dim3A_814 = vector.broadcast %jit3A_813 : f32 to vector<16xf32>
      %select_n3A_815 = arith.select %eq3A_812, %broadcast_in_dim3A_814, %select_n3A_746 : vector<16xi1>, vector<16xf32>
      %eq3A_816 = arith.constant 5 : i32
      %eq3A_817 = vector.broadcast %eq3A_816 : i32 to vector<16xi32>
      %eq3A_818 = arith.cmpi eq, %select_n3A_785, %eq3A_817 : vector<16xi32>
      %jit3A_819 = arith.constant 0xFF800000 : f32
      %broadcast_in_dim3A_820 = vector.broadcast %jit3A_819 : f32 to vector<16xf32>
      %select_n3A_821 = arith.select %eq3A_818, %broadcast_in_dim3A_820, %select_n3A_752 : vector<16xi1>, vector<16xf32>
      %eq3A_822 = arith.constant 6 : i32
      %eq3A_823 = vector.broadcast %eq3A_822 : i32 to vector<16xi32>
      %eq3A_824 = arith.cmpi eq, %select_n3A_785, %eq3A_823 : vector<16xi32>
      %jit3A_825 = arith.constant 0xFF800000 : f32
      %broadcast_in_dim3A_826 = vector.broadcast %jit3A_825 : f32 to vector<16xf32>
      %select_n3A_827 = arith.select %eq3A_824, %broadcast_in_dim3A_826, %select_n3A_758 : vector<16xi1>, vector<16xf32>
      %eq3A_828 = arith.constant 7 : i32
      %eq3A_829 = vector.broadcast %eq3A_828 : i32 to vector<16xi32>
      %eq3A_830 = arith.cmpi eq, %select_n3A_785, %eq3A_829 : vector<16xi32>
      %jit3A_831 = arith.constant 0xFF800000 : f32
      %broadcast_in_dim3A_832 = vector.broadcast %jit3A_831 : f32 to vector<16xf32>
      %select_n3A_833 = arith.select %eq3A_830, %broadcast_in_dim3A_832, %select_n3A_764 : vector<16xi1>, vector<16xf32>
      %ge3A_834 = arith.cmpf oge, %select_n3A_827, %select_n3A_833 : vector<16xf32>
      %select_n3A_835 = arith.select %ge3A_834, %select_n3A_827, %select_n3A_833 : vector<16xi1>, vector<16xf32>
      %select_n3A_836 = arith.select %ge3A_834, %broadcast_in_dim3A_697, %broadcast_in_dim3A_699 : vector<16xi1>, vector<16xi32>
      %ge3A_837 = arith.cmpf oge, %select_n3A_815, %select_n3A_821 : vector<16xf32>
      %select_n3A_838 = arith.select %ge3A_837, %select_n3A_815, %select_n3A_821 : vector<16xi1>, vector<16xf32>
      %select_n3A_839 = arith.select %ge3A_837, %broadcast_in_dim3A_693, %broadcast_in_dim3A_695 : vector<16xi1>, vector<16xi32>
      %ge3A_840 = arith.cmpf oge, %select_n3A_803, %select_n3A_809 : vector<16xf32>
      %select_n3A_841 = arith.select %ge3A_840, %select_n3A_803, %select_n3A_809 : vector<16xi1>, vector<16xf32>
      %select_n3A_842 = arith.select %ge3A_840, %broadcast_in_dim3A_689, %broadcast_in_dim3A_691 : vector<16xi1>, vector<16xi32>
      %ge3A_843 = arith.cmpf oge, %select_n3A_791, %select_n3A_797 : vector<16xf32>
      %select_n3A_844 = arith.select %ge3A_843, %select_n3A_791, %select_n3A_797 : vector<16xi1>, vector<16xf32>
      %select_n3A_845 = arith.select %ge3A_843, %broadcast_in_dim3A_685, %broadcast_in_dim3A_687 : vector<16xi1>, vector<16xi32>
      %ge3A_846 = arith.cmpf oge, %select_n3A_838, %select_n3A_835 : vector<16xf32>
      %select_n3A_847 = arith.select %ge3A_846, %select_n3A_838, %select_n3A_835 : vector<16xi1>, vector<16xf32>
      %select_n3A_848 = arith.select %ge3A_846, %select_n3A_839, %select_n3A_836 : vector<16xi1>, vector<16xi32>
      %ge3A_849 = arith.cmpf oge, %select_n3A_844, %select_n3A_841 : vector<16xf32>
      %select_n3A_850 = arith.select %ge3A_849, %select_n3A_844, %select_n3A_841 : vector<16xi1>, vector<16xf32>
      %select_n3A_851 = arith.select %ge3A_849, %select_n3A_845, %select_n3A_842 : vector<16xi1>, vector<16xi32>
      %ge3A_852 = arith.cmpf oge, %select_n3A_850, %select_n3A_847 : vector<16xf32>
      %select_n3A_853 = arith.select %ge3A_852, %select_n3A_850, %select_n3A_847 : vector<16xi1>, vector<16xf32>
      %select_n3A_854 = arith.select %ge3A_852, %select_n3A_851, %select_n3A_848 : vector<16xi1>, vector<16xi32>
      %eq3A_855 = arith.constant 0 : i32
      %eq3A_856 = vector.broadcast %eq3A_855 : i32 to vector<16xi32>
      %eq3A_857 = arith.cmpi eq, %select_n3A_854, %eq3A_856 : vector<16xi32>
      %jit3A_858 = arith.constant 0xFF800000 : f32
      %broadcast_in_dim3A_859 = vector.broadcast %jit3A_858 : f32 to vector<16xf32>
      %select_n3A_860 = arith.select %eq3A_857, %broadcast_in_dim3A_859, %select_n3A_791 : vector<16xi1>, vector<16xf32>
      %eq3A_861 = arith.constant 1 : i32
      %eq3A_862 = vector.broadcast %eq3A_861 : i32 to vector<16xi32>
      %eq3A_863 = arith.cmpi eq, %select_n3A_854, %eq3A_862 : vector<16xi32>
      %jit3A_864 = arith.constant 0xFF800000 : f32
      %broadcast_in_dim3A_865 = vector.broadcast %jit3A_864 : f32 to vector<16xf32>
      %select_n3A_866 = arith.select %eq3A_863, %broadcast_in_dim3A_865, %select_n3A_797 : vector<16xi1>, vector<16xf32>
      %eq3A_867 = arith.constant 2 : i32
      %eq3A_868 = vector.broadcast %eq3A_867 : i32 to vector<16xi32>
      %eq3A_869 = arith.cmpi eq, %select_n3A_854, %eq3A_868 : vector<16xi32>
      %jit3A_870 = arith.constant 0xFF800000 : f32
      %broadcast_in_dim3A_871 = vector.broadcast %jit3A_870 : f32 to vector<16xf32>
      %select_n3A_872 = arith.select %eq3A_869, %broadcast_in_dim3A_871, %select_n3A_803 : vector<16xi1>, vector<16xf32>
      %eq3A_873 = arith.constant 3 : i32
      %eq3A_874 = vector.broadcast %eq3A_873 : i32 to vector<16xi32>
      %eq3A_875 = arith.cmpi eq, %select_n3A_854, %eq3A_874 : vector<16xi32>
      %jit3A_876 = arith.constant 0xFF800000 : f32
      %broadcast_in_dim3A_877 = vector.broadcast %jit3A_876 : f32 to vector<16xf32>
      %select_n3A_878 = arith.select %eq3A_875, %broadcast_in_dim3A_877, %select_n3A_809 : vector<16xi1>, vector<16xf32>
      %eq3A_879 = arith.constant 4 : i32
      %eq3A_880 = vector.broadcast %eq3A_879 : i32 to vector<16xi32>
      %eq3A_881 = arith.cmpi eq, %select_n3A_854, %eq3A_880 : vector<16xi32>
      %jit3A_882 = arith.constant 0xFF800000 : f32
      %broadcast_in_dim3A_883 = vector.broadcast %jit3A_882 : f32 to vector<16xf32>
      %select_n3A_884 = arith.select %eq3A_881, %broadcast_in_dim3A_883, %select_n3A_815 : vector<16xi1>, vector<16xf32>
      %eq3A_885 = arith.constant 5 : i32
      %eq3A_886 = vector.broadcast %eq3A_885 : i32 to vector<16xi32>
      %eq3A_887 = arith.cmpi eq, %select_n3A_854, %eq3A_886 : vector<16xi32>
      %jit3A_888 = arith.constant 0xFF800000 : f32
      %broadcast_in_dim3A_889 = vector.broadcast %jit3A_888 : f32 to vector<16xf32>
      %select_n3A_890 = arith.select %eq3A_887, %broadcast_in_dim3A_889, %select_n3A_821 : vector<16xi1>, vector<16xf32>
      %eq3A_891 = arith.constant 6 : i32
      %eq3A_892 = vector.broadcast %eq3A_891 : i32 to vector<16xi32>
      %eq3A_893 = arith.cmpi eq, %select_n3A_854, %eq3A_892 : vector<16xi32>
      %jit3A_894 = arith.constant 0xFF800000 : f32
      %broadcast_in_dim3A_895 = vector.broadcast %jit3A_894 : f32 to vector<16xf32>
      %select_n3A_896 = arith.select %eq3A_893, %broadcast_in_dim3A_895, %select_n3A_827 : vector<16xi1>, vector<16xf32>
      %eq3A_897 = arith.constant 7 : i32
      %eq3A_898 = vector.broadcast %eq3A_897 : i32 to vector<16xi32>
      %eq3A_899 = arith.cmpi eq, %select_n3A_854, %eq3A_898 : vector<16xi32>
      %jit3A_900 = arith.constant 0xFF800000 : f32
      %broadcast_in_dim3A_901 = vector.broadcast %jit3A_900 : f32 to vector<16xf32>
      %select_n3A_902 = arith.select %eq3A_899, %broadcast_in_dim3A_901, %select_n3A_833 : vector<16xi1>, vector<16xf32>
      %ge3A_903 = arith.cmpf oge, %select_n3A_896, %select_n3A_902 : vector<16xf32>
      %select_n3A_904 = arith.select %ge3A_903, %select_n3A_896, %select_n3A_902 : vector<16xi1>, vector<16xf32>
      %select_n3A_905 = arith.select %ge3A_903, %broadcast_in_dim3A_697, %broadcast_in_dim3A_699 : vector<16xi1>, vector<16xi32>
      %ge3A_906 = arith.cmpf oge, %select_n3A_884, %select_n3A_890 : vector<16xf32>
      %select_n3A_907 = arith.select %ge3A_906, %select_n3A_884, %select_n3A_890 : vector<16xi1>, vector<16xf32>
      %select_n3A_908 = arith.select %ge3A_906, %broadcast_in_dim3A_693, %broadcast_in_dim3A_695 : vector<16xi1>, vector<16xi32>
      %ge3A_909 = arith.cmpf oge, %select_n3A_872, %select_n3A_878 : vector<16xf32>
      %select_n3A_910 = arith.select %ge3A_909, %select_n3A_872, %select_n3A_878 : vector<16xi1>, vector<16xf32>
      %select_n3A_911 = arith.select %ge3A_909, %broadcast_in_dim3A_689, %broadcast_in_dim3A_691 : vector<16xi1>, vector<16xi32>
      %ge3A_912 = arith.cmpf oge, %select_n3A_860, %select_n3A_866 : vector<16xf32>
      %select_n3A_913 = arith.select %ge3A_912, %select_n3A_860, %select_n3A_866 : vector<16xi1>, vector<16xf32>
      %select_n3A_914 = arith.select %ge3A_912, %broadcast_in_dim3A_685, %broadcast_in_dim3A_687 : vector<16xi1>, vector<16xi32>
      %ge3A_915 = arith.cmpf oge, %select_n3A_907, %select_n3A_904 : vector<16xf32>
      %select_n3A_916 = arith.select %ge3A_915, %select_n3A_907, %select_n3A_904 : vector<16xi1>, vector<16xf32>
      %select_n3A_917 = arith.select %ge3A_915, %select_n3A_908, %select_n3A_905 : vector<16xi1>, vector<16xi32>
      %ge3A_918 = arith.cmpf oge, %select_n3A_913, %select_n3A_910 : vector<16xf32>
      %select_n3A_919 = arith.select %ge3A_918, %select_n3A_913, %select_n3A_910 : vector<16xi1>, vector<16xf32>
      %select_n3A_920 = arith.select %ge3A_918, %select_n3A_914, %select_n3A_911 : vector<16xi1>, vector<16xi32>
      %ge3A_921 = arith.cmpf oge, %select_n3A_919, %select_n3A_916 : vector<16xf32>
      %select_n3A_922 = arith.select %ge3A_921, %select_n3A_919, %select_n3A_916 : vector<16xi1>, vector<16xf32>
      %select_n3A_923 = arith.select %ge3A_921, %select_n3A_920, %select_n3A_917 : vector<16xi1>, vector<16xi32>
      %eq3A_924 = arith.constant 0 : i32
      %eq3A_925 = vector.broadcast %eq3A_924 : i32 to vector<16xi32>
      %eq3A_926 = arith.cmpi eq, %select_n3A_923, %eq3A_925 : vector<16xi32>
      %jit3A_927 = arith.constant 0xFF800000 : f32
      %broadcast_in_dim3A_928 = vector.broadcast %jit3A_927 : f32 to vector<16xf32>
      %select_n3A_929 = arith.select %eq3A_926, %broadcast_in_dim3A_928, %select_n3A_860 : vector<16xi1>, vector<16xf32>
      %eq3A_930 = arith.constant 1 : i32
      %eq3A_931 = vector.broadcast %eq3A_930 : i32 to vector<16xi32>
      %eq3A_932 = arith.cmpi eq, %select_n3A_923, %eq3A_931 : vector<16xi32>
      %jit3A_933 = arith.constant 0xFF800000 : f32
      %broadcast_in_dim3A_934 = vector.broadcast %jit3A_933 : f32 to vector<16xf32>
      %select_n3A_935 = arith.select %eq3A_932, %broadcast_in_dim3A_934, %select_n3A_866 : vector<16xi1>, vector<16xf32>
      %eq3A_936 = arith.constant 2 : i32
      %eq3A_937 = vector.broadcast %eq3A_936 : i32 to vector<16xi32>
      %eq3A_938 = arith.cmpi eq, %select_n3A_923, %eq3A_937 : vector<16xi32>
      %jit3A_939 = arith.constant 0xFF800000 : f32
      %broadcast_in_dim3A_940 = vector.broadcast %jit3A_939 : f32 to vector<16xf32>
      %select_n3A_941 = arith.select %eq3A_938, %broadcast_in_dim3A_940, %select_n3A_872 : vector<16xi1>, vector<16xf32>
      %eq3A_942 = arith.constant 3 : i32
      %eq3A_943 = vector.broadcast %eq3A_942 : i32 to vector<16xi32>
      %eq3A_944 = arith.cmpi eq, %select_n3A_923, %eq3A_943 : vector<16xi32>
      %jit3A_945 = arith.constant 0xFF800000 : f32
      %broadcast_in_dim3A_946 = vector.broadcast %jit3A_945 : f32 to vector<16xf32>
      %select_n3A_947 = arith.select %eq3A_944, %broadcast_in_dim3A_946, %select_n3A_878 : vector<16xi1>, vector<16xf32>
      %eq3A_948 = arith.constant 4 : i32
      %eq3A_949 = vector.broadcast %eq3A_948 : i32 to vector<16xi32>
      %eq3A_950 = arith.cmpi eq, %select_n3A_923, %eq3A_949 : vector<16xi32>
      %jit3A_951 = arith.constant 0xFF800000 : f32
      %broadcast_in_dim3A_952 = vector.broadcast %jit3A_951 : f32 to vector<16xf32>
      %select_n3A_953 = arith.select %eq3A_950, %broadcast_in_dim3A_952, %select_n3A_884 : vector<16xi1>, vector<16xf32>
      %eq3A_954 = arith.constant 5 : i32
      %eq3A_955 = vector.broadcast %eq3A_954 : i32 to vector<16xi32>
      %eq3A_956 = arith.cmpi eq, %select_n3A_923, %eq3A_955 : vector<16xi32>
      %jit3A_957 = arith.constant 0xFF800000 : f32
      %broadcast_in_dim3A_958 = vector.broadcast %jit3A_957 : f32 to vector<16xf32>
      %select_n3A_959 = arith.select %eq3A_956, %broadcast_in_dim3A_958, %select_n3A_890 : vector<16xi1>, vector<16xf32>
      %eq3A_960 = arith.constant 6 : i32
      %eq3A_961 = vector.broadcast %eq3A_960 : i32 to vector<16xi32>
      %eq3A_962 = arith.cmpi eq, %select_n3A_923, %eq3A_961 : vector<16xi32>
      %jit3A_963 = arith.constant 0xFF800000 : f32
      %broadcast_in_dim3A_964 = vector.broadcast %jit3A_963 : f32 to vector<16xf32>
      %select_n3A_965 = arith.select %eq3A_962, %broadcast_in_dim3A_964, %select_n3A_896 : vector<16xi1>, vector<16xf32>
      %eq3A_966 = arith.constant 7 : i32
      %eq3A_967 = vector.broadcast %eq3A_966 : i32 to vector<16xi32>
      %eq3A_968 = arith.cmpi eq, %select_n3A_923, %eq3A_967 : vector<16xi32>
      %jit3A_969 = arith.constant 0xFF800000 : f32
      %broadcast_in_dim3A_970 = vector.broadcast %jit3A_969 : f32 to vector<16xf32>
      %select_n3A_971 = arith.select %eq3A_968, %broadcast_in_dim3A_970, %select_n3A_902 : vector<16xi1>, vector<16xf32>
      %ge3A_972 = arith.cmpf oge, %select_n3A_965, %select_n3A_971 : vector<16xf32>
      %select_n3A_973 = arith.select %ge3A_972, %select_n3A_965, %select_n3A_971 : vector<16xi1>, vector<16xf32>
      %select_n3A_974 = arith.select %ge3A_972, %broadcast_in_dim3A_697, %broadcast_in_dim3A_699 : vector<16xi1>, vector<16xi32>
      %ge3A_975 = arith.cmpf oge, %select_n3A_953, %select_n3A_959 : vector<16xf32>
      %select_n3A_976 = arith.select %ge3A_975, %select_n3A_953, %select_n3A_959 : vector<16xi1>, vector<16xf32>
      %select_n3A_977 = arith.select %ge3A_975, %broadcast_in_dim3A_693, %broadcast_in_dim3A_695 : vector<16xi1>, vector<16xi32>
      %ge3A_978 = arith.cmpf oge, %select_n3A_941, %select_n3A_947 : vector<16xf32>
      %select_n3A_979 = arith.select %ge3A_978, %select_n3A_941, %select_n3A_947 : vector<16xi1>, vector<16xf32>
      %select_n3A_980 = arith.select %ge3A_978, %broadcast_in_dim3A_689, %broadcast_in_dim3A_691 : vector<16xi1>, vector<16xi32>
      %ge3A_981 = arith.cmpf oge, %select_n3A_929, %select_n3A_935 : vector<16xf32>
      %select_n3A_982 = arith.select %ge3A_981, %select_n3A_929, %select_n3A_935 : vector<16xi1>, vector<16xf32>
      %select_n3A_983 = arith.select %ge3A_981, %broadcast_in_dim3A_685, %broadcast_in_dim3A_687 : vector<16xi1>, vector<16xi32>
      %ge3A_984 = arith.cmpf oge, %select_n3A_976, %select_n3A_973 : vector<16xf32>
      %select_n3A_985 = arith.select %ge3A_984, %select_n3A_976, %select_n3A_973 : vector<16xi1>, vector<16xf32>
      %select_n3A_986 = arith.select %ge3A_984, %select_n3A_977, %select_n3A_974 : vector<16xi1>, vector<16xi32>
      %ge3A_987 = arith.cmpf oge, %select_n3A_982, %select_n3A_979 : vector<16xf32>
      %select_n3A_988 = arith.select %ge3A_987, %select_n3A_982, %select_n3A_979 : vector<16xi1>, vector<16xf32>
      %select_n3A_989 = arith.select %ge3A_987, %select_n3A_983, %select_n3A_980 : vector<16xi1>, vector<16xi32>
      %ge3A_990 = arith.cmpf oge, %select_n3A_988, %select_n3A_985 : vector<16xf32>
      %select_n3A_991 = arith.select %ge3A_990, %select_n3A_988, %select_n3A_985 : vector<16xi1>, vector<16xf32>
      %select_n3A_992 = arith.select %ge3A_990, %select_n3A_989, %select_n3A_986 : vector<16xi1>, vector<16xi32>
      %eq3A_993 = arith.constant 0xFF800000 : f32
      %eq3A_994 = vector.broadcast %eq3A_993 : f32 to vector<16xf32>
      %eq3A_995 = arith.cmpf oeq, %select_n3A_929, %eq3A_994 : vector<16xf32>
      %eq3A_996 = arith.constant 0xFF800000 : f32
      %eq3A_997 = vector.broadcast %eq3A_996 : f32 to vector<16xf32>
      %eq3A_998 = arith.cmpf oeq, %select_n3A_935, %eq3A_997 : vector<16xf32>
      %eq3A_999 = arith.constant 0xFF800000 : f32
      %eq3A_1000 = vector.broadcast %eq3A_999 : f32 to vector<16xf32>
      %eq3A_1001 = arith.cmpf oeq, %select_n3A_941, %eq3A_1000 : vector<16xf32>
      %eq3A_1002 = arith.constant 0xFF800000 : f32
      %eq3A_1003 = vector.broadcast %eq3A_1002 : f32 to vector<16xf32>
      %eq3A_1004 = arith.cmpf oeq, %select_n3A_947, %eq3A_1003 : vector<16xf32>
      %eq3A_1005 = arith.constant 0xFF800000 : f32
      %eq3A_1006 = vector.broadcast %eq3A_1005 : f32 to vector<16xf32>
      %eq3A_1007 = arith.cmpf oeq, %select_n3A_953, %eq3A_1006 : vector<16xf32>
      %eq3A_1008 = arith.constant 0xFF800000 : f32
      %eq3A_1009 = vector.broadcast %eq3A_1008 : f32 to vector<16xf32>
      %eq3A_1010 = arith.cmpf oeq, %select_n3A_959, %eq3A_1009 : vector<16xf32>
      %eq3A_1011 = arith.constant 0xFF800000 : f32
      %eq3A_1012 = vector.broadcast %eq3A_1011 : f32 to vector<16xf32>
      %eq3A_1013 = arith.cmpf oeq, %select_n3A_965, %eq3A_1012 : vector<16xf32>
      %eq3A_1014 = arith.constant 0xFF800000 : f32
      %eq3A_1015 = vector.broadcast %eq3A_1014 : f32 to vector<16xf32>
      %eq3A_1016 = arith.cmpf oeq, %select_n3A_971, %eq3A_1015 : vector<16xf32>
      %add3A_1017 = arith.constant 0 : i32
      %add3A_1018 = arith.addi %add3A_1017, %mul3A_262 : i32
      %get3A_1019 = arith.index_cast %add3A_1018 : i32 to index
      %get3A_1020 = tpu.vector_load %arg6[%get3A_1019] {strides = array<i32>} : memref<16384xf32, #tpu.memory_space<vmem>>, vector<16xf32>,
      %jit3A_1021 = arith.constant 0xFF800000 : f32
      %broadcast_in_dim3A_1022 = vector.broadcast %jit3A_1021 : f32 to vector<16xf32>
      %select_n3A_1023 = arith.select %eq3A_995, %get3A_1020, %broadcast_in_dim3A_1022 : vector<16xi1>, vector<16xf32>
      %swap3A_1024 = arith.constant 1024 : index
      %swap3A_1025 = tpu.vector_load %arg8[%swap3A_1024] {strides = array<i32>} : memref<2048xf32, #tpu.memory_space<vmem>>, vector<16xf32>,
      tpu.vector_store %arg8[%swap3A_1024], %select_n3A_1023 {strides = array<i32>} : memref<2048xf32, #tpu.memory_space<vmem>>, vector<16xf32>,
      %add3A_1026 = arith.constant 256 : i32
      %add3A_1027 = arith.addi %add3A_1026, %mul3A_262 : i32
      %get3A_1028 = arith.index_cast %add3A_1027 : i32 to index
      %get3A_1029 = tpu.vector_load %arg6[%get3A_1028] {strides = array<i32>} : memref<16384xf32, #tpu.memory_space<vmem>>, vector<16xf32>,
      %jit3A_1030 = arith.constant 0xFF800000 : f32
      %broadcast_in_dim3A_1031 = vector.broadcast %jit3A_1030 : f32 to vector<16xf32>
      %select_n3A_1032 = arith.select %eq3A_995, %get3A_1029, %broadcast_in_dim3A_1031 : vector<16xi1>, vector<16xf32>
      %swap3A_1033 = arith.constant 1040 : index
      %swap3A_1034 = tpu.vector_load %arg8[%swap3A_1033] {strides = array<i32>} : memref<2048xf32, #tpu.memory_space<vmem>>, vector<16xf32>,
      tpu.vector_store %arg8[%swap3A_1033], %select_n3A_1032 {strides = array<i32>} : memref<2048xf32, #tpu.memory_space<vmem>>, vector<16xf32>,
      %add3A_1035 = arith.constant 512 : i32
      %add3A_1036 = arith.addi %add3A_1035, %mul3A_262 : i32
      %get3A_1037 = arith.index_cast %add3A_1036 : i32 to index
      %get3A_1038 = tpu.vector_load %arg6[%get3A_1037] {strides = array<i32>} : memref<16384xf32, #tpu.memory_space<vmem>>, vector<16xf32>,
      %jit3A_1039 = arith.constant 0xFF800000 : f32
      %broadcast_in_dim3A_1040 = vector.broadcast %jit3A_1039 : f32 to vector<16xf32>
      %select_n3A_1041 = arith.select %eq3A_995, %get3A_1038, %broadcast_in_dim3A_1040 : vector<16xi1>, vector<16xf32>
      %swap3A_1042 = arith.constant 1056 : index
      %swap3A_1043 = tpu.vector_load %arg8[%swap3A_1042] {strides = array<i32>} : memref<2048xf32, #tpu.memory_space<vmem>>, vector<16xf32>,
      tpu.vector_store %arg8[%swap3A_1042], %select_n3A_1041 {strides = array<i32>} : memref<2048xf32, #tpu.memory_space<vmem>>, vector<16xf32>,
      %add3A_1044 = arith.constant 768 : i32
      %add3A_1045 = arith.addi %add3A_1044, %mul3A_262 : i32
      %get3A_1046 = arith.index_cast %add3A_1045 : i32 to index
      %get3A_1047 = tpu.vector_load %arg6[%get3A_1046] {strides = array<i32>} : memref<16384xf32, #tpu.memory_space<vmem>>, vector<16xf32>,
      %jit3A_1048 = arith.constant 0xFF800000 : f32
      %broadcast_in_dim3A_1049 = vector.broadcast %jit3A_1048 : f32 to vector<16xf32>
      %select_n3A_1050 = arith.select %eq3A_995, %get3A_1047, %broadcast_in_dim3A_1049 : vector<16xi1>, vector<16xf32>
      %swap3A_1051 = arith.constant 1072 : index
      %swap3A_1052 = tpu.vector_load %arg8[%swap3A_1051] {strides = array<i32>} : memref<2048xf32, #tpu.memory_space<vmem>>, vector<16xf32>,
      tpu.vector_store %arg8[%swap3A_1051], %select_n3A_1050 {strides = array<i32>} : memref<2048xf32, #tpu.memory_space<vmem>>, vector<16xf32>,
      %add3A_1053 = arith.constant 1024 : i32
      %add3A_1054 = arith.addi %add3A_1053, %mul3A_262 : i32
      %get3A_1055 = arith.index_cast %add3A_1054 : i32 to index
      %get3A_1056 = tpu.vector_load %arg6[%get3A_1055] {strides = array<i32>} : memref<16384xf32, #tpu.memory_space<vmem>>, vector<16xf32>,
      %jit3A_1057 = arith.constant 0xFF800000 : f32
      %broadcast_in_dim3A_1058 = vector.broadcast %jit3A_1057 : f32 to vector<16xf32>
      %select_n3A_1059 = arith.select %eq3A_995, %get3A_1056, %broadcast_in_dim3A_1058 : vector<16xi1>, vector<16xf32>
      %swap3A_1060 = arith.constant 1088 : index
      %swap3A_1061 = tpu.vector_load %arg8[%swap3A_1060] {strides = array<i32>} : memref<2048xf32, #tpu.memory_space<vmem>>, vector<16xf32>,
      tpu.vector_store %arg8[%swap3A_1060], %select_n3A_1059 {strides = array<i32>} : memref<2048xf32, #tpu.memory_space<vmem>>, vector<16xf32>,
      %add3A_1062 = arith.constant 1280 : i32
      %add3A_1063 = arith.addi %add3A_1062, %mul3A_262 : i32
      %get3A_1064 = arith.index_cast %add3A_1063 : i32 to index
      %get3A_1065 = tpu.vector_load %arg6[%get3A_1064] {strides = array<i32>} : memref<16384xf32, #tpu.memory_space<vmem>>, vector<16xf32>,
      %jit3A_1066 = arith.constant 0xFF800000 : f32
      %broadcast_in_dim3A_1067 = vector.broadcast %jit3A_1066 : f32 to vector<16xf32>
      %select_n3A_1068 = arith.select %eq3A_995, %get3A_1065, %broadcast_in_dim3A_1067 : vector<16xi1>, vector<16xf32>
      %swap3A_1069 = arith.constant 1104 : index
      %swap3A_1070 = tpu.vector_load %arg8[%swap3A_1069] {strides = array<i32>} : memref<2048xf32, #tpu.memory_space<vmem>>, vector<16xf32>,
      tpu.vector_store %arg8[%swap3A_1069], %select_n3A_1068 {strides = array<i32>} : memref<2048xf32, #tpu.memory_space<vmem>>, vector<16xf32>,
      %add3A_1071 = arith.constant 1536 : i32
      %add3A_1072 = arith.addi %add3A_1071, %mul3A_262 : i32
      %get3A_1073 = arith.index_cast %add3A_1072 : i32 to index
      %get3A_1074 = tpu.vector_load %arg6[%get3A_1073] {strides = array<i32>} : memref<16384xf32, #tpu.memory_space<vmem>>, vector<16xf32>,
      %jit3A_1075 = arith.constant 0xFF800000 : f32
      %broadcast_in_dim3A_1076 = vector.broadcast %jit3A_1075 : f32 to vector<16xf32>
      %select_n3A_1077 = arith.select %eq3A_995, %get3A_1074, %broadcast_in_dim3A_1076 : vector<16xi1>, vector<16xf32>
      %swap3A_1078 = arith.constant 1120 : index
      %swap3A_1079 = tpu.vector_load %arg8[%swap3A_1078] {strides = array<i32>} : memref<2048xf32, #tpu.memory_space<vmem>>, vector<16xf32>,
      tpu.vector_store %arg8[%swap3A_1078], %select_n3A_1077 {strides = array<i32>} : memref<2048xf32, #tpu.memory_space<vmem>>, vector<16xf32>,
      %add3A_1080 = arith.constant 1792 : i32
      %add3A_1081 = arith.addi %add3A_1080, %mul3A_262 : i32
      %get3A_1082 = arith.index_cast %add3A_1081 : i32 to index
      %get3A_1083 = tpu.vector_load %arg6[%get3A_1082] {strides = array<i32>} : memref<16384xf32, #tpu.memory_space<vmem>>, vector<16xf32>,
      %jit3A_1084 = arith.constant 0xFF800000 : f32
      %broadcast_in_dim3A_1085 = vector.broadcast %jit3A_1084 : f32 to vector<16xf32>
      %select_n3A_1086 = arith.select %eq3A_995, %get3A_1083, %broadcast_in_dim3A_1085 : vector<16xi1>, vector<16xf32>
      %swap3A_1087 = arith.constant 1136 : index
      %swap3A_1088 = tpu.vector_load %arg8[%swap3A_1087] {strides = array<i32>} : memref<2048xf32, #tpu.memory_space<vmem>>, vector<16xf32>,
      tpu.vector_store %arg8[%swap3A_1087], %select_n3A_1086 {strides = array<i32>} : memref<2048xf32, #tpu.memory_space<vmem>>, vector<16xf32>,
      %add3A_1089 = arith.constant 2048 : i32
      %add3A_1090 = arith.addi %add3A_1089, %mul3A_262 : i32
      %get3A_1091 = arith.index_cast %add3A_1090 : i32 to index
      %get3A_1092 = tpu.vector_load %arg6[%get3A_1091] {strides = array<i32>} : memref<16384xf32, #tpu.memory_space<vmem>>, vector<16xf32>,
      %jit3A_1093 = arith.constant 0xFF800000 : f32
      %broadcast_in_dim3A_1094 = vector.broadcast %jit3A_1093 : f32 to vector<16xf32>
      %select_n3A_1095 = arith.select %eq3A_998, %get3A_1092, %broadcast_in_dim3A_1094 : vector<16xi1>, vector<16xf32>
      %swap3A_1096 = arith.constant 1152 : index
      %swap3A_1097 = tpu.vector_load %arg8[%swap3A_1096] {strides = array<i32>} : memref<2048xf32, #tpu.memory_space<vmem>>, vector<16xf32>,
      tpu.vector_store %arg8[%swap3A_1096], %select_n3A_1095 {strides = array<i32>} : memref<2048xf32, #tpu.memory_space<vmem>>, vector<16xf32>,
      %add3A_1098 = arith.constant 2304 : i32
      %add3A_1099 = arith.addi %add3A_1098, %mul3A_262 : i32
      %get3A_1100 = arith.index_cast %add3A_1099 : i32 to index
      %get3A_1101 = tpu.vector_load %arg6[%get3A_1100] {strides = array<i32>} : memref<16384xf32, #tpu.memory_space<vmem>>, vector<16xf32>,
      %jit3A_1102 = arith.constant 0xFF800000 : f32
      %broadcast_in_dim3A_1103 = vector.broadcast %jit3A_1102 : f32 to vector<16xf32>
      %select_n3A_1104 = arith.select %eq3A_998, %get3A_1101, %broadcast_in_dim3A_1103 : vector<16xi1>, vector<16xf32>
      %swap3A_1105 = arith.constant 1168 : index
      %swap3A_1106 = tpu.vector_load %arg8[%swap3A_1105] {strides = array<i32>} : memref<2048xf32, #tpu.memory_space<vmem>>, vector<16xf32>,
      tpu.vector_store %arg8[%swap3A_1105], %select_n3A_1104 {strides = array<i32>} : memref<2048xf32, #tpu.memory_space<vmem>>, vector<16xf32>,
      %add3A_1107 = arith.constant 2560 : i32
      %add3A_1108 = arith.addi %add3A_1107, %mul3A_262 : i32
      %get3A_1109 = arith.index_cast %add3A_1108 : i32 to index
      %get3A_1110 = tpu.vector_load %arg6[%get3A_1109] {strides = array<i32>} : memref<16384xf32, #tpu.memory_space<vmem>>, vector<16xf32>,
      %jit3A_1111 = arith.constant 0xFF800000 : f32
      %broadcast_in_dim3A_1112 = vector.broadcast %jit3A_1111 : f32 to vector<16xf32>
      %select_n3A_1113 = arith.select %eq3A_998, %get3A_1110, %broadcast_in_dim3A_1112 : vector<16xi1>, vector<16xf32>
      %swap3A_1114 = arith.constant 1184 : index
      %swap3A_1115 = tpu.vector_load %arg8[%swap3A_1114] {strides = array<i32>} : memref<2048xf32, #tpu.memory_space<vmem>>, vector<16xf32>,
      tpu.vector_store %arg8[%swap3A_1114], %select_n3A_1113 {strides = array<i32>} : memref<2048xf32, #tpu.memory_space<vmem>>, vector<16xf32>,
      %add3A_1116 = arith.constant 2816 : i32
      %add3A_1117 = arith.addi %add3A_1116, %mul3A_262 : i32
      %get3A_1118 = arith.index_cast %add3A_1117 : i32 to index
      %get3A_1119 = tpu.vector_load %arg6[%get3A_1118] {strides = array<i32>} : memref<16384xf32, #tpu.memory_space<vmem>>, vector<16xf32>,
      %jit3A_1120 = arith.constant 0xFF800000 : f32
      %broadcast_in_dim3A_1121 = vector.broadcast %jit3A_1120 : f32 to vector<16xf32>
      %select_n3A_1122 = arith.select %eq3A_998, %get3A_1119, %broadcast_in_dim3A_1121 : vector<16xi1>, vector<16xf32>
      %swap3A_1123 = arith.constant 1200 : index
      %swap3A_1124 = tpu.vector_load %arg8[%swap3A_1123] {strides = array<i32>} : memref<2048xf32, #tpu.memory_space<vmem>>, vector<16xf32>,
      tpu.vector_store %arg8[%swap3A_1123], %select_n3A_1122 {strides = array<i32>} : memref<2048xf32, #tpu.memory_space<vmem>>, vector<16xf32>,
      %add3A_1125 = arith.constant 3072 : i32
      %add3A_1126 = arith.addi %add3A_1125, %mul3A_262 : i32
      %get3A_1127 = arith.index_cast %add3A_1126 : i32 to index
      %get3A_1128 = tpu.vector_load %arg6[%get3A_1127] {strides = array<i32>} : memref<16384xf32, #tpu.memory_space<vmem>>, vector<16xf32>,
      %jit3A_1129 = arith.constant 0xFF800000 : f32
      %broadcast_in_dim3A_1130 = vector.broadcast %jit3A_1129 : f32 to vector<16xf32>
      %select_n3A_1131 = arith.select %eq3A_998, %get3A_1128, %broadcast_in_dim3A_1130 : vector<16xi1>, vector<16xf32>
      %swap3A_1132 = arith.constant 1216 : index
      %swap3A_1133 = tpu.vector_load %arg8[%swap3A_1132] {strides = array<i32>} : memref<2048xf32, #tpu.memory_space<vmem>>, vector<16xf32>,
      tpu.vector_store %arg8[%swap3A_1132], %select_n3A_1131 {strides = array<i32>} : memref<2048xf32, #tpu.memory_space<vmem>>, vector<16xf32>,
      %add3A_1134 = arith.constant 3328 : i32
      %add3A_1135 = arith.addi %add3A_1134, %mul3A_262 : i32
      %get3A_1136 = arith.index_cast %add3A_1135 : i32 to index
      %get3A_1137 = tpu.vector_load %arg6[%get3A_1136] {strides = array<i32>} : memref<16384xf32, #tpu.memory_space<vmem>>, vector<16xf32>,
      %jit3A_1138 = arith.constant 0xFF800000 : f32
      %broadcast_in_dim3A_1139 = vector.broadcast %jit3A_1138 : f32 to vector<16xf32>
      %select_n3A_1140 = arith.select %eq3A_998, %get3A_1137, %broadcast_in_dim3A_1139 : vector<16xi1>, vector<16xf32>
      %swap3A_1141 = arith.constant 1232 : index
      %swap3A_1142 = tpu.vector_load %arg8[%swap3A_1141] {strides = array<i32>} : memref<2048xf32, #tpu.memory_space<vmem>>, vector<16xf32>,
      tpu.vector_store %arg8[%swap3A_1141], %select_n3A_1140 {strides = array<i32>} : memref<2048xf32, #tpu.memory_space<vmem>>, vector<16xf32>,
      %add3A_1143 = arith.constant 3584 : i32
      %add3A_1144 = arith.addi %add3A_1143, %mul3A_262 : i32
      %get3A_1145 = arith.index_cast %add3A_1144 : i32 to index
      %get3A_1146 = tpu.vector_load %arg6[%get3A_1145] {strides = array<i32>} : memref<16384xf32, #tpu.memory_space<vmem>>, vector<16xf32>,
      %jit3A_1147 = arith.constant 0xFF800000 : f32
      %broadcast_in_dim3A_1148 = vector.broadcast %jit3A_1147 : f32 to vector<16xf32>
      %select_n3A_1149 = arith.select %eq3A_998, %get3A_1146, %broadcast_in_dim3A_1148 : vector<16xi1>, vector<16xf32>
      %swap3A_1150 = arith.constant 1248 : index
      %swap3A_1151 = tpu.vector_load %arg8[%swap3A_1150] {strides = array<i32>} : memref<2048xf32, #tpu.memory_space<vmem>>, vector<16xf32>,
      tpu.vector_store %arg8[%swap3A_1150], %select_n3A_1149 {strides = array<i32>} : memref<2048xf32, #tpu.memory_space<vmem>>, vector<16xf32>,
      %add3A_1152 = arith.constant 3840 : i32
      %add3A_1153 = arith.addi %add3A_1152, %mul3A_262 : i32
      %get3A_1154 = arith.index_cast %add3A_1153 : i32 to index
      %get3A_1155 = tpu.vector_load %arg6[%get3A_1154] {strides = array<i32>} : memref<16384xf32, #tpu.memory_space<vmem>>, vector<16xf32>,
      %jit3A_1156 = arith.constant 0xFF800000 : f32
      %broadcast_in_dim3A_1157 = vector.broadcast %jit3A_1156 : f32 to vector<16xf32>
      %select_n3A_1158 = arith.select %eq3A_998, %get3A_1155, %broadcast_in_dim3A_1157 : vector<16xi1>, vector<16xf32>
      %swap3A_1159 = arith.constant 1264 : index
      %swap3A_1160 = tpu.vector_load %arg8[%swap3A_1159] {strides = array<i32>} : memref<2048xf32, #tpu.memory_space<vmem>>, vector<16xf32>,
      tpu.vector_store %arg8[%swap3A_1159], %select_n3A_1158 {strides = array<i32>} : memref<2048xf32, #tpu.memory_space<vmem>>, vector<16xf32>,
      %add3A_1161 = arith.constant 4096 : i32
      %add3A_1162 = arith.addi %add3A_1161, %mul3A_262 : i32
      %get3A_1163 = arith.index_cast %add3A_1162 : i32 to index
      %get3A_1164 = tpu.vector_load %arg6[%get3A_1163] {strides = array<i32>} : memref<16384xf32, #tpu.memory_space<vmem>>, vector<16xf32>,
      %jit3A_1165 = arith.constant 0xFF800000 : f32
      %broadcast_in_dim3A_1166 = vector.broadcast %jit3A_1165 : f32 to vector<16xf32>
      %select_n3A_1167 = arith.select %eq3A_1001, %get3A_1164, %broadcast_in_dim3A_1166 : vector<16xi1>, vector<16xf32>
      %swap3A_1168 = arith.constant 1280 : index
      %swap3A_1169 = tpu.vector_load %arg8[%swap3A_1168] {strides = array<i32>} : memref<2048xf32, #tpu.memory_space<vmem>>, vector<16xf32>,
      tpu.vector_store %arg8[%swap3A_1168], %select_n3A_1167 {strides = array<i32>} : memref<2048xf32, #tpu.memory_space<vmem>>, vector<16xf32>,
      %add3A_1170 = arith.constant 4352 : i32
      %add3A_1171 = arith.addi %add3A_1170, %mul3A_262 : i32
      %get3A_1172 = arith.index_cast %add3A_1171 : i32 to index
      %get3A_1173 = tpu.vector_load %arg6[%get3A_1172] {strides = array<i32>} : memref<16384xf32, #tpu.memory_space<vmem>>, vector<16xf32>,
      %jit3A_1174 = arith.constant 0xFF800000 : f32
      %broadcast_in_dim3A_1175 = vector.broadcast %jit3A_1174 : f32 to vector<16xf32>
      %select_n3A_1176 = arith.select %eq3A_1001, %get3A_1173, %broadcast_in_dim3A_1175 : vector<16xi1>, vector<16xf32>
      %swap3A_1177 = arith.constant 1296 : index
      %swap3A_1178 = tpu.vector_load %arg8[%swap3A_1177] {strides = array<i32>} : memref<2048xf32, #tpu.memory_space<vmem>>, vector<16xf32>,
      tpu.vector_store %arg8[%swap3A_1177], %select_n3A_1176 {strides = array<i32>} : memref<2048xf32, #tpu.memory_space<vmem>>, vector<16xf32>,
      %add3A_1179 = arith.constant 4608 : i32
      %add3A_1180 = arith.addi %add3A_1179, %mul3A_262 : i32
      %get3A_1181 = arith.index_cast %add3A_1180 : i32 to index
      %get3A_1182 = tpu.vector_load %arg6[%get3A_1181] {strides = array<i32>} : memref<16384xf32, #tpu.memory_space<vmem>>, vector<16xf32>,
      %jit3A_1183 = arith.constant 0xFF800000 : f32
      %broadcast_in_dim3A_1184 = vector.broadcast %jit3A_1183 : f32 to vector<16xf32>
      %select_n3A_1185 = arith.select %eq3A_1001, %get3A_1182, %broadcast_in_dim3A_1184 : vector<16xi1>, vector<16xf32>
      %swap3A_1186 = arith.constant 1312 : index
      %swap3A_1187 = tpu.vector_load %arg8[%swap3A_1186] {strides = array<i32>} : memref<2048xf32, #tpu.memory_space<vmem>>, vector<16xf32>,
      tpu.vector_store %arg8[%swap3A_1186], %select_n3A_1185 {strides = array<i32>} : memref<2048xf32, #tpu.memory_space<vmem>>, vector<16xf32>,
      %add3A_1188 = arith.constant 4864 : i32
      %add3A_1189 = arith.addi %add3A_1188, %mul3A_262 : i32
      %get3A_1190 = arith.index_cast %add3A_1189 : i32 to index
      %get3A_1191 = tpu.vector_load %arg6[%get3A_1190] {strides = array<i32>} : memref<16384xf32, #tpu.memory_space<vmem>>, vector<16xf32>,
      %jit3A_1192 = arith.constant 0xFF800000 : f32
      %broadcast_in_dim3A_1193 = vector.broadcast %jit3A_1192 : f32 to vector<16xf32>
      %select_n3A_1194 = arith.select %eq3A_1001, %get3A_1191, %broadcast_in_dim3A_1193 : vector<16xi1>, vector<16xf32>
      %swap3A_1195 = arith.constant 1328 : index
      %swap3A_1196 = tpu.vector_load %arg8[%swap3A_1195] {strides = array<i32>} : memref<2048xf32, #tpu.memory_space<vmem>>, vector<16xf32>,
      tpu.vector_store %arg8[%swap3A_1195], %select_n3A_1194 {strides = array<i32>} : memref<2048xf32, #tpu.memory_space<vmem>>, vector<16xf32>,
      %add3A_1197 = arith.constant 5120 : i32
      %add3A_1198 = arith.addi %add3A_1197, %mul3A_262 : i32
      %get3A_1199 = arith.index_cast %add3A_1198 : i32 to index
      %get3A_1200 = tpu.vector_load %arg6[%get3A_1199] {strides = array<i32>} : memref<16384xf32, #tpu.memory_space<vmem>>, vector<16xf32>,
      %jit3A_1201 = arith.constant 0xFF800000 : f32
      %broadcast_in_dim3A_1202 = vector.broadcast %jit3A_1201 : f32 to vector<16xf32>
      %select_n3A_1203 = arith.select %eq3A_1001, %get3A_1200, %broadcast_in_dim3A_1202 : vector<16xi1>, vector<16xf32>
      %swap3A_1204 = arith.constant 1344 : index
      %swap3A_1205 = tpu.vector_load %arg8[%swap3A_1204] {strides = array<i32>} : memref<2048xf32, #tpu.memory_space<vmem>>, vector<16xf32>,
      tpu.vector_store %arg8[%swap3A_1204], %select_n3A_1203 {strides = array<i32>} : memref<2048xf32, #tpu.memory_space<vmem>>, vector<16xf32>,
      %add3A_1206 = arith.constant 5376 : i32
      %add3A_1207 = arith.addi %add3A_1206, %mul3A_262 : i32
      %get3A_1208 = arith.index_cast %add3A_1207 : i32 to index
      %get3A_1209 = tpu.vector_load %arg6[%get3A_1208] {strides = array<i32>} : memref<16384xf32, #tpu.memory_space<vmem>>, vector<16xf32>,
      %jit3A_1210 = arith.constant 0xFF800000 : f32
      %broadcast_in_dim3A_1211 = vector.broadcast %jit3A_1210 : f32 to vector<16xf32>
      %select_n3A_1212 = arith.select %eq3A_1001, %get3A_1209, %broadcast_in_dim3A_1211 : vector<16xi1>, vector<16xf32>
      %swap3A_1213 = arith.constant 1360 : index
      %swap3A_1214 = tpu.vector_load %arg8[%swap3A_1213] {strides = array<i32>} : memref<2048xf32, #tpu.memory_space<vmem>>, vector<16xf32>,
      tpu.vector_store %arg8[%swap3A_1213], %select_n3A_1212 {strides = array<i32>} : memref<2048xf32, #tpu.memory_space<vmem>>, vector<16xf32>,
      %add3A_1215 = arith.constant 5632 : i32
      %add3A_1216 = arith.addi %add3A_1215, %mul3A_262 : i32
      %get3A_1217 = arith.index_cast %add3A_1216 : i32 to index
      %get3A_1218 = tpu.vector_load %arg6[%get3A_1217] {strides = array<i32>} : memref<16384xf32, #tpu.memory_space<vmem>>, vector<16xf32>,
      %jit3A_1219 = arith.constant 0xFF800000 : f32
      %broadcast_in_dim3A_1220 = vector.broadcast %jit3A_1219 : f32 to vector<16xf32>
      %select_n3A_1221 = arith.select %eq3A_1001, %get3A_1218, %broadcast_in_dim3A_1220 : vector<16xi1>, vector<16xf32>
      %swap3A_1222 = arith.constant 1376 : index
      %swap3A_1223 = tpu.vector_load %arg8[%swap3A_1222] {strides = array<i32>} : memref<2048xf32, #tpu.memory_space<vmem>>, vector<16xf32>,
      tpu.vector_store %arg8[%swap3A_1222], %select_n3A_1221 {strides = array<i32>} : memref<2048xf32, #tpu.memory_space<vmem>>, vector<16xf32>,
      %add3A_1224 = arith.constant 5888 : i32
      %add3A_1225 = arith.addi %add3A_1224, %mul3A_262 : i32
      %get3A_1226 = arith.index_cast %add3A_1225 : i32 to index
      %get3A_1227 = tpu.vector_load %arg6[%get3A_1226] {strides = array<i32>} : memref<16384xf32, #tpu.memory_space<vmem>>, vector<16xf32>,
      %jit3A_1228 = arith.constant 0xFF800000 : f32
      %broadcast_in_dim3A_1229 = vector.broadcast %jit3A_1228 : f32 to vector<16xf32>
      %select_n3A_1230 = arith.select %eq3A_1001, %get3A_1227, %broadcast_in_dim3A_1229 : vector<16xi1>, vector<16xf32>
      %swap3A_1231 = arith.constant 1392 : index
      %swap3A_1232 = tpu.vector_load %arg8[%swap3A_1231] {strides = array<i32>} : memref<2048xf32, #tpu.memory_space<vmem>>, vector<16xf32>,
      tpu.vector_store %arg8[%swap3A_1231], %select_n3A_1230 {strides = array<i32>} : memref<2048xf32, #tpu.memory_space<vmem>>, vector<16xf32>,
      %add3A_1233 = arith.constant 6144 : i32
      %add3A_1234 = arith.addi %add3A_1233, %mul3A_262 : i32
      %get3A_1235 = arith.index_cast %add3A_1234 : i32 to index
      %get3A_1236 = tpu.vector_load %arg6[%get3A_1235] {strides = array<i32>} : memref<16384xf32, #tpu.memory_space<vmem>>, vector<16xf32>,
      %jit3A_1237 = arith.constant 0xFF800000 : f32
      %broadcast_in_dim3A_1238 = vector.broadcast %jit3A_1237 : f32 to vector<16xf32>
      %select_n3A_1239 = arith.select %eq3A_1004, %get3A_1236, %broadcast_in_dim3A_1238 : vector<16xi1>, vector<16xf32>
      %swap3A_1240 = arith.constant 1408 : index
      %swap3A_1241 = tpu.vector_load %arg8[%swap3A_1240] {strides = array<i32>} : memref<2048xf32, #tpu.memory_space<vmem>>, vector<16xf32>,
      tpu.vector_store %arg8[%swap3A_1240], %select_n3A_1239 {strides = array<i32>} : memref<2048xf32, #tpu.memory_space<vmem>>, vector<16xf32>,
      %add3A_1242 = arith.constant 6400 : i32
      %add3A_1243 = arith.addi %add3A_1242, %mul3A_262 : i32
      %get3A_1244 = arith.index_cast %add3A_1243 : i32 to index
      %get3A_1245 = tpu.vector_load %arg6[%get3A_1244] {strides = array<i32>} : memref<16384xf32, #tpu.memory_space<vmem>>, vector<16xf32>,
      %jit3A_1246 = arith.constant 0xFF800000 : f32
      %broadcast_in_dim3A_1247 = vector.broadcast %jit3A_1246 : f32 to vector<16xf32>
      %select_n3A_1248 = arith.select %eq3A_1004, %get3A_1245, %broadcast_in_dim3A_1247 : vector<16xi1>, vector<16xf32>
      %swap3A_1249 = arith.constant 1424 : index
      %swap3A_1250 = tpu.vector_load %arg8[%swap3A_1249] {strides = array<i32>} : memref<2048xf32, #tpu.memory_space<vmem>>, vector<16xf32>,
      tpu.vector_store %arg8[%swap3A_1249], %select_n3A_1248 {strides = array<i32>} : memref<2048xf32, #tpu.memory_space<vmem>>, vector<16xf32>,
      %add3A_1251 = arith.constant 6656 : i32
      %add3A_1252 = arith.addi %add3A_1251, %mul3A_262 : i32
      %get3A_1253 = arith.index_cast %add3A_1252 : i32 to index
      %get3A_1254 = tpu.vector_load %arg6[%get3A_1253] {strides = array<i32>} : memref<16384xf32, #tpu.memory_space<vmem>>, vector<16xf32>,
      %jit3A_1255 = arith.constant 0xFF800000 : f32
      %broadcast_in_dim3A_1256 = vector.broadcast %jit3A_1255 : f32 to vector<16xf32>
      %select_n3A_1257 = arith.select %eq3A_1004, %get3A_1254, %broadcast_in_dim3A_1256 : vector<16xi1>, vector<16xf32>
      %swap3A_1258 = arith.constant 1440 : index
      %swap3A_1259 = tpu.vector_load %arg8[%swap3A_1258] {strides = array<i32>} : memref<2048xf32, #tpu.memory_space<vmem>>, vector<16xf32>,
      tpu.vector_store %arg8[%swap3A_1258], %select_n3A_1257 {strides = array<i32>} : memref<2048xf32, #tpu.memory_space<vmem>>, vector<16xf32>,
      %add3A_1260 = arith.constant 6912 : i32
      %add3A_1261 = arith.addi %add3A_1260, %mul3A_262 : i32
      %get3A_1262 = arith.index_cast %add3A_1261 : i32 to index
      %get3A_1263 = tpu.vector_load %arg6[%get3A_1262] {strides = array<i32>} : memref<16384xf32, #tpu.memory_space<vmem>>, vector<16xf32>,
      %jit3A_1264 = arith.constant 0xFF800000 : f32
      %broadcast_in_dim3A_1265 = vector.broadcast %jit3A_1264 : f32 to vector<16xf32>
      %select_n3A_1266 = arith.select %eq3A_1004, %get3A_1263, %broadcast_in_dim3A_1265 : vector<16xi1>, vector<16xf32>
      %swap3A_1267 = arith.constant 1456 : index
      %swap3A_1268 = tpu.vector_load %arg8[%swap3A_1267] {strides = array<i32>} : memref<2048xf32, #tpu.memory_space<vmem>>, vector<16xf32>,
      tpu.vector_store %arg8[%swap3A_1267], %select_n3A_1266 {strides = array<i32>} : memref<2048xf32, #tpu.memory_space<vmem>>, vector<16xf32>,
      %add3A_1269 = arith.constant 7168 : i32
      %add3A_1270 = arith.addi %add3A_1269, %mul3A_262 : i32
      %get3A_1271 = arith.index_cast %add3A_1270 : i32 to index
      %get3A_1272 = tpu.vector_load %arg6[%get3A_1271] {strides = array<i32>} : memref<16384xf32, #tpu.memory_space<vmem>>, vector<16xf32>,
      %jit3A_1273 = arith.constant 0xFF800000 : f32
      %broadcast_in_dim3A_1274 = vector.broadcast %jit3A_1273 : f32 to vector<16xf32>
      %select_n3A_1275 = arith.select %eq3A_1004, %get3A_1272, %broadcast_in_dim3A_1274 : vector<16xi1>, vector<16xf32>
      %swap3A_1276 = arith.constant 1472 : index
      %swap3A_1277 = tpu.vector_load %arg8[%swap3A_1276] {strides = array<i32>} : memref<2048xf32, #tpu.memory_space<vmem>>, vector<16xf32>,
      tpu.vector_store %arg8[%swap3A_1276], %select_n3A_1275 {strides = array<i32>} : memref<2048xf32, #tpu.memory_space<vmem>>, vector<16xf32>,
      %add3A_1278 = arith.constant 7424 : i32
      %add3A_1279 = arith.addi %add3A_1278, %mul3A_262 : i32
      %get3A_1280 = arith.index_cast %add3A_1279 : i32 to index
      %get3A_1281 = tpu.vector_load %arg6[%get3A_1280] {strides = array<i32>} : memref<16384xf32, #tpu.memory_space<vmem>>, vector<16xf32>,
      %jit3A_1282 = arith.constant 0xFF800000 : f32
      %broadcast_in_dim3A_1283 = vector.broadcast %jit3A_1282 : f32 to vector<16xf32>
      %select_n3A_1284 = arith.select %eq3A_1004, %get3A_1281, %broadcast_in_dim3A_1283 : vector<16xi1>, vector<16xf32>
      %swap3A_1285 = arith.constant 1488 : index
      %swap3A_1286 = tpu.vector_load %arg8[%swap3A_1285] {strides = array<i32>} : memref<2048xf32, #tpu.memory_space<vmem>>, vector<16xf32>,
      tpu.vector_store %arg8[%swap3A_1285], %select_n3A_1284 {strides = array<i32>} : memref<2048xf32, #tpu.memory_space<vmem>>, vector<16xf32>,
      %add3A_1287 = arith.constant 7680 : i32
      %add3A_1288 = arith.addi %add3A_1287, %mul3A_262 : i32
      %get3A_1289 = arith.index_cast %add3A_1288 : i32 to index
      %get3A_1290 = tpu.vector_load %arg6[%get3A_1289] {strides = array<i32>} : memref<16384xf32, #tpu.memory_space<vmem>>, vector<16xf32>,
      %jit3A_1291 = arith.constant 0xFF800000 : f32
      %broadcast_in_dim3A_1292 = vector.broadcast %jit3A_1291 : f32 to vector<16xf32>
      %select_n3A_1293 = arith.select %eq3A_1004, %get3A_1290, %broadcast_in_dim3A_1292 : vector<16xi1>, vector<16xf32>
      %swap3A_1294 = arith.constant 1504 : index
      %swap3A_1295 = tpu.vector_load %arg8[%swap3A_1294] {strides = array<i32>} : memref<2048xf32, #tpu.memory_space<vmem>>, vector<16xf32>,
      tpu.vector_store %arg8[%swap3A_1294], %select_n3A_1293 {strides = array<i32>} : memref<2048xf32, #tpu.memory_space<vmem>>, vector<16xf32>,
      %add3A_1296 = arith.constant 7936 : i32
      %add3A_1297 = arith.addi %add3A_1296, %mul3A_262 : i32
      %get3A_1298 = arith.index_cast %add3A_1297 : i32 to index
      %get3A_1299 = tpu.vector_load %arg6[%get3A_1298] {strides = array<i32>} : memref<16384xf32, #tpu.memory_space<vmem>>, vector<16xf32>,
      %jit3A_1300 = arith.constant 0xFF800000 : f32
      %broadcast_in_dim3A_1301 = vector.broadcast %jit3A_1300 : f32 to vector<16xf32>
      %select_n3A_1302 = arith.select %eq3A_1004, %get3A_1299, %broadcast_in_dim3A_1301 : vector<16xi1>, vector<16xf32>
      %swap3A_1303 = arith.constant 1520 : index
      %swap3A_1304 = tpu.vector_load %arg8[%swap3A_1303] {strides = array<i32>} : memref<2048xf32, #tpu.memory_space<vmem>>, vector<16xf32>,
      tpu.vector_store %arg8[%swap3A_1303], %select_n3A_1302 {strides = array<i32>} : memref<2048xf32, #tpu.memory_space<vmem>>, vector<16xf32>,
      %add3A_1305 = arith.constant 8192 : i32
      %add3A_1306 = arith.addi %add3A_1305, %mul3A_262 : i32
      %get3A_1307 = arith.index_cast %add3A_1306 : i32 to index
      %get3A_1308 = tpu.vector_load %arg6[%get3A_1307] {strides = array<i32>} : memref<16384xf32, #tpu.memory_space<vmem>>, vector<16xf32>,
      %jit3A_1309 = arith.constant 0xFF800000 : f32
      %broadcast_in_dim3A_1310 = vector.broadcast %jit3A_1309 : f32 to vector<16xf32>
      %select_n3A_1311 = arith.select %eq3A_1007, %get3A_1308, %broadcast_in_dim3A_1310 : vector<16xi1>, vector<16xf32>
      %swap3A_1312 = arith.constant 1536 : index
      %swap3A_1313 = tpu.vector_load %arg8[%swap3A_1312] {strides = array<i32>} : memref<2048xf32, #tpu.memory_space<vmem>>, vector<16xf32>,
      tpu.vector_store %arg8[%swap3A_1312], %select_n3A_1311 {strides = array<i32>} : memref<2048xf32, #tpu.memory_space<vmem>>, vector<16xf32>,
      %add3A_1314 = arith.constant 8448 : i32
      %add3A_1315 = arith.addi %add3A_1314, %mul3A_262 : i32
      %get3A_1316 = arith.index_cast %add3A_1315 : i32 to index
      %get3A_1317 = tpu.vector_load %arg6[%get3A_1316] {strides = array<i32>} : memref<16384xf32, #tpu.memory_space<vmem>>, vector<16xf32>,
      %jit3A_1318 = arith.constant 0xFF800000 : f32
      %broadcast_in_dim3A_1319 = vector.broadcast %jit3A_1318 : f32 to vector<16xf32>
      %select_n3A_1320 = arith.select %eq3A_1007, %get3A_1317, %broadcast_in_dim3A_1319 : vector<16xi1>, vector<16xf32>
      %swap3A_1321 = arith.constant 1552 : index
      %swap3A_1322 = tpu.vector_load %arg8[%swap3A_1321] {strides = array<i32>} : memref<2048xf32, #tpu.memory_space<vmem>>, vector<16xf32>,
      tpu.vector_store %arg8[%swap3A_1321], %select_n3A_1320 {strides = array<i32>} : memref<2048xf32, #tpu.memory_space<vmem>>, vector<16xf32>,
      %add3A_1323 = arith.constant 8704 : i32
      %add3A_1324 = arith.addi %add3A_1323, %mul3A_262 : i32
      %get3A_1325 = arith.index_cast %add3A_1324 : i32 to index
      %get3A_1326 = tpu.vector_load %arg6[%get3A_1325] {strides = array<i32>} : memref<16384xf32, #tpu.memory_space<vmem>>, vector<16xf32>,
      %jit3A_1327 = arith.constant 0xFF800000 : f32
      %broadcast_in_dim3A_1328 = vector.broadcast %jit3A_1327 : f32 to vector<16xf32>
      %select_n3A_1329 = arith.select %eq3A_1007, %get3A_1326, %broadcast_in_dim3A_1328 : vector<16xi1>, vector<16xf32>
      %swap3A_1330 = arith.constant 1568 : index
      %swap3A_1331 = tpu.vector_load %arg8[%swap3A_1330] {strides = array<i32>} : memref<2048xf32, #tpu.memory_space<vmem>>, vector<16xf32>,
      tpu.vector_store %arg8[%swap3A_1330], %select_n3A_1329 {strides = array<i32>} : memref<2048xf32, #tpu.memory_space<vmem>>, vector<16xf32>,
      %add3A_1332 = arith.constant 8960 : i32
      %add3A_1333 = arith.addi %add3A_1332, %mul3A_262 : i32
      %get3A_1334 = arith.index_cast %add3A_1333 : i32 to index
      %get3A_1335 = tpu.vector_load %arg6[%get3A_1334] {strides = array<i32>} : memref<16384xf32, #tpu.memory_space<vmem>>, vector<16xf32>,
      %jit3A_1336 = arith.constant 0xFF800000 : f32
      %broadcast_in_dim3A_1337 = vector.broadcast %jit3A_1336 : f32 to vector<16xf32>
      %select_n3A_1338 = arith.select %eq3A_1007, %get3A_1335, %broadcast_in_dim3A_1337 : vector<16xi1>, vector<16xf32>
      %swap3A_1339 = arith.constant 1584 : index
      %swap3A_1340 = tpu.vector_load %arg8[%swap3A_1339] {strides = array<i32>} : memref<2048xf32, #tpu.memory_space<vmem>>, vector<16xf32>,
      tpu.vector_store %arg8[%swap3A_1339], %select_n3A_1338 {strides = array<i32>} : memref<2048xf32, #tpu.memory_space<vmem>>, vector<16xf32>,
      %add3A_1341 = arith.constant 9216 : i32
      %add3A_1342 = arith.addi %add3A_1341, %mul3A_262 : i32
      %get3A_1343 = arith.index_cast %add3A_1342 : i32 to index
      %get3A_1344 = tpu.vector_load %arg6[%get3A_1343] {strides = array<i32>} : memref<16384xf32, #tpu.memory_space<vmem>>, vector<16xf32>,
      %jit3A_1345 = arith.constant 0xFF800000 : f32
      %broadcast_in_dim3A_1346 = vector.broadcast %jit3A_1345 : f32 to vector<16xf32>
      %select_n3A_1347 = arith.select %eq3A_1007, %get3A_1344, %broadcast_in_dim3A_1346 : vector<16xi1>, vector<16xf32>
      %swap3A_1348 = arith.constant 1600 : index
      %swap3A_1349 = tpu.vector_load %arg8[%swap3A_1348] {strides = array<i32>} : memref<2048xf32, #tpu.memory_space<vmem>>, vector<16xf32>,
      tpu.vector_store %arg8[%swap3A_1348], %select_n3A_1347 {strides = array<i32>} : memref<2048xf32, #tpu.memory_space<vmem>>, vector<16xf32>,
      %add3A_1350 = arith.constant 9472 : i32
      %add3A_1351 = arith.addi %add3A_1350, %mul3A_262 : i32
      %get3A_1352 = arith.index_cast %add3A_1351 : i32 to index
      %get3A_1353 = tpu.vector_load %arg6[%get3A_1352] {strides = array<i32>} : memref<16384xf32, #tpu.memory_space<vmem>>, vector<16xf32>,
      %jit3A_1354 = arith.constant 0xFF800000 : f32
      %broadcast_in_dim3A_1355 = vector.broadcast %jit3A_1354 : f32 to vector<16xf32>
      %select_n3A_1356 = arith.select %eq3A_1007, %get3A_1353, %broadcast_in_dim3A_1355 : vector<16xi1>, vector<16xf32>
      %swap3A_1357 = arith.constant 1616 : index
      %swap3A_1358 = tpu.vector_load %arg8[%swap3A_1357] {strides = array<i32>} : memref<2048xf32, #tpu.memory_space<vmem>>, vector<16xf32>,
      tpu.vector_store %arg8[%swap3A_1357], %select_n3A_1356 {strides = array<i32>} : memref<2048xf32, #tpu.memory_space<vmem>>, vector<16xf32>,
      %add3A_1359 = arith.constant 9728 : i32
      %add3A_1360 = arith.addi %add3A_1359, %mul3A_262 : i32
      %get3A_1361 = arith.index_cast %add3A_1360 : i32 to index
      %get3A_1362 = tpu.vector_load %arg6[%get3A_1361] {strides = array<i32>} : memref<16384xf32, #tpu.memory_space<vmem>>, vector<16xf32>,
      %jit3A_1363 = arith.constant 0xFF800000 : f32
      %broadcast_in_dim3A_1364 = vector.broadcast %jit3A_1363 : f32 to vector<16xf32>
      %select_n3A_1365 = arith.select %eq3A_1007, %get3A_1362, %broadcast_in_dim3A_1364 : vector<16xi1>, vector<16xf32>
      %swap3A_1366 = arith.constant 1632 : index
      %swap3A_1367 = tpu.vector_load %arg8[%swap3A_1366] {strides = array<i32>} : memref<2048xf32, #tpu.memory_space<vmem>>, vector<16xf32>,
      tpu.vector_store %arg8[%swap3A_1366], %select_n3A_1365 {strides = array<i32>} : memref<2048xf32, #tpu.memory_space<vmem>>, vector<16xf32>,
      %add3A_1368 = arith.constant 9984 : i32
      %add3A_1369 = arith.addi %add3A_1368, %mul3A_262 : i32
      %get3A_1370 = arith.index_cast %add3A_1369 : i32 to index
      %get3A_1371 = tpu.vector_load %arg6[%get3A_1370] {strides = array<i32>} : memref<16384xf32, #tpu.memory_space<vmem>>, vector<16xf32>,
      %jit3A_1372 = arith.constant 0xFF800000 : f32
      %broadcast_in_dim3A_1373 = vector.broadcast %jit3A_1372 : f32 to vector<16xf32>
      %select_n3A_1374 = arith.select %eq3A_1007, %get3A_1371, %broadcast_in_dim3A_1373 : vector<16xi1>, vector<16xf32>
      %swap3A_1375 = arith.constant 1648 : index
      %swap3A_1376 = tpu.vector_load %arg8[%swap3A_1375] {strides = array<i32>} : memref<2048xf32, #tpu.memory_space<vmem>>, vector<16xf32>,
      tpu.vector_store %arg8[%swap3A_1375], %select_n3A_1374 {strides = array<i32>} : memref<2048xf32, #tpu.memory_space<vmem>>, vector<16xf32>,
      %add3A_1377 = arith.constant 10240 : i32
      %add3A_1378 = arith.addi %add3A_1377, %mul3A_262 : i32
      %get3A_1379 = arith.index_cast %add3A_1378 : i32 to index
      %get3A_1380 = tpu.vector_load %arg6[%get3A_1379] {strides = array<i32>} : memref<16384xf32, #tpu.memory_space<vmem>>, vector<16xf32>,
      %jit3A_1381 = arith.constant 0xFF800000 : f32
      %broadcast_in_dim3A_1382 = vector.broadcast %jit3A_1381 : f32 to vector<16xf32>
      %select_n3A_1383 = arith.select %eq3A_1010, %get3A_1380, %broadcast_in_dim3A_1382 : vector<16xi1>, vector<16xf32>
      %swap3A_1384 = arith.constant 1664 : index
      %swap3A_1385 = tpu.vector_load %arg8[%swap3A_1384] {strides = array<i32>} : memref<2048xf32, #tpu.memory_space<vmem>>, vector<16xf32>,
      tpu.vector_store %arg8[%swap3A_1384], %select_n3A_1383 {strides = array<i32>} : memref<2048xf32, #tpu.memory_space<vmem>>, vector<16xf32>,
      %add3A_1386 = arith.constant 10496 : i32
      %add3A_1387 = arith.addi %add3A_1386, %mul3A_262 : i32
      %get3A_1388 = arith.index_cast %add3A_1387 : i32 to index
      %get3A_1389 = tpu.vector_load %arg6[%get3A_1388] {strides = array<i32>} : memref<16384xf32, #tpu.memory_space<vmem>>, vector<16xf32>,
      %jit3A_1390 = arith.constant 0xFF800000 : f32
      %broadcast_in_dim3A_1391 = vector.broadcast %jit3A_1390 : f32 to vector<16xf32>
      %select_n3A_1392 = arith.select %eq3A_1010, %get3A_1389, %broadcast_in_dim3A_1391 : vector<16xi1>, vector<16xf32>
      %swap3A_1393 = arith.constant 1680 : index
      %swap3A_1394 = tpu.vector_load %arg8[%swap3A_1393] {strides = array<i32>} : memref<2048xf32, #tpu.memory_space<vmem>>, vector<16xf32>,
      tpu.vector_store %arg8[%swap3A_1393], %select_n3A_1392 {strides = array<i32>} : memref<2048xf32, #tpu.memory_space<vmem>>, vector<16xf32>,
      %add3A_1395 = arith.constant 10752 : i32
      %add3A_1396 = arith.addi %add3A_1395, %mul3A_262 : i32
      %get3A_1397 = arith.index_cast %add3A_1396 : i32 to index
      %get3A_1398 = tpu.vector_load %arg6[%get3A_1397] {strides = array<i32>} : memref<16384xf32, #tpu.memory_space<vmem>>, vector<16xf32>,
      %jit3A_1399 = arith.constant 0xFF800000 : f32
      %broadcast_in_dim3A_1400 = vector.broadcast %jit3A_1399 : f32 to vector<16xf32>
      %select_n3A_1401 = arith.select %eq3A_1010, %get3A_1398, %broadcast_in_dim3A_1400 : vector<16xi1>, vector<16xf32>
      %swap3A_1402 = arith.constant 1696 : index
      %swap3A_1403 = tpu.vector_load %arg8[%swap3A_1402] {strides = array<i32>} : memref<2048xf32, #tpu.memory_space<vmem>>, vector<16xf32>,
      tpu.vector_store %arg8[%swap3A_1402], %select_n3A_1401 {strides = array<i32>} : memref<2048xf32, #tpu.memory_space<vmem>>, vector<16xf32>,
      %add3A_1404 = arith.constant 11008 : i32
      %add3A_1405 = arith.addi %add3A_1404, %mul3A_262 : i32
      %get3A_1406 = arith.index_cast %add3A_1405 : i32 to index
      %get3A_1407 = tpu.vector_load %arg6[%get3A_1406] {strides = array<i32>} : memref<16384xf32, #tpu.memory_space<vmem>>, vector<16xf32>,
      %jit3A_1408 = arith.constant 0xFF800000 : f32
      %broadcast_in_dim3A_1409 = vector.broadcast %jit3A_1408 : f32 to vector<16xf32>
      %select_n3A_1410 = arith.select %eq3A_1010, %get3A_1407, %broadcast_in_dim3A_1409 : vector<16xi1>, vector<16xf32>
      %swap3A_1411 = arith.constant 1712 : index
      %swap3A_1412 = tpu.vector_load %arg8[%swap3A_1411] {strides = array<i32>} : memref<2048xf32, #tpu.memory_space<vmem>>, vector<16xf32>,
      tpu.vector_store %arg8[%swap3A_1411], %select_n3A_1410 {strides = array<i32>} : memref<2048xf32, #tpu.memory_space<vmem>>, vector<16xf32>,
      %add3A_1413 = arith.constant 11264 : i32
      %add3A_1414 = arith.addi %add3A_1413, %mul3A_262 : i32
      %get3A_1415 = arith.index_cast %add3A_1414 : i32 to index
      %get3A_1416 = tpu.vector_load %arg6[%get3A_1415] {strides = array<i32>} : memref<16384xf32, #tpu.memory_space<vmem>>, vector<16xf32>,
      %jit3A_1417 = arith.constant 0xFF800000 : f32
      %broadcast_in_dim3A_1418 = vector.broadcast %jit3A_1417 : f32 to vector<16xf32>
      %select_n3A_1419 = arith.select %eq3A_1010, %get3A_1416, %broadcast_in_dim3A_1418 : vector<16xi1>, vector<16xf32>
      %swap3A_1420 = arith.constant 1728 : index
      %swap3A_1421 = tpu.vector_load %arg8[%swap3A_1420] {strides = array<i32>} : memref<2048xf32, #tpu.memory_space<vmem>>, vector<16xf32>,
      tpu.vector_store %arg8[%swap3A_1420], %select_n3A_1419 {strides = array<i32>} : memref<2048xf32, #tpu.memory_space<vmem>>, vector<16xf32>,
      %add3A_1422 = arith.constant 11520 : i32
      %add3A_1423 = arith.addi %add3A_1422, %mul3A_262 : i32
      %get3A_1424 = arith.index_cast %add3A_1423 : i32 to index
      %get3A_1425 = tpu.vector_load %arg6[%get3A_1424] {strides = array<i32>} : memref<16384xf32, #tpu.memory_space<vmem>>, vector<16xf32>,
      %jit3A_1426 = arith.constant 0xFF800000 : f32
      %broadcast_in_dim3A_1427 = vector.broadcast %jit3A_1426 : f32 to vector<16xf32>
      %select_n3A_1428 = arith.select %eq3A_1010, %get3A_1425, %broadcast_in_dim3A_1427 : vector<16xi1>, vector<16xf32>
      %swap3A_1429 = arith.constant 1744 : index
      %swap3A_1430 = tpu.vector_load %arg8[%swap3A_1429] {strides = array<i32>} : memref<2048xf32, #tpu.memory_space<vmem>>, vector<16xf32>,
      tpu.vector_store %arg8[%swap3A_1429], %select_n3A_1428 {strides = array<i32>} : memref<2048xf32, #tpu.memory_space<vmem>>, vector<16xf32>,
      %add3A_1431 = arith.constant 11776 : i32
      %add3A_1432 = arith.addi %add3A_1431, %mul3A_262 : i32
      %get3A_1433 = arith.index_cast %add3A_1432 : i32 to index
      %get3A_1434 = tpu.vector_load %arg6[%get3A_1433] {strides = array<i32>} : memref<16384xf32, #tpu.memory_space<vmem>>, vector<16xf32>,
      %jit3A_1435 = arith.constant 0xFF800000 : f32
      %broadcast_in_dim3A_1436 = vector.broadcast %jit3A_1435 : f32 to vector<16xf32>
      %select_n3A_1437 = arith.select %eq3A_1010, %get3A_1434, %broadcast_in_dim3A_1436 : vector<16xi1>, vector<16xf32>
      %swap3A_1438 = arith.constant 1760 : index
      %swap3A_1439 = tpu.vector_load %arg8[%swap3A_1438] {strides = array<i32>} : memref<2048xf32, #tpu.memory_space<vmem>>, vector<16xf32>,
      tpu.vector_store %arg8[%swap3A_1438], %select_n3A_1437 {strides = array<i32>} : memref<2048xf32, #tpu.memory_space<vmem>>, vector<16xf32>,
      %add3A_1440 = arith.constant 12032 : i32
      %add3A_1441 = arith.addi %add3A_1440, %mul3A_262 : i32
      %get3A_1442 = arith.index_cast %add3A_1441 : i32 to index
      %get3A_1443 = tpu.vector_load %arg6[%get3A_1442] {strides = array<i32>} : memref<16384xf32, #tpu.memory_space<vmem>>, vector<16xf32>,
      %jit3A_1444 = arith.constant 0xFF800000 : f32
      %broadcast_in_dim3A_1445 = vector.broadcast %jit3A_1444 : f32 to vector<16xf32>
      %select_n3A_1446 = arith.select %eq3A_1010, %get3A_1443, %broadcast_in_dim3A_1445 : vector<16xi1>, vector<16xf32>
      %swap3A_1447 = arith.constant 1776 : index
      %swap3A_1448 = tpu.vector_load %arg8[%swap3A_1447] {strides = array<i32>} : memref<2048xf32, #tpu.memory_space<vmem>>, vector<16xf32>,
      tpu.vector_store %arg8[%swap3A_1447], %select_n3A_1446 {strides = array<i32>} : memref<2048xf32, #tpu.memory_space<vmem>>, vector<16xf32>,
      %add3A_1449 = arith.constant 12288 : i32
      %add3A_1450 = arith.addi %add3A_1449, %mul3A_262 : i32
      %get3A_1451 = arith.index_cast %add3A_1450 : i32 to index
      %get3A_1452 = tpu.vector_load %arg6[%get3A_1451] {strides = array<i32>} : memref<16384xf32, #tpu.memory_space<vmem>>, vector<16xf32>,
      %jit3A_1453 = arith.constant 0xFF800000 : f32
      %broadcast_in_dim3A_1454 = vector.broadcast %jit3A_1453 : f32 to vector<16xf32>
      %select_n3A_1455 = arith.select %eq3A_1013, %get3A_1452, %broadcast_in_dim3A_1454 : vector<16xi1>, vector<16xf32>
      %swap3A_1456 = arith.constant 1792 : index
      %swap3A_1457 = tpu.vector_load %arg8[%swap3A_1456] {strides = array<i32>} : memref<2048xf32, #tpu.memory_space<vmem>>, vector<16xf32>,
      tpu.vector_store %arg8[%swap3A_1456], %select_n3A_1455 {strides = array<i32>} : memref<2048xf32, #tpu.memory_space<vmem>>, vector<16xf32>,
      %add3A_1458 = arith.constant 12544 : i32
      %add3A_1459 = arith.addi %add3A_1458, %mul3A_262 : i32
      %get3A_1460 = arith.index_cast %add3A_1459 : i32 to index
      %get3A_1461 = tpu.vector_load %arg6[%get3A_1460] {strides = array<i32>} : memref<16384xf32, #tpu.memory_space<vmem>>, vector<16xf32>,
      %jit3A_1462 = arith.constant 0xFF800000 : f32
      %broadcast_in_dim3A_1463 = vector.broadcast %jit3A_1462 : f32 to vector<16xf32>
      %select_n3A_1464 = arith.select %eq3A_1013, %get3A_1461, %broadcast_in_dim3A_1463 : vector<16xi1>, vector<16xf32>
      %swap3A_1465 = arith.constant 1808 : index
      %swap3A_1466 = tpu.vector_load %arg8[%swap3A_1465] {strides = array<i32>} : memref<2048xf32, #tpu.memory_space<vmem>>, vector<16xf32>,
      tpu.vector_store %arg8[%swap3A_1465], %select_n3A_1464 {strides = array<i32>} : memref<2048xf32, #tpu.memory_space<vmem>>, vector<16xf32>,
      %add3A_1467 = arith.constant 12800 : i32
      %add3A_1468 = arith.addi %add3A_1467, %mul3A_262 : i32
      %get3A_1469 = arith.index_cast %add3A_1468 : i32 to index
      %get3A_1470 = tpu.vector_load %arg6[%get3A_1469] {strides = array<i32>} : memref<16384xf32, #tpu.memory_space<vmem>>, vector<16xf32>,
      %jit3A_1471 = arith.constant 0xFF800000 : f32
      %broadcast_in_dim3A_1472 = vector.broadcast %jit3A_1471 : f32 to vector<16xf32>
      %select_n3A_1473 = arith.select %eq3A_1013, %get3A_1470, %broadcast_in_dim3A_1472 : vector<16xi1>, vector<16xf32>
      %swap3A_1474 = arith.constant 1824 : index
      %swap3A_1475 = tpu.vector_load %arg8[%swap3A_1474] {strides = array<i32>} : memref<2048xf32, #tpu.memory_space<vmem>>, vector<16xf32>,
      tpu.vector_store %arg8[%swap3A_1474], %select_n3A_1473 {strides = array<i32>} : memref<2048xf32, #tpu.memory_space<vmem>>, vector<16xf32>,
      %add3A_1476 = arith.constant 13056 : i32
      %add3A_1477 = arith.addi %add3A_1476, %mul3A_262 : i32
      %get3A_1478 = arith.index_cast %add3A_1477 : i32 to index
      %get3A_1479 = tpu.vector_load %arg6[%get3A_1478] {strides = array<i32>} : memref<16384xf32, #tpu.memory_space<vmem>>, vector<16xf32>,
      %jit3A_1480 = arith.constant 0xFF800000 : f32
      %broadcast_in_dim3A_1481 = vector.broadcast %jit3A_1480 : f32 to vector<16xf32>
      %select_n3A_1482 = arith.select %eq3A_1013, %get3A_1479, %broadcast_in_dim3A_1481 : vector<16xi1>, vector<16xf32>
      %swap3A_1483 = arith.constant 1840 : index
      %swap3A_1484 = tpu.vector_load %arg8[%swap3A_1483] {strides = array<i32>} : memref<2048xf32, #tpu.memory_space<vmem>>, vector<16xf32>,
      tpu.vector_store %arg8[%swap3A_1483], %select_n3A_1482 {strides = array<i32>} : memref<2048xf32, #tpu.memory_space<vmem>>, vector<16xf32>,
      %add3A_1485 = arith.constant 13312 : i32
      %add3A_1486 = arith.addi %add3A_1485, %mul3A_262 : i32
      %get3A_1487 = arith.index_cast %add3A_1486 : i32 to index
      %get3A_1488 = tpu.vector_load %arg6[%get3A_1487] {strides = array<i32>} : memref<16384xf32, #tpu.memory_space<vmem>>, vector<16xf32>,
      %jit3A_1489 = arith.constant 0xFF800000 : f32
      %broadcast_in_dim3A_1490 = vector.broadcast %jit3A_1489 : f32 to vector<16xf32>
      %select_n3A_1491 = arith.select %eq3A_1013, %get3A_1488, %broadcast_in_dim3A_1490 : vector<16xi1>, vector<16xf32>
      %swap3A_1492 = arith.constant 1856 : index
      %swap3A_1493 = tpu.vector_load %arg8[%swap3A_1492] {strides = array<i32>} : memref<2048xf32, #tpu.memory_space<vmem>>, vector<16xf32>,
      tpu.vector_store %arg8[%swap3A_1492], %select_n3A_1491 {strides = array<i32>} : memref<2048xf32, #tpu.memory_space<vmem>>, vector<16xf32>,
      %add3A_1494 = arith.constant 13568 : i32
      %add3A_1495 = arith.addi %add3A_1494, %mul3A_262 : i32
      %get3A_1496 = arith.index_cast %add3A_1495 : i32 to index
      %get3A_1497 = tpu.vector_load %arg6[%get3A_1496] {strides = array<i32>} : memref<16384xf32, #tpu.memory_space<vmem>>, vector<16xf32>,
      %jit3A_1498 = arith.constant 0xFF800000 : f32
      %broadcast_in_dim3A_1499 = vector.broadcast %jit3A_1498 : f32 to vector<16xf32>
      %select_n3A_1500 = arith.select %eq3A_1013, %get3A_1497, %broadcast_in_dim3A_1499 : vector<16xi1>, vector<16xf32>
      %swap3A_1501 = arith.constant 1872 : index
      %swap3A_1502 = tpu.vector_load %arg8[%swap3A_1501] {strides = array<i32>} : memref<2048xf32, #tpu.memory_space<vmem>>, vector<16xf32>,
      tpu.vector_store %arg8[%swap3A_1501], %select_n3A_1500 {strides = array<i32>} : memref<2048xf32, #tpu.memory_space<vmem>>, vector<16xf32>,
      %add3A_1503 = arith.constant 13824 : i32
      %add3A_1504 = arith.addi %add3A_1503, %mul3A_262 : i32
      %get3A_1505 = arith.index_cast %add3A_1504 : i32 to index
      %get3A_1506 = tpu.vector_load %arg6[%get3A_1505] {strides = array<i32>} : memref<16384xf32, #tpu.memory_space<vmem>>, vector<16xf32>,
      %jit3A_1507 = arith.constant 0xFF800000 : f32
      %broadcast_in_dim3A_1508 = vector.broadcast %jit3A_1507 : f32 to vector<16xf32>
      %select_n3A_1509 = arith.select %eq3A_1013, %get3A_1506, %broadcast_in_dim3A_1508 : vector<16xi1>, vector<16xf32>
      %swap3A_1510 = arith.constant 1888 : index
      %swap3A_1511 = tpu.vector_load %arg8[%swap3A_1510] {strides = array<i32>} : memref<2048xf32, #tpu.memory_space<vmem>>, vector<16xf32>,
      tpu.vector_store %arg8[%swap3A_1510], %select_n3A_1509 {strides = array<i32>} : memref<2048xf32, #tpu.memory_space<vmem>>, vector<16xf32>,
      %add3A_1512 = arith.constant 14080 : i32
      %add3A_1513 = arith.addi %add3A_1512, %mul3A_262 : i32
      %get3A_1514 = arith.index_cast %add3A_1513 : i32 to index
      %get3A_1515 = tpu.vector_load %arg6[%get3A_1514] {strides = array<i32>} : memref<16384xf32, #tpu.memory_space<vmem>>, vector<16xf32>,
      %jit3A_1516 = arith.constant 0xFF800000 : f32
      %broadcast_in_dim3A_1517 = vector.broadcast %jit3A_1516 : f32 to vector<16xf32>
      %select_n3A_1518 = arith.select %eq3A_1013, %get3A_1515, %broadcast_in_dim3A_1517 : vector<16xi1>, vector<16xf32>
      %swap3A_1519 = arith.constant 1904 : index
      %swap3A_1520 = tpu.vector_load %arg8[%swap3A_1519] {strides = array<i32>} : memref<2048xf32, #tpu.memory_space<vmem>>, vector<16xf32>,
      tpu.vector_store %arg8[%swap3A_1519], %select_n3A_1518 {strides = array<i32>} : memref<2048xf32, #tpu.memory_space<vmem>>, vector<16xf32>,
      %add3A_1521 = arith.constant 14336 : i32
      %add3A_1522 = arith.addi %add3A_1521, %mul3A_262 : i32
      %get3A_1523 = arith.index_cast %add3A_1522 : i32 to index
      %get3A_1524 = tpu.vector_load %arg6[%get3A_1523] {strides = array<i32>} : memref<16384xf32, #tpu.memory_space<vmem>>, vector<16xf32>,
      %jit3A_1525 = arith.constant 0xFF800000 : f32
      %broadcast_in_dim3A_1526 = vector.broadcast %jit3A_1525 : f32 to vector<16xf32>
      %select_n3A_1527 = arith.select %eq3A_1016, %get3A_1524, %broadcast_in_dim3A_1526 : vector<16xi1>, vector<16xf32>
      %swap3A_1528 = arith.constant 1920 : index
      %swap3A_1529 = tpu.vector_load %arg8[%swap3A_1528] {strides = array<i32>} : memref<2048xf32, #tpu.memory_space<vmem>>, vector<16xf32>,
      tpu.vector_store %arg8[%swap3A_1528], %select_n3A_1527 {strides = array<i32>} : memref<2048xf32, #tpu.memory_space<vmem>>, vector<16xf32>,
      %add3A_1530 = arith.constant 14592 : i32
      %add3A_1531 = arith.addi %add3A_1530, %mul3A_262 : i32
      %get3A_1532 = arith.index_cast %add3A_1531 : i32 to index
      %get3A_1533 = tpu.vector_load %arg6[%get3A_1532] {strides = array<i32>} : memref<16384xf32, #tpu.memory_space<vmem>>, vector<16xf32>,
      %jit3A_1534 = arith.constant 0xFF800000 : f32
      %broadcast_in_dim3A_1535 = vector.broadcast %jit3A_1534 : f32 to vector<16xf32>
      %select_n3A_1536 = arith.select %eq3A_1016, %get3A_1533, %broadcast_in_dim3A_1535 : vector<16xi1>, vector<16xf32>
      %swap3A_1537 = arith.constant 1936 : index
      %swap3A_1538 = tpu.vector_load %arg8[%swap3A_1537] {strides = array<i32>} : memref<2048xf32, #tpu.memory_space<vmem>>, vector<16xf32>,
      tpu.vector_store %arg8[%swap3A_1537], %select_n3A_1536 {strides = array<i32>} : memref<2048xf32, #tpu.memory_space<vmem>>, vector<16xf32>,
      %add3A_1539 = arith.constant 14848 : i32
      %add3A_1540 = arith.addi %add3A_1539, %mul3A_262 : i32
      %get3A_1541 = arith.index_cast %add3A_1540 : i32 to index
      %get3A_1542 = tpu.vector_load %arg6[%get3A_1541] {strides = array<i32>} : memref<16384xf32, #tpu.memory_space<vmem>>, vector<16xf32>,
      %jit3A_1543 = arith.constant 0xFF800000 : f32
      %broadcast_in_dim3A_1544 = vector.broadcast %jit3A_1543 : f32 to vector<16xf32>
      %select_n3A_1545 = arith.select %eq3A_1016, %get3A_1542, %broadcast_in_dim3A_1544 : vector<16xi1>, vector<16xf32>
      %swap3A_1546 = arith.constant 1952 : index
      %swap3A_1547 = tpu.vector_load %arg8[%swap3A_1546] {strides = array<i32>} : memref<2048xf32, #tpu.memory_space<vmem>>, vector<16xf32>,
      tpu.vector_store %arg8[%swap3A_1546], %select_n3A_1545 {strides = array<i32>} : memref<2048xf32, #tpu.memory_space<vmem>>, vector<16xf32>,
      %add3A_1548 = arith.constant 15104 : i32
      %add3A_1549 = arith.addi %add3A_1548, %mul3A_262 : i32
      %get3A_1550 = arith.index_cast %add3A_1549 : i32 to index
      %get3A_1551 = tpu.vector_load %arg6[%get3A_1550] {strides = array<i32>} : memref<16384xf32, #tpu.memory_space<vmem>>, vector<16xf32>,
      %jit3A_1552 = arith.constant 0xFF800000 : f32
      %broadcast_in_dim3A_1553 = vector.broadcast %jit3A_1552 : f32 to vector<16xf32>
      %select_n3A_1554 = arith.select %eq3A_1016, %get3A_1551, %broadcast_in_dim3A_1553 : vector<16xi1>, vector<16xf32>
      %swap3A_1555 = arith.constant 1968 : index
      %swap3A_1556 = tpu.vector_load %arg8[%swap3A_1555] {strides = array<i32>} : memref<2048xf32, #tpu.memory_space<vmem>>, vector<16xf32>,
      tpu.vector_store %arg8[%swap3A_1555], %select_n3A_1554 {strides = array<i32>} : memref<2048xf32, #tpu.memory_space<vmem>>, vector<16xf32>,
      %add3A_1557 = arith.constant 15360 : i32
      %add3A_1558 = arith.addi %add3A_1557, %mul3A_262 : i32
      %get3A_1559 = arith.index_cast %add3A_1558 : i32 to index
      %get3A_1560 = tpu.vector_load %arg6[%get3A_1559] {strides = array<i32>} : memref<16384xf32, #tpu.memory_space<vmem>>, vector<16xf32>,
      %jit3A_1561 = arith.constant 0xFF800000 : f32
      %broadcast_in_dim3A_1562 = vector.broadcast %jit3A_1561 : f32 to vector<16xf32>
      %select_n3A_1563 = arith.select %eq3A_1016, %get3A_1560, %broadcast_in_dim3A_1562 : vector<16xi1>, vector<16xf32>
      %swap3A_1564 = arith.constant 1984 : index
      %swap3A_1565 = tpu.vector_load %arg8[%swap3A_1564] {strides = array<i32>} : memref<2048xf32, #tpu.memory_space<vmem>>, vector<16xf32>,
      tpu.vector_store %arg8[%swap3A_1564], %select_n3A_1563 {strides = array<i32>} : memref<2048xf32, #tpu.memory_space<vmem>>, vector<16xf32>,
      %add3A_1566 = arith.constant 15616 : i32
      %add3A_1567 = arith.addi %add3A_1566, %mul3A_262 : i32
      %get3A_1568 = arith.index_cast %add3A_1567 : i32 to index
      %get3A_1569 = tpu.vector_load %arg6[%get3A_1568] {strides = array<i32>} : memref<16384xf32, #tpu.memory_space<vmem>>, vector<16xf32>,
      %jit3A_1570 = arith.constant 0xFF800000 : f32
      %broadcast_in_dim3A_1571 = vector.broadcast %jit3A_1570 : f32 to vector<16xf32>
      %select_n3A_1572 = arith.select %eq3A_1016, %get3A_1569, %broadcast_in_dim3A_1571 : vector<16xi1>, vector<16xf32>
      %swap3A_1573 = arith.constant 2000 : index
      %swap3A_1574 = tpu.vector_load %arg8[%swap3A_1573] {strides = array<i32>} : memref<2048xf32, #tpu.memory_space<vmem>>, vector<16xf32>,
      tpu.vector_store %arg8[%swap3A_1573], %select_n3A_1572 {strides = array<i32>} : memref<2048xf32, #tpu.memory_space<vmem>>, vector<16xf32>,
      %add3A_1575 = arith.constant 15872 : i32
      %add3A_1576 = arith.addi %add3A_1575, %mul3A_262 : i32
      %get3A_1577 = arith.index_cast %add3A_1576 : i32 to index
      %get3A_1578 = tpu.vector_load %arg6[%get3A_1577] {strides = array<i32>} : memref<16384xf32, #tpu.memory_space<vmem>>, vector<16xf32>,
      %jit3A_1579 = arith.constant 0xFF800000 : f32
      %broadcast_in_dim3A_1580 = vector.broadcast %jit3A_1579 : f32 to vector<16xf32>
      %select_n3A_1581 = arith.select %eq3A_1016, %get3A_1578, %broadcast_in_dim3A_1580 : vector<16xi1>, vector<16xf32>
      %swap3A_1582 = arith.constant 2016 : index
      %swap3A_1583 = tpu.vector_load %arg8[%swap3A_1582] {strides = array<i32>} : memref<2048xf32, #tpu.memory_space<vmem>>, vector<16xf32>,
      tpu.vector_store %arg8[%swap3A_1582], %select_n3A_1581 {strides = array<i32>} : memref<2048xf32, #tpu.memory_space<vmem>>, vector<16xf32>,
      %add3A_1584 = arith.constant 16128 : i32
      %add3A_1585 = arith.addi %add3A_1584, %mul3A_262 : i32
      %get3A_1586 = arith.index_cast %add3A_1585 : i32 to index
      %get3A_1587 = tpu.vector_load %arg6[%get3A_1586] {strides = array<i32>} : memref<16384xf32, #tpu.memory_space<vmem>>, vector<16xf32>,
      %jit3A_1588 = arith.constant 0xFF800000 : f32
      %broadcast_in_dim3A_1589 = vector.broadcast %jit3A_1588 : f32 to vector<16xf32>
      %select_n3A_1590 = arith.select %eq3A_1016, %get3A_1587, %broadcast_in_dim3A_1589 : vector<16xi1>, vector<16xf32>
      %swap3A_1591 = arith.constant 2032 : index
      %swap3A_1592 = tpu.vector_load %arg8[%swap3A_1591] {strides = array<i32>} : memref<2048xf32, #tpu.memory_space<vmem>>, vector<16xf32>,
      tpu.vector_store %arg8[%swap3A_1591], %select_n3A_1590 {strides = array<i32>} : memref<2048xf32, #tpu.memory_space<vmem>>, vector<16xf32>,
      %get3A_1593 = arith.constant 2016 : index
      %get3A_1594 = tpu.vector_load %arg8[%get3A_1593] {strides = array<i32>} : memref<2048xf32, #tpu.memory_space<vmem>>, vector<16xf32>,
      %get3A_1595 = arith.constant 2032 : index
      %get3A_1596 = tpu.vector_load %arg8[%get3A_1595] {strides = array<i32>} : memref<2048xf32, #tpu.memory_space<vmem>>, vector<16xf32>,
      %get3A_1597 = arith.constant 2016 : index
      %get3A_1598 = tpu.vector_load %arg9[%get3A_1597] {strides = array<i32>} : memref<2048xi32, #tpu.memory_space<vmem>>, vector<16xi32>,
      %get3A_1599 = arith.constant 2032 : index
      %get3A_1600 = tpu.vector_load %arg9[%get3A_1599] {strides = array<i32>} : memref<2048xi32, #tpu.memory_space<vmem>>, vector<16xi32>,
      %ge3A_1601 = arith.cmpf oge, %get3A_1594, %get3A_1596 : vector<16xf32>
      %select_n3A_1602 = arith.select %ge3A_1601, %get3A_1594, %get3A_1596 : vector<16xi1>, vector<16xf32>
      %swap3A_1603 = arith.constant 1008 : index
      %swap3A_1604 = tpu.vector_load %arg8[%swap3A_1603] {strides = array<i32>} : memref<2048xf32, #tpu.memory_space<vmem>>, vector<16xf32>,
      tpu.vector_store %arg8[%swap3A_1603], %select_n3A_1602 {strides = array<i32>} : memref<2048xf32, #tpu.memory_space<vmem>>, vector<16xf32>,
      %select_n3A_1605 = arith.select %ge3A_1601, %get3A_1598, %get3A_1600 : vector<16xi1>, vector<16xi32>
      %swap3A_1606 = arith.constant 1008 : index
      %swap3A_1607 = tpu.vector_load %arg9[%swap3A_1606] {strides = array<i32>} : memref<2048xi32, #tpu.memory_space<vmem>>, vector<16xi32>,
      tpu.vector_store %arg9[%swap3A_1606], %select_n3A_1605 {strides = array<i32>} : memref<2048xi32, #tpu.memory_space<vmem>>, vector<16xi32>,
      %get3A_1608 = arith.constant 1984 : index
      %get3A_1609 = tpu.vector_load %arg8[%get3A_1608] {strides = array<i32>} : memref<2048xf32, #tpu.memory_space<vmem>>, vector<16xf32>,
      %get3A_1610 = arith.constant 2000 : index
      %get3A_1611 = tpu.vector_load %arg8[%get3A_1610] {strides = array<i32>} : memref<2048xf32, #tpu.memory_space<vmem>>, vector<16xf32>,
      %get3A_1612 = arith.constant 1984 : index
      %get3A_1613 = tpu.vector_load %arg9[%get3A_1612] {strides = array<i32>} : memref<2048xi32, #tpu.memory_space<vmem>>, vector<16xi32>,
      %get3A_1614 = arith.constant 2000 : index
      %get3A_1615 = tpu.vector_load %arg9[%get3A_1614] {strides = array<i32>} : memref<2048xi32, #tpu.memory_space<vmem>>, vector<16xi32>,
      %ge3A_1616 = arith.cmpf oge, %get3A_1609, %get3A_1611 : vector<16xf32>
      %select_n3A_1617 = arith.select %ge3A_1616, %get3A_1609, %get3A_1611 : vector<16xi1>, vector<16xf32>
      %swap3A_1618 = arith.constant 992 : index
      %swap3A_1619 = tpu.vector_load %arg8[%swap3A_1618] {strides = array<i32>} : memref<2048xf32, #tpu.memory_space<vmem>>, vector<16xf32>,
      tpu.vector_store %arg8[%swap3A_1618], %select_n3A_1617 {strides = array<i32>} : memref<2048xf32, #tpu.memory_space<vmem>>, vector<16xf32>,
      %select_n3A_1620 = arith.select %ge3A_1616, %get3A_1613, %get3A_1615 : vector<16xi1>, vector<16xi32>
      %swap3A_1621 = arith.constant 992 : index
      %swap3A_1622 = tpu.vector_load %arg9[%swap3A_1621] {strides = array<i32>} : memref<2048xi32, #tpu.memory_space<vmem>>, vector<16xi32>,
      tpu.vector_store %arg9[%swap3A_1621], %select_n3A_1620 {strides = array<i32>} : memref<2048xi32, #tpu.memory_space<vmem>>, vector<16xi32>,
      %get3A_1623 = arith.constant 1952 : index
      %get3A_1624 = tpu.vector_load %arg8[%get3A_1623] {strides = array<i32>} : memref<2048xf32, #tpu.memory_space<vmem>>, vector<16xf32>,
      %get3A_1625 = arith.constant 1968 : index
      %get3A_1626 = tpu.vector_load %arg8[%get3A_1625] {strides = array<i32>} : memref<2048xf32, #tpu.memory_space<vmem>>, vector<16xf32>,
      %get3A_1627 = arith.constant 1952 : index
      %get3A_1628 = tpu.vector_load %arg9[%get3A_1627] {strides = array<i32>} : memref<2048xi32, #tpu.memory_space<vmem>>, vector<16xi32>,
      %get3A_1629 = arith.constant 1968 : index
      %get3A_1630 = tpu.vector_load %arg9[%get3A_1629] {strides = array<i32>} : memref<2048xi32, #tpu.memory_space<vmem>>, vector<16xi32>,
      %ge3A_1631 = arith.cmpf oge, %get3A_1624, %get3A_1626 : vector<16xf32>
      %select_n3A_1632 = arith.select %ge3A_1631, %get3A_1624, %get3A_1626 : vector<16xi1>, vector<16xf32>
      %swap3A_1633 = arith.constant 976 : index
      %swap3A_1634 = tpu.vector_load %arg8[%swap3A_1633] {strides = array<i32>} : memref<2048xf32, #tpu.memory_space<vmem>>, vector<16xf32>,
      tpu.vector_store %arg8[%swap3A_1633], %select_n3A_1632 {strides = array<i32>} : memref<2048xf32, #tpu.memory_space<vmem>>, vector<16xf32>,
      %select_n3A_1635 = arith.select %ge3A_1631, %get3A_1628, %get3A_1630 : vector<16xi1>, vector<16xi32>
      %swap3A_1636 = arith.constant 976 : index
      %swap3A_1637 = tpu.vector_load %arg9[%swap3A_1636] {strides = array<i32>} : memref<2048xi32, #tpu.memory_space<vmem>>, vector<16xi32>,
      tpu.vector_store %arg9[%swap3A_1636], %select_n3A_1635 {strides = array<i32>} : memref<2048xi32, #tpu.memory_space<vmem>>, vector<16xi32>,
      %get3A_1638 = arith.constant 1920 : index
      %get3A_1639 = tpu.vector_load %arg8[%get3A_1638] {strides = array<i32>} : memref<2048xf32, #tpu.memory_space<vmem>>, vector<16xf32>,
      %get3A_1640 = arith.constant 1936 : index
      %get3A_1641 = tpu.vector_load %arg8[%get3A_1640] {strides = array<i32>} : memref<2048xf32, #tpu.memory_space<vmem>>, vector<16xf32>,
      %get3A_1642 = arith.constant 1920 : index
      %get3A_1643 = tpu.vector_load %arg9[%get3A_1642] {strides = array<i32>} : memref<2048xi32, #tpu.memory_space<vmem>>, vector<16xi32>,
      %get3A_1644 = arith.constant 1936 : index
      %get3A_1645 = tpu.vector_load %arg9[%get3A_1644] {strides = array<i32>} : memref<2048xi32, #tpu.memory_space<vmem>>, vector<16xi32>,
      %ge3A_1646 = arith.cmpf oge, %get3A_1639, %get3A_1641 : vector<16xf32>
      %select_n3A_1647 = arith.select %ge3A_1646, %get3A_1639, %get3A_1641 : vector<16xi1>, vector<16xf32>
      %swap3A_1648 = arith.constant 960 : index
      %swap3A_1649 = tpu.vector_load %arg8[%swap3A_1648] {strides = array<i32>} : memref<2048xf32, #tpu.memory_space<vmem>>, vector<16xf32>,
      tpu.vector_store %arg8[%swap3A_1648], %select_n3A_1647 {strides = array<i32>} : memref<2048xf32, #tpu.memory_space<vmem>>, vector<16xf32>,
      %select_n3A_1650 = arith.select %ge3A_1646, %get3A_1643, %get3A_1645 : vector<16xi1>, vector<16xi32>
      %swap3A_1651 = arith.constant 960 : index
      %swap3A_1652 = tpu.vector_load %arg9[%swap3A_1651] {strides = array<i32>} : memref<2048xi32, #tpu.memory_space<vmem>>, vector<16xi32>,
      tpu.vector_store %arg9[%swap3A_1651], %select_n3A_1650 {strides = array<i32>} : memref<2048xi32, #tpu.memory_space<vmem>>, vector<16xi32>,
      %get3A_1653 = arith.constant 1888 : index
      %get3A_1654 = tpu.vector_load %arg8[%get3A_1653] {strides = array<i32>} : memref<2048xf32, #tpu.memory_space<vmem>>, vector<16xf32>,
      %get3A_1655 = arith.constant 1904 : index
      %get3A_1656 = tpu.vector_load %arg8[%get3A_1655] {strides = array<i32>} : memref<2048xf32, #tpu.memory_space<vmem>>, vector<16xf32>,
      %get3A_1657 = arith.constant 1888 : index
      %get3A_1658 = tpu.vector_load %arg9[%get3A_1657] {strides = array<i32>} : memref<2048xi32, #tpu.memory_space<vmem>>, vector<16xi32>,
      %get3A_1659 = arith.constant 1904 : index
      %get3A_1660 = tpu.vector_load %arg9[%get3A_1659] {strides = array<i32>} : memref<2048xi32, #tpu.memory_space<vmem>>, vector<16xi32>,
      %ge3A_1661 = arith.cmpf oge, %get3A_1654, %get3A_1656 : vector<16xf32>
      %select_n3A_1662 = arith.select %ge3A_1661, %get3A_1654, %get3A_1656 : vector<16xi1>, vector<16xf32>
      %swap3A_1663 = arith.constant 944 : index
      %swap3A_1664 = tpu.vector_load %arg8[%swap3A_1663] {strides = array<i32>} : memref<2048xf32, #tpu.memory_space<vmem>>, vector<16xf32>,
      tpu.vector_store %arg8[%swap3A_1663], %select_n3A_1662 {strides = array<i32>} : memref<2048xf32, #tpu.memory_space<vmem>>, vector<16xf32>,
      %select_n3A_1665 = arith.select %ge3A_1661, %get3A_1658, %get3A_1660 : vector<16xi1>, vector<16xi32>
      %swap3A_1666 = arith.constant 944 : index
      %swap3A_1667 = tpu.vector_load %arg9[%swap3A_1666] {strides = array<i32>} : memref<2048xi32, #tpu.memory_space<vmem>>, vector<16xi32>,
      tpu.vector_store %arg9[%swap3A_1666], %select_n3A_1665 {strides = array<i32>} : memref<2048xi32, #tpu.memory_space<vmem>>, vector<16xi32>,
      %get3A_1668 = arith.constant 1856 : index
      %get3A_1669 = tpu.vector_load %arg8[%get3A_1668] {strides = array<i32>} : memref<2048xf32, #tpu.memory_space<vmem>>, vector<16xf32>,
      %get3A_1670 = arith.constant 1872 : index
      %get3A_1671 = tpu.vector_load %arg8[%get3A_1670] {strides = array<i32>} : memref<2048xf32, #tpu.memory_space<vmem>>, vector<16xf32>,
      %get3A_1672 = arith.constant 1856 : index
      %get3A_1673 = tpu.vector_load %arg9[%get3A_1672] {strides = array<i32>} : memref<2048xi32, #tpu.memory_space<vmem>>, vector<16xi32>,
      %get3A_1674 = arith.constant 1872 : index
      %get3A_1675 = tpu.vector_load %arg9[%get3A_1674] {strides = array<i32>} : memref<2048xi32, #tpu.memory_space<vmem>>, vector<16xi32>,
      %ge3A_1676 = arith.cmpf oge, %get3A_1669, %get3A_1671 : vector<16xf32>
      %select_n3A_1677 = arith.select %ge3A_1676, %get3A_1669, %get3A_1671 : vector<16xi1>, vector<16xf32>
      %swap3A_1678 = arith.constant 928 : index
      %swap3A_1679 = tpu.vector_load %arg8[%swap3A_1678] {strides = array<i32>} : memref<2048xf32, #tpu.memory_space<vmem>>, vector<16xf32>,
      tpu.vector_store %arg8[%swap3A_1678], %select_n3A_1677 {strides = array<i32>} : memref<2048xf32, #tpu.memory_space<vmem>>, vector<16xf32>,
      %select_n3A_1680 = arith.select %ge3A_1676, %get3A_1673, %get3A_1675 : vector<16xi1>, vector<16xi32>
      %swap3A_1681 = arith.constant 928 : index
      %swap3A_1682 = tpu.vector_load %arg9[%swap3A_1681] {strides = array<i32>} : memref<2048xi32, #tpu.memory_space<vmem>>, vector<16xi32>,
      tpu.vector_store %arg9[%swap3A_1681], %select_n3A_1680 {strides = array<i32>} : memref<2048xi32, #tpu.memory_space<vmem>>, vector<16xi32>,
      %get3A_1683 = arith.constant 1824 : index
      %get3A_1684 = tpu.vector_load %arg8[%get3A_1683] {strides = array<i32>} : memref<2048xf32, #tpu.memory_space<vmem>>, vector<16xf32>,
      %get3A_1685 = arith.constant 1840 : index
      %get3A_1686 = tpu.vector_load %arg8[%get3A_1685] {strides = array<i32>} : memref<2048xf32, #tpu.memory_space<vmem>>, vector<16xf32>,
      %get3A_1687 = arith.constant 1824 : index
      %get3A_1688 = tpu.vector_load %arg9[%get3A_1687] {strides = array<i32>} : memref<2048xi32, #tpu.memory_space<vmem>>, vector<16xi32>,
      %get3A_1689 = arith.constant 1840 : index
      %get3A_1690 = tpu.vector_load %arg9[%get3A_1689] {strides = array<i32>} : memref<2048xi32, #tpu.memory_space<vmem>>, vector<16xi32>,
      %ge3A_1691 = arith.cmpf oge, %get3A_1684, %get3A_1686 : vector<16xf32>
      %select_n3A_1692 = arith.select %ge3A_1691, %get3A_1684, %get3A_1686 : vector<16xi1>, vector<16xf32>
      %swap3A_1693 = arith.constant 912 : index
      %swap3A_1694 = tpu.vector_load %arg8[%swap3A_1693] {strides = array<i32>} : memref<2048xf32, #tpu.memory_space<vmem>>, vector<16xf32>,
      tpu.vector_store %arg8[%swap3A_1693], %select_n3A_1692 {strides = array<i32>} : memref<2048xf32, #tpu.memory_space<vmem>>, vector<16xf32>,
      %select_n3A_1695 = arith.select %ge3A_1691, %get3A_1688, %get3A_1690 : vector<16xi1>, vector<16xi32>
      %swap3A_1696 = arith.constant 912 : index
      %swap3A_1697 = tpu.vector_load %arg9[%swap3A_1696] {strides = array<i32>} : memref<2048xi32, #tpu.memory_space<vmem>>, vector<16xi32>,
      tpu.vector_store %arg9[%swap3A_1696], %select_n3A_1695 {strides = array<i32>} : memref<2048xi32, #tpu.memory_space<vmem>>, vector<16xi32>,
      %get3A_1698 = arith.constant 1792 : index
      %get3A_1699 = tpu.vector_load %arg8[%get3A_1698] {strides = array<i32>} : memref<2048xf32, #tpu.memory_space<vmem>>, vector<16xf32>,
      %get3A_1700 = arith.constant 1808 : index
      %get3A_1701 = tpu.vector_load %arg8[%get3A_1700] {strides = array<i32>} : memref<2048xf32, #tpu.memory_space<vmem>>, vector<16xf32>,
      %get3A_1702 = arith.constant 1792 : index
      %get3A_1703 = tpu.vector_load %arg9[%get3A_1702] {strides = array<i32>} : memref<2048xi32, #tpu.memory_space<vmem>>, vector<16xi32>,
      %get3A_1704 = arith.constant 1808 : index
      %get3A_1705 = tpu.vector_load %arg9[%get3A_1704] {strides = array<i32>} : memref<2048xi32, #tpu.memory_space<vmem>>, vector<16xi32>,
      %ge3A_1706 = arith.cmpf oge, %get3A_1699, %get3A_1701 : vector<16xf32>
      %select_n3A_1707 = arith.select %ge3A_1706, %get3A_1699, %get3A_1701 : vector<16xi1>, vector<16xf32>
      %swap3A_1708 = arith.constant 896 : index
      %swap3A_1709 = tpu.vector_load %arg8[%swap3A_1708] {strides = array<i32>} : memref<2048xf32, #tpu.memory_space<vmem>>, vector<16xf32>,
      tpu.vector_store %arg8[%swap3A_1708], %select_n3A_1707 {strides = array<i32>} : memref<2048xf32, #tpu.memory_space<vmem>>, vector<16xf32>,
      %select_n3A_1710 = arith.select %ge3A_1706, %get3A_1703, %get3A_1705 : vector<16xi1>, vector<16xi32>
      %swap3A_1711 = arith.constant 896 : index
      %swap3A_1712 = tpu.vector_load %arg9[%swap3A_1711] {strides = array<i32>} : memref<2048xi32, #tpu.memory_space<vmem>>, vector<16xi32>,
      tpu.vector_store %arg9[%swap3A_1711], %select_n3A_1710 {strides = array<i32>} : memref<2048xi32, #tpu.memory_space<vmem>>, vector<16xi32>,
      %get3A_1713 = arith.constant 1760 : index
      %get3A_1714 = tpu.vector_load %arg8[%get3A_1713] {strides = array<i32>} : memref<2048xf32, #tpu.memory_space<vmem>>, vector<16xf32>,
      %get3A_1715 = arith.constant 1776 : index
      %get3A_1716 = tpu.vector_load %arg8[%get3A_1715] {strides = array<i32>} : memref<2048xf32, #tpu.memory_space<vmem>>, vector<16xf32>,
      %get3A_1717 = arith.constant 1760 : index
      %get3A_1718 = tpu.vector_load %arg9[%get3A_1717] {strides = array<i32>} : memref<2048xi32, #tpu.memory_space<vmem>>, vector<16xi32>,
      %get3A_1719 = arith.constant 1776 : index
      %get3A_1720 = tpu.vector_load %arg9[%get3A_1719] {strides = array<i32>} : memref<2048xi32, #tpu.memory_space<vmem>>, vector<16xi32>,
      %ge3A_1721 = arith.cmpf oge, %get3A_1714, %get3A_1716 : vector<16xf32>
      %select_n3A_1722 = arith.select %ge3A_1721, %get3A_1714, %get3A_1716 : vector<16xi1>, vector<16xf32>
      %swap3A_1723 = arith.constant 880 : index
      %swap3A_1724 = tpu.vector_load %arg8[%swap3A_1723] {strides = array<i32>} : memref<2048xf32, #tpu.memory_space<vmem>>, vector<16xf32>,
      tpu.vector_store %arg8[%swap3A_1723], %select_n3A_1722 {strides = array<i32>} : memref<2048xf32, #tpu.memory_space<vmem>>, vector<16xf32>,
      %select_n3A_1725 = arith.select %ge3A_1721, %get3A_1718, %get3A_1720 : vector<16xi1>, vector<16xi32>
      %swap3A_1726 = arith.constant 880 : index
      %swap3A_1727 = tpu.vector_load %arg9[%swap3A_1726] {strides = array<i32>} : memref<2048xi32, #tpu.memory_space<vmem>>, vector<16xi32>,
      tpu.vector_store %arg9[%swap3A_1726], %select_n3A_1725 {strides = array<i32>} : memref<2048xi32, #tpu.memory_space<vmem>>, vector<16xi32>,
      %get3A_1728 = arith.constant 1728 : index
      %get3A_1729 = tpu.vector_load %arg8[%get3A_1728] {strides = array<i32>} : memref<2048xf32, #tpu.memory_space<vmem>>, vector<16xf32>,
      %get3A_1730 = arith.constant 1744 : index
      %get3A_1731 = tpu.vector_load %arg8[%get3A_1730] {strides = array<i32>} : memref<2048xf32, #tpu.memory_space<vmem>>, vector<16xf32>,
      %get3A_1732 = arith.constant 1728 : index
      %get3A_1733 = tpu.vector_load %arg9[%get3A_1732] {strides = array<i32>} : memref<2048xi32, #tpu.memory_space<vmem>>, vector<16xi32>,
      %get3A_1734 = arith.constant 1744 : index
      %get3A_1735 = tpu.vector_load %arg9[%get3A_1734] {strides = array<i32>} : memref<2048xi32, #tpu.memory_space<vmem>>, vector<16xi32>,
      %ge3A_1736 = arith.cmpf oge, %get3A_1729, %get3A_1731 : vector<16xf32>
      %select_n3A_1737 = arith.select %ge3A_1736, %get3A_1729, %get3A_1731 : vector<16xi1>, vector<16xf32>
      %swap3A_1738 = arith.constant 864 : index
      %swap3A_1739 = tpu.vector_load %arg8[%swap3A_1738] {strides = array<i32>} : memref<2048xf32, #tpu.memory_space<vmem>>, vector<16xf32>,
      tpu.vector_store %arg8[%swap3A_1738], %select_n3A_1737 {strides = array<i32>} : memref<2048xf32, #tpu.memory_space<vmem>>, vector<16xf32>,
      %select_n3A_1740 = arith.select %ge3A_1736, %get3A_1733, %get3A_1735 : vector<16xi1>, vector<16xi32>
      %swap3A_1741 = arith.constant 864 : index
      %swap3A_1742 = tpu.vector_load %arg9[%swap3A_1741] {strides = array<i32>} : memref<2048xi32, #tpu.memory_space<vmem>>, vector<16xi32>,
      tpu.vector_store %arg9[%swap3A_1741], %select_n3A_1740 {strides = array<i32>} : memref<2048xi32, #tpu.memory_space<vmem>>, vector<16xi32>,
      %get3A_1743 = arith.constant 1696 : index
      %get3A_1744 = tpu.vector_load %arg8[%get3A_1743] {strides = array<i32>} : memref<2048xf32, #tpu.memory_space<vmem>>, vector<16xf32>,
      %get3A_1745 = arith.constant 1712 : index
      %get3A_1746 = tpu.vector_load %arg8[%get3A_1745] {strides = array<i32>} : memref<2048xf32, #tpu.memory_space<vmem>>, vector<16xf32>,
      %get3A_1747 = arith.constant 1696 : index
      %get3A_1748 = tpu.vector_load %arg9[%get3A_1747] {strides = array<i32>} : memref<2048xi32, #tpu.memory_space<vmem>>, vector<16xi32>,
      %get3A_1749 = arith.constant 1712 : index
      %get3A_1750 = tpu.vector_load %arg9[%get3A_1749] {strides = array<i32>} : memref<2048xi32, #tpu.memory_space<vmem>>, vector<16xi32>,
      %ge3A_1751 = arith.cmpf oge, %get3A_1744, %get3A_1746 : vector<16xf32>
      %select_n3A_1752 = arith.select %ge3A_1751, %get3A_1744, %get3A_1746 : vector<16xi1>, vector<16xf32>
      %swap3A_1753 = arith.constant 848 : index
      %swap3A_1754 = tpu.vector_load %arg8[%swap3A_1753] {strides = array<i32>} : memref<2048xf32, #tpu.memory_space<vmem>>, vector<16xf32>,
      tpu.vector_store %arg8[%swap3A_1753], %select_n3A_1752 {strides = array<i32>} : memref<2048xf32, #tpu.memory_space<vmem>>, vector<16xf32>,
      %select_n3A_1755 = arith.select %ge3A_1751, %get3A_1748, %get3A_1750 : vector<16xi1>, vector<16xi32>
      %swap3A_1756 = arith.constant 848 : index
      %swap3A_1757 = tpu.vector_load %arg9[%swap3A_1756] {strides = array<i32>} : memref<2048xi32, #tpu.memory_space<vmem>>, vector<16xi32>,
      tpu.vector_store %arg9[%swap3A_1756], %select_n3A_1755 {strides = array<i32>} : memref<2048xi32, #tpu.memory_space<vmem>>, vector<16xi32>,
      %get3A_1758 = arith.constant 1664 : index
      %get3A_1759 = tpu.vector_load %arg8[%get3A_1758] {strides = array<i32>} : memref<2048xf32, #tpu.memory_space<vmem>>, vector<16xf32>,
      %get3A_1760 = arith.constant 1680 : index
      %get3A_1761 = tpu.vector_load %arg8[%get3A_1760] {strides = array<i32>} : memref<2048xf32, #tpu.memory_space<vmem>>, vector<16xf32>,
      %get3A_1762 = arith.constant 1664 : index
      %get3A_1763 = tpu.vector_load %arg9[%get3A_1762] {strides = array<i32>} : memref<2048xi32, #tpu.memory_space<vmem>>, vector<16xi32>,
      %get3A_1764 = arith.constant 1680 : index
      %get3A_1765 = tpu.vector_load %arg9[%get3A_1764] {strides = array<i32>} : memref<2048xi32, #tpu.memory_space<vmem>>, vector<16xi32>,
      %ge3A_1766 = arith.cmpf oge, %get3A_1759, %get3A_1761 : vector<16xf32>
      %select_n3A_1767 = arith.select %ge3A_1766, %get3A_1759, %get3A_1761 : vector<16xi1>, vector<16xf32>
      %swap3A_1768 = arith.constant 832 : index
      %swap3A_1769 = tpu.vector_load %arg8[%swap3A_1768] {strides = array<i32>} : memref<2048xf32, #tpu.memory_space<vmem>>, vector<16xf32>,
      tpu.vector_store %arg8[%swap3A_1768], %select_n3A_1767 {strides = array<i32>} : memref<2048xf32, #tpu.memory_space<vmem>>, vector<16xf32>,
      %select_n3A_1770 = arith.select %ge3A_1766, %get3A_1763, %get3A_1765 : vector<16xi1>, vector<16xi32>
      %swap3A_1771 = arith.constant 832 : index
      %swap3A_1772 = tpu.vector_load %arg9[%swap3A_1771] {strides = array<i32>} : memref<2048xi32, #tpu.memory_space<vmem>>, vector<16xi32>,
      tpu.vector_store %arg9[%swap3A_1771], %select_n3A_1770 {strides = array<i32>} : memref<2048xi32, #tpu.memory_space<vmem>>, vector<16xi32>,
      %get3A_1773 = arith.constant 1632 : index
      %get3A_1774 = tpu.vector_load %arg8[%get3A_1773] {strides = array<i32>} : memref<2048xf32, #tpu.memory_space<vmem>>, vector<16xf32>,
      %get3A_1775 = arith.constant 1648 : index
      %get3A_1776 = tpu.vector_load %arg8[%get3A_1775] {strides = array<i32>} : memref<2048xf32, #tpu.memory_space<vmem>>, vector<16xf32>,
      %get3A_1777 = arith.constant 1632 : index
      %get3A_1778 = tpu.vector_load %arg9[%get3A_1777] {strides = array<i32>} : memref<2048xi32, #tpu.memory_space<vmem>>, vector<16xi32>,
      %get3A_1779 = arith.constant 1648 : index
      %get3A_1780 = tpu.vector_load %arg9[%get3A_1779] {strides = array<i32>} : memref<2048xi32, #tpu.memory_space<vmem>>, vector<16xi32>,
      %ge3A_1781 = arith.cmpf oge, %get3A_1774, %get3A_1776 : vector<16xf32>
      %select_n3A_1782 = arith.select %ge3A_1781, %get3A_1774, %get3A_1776 : vector<16xi1>, vector<16xf32>
      %swap3A_1783 = arith.constant 816 : index
      %swap3A_1784 = tpu.vector_load %arg8[%swap3A_1783] {strides = array<i32>} : memref<2048xf32, #tpu.memory_space<vmem>>, vector<16xf32>,
      tpu.vector_store %arg8[%swap3A_1783], %select_n3A_1782 {strides = array<i32>} : memref<2048xf32, #tpu.memory_space<vmem>>, vector<16xf32>,
      %select_n3A_1785 = arith.select %ge3A_1781, %get3A_1778, %get3A_1780 : vector<16xi1>, vector<16xi32>
      %swap3A_1786 = arith.constant 816 : index
      %swap3A_1787 = tpu.vector_load %arg9[%swap3A_1786] {strides = array<i32>} : memref<2048xi32, #tpu.memory_space<vmem>>, vector<16xi32>,
      tpu.vector_store %arg9[%swap3A_1786], %select_n3A_1785 {strides = array<i32>} : memref<2048xi32, #tpu.memory_space<vmem>>, vector<16xi32>,
      %get3A_1788 = arith.constant 1600 : index
      %get3A_1789 = tpu.vector_load %arg8[%get3A_1788] {strides = array<i32>} : memref<2048xf32, #tpu.memory_space<vmem>>, vector<16xf32>,
      %get3A_1790 = arith.constant 1616 : index
      %get3A_1791 = tpu.vector_load %arg8[%get3A_1790] {strides = array<i32>} : memref<2048xf32, #tpu.memory_space<vmem>>, vector<16xf32>,
      %get3A_1792 = arith.constant 1600 : index
      %get3A_1793 = tpu.vector_load %arg9[%get3A_1792] {strides = array<i32>} : memref<2048xi32, #tpu.memory_space<vmem>>, vector<16xi32>,
      %get3A_1794 = arith.constant 1616 : index
      %get3A_1795 = tpu.vector_load %arg9[%get3A_1794] {strides = array<i32>} : memref<2048xi32, #tpu.memory_space<vmem>>, vector<16xi32>,
      %ge3A_1796 = arith.cmpf oge, %get3A_1789, %get3A_1791 : vector<16xf32>
      %select_n3A_1797 = arith.select %ge3A_1796, %get3A_1789, %get3A_1791 : vector<16xi1>, vector<16xf32>
      %swap3A_1798 = arith.constant 800 : index
      %swap3A_1799 = tpu.vector_load %arg8[%swap3A_1798] {strides = array<i32>} : memref<2048xf32, #tpu.memory_space<vmem>>, vector<16xf32>,
      tpu.vector_store %arg8[%swap3A_1798], %select_n3A_1797 {strides = array<i32>} : memref<2048xf32, #tpu.memory_space<vmem>>, vector<16xf32>,
      %select_n3A_1800 = arith.select %ge3A_1796, %get3A_1793, %get3A_1795 : vector<16xi1>, vector<16xi32>
      %swap3A_1801 = arith.constant 800 : index
      %swap3A_1802 = tpu.vector_load %arg9[%swap3A_1801] {strides = array<i32>} : memref<2048xi32, #tpu.memory_space<vmem>>, vector<16xi32>,
      tpu.vector_store %arg9[%swap3A_1801], %select_n3A_1800 {strides = array<i32>} : memref<2048xi32, #tpu.memory_space<vmem>>, vector<16xi32>,
      %get3A_1803 = arith.constant 1568 : index
      %get3A_1804 = tpu.vector_load %arg8[%get3A_1803] {strides = array<i32>} : memref<2048xf32, #tpu.memory_space<vmem>>, vector<16xf32>,
      %get3A_1805 = arith.constant 1584 : index
      %get3A_1806 = tpu.vector_load %arg8[%get3A_1805] {strides = array<i32>} : memref<2048xf32, #tpu.memory_space<vmem>>, vector<16xf32>,
      %get3A_1807 = arith.constant 1568 : index
      %get3A_1808 = tpu.vector_load %arg9[%get3A_1807] {strides = array<i32>} : memref<2048xi32, #tpu.memory_space<vmem>>, vector<16xi32>,
      %get3A_1809 = arith.constant 1584 : index
      %get3A_1810 = tpu.vector_load %arg9[%get3A_1809] {strides = array<i32>} : memref<2048xi32, #tpu.memory_space<vmem>>, vector<16xi32>,
      %ge3A_1811 = arith.cmpf oge, %get3A_1804, %get3A_1806 : vector<16xf32>
      %select_n3A_1812 = arith.select %ge3A_1811, %get3A_1804, %get3A_1806 : vector<16xi1>, vector<16xf32>
      %swap3A_1813 = arith.constant 784 : index
      %swap3A_1814 = tpu.vector_load %arg8[%swap3A_1813] {strides = array<i32>} : memref<2048xf32, #tpu.memory_space<vmem>>, vector<16xf32>,
      tpu.vector_store %arg8[%swap3A_1813], %select_n3A_1812 {strides = array<i32>} : memref<2048xf32, #tpu.memory_space<vmem>>, vector<16xf32>,
      %select_n3A_1815 = arith.select %ge3A_1811, %get3A_1808, %get3A_1810 : vector<16xi1>, vector<16xi32>
      %swap3A_1816 = arith.constant 784 : index
      %swap3A_1817 = tpu.vector_load %arg9[%swap3A_1816] {strides = array<i32>} : memref<2048xi32, #tpu.memory_space<vmem>>, vector<16xi32>,
      tpu.vector_store %arg9[%swap3A_1816], %select_n3A_1815 {strides = array<i32>} : memref<2048xi32, #tpu.memory_space<vmem>>, vector<16xi32>,
      %get3A_1818 = arith.constant 1536 : index
      %get3A_1819 = tpu.vector_load %arg8[%get3A_1818] {strides = array<i32>} : memref<2048xf32, #tpu.memory_space<vmem>>, vector<16xf32>,
      %get3A_1820 = arith.constant 1552 : index
      %get3A_1821 = tpu.vector_load %arg8[%get3A_1820] {strides = array<i32>} : memref<2048xf32, #tpu.memory_space<vmem>>, vector<16xf32>,
      %get3A_1822 = arith.constant 1536 : index
      %get3A_1823 = tpu.vector_load %arg9[%get3A_1822] {strides = array<i32>} : memref<2048xi32, #tpu.memory_space<vmem>>, vector<16xi32>,
      %get3A_1824 = arith.constant 1552 : index
      %get3A_1825 = tpu.vector_load %arg9[%get3A_1824] {strides = array<i32>} : memref<2048xi32, #tpu.memory_space<vmem>>, vector<16xi32>,
      %ge3A_1826 = arith.cmpf oge, %get3A_1819, %get3A_1821 : vector<16xf32>
      %select_n3A_1827 = arith.select %ge3A_1826, %get3A_1819, %get3A_1821 : vector<16xi1>, vector<16xf32>
      %swap3A_1828 = arith.constant 768 : index
      %swap3A_1829 = tpu.vector_load %arg8[%swap3A_1828] {strides = array<i32>} : memref<2048xf32, #tpu.memory_space<vmem>>, vector<16xf32>,
      tpu.vector_store %arg8[%swap3A_1828], %select_n3A_1827 {strides = array<i32>} : memref<2048xf32, #tpu.memory_space<vmem>>, vector<16xf32>,
      %select_n3A_1830 = arith.select %ge3A_1826, %get3A_1823, %get3A_1825 : vector<16xi1>, vector<16xi32>
      %swap3A_1831 = arith.constant 768 : index
      %swap3A_1832 = tpu.vector_load %arg9[%swap3A_1831] {strides = array<i32>} : memref<2048xi32, #tpu.memory_space<vmem>>, vector<16xi32>,
      tpu.vector_store %arg9[%swap3A_1831], %select_n3A_1830 {strides = array<i32>} : memref<2048xi32, #tpu.memory_space<vmem>>, vector<16xi32>,
      %get3A_1833 = arith.constant 1504 : index
      %get3A_1834 = tpu.vector_load %arg8[%get3A_1833] {strides = array<i32>} : memref<2048xf32, #tpu.memory_space<vmem>>, vector<16xf32>,
      %get3A_1835 = arith.constant 1520 : index
      %get3A_1836 = tpu.vector_load %arg8[%get3A_1835] {strides = array<i32>} : memref<2048xf32, #tpu.memory_space<vmem>>, vector<16xf32>,
      %get3A_1837 = arith.constant 1504 : index
      %get3A_1838 = tpu.vector_load %arg9[%get3A_1837] {strides = array<i32>} : memref<2048xi32, #tpu.memory_space<vmem>>, vector<16xi32>,
      %get3A_1839 = arith.constant 1520 : index
      %get3A_1840 = tpu.vector_load %arg9[%get3A_1839] {strides = array<i32>} : memref<2048xi32, #tpu.memory_space<vmem>>, vector<16xi32>,
      %ge3A_1841 = arith.cmpf oge, %get3A_1834, %get3A_1836 : vector<16xf32>
      %select_n3A_1842 = arith.select %ge3A_1841, %get3A_1834, %get3A_1836 : vector<16xi1>, vector<16xf32>
      %swap3A_1843 = arith.constant 752 : index
      %swap3A_1844 = tpu.vector_load %arg8[%swap3A_1843] {strides = array<i32>} : memref<2048xf32, #tpu.memory_space<vmem>>, vector<16xf32>,
      tpu.vector_store %arg8[%swap3A_1843], %select_n3A_1842 {strides = array<i32>} : memref<2048xf32, #tpu.memory_space<vmem>>, vector<16xf32>,
      %select_n3A_1845 = arith.select %ge3A_1841, %get3A_1838, %get3A_1840 : vector<16xi1>, vector<16xi32>
      %swap3A_1846 = arith.constant 752 : index
      %swap3A_1847 = tpu.vector_load %arg9[%swap3A_1846] {strides = array<i32>} : memref<2048xi32, #tpu.memory_space<vmem>>, vector<16xi32>,
      tpu.vector_store %arg9[%swap3A_1846], %select_n3A_1845 {strides = array<i32>} : memref<2048xi32, #tpu.memory_space<vmem>>, vector<16xi32>,
      %get3A_1848 = arith.constant 1472 : index
      %get3A_1849 = tpu.vector_load %arg8[%get3A_1848] {strides = array<i32>} : memref<2048xf32, #tpu.memory_space<vmem>>, vector<16xf32>,
      %get3A_1850 = arith.constant 1488 : index
      %get3A_1851 = tpu.vector_load %arg8[%get3A_1850] {strides = array<i32>} : memref<2048xf32, #tpu.memory_space<vmem>>, vector<16xf32>,
      %get3A_1852 = arith.constant 1472 : index
      %get3A_1853 = tpu.vector_load %arg9[%get3A_1852] {strides = array<i32>} : memref<2048xi32, #tpu.memory_space<vmem>>, vector<16xi32>,
      %get3A_1854 = arith.constant 1488 : index
      %get3A_1855 = tpu.vector_load %arg9[%get3A_1854] {strides = array<i32>} : memref<2048xi32, #tpu.memory_space<vmem>>, vector<16xi32>,
      %ge3A_1856 = arith.cmpf oge, %get3A_1849, %get3A_1851 : vector<16xf32>
      %select_n3A_1857 = arith.select %ge3A_1856, %get3A_1849, %get3A_1851 : vector<16xi1>, vector<16xf32>
      %swap3A_1858 = arith.constant 736 : index
      %swap3A_1859 = tpu.vector_load %arg8[%swap3A_1858] {strides = array<i32>} : memref<2048xf32, #tpu.memory_space<vmem>>, vector<16xf32>,
      tpu.vector_store %arg8[%swap3A_1858], %select_n3A_1857 {strides = array<i32>} : memref<2048xf32, #tpu.memory_space<vmem>>, vector<16xf32>,
      %select_n3A_1860 = arith.select %ge3A_1856, %get3A_1853, %get3A_1855 : vector<16xi1>, vector<16xi32>
      %swap3A_1861 = arith.constant 736 : index
      %swap3A_1862 = tpu.vector_load %arg9[%swap3A_1861] {strides = array<i32>} : memref<2048xi32, #tpu.memory_space<vmem>>, vector<16xi32>,
      tpu.vector_store %arg9[%swap3A_1861], %select_n3A_1860 {strides = array<i32>} : memref<2048xi32, #tpu.memory_space<vmem>>, vector<16xi32>,
      %get3A_1863 = arith.constant 1440 : index
      %get3A_1864 = tpu.vector_load %arg8[%get3A_1863] {strides = array<i32>} : memref<2048xf32, #tpu.memory_space<vmem>>, vector<16xf32>,
      %get3A_1865 = arith.constant 1456 : index
      %get3A_1866 = tpu.vector_load %arg8[%get3A_1865] {strides = array<i32>} : memref<2048xf32, #tpu.memory_space<vmem>>, vector<16xf32>,
      %get3A_1867 = arith.constant 1440 : index
      %get3A_1868 = tpu.vector_load %arg9[%get3A_1867] {strides = array<i32>} : memref<2048xi32, #tpu.memory_space<vmem>>, vector<16xi32>,
      %get3A_1869 = arith.constant 1456 : index
      %get3A_1870 = tpu.vector_load %arg9[%get3A_1869] {strides = array<i32>} : memref<2048xi32, #tpu.memory_space<vmem>>, vector<16xi32>,
      %ge3A_1871 = arith.cmpf oge, %get3A_1864, %get3A_1866 : vector<16xf32>
      %select_n3A_1872 = arith.select %ge3A_1871, %get3A_1864, %get3A_1866 : vector<16xi1>, vector<16xf32>
      %swap3A_1873 = arith.constant 720 : index
      %swap3A_1874 = tpu.vector_load %arg8[%swap3A_1873] {strides = array<i32>} : memref<2048xf32, #tpu.memory_space<vmem>>, vector<16xf32>,
      tpu.vector_store %arg8[%swap3A_1873], %select_n3A_1872 {strides = array<i32>} : memref<2048xf32, #tpu.memory_space<vmem>>, vector<16xf32>,
      %select_n3A_1875 = arith.select %ge3A_1871, %get3A_1868, %get3A_1870 : vector<16xi1>, vector<16xi32>
      %swap3A_1876 = arith.constant 720 : index
      %swap3A_1877 = tpu.vector_load %arg9[%swap3A_1876] {strides = array<i32>} : memref<2048xi32, #tpu.memory_space<vmem>>, vector<16xi32>,
      tpu.vector_store %arg9[%swap3A_1876], %select_n3A_1875 {strides = array<i32>} : memref<2048xi32, #tpu.memory_space<vmem>>, vector<16xi32>,
      %get3A_1878 = arith.constant 1408 : index
      %get3A_1879 = tpu.vector_load %arg8[%get3A_1878] {strides = array<i32>} : memref<2048xf32, #tpu.memory_space<vmem>>, vector<16xf32>,
      %get3A_1880 = arith.constant 1424 : index
      %get3A_1881 = tpu.vector_load %arg8[%get3A_1880] {strides = array<i32>} : memref<2048xf32, #tpu.memory_space<vmem>>, vector<16xf32>,
      %get3A_1882 = arith.constant 1408 : index
      %get3A_1883 = tpu.vector_load %arg9[%get3A_1882] {strides = array<i32>} : memref<2048xi32, #tpu.memory_space<vmem>>, vector<16xi32>,
      %get3A_1884 = arith.constant 1424 : index
      %get3A_1885 = tpu.vector_load %arg9[%get3A_1884] {strides = array<i32>} : memref<2048xi32, #tpu.memory_space<vmem>>, vector<16xi32>,
      %ge3A_1886 = arith.cmpf oge, %get3A_1879, %get3A_1881 : vector<16xf32>
      %select_n3A_1887 = arith.select %ge3A_1886, %get3A_1879, %get3A_1881 : vector<16xi1>, vector<16xf32>
      %swap3A_1888 = arith.constant 704 : index
      %swap3A_1889 = tpu.vector_load %arg8[%swap3A_1888] {strides = array<i32>} : memref<2048xf32, #tpu.memory_space<vmem>>, vector<16xf32>,
      tpu.vector_store %arg8[%swap3A_1888], %select_n3A_1887 {strides = array<i32>} : memref<2048xf32, #tpu.memory_space<vmem>>, vector<16xf32>,
      %select_n3A_1890 = arith.select %ge3A_1886, %get3A_1883, %get3A_1885 : vector<16xi1>, vector<16xi32>
      %swap3A_1891 = arith.constant 704 : index
      %swap3A_1892 = tpu.vector_load %arg9[%swap3A_1891] {strides = array<i32>} : memref<2048xi32, #tpu.memory_space<vmem>>, vector<16xi32>,
      tpu.vector_store %arg9[%swap3A_1891], %select_n3A_1890 {strides = array<i32>} : memref<2048xi32, #tpu.memory_space<vmem>>, vector<16xi32>,
      %get3A_1893 = arith.constant 1376 : index
      %get3A_1894 = tpu.vector_load %arg8[%get3A_1893] {strides = array<i32>} : memref<2048xf32, #tpu.memory_space<vmem>>, vector<16xf32>,
      %get3A_1895 = arith.constant 1392 : index
      %get3A_1896 = tpu.vector_load %arg8[%get3A_1895] {strides = array<i32>} : memref<2048xf32, #tpu.memory_space<vmem>>, vector<16xf32>,
      %get3A_1897 = arith.constant 1376 : index
      %get3A_1898 = tpu.vector_load %arg9[%get3A_1897] {strides = array<i32>} : memref<2048xi32, #tpu.memory_space<vmem>>, vector<16xi32>,
      %get3A_1899 = arith.constant 1392 : index
      %get3A_1900 = tpu.vector_load %arg9[%get3A_1899] {strides = array<i32>} : memref<2048xi32, #tpu.memory_space<vmem>>, vector<16xi32>,
      %ge3A_1901 = arith.cmpf oge, %get3A_1894, %get3A_1896 : vector<16xf32>
      %select_n3A_1902 = arith.select %ge3A_1901, %get3A_1894, %get3A_1896 : vector<16xi1>, vector<16xf32>
      %swap3A_1903 = arith.constant 688 : index
      %swap3A_1904 = tpu.vector_load %arg8[%swap3A_1903] {strides = array<i32>} : memref<2048xf32, #tpu.memory_space<vmem>>, vector<16xf32>,
      tpu.vector_store %arg8[%swap3A_1903], %select_n3A_1902 {strides = array<i32>} : memref<2048xf32, #tpu.memory_space<vmem>>, vector<16xf32>,
      %select_n3A_1905 = arith.select %ge3A_1901, %get3A_1898, %get3A_1900 : vector<16xi1>, vector<16xi32>
      %swap3A_1906 = arith.constant 688 : index
      %swap3A_1907 = tpu.vector_load %arg9[%swap3A_1906] {strides = array<i32>} : memref<2048xi32, #tpu.memory_space<vmem>>, vector<16xi32>,
      tpu.vector_store %arg9[%swap3A_1906], %select_n3A_1905 {strides = array<i32>} : memref<2048xi32, #tpu.memory_space<vmem>>, vector<16xi32>,
      %get3A_1908 = arith.constant 1344 : index
      %get3A_1909 = tpu.vector_load %arg8[%get3A_1908] {strides = array<i32>} : memref<2048xf32, #tpu.memory_space<vmem>>, vector<16xf32>,
      %get3A_1910 = arith.constant 1360 : index
      %get3A_1911 = tpu.vector_load %arg8[%get3A_1910] {strides = array<i32>} : memref<2048xf32, #tpu.memory_space<vmem>>, vector<16xf32>,
      %get3A_1912 = arith.constant 1344 : index
      %get3A_1913 = tpu.vector_load %arg9[%get3A_1912] {strides = array<i32>} : memref<2048xi32, #tpu.memory_space<vmem>>, vector<16xi32>,
      %get3A_1914 = arith.constant 1360 : index
      %get3A_1915 = tpu.vector_load %arg9[%get3A_1914] {strides = array<i32>} : memref<2048xi32, #tpu.memory_space<vmem>>, vector<16xi32>,
      %ge3A_1916 = arith.cmpf oge, %get3A_1909, %get3A_1911 : vector<16xf32>
      %select_n3A_1917 = arith.select %ge3A_1916, %get3A_1909, %get3A_1911 : vector<16xi1>, vector<16xf32>
      %swap3A_1918 = arith.constant 672 : index
      %swap3A_1919 = tpu.vector_load %arg8[%swap3A_1918] {strides = array<i32>} : memref<2048xf32, #tpu.memory_space<vmem>>, vector<16xf32>,
      tpu.vector_store %arg8[%swap3A_1918], %select_n3A_1917 {strides = array<i32>} : memref<2048xf32, #tpu.memory_space<vmem>>, vector<16xf32>,
      %select_n3A_1920 = arith.select %ge3A_1916, %get3A_1913, %get3A_1915 : vector<16xi1>, vector<16xi32>
      %swap3A_1921 = arith.constant 672 : index
      %swap3A_1922 = tpu.vector_load %arg9[%swap3A_1921] {strides = array<i32>} : memref<2048xi32, #tpu.memory_space<vmem>>, vector<16xi32>,
      tpu.vector_store %arg9[%swap3A_1921], %select_n3A_1920 {strides = array<i32>} : memref<2048xi32, #tpu.memory_space<vmem>>, vector<16xi32>,
      %get3A_1923 = arith.constant 1312 : index
      %get3A_1924 = tpu.vector_load %arg8[%get3A_1923] {strides = array<i32>} : memref<2048xf32, #tpu.memory_space<vmem>>, vector<16xf32>,
      %get3A_1925 = arith.constant 1328 : index
      %get3A_1926 = tpu.vector_load %arg8[%get3A_1925] {strides = array<i32>} : memref<2048xf32, #tpu.memory_space<vmem>>, vector<16xf32>,
      %get3A_1927 = arith.constant 1312 : index
      %get3A_1928 = tpu.vector_load %arg9[%get3A_1927] {strides = array<i32>} : memref<2048xi32, #tpu.memory_space<vmem>>, vector<16xi32>,
      %get3A_1929 = arith.constant 1328 : index
      %get3A_1930 = tpu.vector_load %arg9[%get3A_1929] {strides = array<i32>} : memref<2048xi32, #tpu.memory_space<vmem>>, vector<16xi32>,
      %ge3A_1931 = arith.cmpf oge, %get3A_1924, %get3A_1926 : vector<16xf32>
      %select_n3A_1932 = arith.select %ge3A_1931, %get3A_1924, %get3A_1926 : vector<16xi1>, vector<16xf32>
      %swap3A_1933 = arith.constant 656 : index
      %swap3A_1934 = tpu.vector_load %arg8[%swap3A_1933] {strides = array<i32>} : memref<2048xf32, #tpu.memory_space<vmem>>, vector<16xf32>,
      tpu.vector_store %arg8[%swap3A_1933], %select_n3A_1932 {strides = array<i32>} : memref<2048xf32, #tpu.memory_space<vmem>>, vector<16xf32>,
      %select_n3A_1935 = arith.select %ge3A_1931, %get3A_1928, %get3A_1930 : vector<16xi1>, vector<16xi32>
      %swap3A_1936 = arith.constant 656 : index
      %swap3A_1937 = tpu.vector_load %arg9[%swap3A_1936] {strides = array<i32>} : memref<2048xi32, #tpu.memory_space<vmem>>, vector<16xi32>,
      tpu.vector_store %arg9[%swap3A_1936], %select_n3A_1935 {strides = array<i32>} : memref<2048xi32, #tpu.memory_space<vmem>>, vector<16xi32>,
      %get3A_1938 = arith.constant 1280 : index
      %get3A_1939 = tpu.vector_load %arg8[%get3A_1938] {strides = array<i32>} : memref<2048xf32, #tpu.memory_space<vmem>>, vector<16xf32>,
      %get3A_1940 = arith.constant 1296 : index
      %get3A_1941 = tpu.vector_load %arg8[%get3A_1940] {strides = array<i32>} : memref<2048xf32, #tpu.memory_space<vmem>>, vector<16xf32>,
      %get3A_1942 = arith.constant 1280 : index
      %get3A_1943 = tpu.vector_load %arg9[%get3A_1942] {strides = array<i32>} : memref<2048xi32, #tpu.memory_space<vmem>>, vector<16xi32>,
      %get3A_1944 = arith.constant 1296 : index
      %get3A_1945 = tpu.vector_load %arg9[%get3A_1944] {strides = array<i32>} : memref<2048xi32, #tpu.memory_space<vmem>>, vector<16xi32>,
      %ge3A_1946 = arith.cmpf oge, %get3A_1939, %get3A_1941 : vector<16xf32>
      %select_n3A_1947 = arith.select %ge3A_1946, %get3A_1939, %get3A_1941 : vector<16xi1>, vector<16xf32>
      %swap3A_1948 = arith.constant 640 : index
      %swap3A_1949 = tpu.vector_load %arg8[%swap3A_1948] {strides = array<i32>} : memref<2048xf32, #tpu.memory_space<vmem>>, vector<16xf32>,
      tpu.vector_store %arg8[%swap3A_1948], %select_n3A_1947 {strides = array<i32>} : memref<2048xf32, #tpu.memory_space<vmem>>, vector<16xf32>,
      %select_n3A_1950 = arith.select %ge3A_1946, %get3A_1943, %get3A_1945 : vector<16xi1>, vector<16xi32>
      %swap3A_1951 = arith.constant 640 : index
      %swap3A_1952 = tpu.vector_load %arg9[%swap3A_1951] {strides = array<i32>} : memref<2048xi32, #tpu.memory_space<vmem>>, vector<16xi32>,
      tpu.vector_store %arg9[%swap3A_1951], %select_n3A_1950 {strides = array<i32>} : memref<2048xi32, #tpu.memory_space<vmem>>, vector<16xi32>,
      %get3A_1953 = arith.constant 1248 : index
      %get3A_1954 = tpu.vector_load %arg8[%get3A_1953] {strides = array<i32>} : memref<2048xf32, #tpu.memory_space<vmem>>, vector<16xf32>,
      %get3A_1955 = arith.constant 1264 : index
      %get3A_1956 = tpu.vector_load %arg8[%get3A_1955] {strides = array<i32>} : memref<2048xf32, #tpu.memory_space<vmem>>, vector<16xf32>,
      %get3A_1957 = arith.constant 1248 : index
      %get3A_1958 = tpu.vector_load %arg9[%get3A_1957] {strides = array<i32>} : memref<2048xi32, #tpu.memory_space<vmem>>, vector<16xi32>,
      %get3A_1959 = arith.constant 1264 : index
      %get3A_1960 = tpu.vector_load %arg9[%get3A_1959] {strides = array<i32>} : memref<2048xi32, #tpu.memory_space<vmem>>, vector<16xi32>,
      %ge3A_1961 = arith.cmpf oge, %get3A_1954, %get3A_1956 : vector<16xf32>
      %select_n3A_1962 = arith.select %ge3A_1961, %get3A_1954, %get3A_1956 : vector<16xi1>, vector<16xf32>
      %swap3A_1963 = arith.constant 624 : index
      %swap3A_1964 = tpu.vector_load %arg8[%swap3A_1963] {strides = array<i32>} : memref<2048xf32, #tpu.memory_space<vmem>>, vector<16xf32>,
      tpu.vector_store %arg8[%swap3A_1963], %select_n3A_1962 {strides = array<i32>} : memref<2048xf32, #tpu.memory_space<vmem>>, vector<16xf32>,
      %select_n3A_1965 = arith.select %ge3A_1961, %get3A_1958, %get3A_1960 : vector<16xi1>, vector<16xi32>
      %swap3A_1966 = arith.constant 624 : index
      %swap3A_1967 = tpu.vector_load %arg9[%swap3A_1966] {strides = array<i32>} : memref<2048xi32, #tpu.memory_space<vmem>>, vector<16xi32>,
      tpu.vector_store %arg9[%swap3A_1966], %select_n3A_1965 {strides = array<i32>} : memref<2048xi32, #tpu.memory_space<vmem>>, vector<16xi32>,
      %get3A_1968 = arith.constant 1216 : index
      %get3A_1969 = tpu.vector_load %arg8[%get3A_1968] {strides = array<i32>} : memref<2048xf32, #tpu.memory_space<vmem>>, vector<16xf32>,
      %get3A_1970 = arith.constant 1232 : index
      %get3A_1971 = tpu.vector_load %arg8[%get3A_1970] {strides = array<i32>} : memref<2048xf32, #tpu.memory_space<vmem>>, vector<16xf32>,
      %get3A_1972 = arith.constant 1216 : index
      %get3A_1973 = tpu.vector_load %arg9[%get3A_1972] {strides = array<i32>} : memref<2048xi32, #tpu.memory_space<vmem>>, vector<16xi32>,
      %get3A_1974 = arith.constant 1232 : index
      %get3A_1975 = tpu.vector_load %arg9[%get3A_1974] {strides = array<i32>} : memref<2048xi32, #tpu.memory_space<vmem>>, vector<16xi32>,
      %ge3A_1976 = arith.cmpf oge, %get3A_1969, %get3A_1971 : vector<16xf32>
      %select_n3A_1977 = arith.select %ge3A_1976, %get3A_1969, %get3A_1971 : vector<16xi1>, vector<16xf32>
      %swap3A_1978 = arith.constant 608 : index
      %swap3A_1979 = tpu.vector_load %arg8[%swap3A_1978] {strides = array<i32>} : memref<2048xf32, #tpu.memory_space<vmem>>, vector<16xf32>,
      tpu.vector_store %arg8[%swap3A_1978], %select_n3A_1977 {strides = array<i32>} : memref<2048xf32, #tpu.memory_space<vmem>>, vector<16xf32>,
      %select_n3A_1980 = arith.select %ge3A_1976, %get3A_1973, %get3A_1975 : vector<16xi1>, vector<16xi32>
      %swap3A_1981 = arith.constant 608 : index
      %swap3A_1982 = tpu.vector_load %arg9[%swap3A_1981] {strides = array<i32>} : memref<2048xi32, #tpu.memory_space<vmem>>, vector<16xi32>,
      tpu.vector_store %arg9[%swap3A_1981], %select_n3A_1980 {strides = array<i32>} : memref<2048xi32, #tpu.memory_space<vmem>>, vector<16xi32>,
      %get3A_1983 = arith.constant 1184 : index
      %get3A_1984 = tpu.vector_load %arg8[%get3A_1983] {strides = array<i32>} : memref<2048xf32, #tpu.memory_space<vmem>>, vector<16xf32>,
      %get3A_1985 = arith.constant 1200 : index
      %get3A_1986 = tpu.vector_load %arg8[%get3A_1985] {strides = array<i32>} : memref<2048xf32, #tpu.memory_space<vmem>>, vector<16xf32>,
      %get3A_1987 = arith.constant 1184 : index
      %get3A_1988 = tpu.vector_load %arg9[%get3A_1987] {strides = array<i32>} : memref<2048xi32, #tpu.memory_space<vmem>>, vector<16xi32>,
      %get3A_1989 = arith.constant 1200 : index
      %get3A_1990 = tpu.vector_load %arg9[%get3A_1989] {strides = array<i32>} : memref<2048xi32, #tpu.memory_space<vmem>>, vector<16xi32>,
      %ge3A_1991 = arith.cmpf oge, %get3A_1984, %get3A_1986 : vector<16xf32>
      %select_n3A_1992 = arith.select %ge3A_1991, %get3A_1984, %get3A_1986 : vector<16xi1>, vector<16xf32>
      %swap3A_1993 = arith.constant 592 : index
      %swap3A_1994 = tpu.vector_load %arg8[%swap3A_1993] {strides = array<i32>} : memref<2048xf32, #tpu.memory_space<vmem>>, vector<16xf32>,
      tpu.vector_store %arg8[%swap3A_1993], %select_n3A_1992 {strides = array<i32>} : memref<2048xf32, #tpu.memory_space<vmem>>, vector<16xf32>,
      %select_n3A_1995 = arith.select %ge3A_1991, %get3A_1988, %get3A_1990 : vector<16xi1>, vector<16xi32>
      %swap3A_1996 = arith.constant 592 : index
      %swap3A_1997 = tpu.vector_load %arg9[%swap3A_1996] {strides = array<i32>} : memref<2048xi32, #tpu.memory_space<vmem>>, vector<16xi32>,
      tpu.vector_store %arg9[%swap3A_1996], %select_n3A_1995 {strides = array<i32>} : memref<2048xi32, #tpu.memory_space<vmem>>, vector<16xi32>,
      %get3A_1998 = arith.constant 1152 : index
      %get3A_1999 = tpu.vector_load %arg8[%get3A_1998] {strides = array<i32>} : memref<2048xf32, #tpu.memory_space<vmem>>, vector<16xf32>,
      %get3A_2000 = arith.constant 1168 : index
      %get3A_2001 = tpu.vector_load %arg8[%get3A_2000] {strides = array<i32>} : memref<2048xf32, #tpu.memory_space<vmem>>, vector<16xf32>,
      %get3A_2002 = arith.constant 1152 : index
      %get3A_2003 = tpu.vector_load %arg9[%get3A_2002] {strides = array<i32>} : memref<2048xi32, #tpu.memory_space<vmem>>, vector<16xi32>,
      %get3A_2004 = arith.constant 1168 : index
      %get3A_2005 = tpu.vector_load %arg9[%get3A_2004] {strides = array<i32>} : memref<2048xi32, #tpu.memory_space<vmem>>, vector<16xi32>,
      %ge3A_2006 = arith.cmpf oge, %get3A_1999, %get3A_2001 : vector<16xf32>
      %select_n3A_2007 = arith.select %ge3A_2006, %get3A_1999, %get3A_2001 : vector<16xi1>, vector<16xf32>
      %swap3A_2008 = arith.constant 576 : index
      %swap3A_2009 = tpu.vector_load %arg8[%swap3A_2008] {strides = array<i32>} : memref<2048xf32, #tpu.memory_space<vmem>>, vector<16xf32>,
      tpu.vector_store %arg8[%swap3A_2008], %select_n3A_2007 {strides = array<i32>} : memref<2048xf32, #tpu.memory_space<vmem>>, vector<16xf32>,
      %select_n3A_2010 = arith.select %ge3A_2006, %get3A_2003, %get3A_2005 : vector<16xi1>, vector<16xi32>
      %swap3A_2011 = arith.constant 576 : index
      %swap3A_2012 = tpu.vector_load %arg9[%swap3A_2011] {strides = array<i32>} : memref<2048xi32, #tpu.memory_space<vmem>>, vector<16xi32>,
      tpu.vector_store %arg9[%swap3A_2011], %select_n3A_2010 {strides = array<i32>} : memref<2048xi32, #tpu.memory_space<vmem>>, vector<16xi32>,
      %get3A_2013 = arith.constant 1120 : index
      %get3A_2014 = tpu.vector_load %arg8[%get3A_2013] {strides = array<i32>} : memref<2048xf32, #tpu.memory_space<vmem>>, vector<16xf32>,
      %get3A_2015 = arith.constant 1136 : index
      %get3A_2016 = tpu.vector_load %arg8[%get3A_2015] {strides = array<i32>} : memref<2048xf32, #tpu.memory_space<vmem>>, vector<16xf32>,
      %get3A_2017 = arith.constant 1120 : index
      %get3A_2018 = tpu.vector_load %arg9[%get3A_2017] {strides = array<i32>} : memref<2048xi32, #tpu.memory_space<vmem>>, vector<16xi32>,
      %get3A_2019 = arith.constant 1136 : index
      %get3A_2020 = tpu.vector_load %arg9[%get3A_2019] {strides = array<i32>} : memref<2048xi32, #tpu.memory_space<vmem>>, vector<16xi32>,
      %ge3A_2021 = arith.cmpf oge, %get3A_2014, %get3A_2016 : vector<16xf32>
      %select_n3A_2022 = arith.select %ge3A_2021, %get3A_2014, %get3A_2016 : vector<16xi1>, vector<16xf32>
      %swap3A_2023 = arith.constant 560 : index
      %swap3A_2024 = tpu.vector_load %arg8[%swap3A_2023] {strides = array<i32>} : memref<2048xf32, #tpu.memory_space<vmem>>, vector<16xf32>,
      tpu.vector_store %arg8[%swap3A_2023], %select_n3A_2022 {strides = array<i32>} : memref<2048xf32, #tpu.memory_space<vmem>>, vector<16xf32>,
      %select_n3A_2025 = arith.select %ge3A_2021, %get3A_2018, %get3A_2020 : vector<16xi1>, vector<16xi32>
      %swap3A_2026 = arith.constant 560 : index
      %swap3A_2027 = tpu.vector_load %arg9[%swap3A_2026] {strides = array<i32>} : memref<2048xi32, #tpu.memory_space<vmem>>, vector<16xi32>,
      tpu.vector_store %arg9[%swap3A_2026], %select_n3A_2025 {strides = array<i32>} : memref<2048xi32, #tpu.memory_space<vmem>>, vector<16xi32>,
      %get3A_2028 = arith.constant 1088 : index
      %get3A_2029 = tpu.vector_load %arg8[%get3A_2028] {strides = array<i32>} : memref<2048xf32, #tpu.memory_space<vmem>>, vector<16xf32>,
      %get3A_2030 = arith.constant 1104 : index
      %get3A_2031 = tpu.vector_load %arg8[%get3A_2030] {strides = array<i32>} : memref<2048xf32, #tpu.memory_space<vmem>>, vector<16xf32>,
      %get3A_2032 = arith.constant 1088 : index
      %get3A_2033 = tpu.vector_load %arg9[%get3A_2032] {strides = array<i32>} : memref<2048xi32, #tpu.memory_space<vmem>>, vector<16xi32>,
      %get3A_2034 = arith.constant 1104 : index
      %get3A_2035 = tpu.vector_load %arg9[%get3A_2034] {strides = array<i32>} : memref<2048xi32, #tpu.memory_space<vmem>>, vector<16xi32>,
      %ge3A_2036 = arith.cmpf oge, %get3A_2029, %get3A_2031 : vector<16xf32>
      %select_n3A_2037 = arith.select %ge3A_2036, %get3A_2029, %get3A_2031 : vector<16xi1>, vector<16xf32>
      %swap3A_2038 = arith.constant 544 : index
      %swap3A_2039 = tpu.vector_load %arg8[%swap3A_2038] {strides = array<i32>} : memref<2048xf32, #tpu.memory_space<vmem>>, vector<16xf32>,
      tpu.vector_store %arg8[%swap3A_2038], %select_n3A_2037 {strides = array<i32>} : memref<2048xf32, #tpu.memory_space<vmem>>, vector<16xf32>,
      %select_n3A_2040 = arith.select %ge3A_2036, %get3A_2033, %get3A_2035 : vector<16xi1>, vector<16xi32>
      %swap3A_2041 = arith.constant 544 : index
      %swap3A_2042 = tpu.vector_load %arg9[%swap3A_2041] {strides = array<i32>} : memref<2048xi32, #tpu.memory_space<vmem>>, vector<16xi32>,
      tpu.vector_store %arg9[%swap3A_2041], %select_n3A_2040 {strides = array<i32>} : memref<2048xi32, #tpu.memory_space<vmem>>, vector<16xi32>,
      %get3A_2043 = arith.constant 1056 : index
      %get3A_2044 = tpu.vector_load %arg8[%get3A_2043] {strides = array<i32>} : memref<2048xf32, #tpu.memory_space<vmem>>, vector<16xf32>,
      %get3A_2045 = arith.constant 1072 : index
      %get3A_2046 = tpu.vector_load %arg8[%get3A_2045] {strides = array<i32>} : memref<2048xf32, #tpu.memory_space<vmem>>, vector<16xf32>,
      %get3A_2047 = arith.constant 1056 : index
      %get3A_2048 = tpu.vector_load %arg9[%get3A_2047] {strides = array<i32>} : memref<2048xi32, #tpu.memory_space<vmem>>, vector<16xi32>,
      %get3A_2049 = arith.constant 1072 : index
      %get3A_2050 = tpu.vector_load %arg9[%get3A_2049] {strides = array<i32>} : memref<2048xi32, #tpu.memory_space<vmem>>, vector<16xi32>,
      %ge3A_2051 = arith.cmpf oge, %get3A_2044, %get3A_2046 : vector<16xf32>
      %select_n3A_2052 = arith.select %ge3A_2051, %get3A_2044, %get3A_2046 : vector<16xi1>, vector<16xf32>
      %swap3A_2053 = arith.constant 528 : index
      %swap3A_2054 = tpu.vector_load %arg8[%swap3A_2053] {strides = array<i32>} : memref<2048xf32, #tpu.memory_space<vmem>>, vector<16xf32>,
      tpu.vector_store %arg8[%swap3A_2053], %select_n3A_2052 {strides = array<i32>} : memref<2048xf32, #tpu.memory_space<vmem>>, vector<16xf32>,
      %select_n3A_2055 = arith.select %ge3A_2051, %get3A_2048, %get3A_2050 : vector<16xi1>, vector<16xi32>
      %swap3A_2056 = arith.constant 528 : index
      %swap3A_2057 = tpu.vector_load %arg9[%swap3A_2056] {strides = array<i32>} : memref<2048xi32, #tpu.memory_space<vmem>>, vector<16xi32>,
      tpu.vector_store %arg9[%swap3A_2056], %select_n3A_2055 {strides = array<i32>} : memref<2048xi32, #tpu.memory_space<vmem>>, vector<16xi32>,
      %get3A_2058 = arith.constant 1024 : index
      %get3A_2059 = tpu.vector_load %arg8[%get3A_2058] {strides = array<i32>} : memref<2048xf32, #tpu.memory_space<vmem>>, vector<16xf32>,
      %get3A_2060 = arith.constant 1040 : index
      %get3A_2061 = tpu.vector_load %arg8[%get3A_2060] {strides = array<i32>} : memref<2048xf32, #tpu.memory_space<vmem>>, vector<16xf32>,
      %get3A_2062 = arith.constant 1024 : index
      %get3A_2063 = tpu.vector_load %arg9[%get3A_2062] {strides = array<i32>} : memref<2048xi32, #tpu.memory_space<vmem>>, vector<16xi32>,
      %get3A_2064 = arith.constant 1040 : index
      %get3A_2065 = tpu.vector_load %arg9[%get3A_2064] {strides = array<i32>} : memref<2048xi32, #tpu.memory_space<vmem>>, vector<16xi32>,
      %ge3A_2066 = arith.cmpf oge, %get3A_2059, %get3A_2061 : vector<16xf32>
      %select_n3A_2067 = arith.select %ge3A_2066, %get3A_2059, %get3A_2061 : vector<16xi1>, vector<16xf32>
      %swap3A_2068 = arith.constant 512 : index
      %swap3A_2069 = tpu.vector_load %arg8[%swap3A_2068] {strides = array<i32>} : memref<2048xf32, #tpu.memory_space<vmem>>, vector<16xf32>,
      tpu.vector_store %arg8[%swap3A_2068], %select_n3A_2067 {strides = array<i32>} : memref<2048xf32, #tpu.memory_space<vmem>>, vector<16xf32>,
      %select_n3A_2070 = arith.select %ge3A_2066, %get3A_2063, %get3A_2065 : vector<16xi1>, vector<16xi32>
      %swap3A_2071 = arith.constant 512 : index
      %swap3A_2072 = tpu.vector_load %arg9[%swap3A_2071] {strides = array<i32>} : memref<2048xi32, #tpu.memory_space<vmem>>, vector<16xi32>,
      tpu.vector_store %arg9[%swap3A_2071], %select_n3A_2070 {strides = array<i32>} : memref<2048xi32, #tpu.memory_space<vmem>>, vector<16xi32>,
      %get3A_2073 = arith.constant 992 : index
      %get3A_2074 = tpu.vector_load %arg8[%get3A_2073] {strides = array<i32>} : memref<2048xf32, #tpu.memory_space<vmem>>, vector<16xf32>,
      %get3A_2075 = arith.constant 1008 : index
      %get3A_2076 = tpu.vector_load %arg8[%get3A_2075] {strides = array<i32>} : memref<2048xf32, #tpu.memory_space<vmem>>, vector<16xf32>,
      %get3A_2077 = arith.constant 992 : index
      %get3A_2078 = tpu.vector_load %arg9[%get3A_2077] {strides = array<i32>} : memref<2048xi32, #tpu.memory_space<vmem>>, vector<16xi32>,
      %get3A_2079 = arith.constant 1008 : index
      %get3A_2080 = tpu.vector_load %arg9[%get3A_2079] {strides = array<i32>} : memref<2048xi32, #tpu.memory_space<vmem>>, vector<16xi32>,
      %ge3A_2081 = arith.cmpf oge, %get3A_2074, %get3A_2076 : vector<16xf32>
      %select_n3A_2082 = arith.select %ge3A_2081, %get3A_2074, %get3A_2076 : vector<16xi1>, vector<16xf32>
      %swap3A_2083 = arith.constant 496 : index
      %swap3A_2084 = tpu.vector_load %arg8[%swap3A_2083] {strides = array<i32>} : memref<2048xf32, #tpu.memory_space<vmem>>, vector<16xf32>,
      tpu.vector_store %arg8[%swap3A_2083], %select_n3A_2082 {strides = array<i32>} : memref<2048xf32, #tpu.memory_space<vmem>>, vector<16xf32>,
      %select_n3A_2085 = arith.select %ge3A_2081, %get3A_2078, %get3A_2080 : vector<16xi1>, vector<16xi32>
      %swap3A_2086 = arith.constant 496 : index
      %swap3A_2087 = tpu.vector_load %arg9[%swap3A_2086] {strides = array<i32>} : memref<2048xi32, #tpu.memory_space<vmem>>, vector<16xi32>,
      tpu.vector_store %arg9[%swap3A_2086], %select_n3A_2085 {strides = array<i32>} : memref<2048xi32, #tpu.memory_space<vmem>>, vector<16xi32>,
      %get3A_2088 = arith.constant 960 : index
      %get3A_2089 = tpu.vector_load %arg8[%get3A_2088] {strides = array<i32>} : memref<2048xf32, #tpu.memory_space<vmem>>, vector<16xf32>,
      %get3A_2090 = arith.constant 976 : index
      %get3A_2091 = tpu.vector_load %arg8[%get3A_2090] {strides = array<i32>} : memref<2048xf32, #tpu.memory_space<vmem>>, vector<16xf32>,
      %get3A_2092 = arith.constant 960 : index
      %get3A_2093 = tpu.vector_load %arg9[%get3A_2092] {strides = array<i32>} : memref<2048xi32, #tpu.memory_space<vmem>>, vector<16xi32>,
      %get3A_2094 = arith.constant 976 : index
      %get3A_2095 = tpu.vector_load %arg9[%get3A_2094] {strides = array<i32>} : memref<2048xi32, #tpu.memory_space<vmem>>, vector<16xi32>,
      %ge3A_2096 = arith.cmpf oge, %get3A_2089, %get3A_2091 : vector<16xf32>
      %select_n3A_2097 = arith.select %ge3A_2096, %get3A_2089, %get3A_2091 : vector<16xi1>, vector<16xf32>
      %swap3A_2098 = arith.constant 480 : index
      %swap3A_2099 = tpu.vector_load %arg8[%swap3A_2098] {strides = array<i32>} : memref<2048xf32, #tpu.memory_space<vmem>>, vector<16xf32>,
      tpu.vector_store %arg8[%swap3A_2098], %select_n3A_2097 {strides = array<i32>} : memref<2048xf32, #tpu.memory_space<vmem>>, vector<16xf32>,
      %select_n3A_2100 = arith.select %ge3A_2096, %get3A_2093, %get3A_2095 : vector<16xi1>, vector<16xi32>
      %swap3A_2101 = arith.constant 480 : index
      %swap3A_2102 = tpu.vector_load %arg9[%swap3A_2101] {strides = array<i32>} : memref<2048xi32, #tpu.memory_space<vmem>>, vector<16xi32>,
      tpu.vector_store %arg9[%swap3A_2101], %select_n3A_2100 {strides = array<i32>} : memref<2048xi32, #tpu.memory_space<vmem>>, vector<16xi32>,
      %get3A_2103 = arith.constant 928 : index
      %get3A_2104 = tpu.vector_load %arg8[%get3A_2103] {strides = array<i32>} : memref<2048xf32, #tpu.memory_space<vmem>>, vector<16xf32>,
      %get3A_2105 = arith.constant 944 : index
      %get3A_2106 = tpu.vector_load %arg8[%get3A_2105] {strides = array<i32>} : memref<2048xf32, #tpu.memory_space<vmem>>, vector<16xf32>,
      %get3A_2107 = arith.constant 928 : index
      %get3A_2108 = tpu.vector_load %arg9[%get3A_2107] {strides = array<i32>} : memref<2048xi32, #tpu.memory_space<vmem>>, vector<16xi32>,
      %get3A_2109 = arith.constant 944 : index
      %get3A_2110 = tpu.vector_load %arg9[%get3A_2109] {strides = array<i32>} : memref<2048xi32, #tpu.memory_space<vmem>>, vector<16xi32>,
      %ge3A_2111 = arith.cmpf oge, %get3A_2104, %get3A_2106 : vector<16xf32>
      %select_n3A_2112 = arith.select %ge3A_2111, %get3A_2104, %get3A_2106 : vector<16xi1>, vector<16xf32>
      %swap3A_2113 = arith.constant 464 : index
      %swap3A_2114 = tpu.vector_load %arg8[%swap3A_2113] {strides = array<i32>} : memref<2048xf32, #tpu.memory_space<vmem>>, vector<16xf32>,
      tpu.vector_store %arg8[%swap3A_2113], %select_n3A_2112 {strides = array<i32>} : memref<2048xf32, #tpu.memory_space<vmem>>, vector<16xf32>,
      %select_n3A_2115 = arith.select %ge3A_2111, %get3A_2108, %get3A_2110 : vector<16xi1>, vector<16xi32>
      %swap3A_2116 = arith.constant 464 : index
      %swap3A_2117 = tpu.vector_load %arg9[%swap3A_2116] {strides = array<i32>} : memref<2048xi32, #tpu.memory_space<vmem>>, vector<16xi32>,
      tpu.vector_store %arg9[%swap3A_2116], %select_n3A_2115 {strides = array<i32>} : memref<2048xi32, #tpu.memory_space<vmem>>, vector<16xi32>,
      %get3A_2118 = arith.constant 896 : index
      %get3A_2119 = tpu.vector_load %arg8[%get3A_2118] {strides = array<i32>} : memref<2048xf32, #tpu.memory_space<vmem>>, vector<16xf32>,
      %get3A_2120 = arith.constant 912 : index
      %get3A_2121 = tpu.vector_load %arg8[%get3A_2120] {strides = array<i32>} : memref<2048xf32, #tpu.memory_space<vmem>>, vector<16xf32>,
      %get3A_2122 = arith.constant 896 : index
      %get3A_2123 = tpu.vector_load %arg9[%get3A_2122] {strides = array<i32>} : memref<2048xi32, #tpu.memory_space<vmem>>, vector<16xi32>,
      %get3A_2124 = arith.constant 912 : index
      %get3A_2125 = tpu.vector_load %arg9[%get3A_2124] {strides = array<i32>} : memref<2048xi32, #tpu.memory_space<vmem>>, vector<16xi32>,
      %ge3A_2126 = arith.cmpf oge, %get3A_2119, %get3A_2121 : vector<16xf32>
      %select_n3A_2127 = arith.select %ge3A_2126, %get3A_2119, %get3A_2121 : vector<16xi1>, vector<16xf32>
      %swap3A_2128 = arith.constant 448 : index
      %swap3A_2129 = tpu.vector_load %arg8[%swap3A_2128] {strides = array<i32>} : memref<2048xf32, #tpu.memory_space<vmem>>, vector<16xf32>,
      tpu.vector_store %arg8[%swap3A_2128], %select_n3A_2127 {strides = array<i32>} : memref<2048xf32, #tpu.memory_space<vmem>>, vector<16xf32>,
      %select_n3A_2130 = arith.select %ge3A_2126, %get3A_2123, %get3A_2125 : vector<16xi1>, vector<16xi32>
      %swap3A_2131 = arith.constant 448 : index
      %swap3A_2132 = tpu.vector_load %arg9[%swap3A_2131] {strides = array<i32>} : memref<2048xi32, #tpu.memory_space<vmem>>, vector<16xi32>,
      tpu.vector_store %arg9[%swap3A_2131], %select_n3A_2130 {strides = array<i32>} : memref<2048xi32, #tpu.memory_space<vmem>>, vector<16xi32>,
      %get3A_2133 = arith.constant 864 : index
      %get3A_2134 = tpu.vector_load %arg8[%get3A_2133] {strides = array<i32>} : memref<2048xf32, #tpu.memory_space<vmem>>, vector<16xf32>,
      %get3A_2135 = arith.constant 880 : index
      %get3A_2136 = tpu.vector_load %arg8[%get3A_2135] {strides = array<i32>} : memref<2048xf32, #tpu.memory_space<vmem>>, vector<16xf32>,
      %get3A_2137 = arith.constant 864 : index
      %get3A_2138 = tpu.vector_load %arg9[%get3A_2137] {strides = array<i32>} : memref<2048xi32, #tpu.memory_space<vmem>>, vector<16xi32>,
      %get3A_2139 = arith.constant 880 : index
      %get3A_2140 = tpu.vector_load %arg9[%get3A_2139] {strides = array<i32>} : memref<2048xi32, #tpu.memory_space<vmem>>, vector<16xi32>,
      %ge3A_2141 = arith.cmpf oge, %get3A_2134, %get3A_2136 : vector<16xf32>
      %select_n3A_2142 = arith.select %ge3A_2141, %get3A_2134, %get3A_2136 : vector<16xi1>, vector<16xf32>
      %swap3A_2143 = arith.constant 432 : index
      %swap3A_2144 = tpu.vector_load %arg8[%swap3A_2143] {strides = array<i32>} : memref<2048xf32, #tpu.memory_space<vmem>>, vector<16xf32>,
      tpu.vector_store %arg8[%swap3A_2143], %select_n3A_2142 {strides = array<i32>} : memref<2048xf32, #tpu.memory_space<vmem>>, vector<16xf32>,
      %select_n3A_2145 = arith.select %ge3A_2141, %get3A_2138, %get3A_2140 : vector<16xi1>, vector<16xi32>
      %swap3A_2146 = arith.constant 432 : index
      %swap3A_2147 = tpu.vector_load %arg9[%swap3A_2146] {strides = array<i32>} : memref<2048xi32, #tpu.memory_space<vmem>>, vector<16xi32>,
      tpu.vector_store %arg9[%swap3A_2146], %select_n3A_2145 {strides = array<i32>} : memref<2048xi32, #tpu.memory_space<vmem>>, vector<16xi32>,
      %get3A_2148 = arith.constant 832 : index
      %get3A_2149 = tpu.vector_load %arg8[%get3A_2148] {strides = array<i32>} : memref<2048xf32, #tpu.memory_space<vmem>>, vector<16xf32>,
      %get3A_2150 = arith.constant 848 : index
      %get3A_2151 = tpu.vector_load %arg8[%get3A_2150] {strides = array<i32>} : memref<2048xf32, #tpu.memory_space<vmem>>, vector<16xf32>,
      %get3A_2152 = arith.constant 832 : index
      %get3A_2153 = tpu.vector_load %arg9[%get3A_2152] {strides = array<i32>} : memref<2048xi32, #tpu.memory_space<vmem>>, vector<16xi32>,
      %get3A_2154 = arith.constant 848 : index
      %get3A_2155 = tpu.vector_load %arg9[%get3A_2154] {strides = array<i32>} : memref<2048xi32, #tpu.memory_space<vmem>>, vector<16xi32>,
      %ge3A_2156 = arith.cmpf oge, %get3A_2149, %get3A_2151 : vector<16xf32>
      %select_n3A_2157 = arith.select %ge3A_2156, %get3A_2149, %get3A_2151 : vector<16xi1>, vector<16xf32>
      %swap3A_2158 = arith.constant 416 : index
      %swap3A_2159 = tpu.vector_load %arg8[%swap3A_2158] {strides = array<i32>} : memref<2048xf32, #tpu.memory_space<vmem>>, vector<16xf32>,
      tpu.vector_store %arg8[%swap3A_2158], %select_n3A_2157 {strides = array<i32>} : memref<2048xf32, #tpu.memory_space<vmem>>, vector<16xf32>,
      %select_n3A_2160 = arith.select %ge3A_2156, %get3A_2153, %get3A_2155 : vector<16xi1>, vector<16xi32>
      %swap3A_2161 = arith.constant 416 : index
      %swap3A_2162 = tpu.vector_load %arg9[%swap3A_2161] {strides = array<i32>} : memref<2048xi32, #tpu.memory_space<vmem>>, vector<16xi32>,
      tpu.vector_store %arg9[%swap3A_2161], %select_n3A_2160 {strides = array<i32>} : memref<2048xi32, #tpu.memory_space<vmem>>, vector<16xi32>,
      %get3A_2163 = arith.constant 800 : index
      %get3A_2164 = tpu.vector_load %arg8[%get3A_2163] {strides = array<i32>} : memref<2048xf32, #tpu.memory_space<vmem>>, vector<16xf32>,
      %get3A_2165 = arith.constant 816 : index
      %get3A_2166 = tpu.vector_load %arg8[%get3A_2165] {strides = array<i32>} : memref<2048xf32, #tpu.memory_space<vmem>>, vector<16xf32>,
      %get3A_2167 = arith.constant 800 : index
      %get3A_2168 = tpu.vector_load %arg9[%get3A_2167] {strides = array<i32>} : memref<2048xi32, #tpu.memory_space<vmem>>, vector<16xi32>,
      %get3A_2169 = arith.constant 816 : index
      %get3A_2170 = tpu.vector_load %arg9[%get3A_2169] {strides = array<i32>} : memref<2048xi32, #tpu.memory_space<vmem>>, vector<16xi32>,
      %ge3A_2171 = arith.cmpf oge, %get3A_2164, %get3A_2166 : vector<16xf32>
      %select_n3A_2172 = arith.select %ge3A_2171, %get3A_2164, %get3A_2166 : vector<16xi1>, vector<16xf32>
      %swap3A_2173 = arith.constant 400 : index
      %swap3A_2174 = tpu.vector_load %arg8[%swap3A_2173] {strides = array<i32>} : memref<2048xf32, #tpu.memory_space<vmem>>, vector<16xf32>,
      tpu.vector_store %arg8[%swap3A_2173], %select_n3A_2172 {strides = array<i32>} : memref<2048xf32, #tpu.memory_space<vmem>>, vector<16xf32>,
      %select_n3A_2175 = arith.select %ge3A_2171, %get3A_2168, %get3A_2170 : vector<16xi1>, vector<16xi32>
      %swap3A_2176 = arith.constant 400 : index
      %swap3A_2177 = tpu.vector_load %arg9[%swap3A_2176] {strides = array<i32>} : memref<2048xi32, #tpu.memory_space<vmem>>, vector<16xi32>,
      tpu.vector_store %arg9[%swap3A_2176], %select_n3A_2175 {strides = array<i32>} : memref<2048xi32, #tpu.memory_space<vmem>>, vector<16xi32>,
      %get3A_2178 = arith.constant 768 : index
      %get3A_2179 = tpu.vector_load %arg8[%get3A_2178] {strides = array<i32>} : memref<2048xf32, #tpu.memory_space<vmem>>, vector<16xf32>,
      %get3A_2180 = arith.constant 784 : index
      %get3A_2181 = tpu.vector_load %arg8[%get3A_2180] {strides = array<i32>} : memref<2048xf32, #tpu.memory_space<vmem>>, vector<16xf32>,
      %get3A_2182 = arith.constant 768 : index
      %get3A_2183 = tpu.vector_load %arg9[%get3A_2182] {strides = array<i32>} : memref<2048xi32, #tpu.memory_space<vmem>>, vector<16xi32>,
      %get3A_2184 = arith.constant 784 : index
      %get3A_2185 = tpu.vector_load %arg9[%get3A_2184] {strides = array<i32>} : memref<2048xi32, #tpu.memory_space<vmem>>, vector<16xi32>,
      %ge3A_2186 = arith.cmpf oge, %get3A_2179, %get3A_2181 : vector<16xf32>
      %select_n3A_2187 = arith.select %ge3A_2186, %get3A_2179, %get3A_2181 : vector<16xi1>, vector<16xf32>
      %swap3A_2188 = arith.constant 384 : index
      %swap3A_2189 = tpu.vector_load %arg8[%swap3A_2188] {strides = array<i32>} : memref<2048xf32, #tpu.memory_space<vmem>>, vector<16xf32>,
      tpu.vector_store %arg8[%swap3A_2188], %select_n3A_2187 {strides = array<i32>} : memref<2048xf32, #tpu.memory_space<vmem>>, vector<16xf32>,
      %select_n3A_2190 = arith.select %ge3A_2186, %get3A_2183, %get3A_2185 : vector<16xi1>, vector<16xi32>
      %swap3A_2191 = arith.constant 384 : index
      %swap3A_2192 = tpu.vector_load %arg9[%swap3A_2191] {strides = array<i32>} : memref<2048xi32, #tpu.memory_space<vmem>>, vector<16xi32>,
      tpu.vector_store %arg9[%swap3A_2191], %select_n3A_2190 {strides = array<i32>} : memref<2048xi32, #tpu.memory_space<vmem>>, vector<16xi32>,
      %get3A_2193 = arith.constant 736 : index
      %get3A_2194 = tpu.vector_load %arg8[%get3A_2193] {strides = array<i32>} : memref<2048xf32, #tpu.memory_space<vmem>>, vector<16xf32>,
      %get3A_2195 = arith.constant 752 : index
      %get3A_2196 = tpu.vector_load %arg8[%get3A_2195] {strides = array<i32>} : memref<2048xf32, #tpu.memory_space<vmem>>, vector<16xf32>,
      %get3A_2197 = arith.constant 736 : index
      %get3A_2198 = tpu.vector_load %arg9[%get3A_2197] {strides = array<i32>} : memref<2048xi32, #tpu.memory_space<vmem>>, vector<16xi32>,
      %get3A_2199 = arith.constant 752 : index
      %get3A_2200 = tpu.vector_load %arg9[%get3A_2199] {strides = array<i32>} : memref<2048xi32, #tpu.memory_space<vmem>>, vector<16xi32>,
      %ge3A_2201 = arith.cmpf oge, %get3A_2194, %get3A_2196 : vector<16xf32>
      %select_n3A_2202 = arith.select %ge3A_2201, %get3A_2194, %get3A_2196 : vector<16xi1>, vector<16xf32>
      %swap3A_2203 = arith.constant 368 : index
      %swap3A_2204 = tpu.vector_load %arg8[%swap3A_2203] {strides = array<i32>} : memref<2048xf32, #tpu.memory_space<vmem>>, vector<16xf32>,
      tpu.vector_store %arg8[%swap3A_2203], %select_n3A_2202 {strides = array<i32>} : memref<2048xf32, #tpu.memory_space<vmem>>, vector<16xf32>,
      %select_n3A_2205 = arith.select %ge3A_2201, %get3A_2198, %get3A_2200 : vector<16xi1>, vector<16xi32>
      %swap3A_2206 = arith.constant 368 : index
      %swap3A_2207 = tpu.vector_load %arg9[%swap3A_2206] {strides = array<i32>} : memref<2048xi32, #tpu.memory_space<vmem>>, vector<16xi32>,
      tpu.vector_store %arg9[%swap3A_2206], %select_n3A_2205 {strides = array<i32>} : memref<2048xi32, #tpu.memory_space<vmem>>, vector<16xi32>,
      %get3A_2208 = arith.constant 704 : index
      %get3A_2209 = tpu.vector_load %arg8[%get3A_2208] {strides = array<i32>} : memref<2048xf32, #tpu.memory_space<vmem>>, vector<16xf32>,
      %get3A_2210 = arith.constant 720 : index
      %get3A_2211 = tpu.vector_load %arg8[%get3A_2210] {strides = array<i32>} : memref<2048xf32, #tpu.memory_space<vmem>>, vector<16xf32>,
      %get3A_2212 = arith.constant 704 : index
      %get3A_2213 = tpu.vector_load %arg9[%get3A_2212] {strides = array<i32>} : memref<2048xi32, #tpu.memory_space<vmem>>, vector<16xi32>,
      %get3A_2214 = arith.constant 720 : index
      %get3A_2215 = tpu.vector_load %arg9[%get3A_2214] {strides = array<i32>} : memref<2048xi32, #tpu.memory_space<vmem>>, vector<16xi32>,
      %ge3A_2216 = arith.cmpf oge, %get3A_2209, %get3A_2211 : vector<16xf32>
      %select_n3A_2217 = arith.select %ge3A_2216, %get3A_2209, %get3A_2211 : vector<16xi1>, vector<16xf32>
      %swap3A_2218 = arith.constant 352 : index
      %swap3A_2219 = tpu.vector_load %arg8[%swap3A_2218] {strides = array<i32>} : memref<2048xf32, #tpu.memory_space<vmem>>, vector<16xf32>,
      tpu.vector_store %arg8[%swap3A_2218], %select_n3A_2217 {strides = array<i32>} : memref<2048xf32, #tpu.memory_space<vmem>>, vector<16xf32>,
      %select_n3A_2220 = arith.select %ge3A_2216, %get3A_2213, %get3A_2215 : vector<16xi1>, vector<16xi32>
      %swap3A_2221 = arith.constant 352 : index
      %swap3A_2222 = tpu.vector_load %arg9[%swap3A_2221] {strides = array<i32>} : memref<2048xi32, #tpu.memory_space<vmem>>, vector<16xi32>,
      tpu.vector_store %arg9[%swap3A_2221], %select_n3A_2220 {strides = array<i32>} : memref<2048xi32, #tpu.memory_space<vmem>>, vector<16xi32>,
      %get3A_2223 = arith.constant 672 : index
      %get3A_2224 = tpu.vector_load %arg8[%get3A_2223] {strides = array<i32>} : memref<2048xf32, #tpu.memory_space<vmem>>, vector<16xf32>,
      %get3A_2225 = arith.constant 688 : index
      %get3A_2226 = tpu.vector_load %arg8[%get3A_2225] {strides = array<i32>} : memref<2048xf32, #tpu.memory_space<vmem>>, vector<16xf32>,
      %get3A_2227 = arith.constant 672 : index
      %get3A_2228 = tpu.vector_load %arg9[%get3A_2227] {strides = array<i32>} : memref<2048xi32, #tpu.memory_space<vmem>>, vector<16xi32>,
      %get3A_2229 = arith.constant 688 : index
      %get3A_2230 = tpu.vector_load %arg9[%get3A_2229] {strides = array<i32>} : memref<2048xi32, #tpu.memory_space<vmem>>, vector<16xi32>,
      %ge3A_2231 = arith.cmpf oge, %get3A_2224, %get3A_2226 : vector<16xf32>
      %select_n3A_2232 = arith.select %ge3A_2231, %get3A_2224, %get3A_2226 : vector<16xi1>, vector<16xf32>
      %swap3A_2233 = arith.constant 336 : index
      %swap3A_2234 = tpu.vector_load %arg8[%swap3A_2233] {strides = array<i32>} : memref<2048xf32, #tpu.memory_space<vmem>>, vector<16xf32>,
      tpu.vector_store %arg8[%swap3A_2233], %select_n3A_2232 {strides = array<i32>} : memref<2048xf32, #tpu.memory_space<vmem>>, vector<16xf32>,
      %select_n3A_2235 = arith.select %ge3A_2231, %get3A_2228, %get3A_2230 : vector<16xi1>, vector<16xi32>
      %swap3A_2236 = arith.constant 336 : index
      %swap3A_2237 = tpu.vector_load %arg9[%swap3A_2236] {strides = array<i32>} : memref<2048xi32, #tpu.memory_space<vmem>>, vector<16xi32>,
      tpu.vector_store %arg9[%swap3A_2236], %select_n3A_2235 {strides = array<i32>} : memref<2048xi32, #tpu.memory_space<vmem>>, vector<16xi32>,
      %get3A_2238 = arith.constant 640 : index
      %get3A_2239 = tpu.vector_load %arg8[%get3A_2238] {strides = array<i32>} : memref<2048xf32, #tpu.memory_space<vmem>>, vector<16xf32>,
      %get3A_2240 = arith.constant 656 : index
      %get3A_2241 = tpu.vector_load %arg8[%get3A_2240] {strides = array<i32>} : memref<2048xf32, #tpu.memory_space<vmem>>, vector<16xf32>,
      %get3A_2242 = arith.constant 640 : index
      %get3A_2243 = tpu.vector_load %arg9[%get3A_2242] {strides = array<i32>} : memref<2048xi32, #tpu.memory_space<vmem>>, vector<16xi32>,
      %get3A_2244 = arith.constant 656 : index
      %get3A_2245 = tpu.vector_load %arg9[%get3A_2244] {strides = array<i32>} : memref<2048xi32, #tpu.memory_space<vmem>>, vector<16xi32>,
      %ge3A_2246 = arith.cmpf oge, %get3A_2239, %get3A_2241 : vector<16xf32>
      %select_n3A_2247 = arith.select %ge3A_2246, %get3A_2239, %get3A_2241 : vector<16xi1>, vector<16xf32>
      %swap3A_2248 = arith.constant 320 : index
      %swap3A_2249 = tpu.vector_load %arg8[%swap3A_2248] {strides = array<i32>} : memref<2048xf32, #tpu.memory_space<vmem>>, vector<16xf32>,
      tpu.vector_store %arg8[%swap3A_2248], %select_n3A_2247 {strides = array<i32>} : memref<2048xf32, #tpu.memory_space<vmem>>, vector<16xf32>,
      %select_n3A_2250 = arith.select %ge3A_2246, %get3A_2243, %get3A_2245 : vector<16xi1>, vector<16xi32>
      %swap3A_2251 = arith.constant 320 : index
      %swap3A_2252 = tpu.vector_load %arg9[%swap3A_2251] {strides = array<i32>} : memref<2048xi32, #tpu.memory_space<vmem>>, vector<16xi32>,
      tpu.vector_store %arg9[%swap3A_2251], %select_n3A_2250 {strides = array<i32>} : memref<2048xi32, #tpu.memory_space<vmem>>, vector<16xi32>,
      %get3A_2253 = arith.constant 608 : index
      %get3A_2254 = tpu.vector_load %arg8[%get3A_2253] {strides = array<i32>} : memref<2048xf32, #tpu.memory_space<vmem>>, vector<16xf32>,
      %get3A_2255 = arith.constant 624 : index
      %get3A_2256 = tpu.vector_load %arg8[%get3A_2255] {strides = array<i32>} : memref<2048xf32, #tpu.memory_space<vmem>>, vector<16xf32>,
      %get3A_2257 = arith.constant 608 : index
      %get3A_2258 = tpu.vector_load %arg9[%get3A_2257] {strides = array<i32>} : memref<2048xi32, #tpu.memory_space<vmem>>, vector<16xi32>,
      %get3A_2259 = arith.constant 624 : index
      %get3A_2260 = tpu.vector_load %arg9[%get3A_2259] {strides = array<i32>} : memref<2048xi32, #tpu.memory_space<vmem>>, vector<16xi32>,
      %ge3A_2261 = arith.cmpf oge, %get3A_2254, %get3A_2256 : vector<16xf32>
      %select_n3A_2262 = arith.select %ge3A_2261, %get3A_2254, %get3A_2256 : vector<16xi1>, vector<16xf32>
      %swap3A_2263 = arith.constant 304 : index
      %swap3A_2264 = tpu.vector_load %arg8[%swap3A_2263] {strides = array<i32>} : memref<2048xf32, #tpu.memory_space<vmem>>, vector<16xf32>,
      tpu.vector_store %arg8[%swap3A_2263], %select_n3A_2262 {strides = array<i32>} : memref<2048xf32, #tpu.memory_space<vmem>>, vector<16xf32>,
      %select_n3A_2265 = arith.select %ge3A_2261, %get3A_2258, %get3A_2260 : vector<16xi1>, vector<16xi32>
      %swap3A_2266 = arith.constant 304 : index
      %swap3A_2267 = tpu.vector_load %arg9[%swap3A_2266] {strides = array<i32>} : memref<2048xi32, #tpu.memory_space<vmem>>, vector<16xi32>,
      tpu.vector_store %arg9[%swap3A_2266], %select_n3A_2265 {strides = array<i32>} : memref<2048xi32, #tpu.memory_space<vmem>>, vector<16xi32>,
      %get3A_2268 = arith.constant 576 : index
      %get3A_2269 = tpu.vector_load %arg8[%get3A_2268] {strides = array<i32>} : memref<2048xf32, #tpu.memory_space<vmem>>, vector<16xf32>,
      %get3A_2270 = arith.constant 592 : index
      %get3A_2271 = tpu.vector_load %arg8[%get3A_2270] {strides = array<i32>} : memref<2048xf32, #tpu.memory_space<vmem>>, vector<16xf32>,
      %get3A_2272 = arith.constant 576 : index
      %get3A_2273 = tpu.vector_load %arg9[%get3A_2272] {strides = array<i32>} : memref<2048xi32, #tpu.memory_space<vmem>>, vector<16xi32>,
      %get3A_2274 = arith.constant 592 : index
      %get3A_2275 = tpu.vector_load %arg9[%get3A_2274] {strides = array<i32>} : memref<2048xi32, #tpu.memory_space<vmem>>, vector<16xi32>,
      %ge3A_2276 = arith.cmpf oge, %get3A_2269, %get3A_2271 : vector<16xf32>
      %select_n3A_2277 = arith.select %ge3A_2276, %get3A_2269, %get3A_2271 : vector<16xi1>, vector<16xf32>
      %swap3A_2278 = arith.constant 288 : index
      %swap3A_2279 = tpu.vector_load %arg8[%swap3A_2278] {strides = array<i32>} : memref<2048xf32, #tpu.memory_space<vmem>>, vector<16xf32>,
      tpu.vector_store %arg8[%swap3A_2278], %select_n3A_2277 {strides = array<i32>} : memref<2048xf32, #tpu.memory_space<vmem>>, vector<16xf32>,
      %select_n3A_2280 = arith.select %ge3A_2276, %get3A_2273, %get3A_2275 : vector<16xi1>, vector<16xi32>
      %swap3A_2281 = arith.constant 288 : index
      %swap3A_2282 = tpu.vector_load %arg9[%swap3A_2281] {strides = array<i32>} : memref<2048xi32, #tpu.memory_space<vmem>>, vector<16xi32>,
      tpu.vector_store %arg9[%swap3A_2281], %select_n3A_2280 {strides = array<i32>} : memref<2048xi32, #tpu.memory_space<vmem>>, vector<16xi32>,
      %get3A_2283 = arith.constant 544 : index
      %get3A_2284 = tpu.vector_load %arg8[%get3A_2283] {strides = array<i32>} : memref<2048xf32, #tpu.memory_space<vmem>>, vector<16xf32>,
      %get3A_2285 = arith.constant 560 : index
      %get3A_2286 = tpu.vector_load %arg8[%get3A_2285] {strides = array<i32>} : memref<2048xf32, #tpu.memory_space<vmem>>, vector<16xf32>,
      %get3A_2287 = arith.constant 544 : index
      %get3A_2288 = tpu.vector_load %arg9[%get3A_2287] {strides = array<i32>} : memref<2048xi32, #tpu.memory_space<vmem>>, vector<16xi32>,
      %get3A_2289 = arith.constant 560 : index
      %get3A_2290 = tpu.vector_load %arg9[%get3A_2289] {strides = array<i32>} : memref<2048xi32, #tpu.memory_space<vmem>>, vector<16xi32>,
      %ge3A_2291 = arith.cmpf oge, %get3A_2284, %get3A_2286 : vector<16xf32>
      %select_n3A_2292 = arith.select %ge3A_2291, %get3A_2284, %get3A_2286 : vector<16xi1>, vector<16xf32>
      %swap3A_2293 = arith.constant 272 : index
      %swap3A_2294 = tpu.vector_load %arg8[%swap3A_2293] {strides = array<i32>} : memref<2048xf32, #tpu.memory_space<vmem>>, vector<16xf32>,
      tpu.vector_store %arg8[%swap3A_2293], %select_n3A_2292 {strides = array<i32>} : memref<2048xf32, #tpu.memory_space<vmem>>, vector<16xf32>,
      %select_n3A_2295 = arith.select %ge3A_2291, %get3A_2288, %get3A_2290 : vector<16xi1>, vector<16xi32>
      %swap3A_2296 = arith.constant 272 : index
      %swap3A_2297 = tpu.vector_load %arg9[%swap3A_2296] {strides = array<i32>} : memref<2048xi32, #tpu.memory_space<vmem>>, vector<16xi32>,
      tpu.vector_store %arg9[%swap3A_2296], %select_n3A_2295 {strides = array<i32>} : memref<2048xi32, #tpu.memory_space<vmem>>, vector<16xi32>,
      %get3A_2298 = arith.constant 512 : index
      %get3A_2299 = tpu.vector_load %arg8[%get3A_2298] {strides = array<i32>} : memref<2048xf32, #tpu.memory_space<vmem>>, vector<16xf32>,
      %get3A_2300 = arith.constant 528 : index
      %get3A_2301 = tpu.vector_load %arg8[%get3A_2300] {strides = array<i32>} : memref<2048xf32, #tpu.memory_space<vmem>>, vector<16xf32>,
      %get3A_2302 = arith.constant 512 : index
      %get3A_2303 = tpu.vector_load %arg9[%get3A_2302] {strides = array<i32>} : memref<2048xi32, #tpu.memory_space<vmem>>, vector<16xi32>,
      %get3A_2304 = arith.constant 528 : index
      %get3A_2305 = tpu.vector_load %arg9[%get3A_2304] {strides = array<i32>} : memref<2048xi32, #tpu.memory_space<vmem>>, vector<16xi32>,
      %ge3A_2306 = arith.cmpf oge, %get3A_2299, %get3A_2301 : vector<16xf32>
      %select_n3A_2307 = arith.select %ge3A_2306, %get3A_2299, %get3A_2301 : vector<16xi1>, vector<16xf32>
      %swap3A_2308 = arith.constant 256 : index
      %swap3A_2309 = tpu.vector_load %arg8[%swap3A_2308] {strides = array<i32>} : memref<2048xf32, #tpu.memory_space<vmem>>, vector<16xf32>,
      tpu.vector_store %arg8[%swap3A_2308], %select_n3A_2307 {strides = array<i32>} : memref<2048xf32, #tpu.memory_space<vmem>>, vector<16xf32>,
      %select_n3A_2310 = arith.select %ge3A_2306, %get3A_2303, %get3A_2305 : vector<16xi1>, vector<16xi32>
      %swap3A_2311 = arith.constant 256 : index
      %swap3A_2312 = tpu.vector_load %arg9[%swap3A_2311] {strides = array<i32>} : memref<2048xi32, #tpu.memory_space<vmem>>, vector<16xi32>,
      tpu.vector_store %arg9[%swap3A_2311], %select_n3A_2310 {strides = array<i32>} : memref<2048xi32, #tpu.memory_space<vmem>>, vector<16xi32>,
      %get3A_2313 = arith.constant 480 : index
      %get3A_2314 = tpu.vector_load %arg8[%get3A_2313] {strides = array<i32>} : memref<2048xf32, #tpu.memory_space<vmem>>, vector<16xf32>,
      %get3A_2315 = arith.constant 496 : index
      %get3A_2316 = tpu.vector_load %arg8[%get3A_2315] {strides = array<i32>} : memref<2048xf32, #tpu.memory_space<vmem>>, vector<16xf32>,
      %get3A_2317 = arith.constant 480 : index
      %get3A_2318 = tpu.vector_load %arg9[%get3A_2317] {strides = array<i32>} : memref<2048xi32, #tpu.memory_space<vmem>>, vector<16xi32>,
      %get3A_2319 = arith.constant 496 : index
      %get3A_2320 = tpu.vector_load %arg9[%get3A_2319] {strides = array<i32>} : memref<2048xi32, #tpu.memory_space<vmem>>, vector<16xi32>,
      %ge3A_2321 = arith.cmpf oge, %get3A_2314, %get3A_2316 : vector<16xf32>
      %select_n3A_2322 = arith.select %ge3A_2321, %get3A_2314, %get3A_2316 : vector<16xi1>, vector<16xf32>
      %swap3A_2323 = arith.constant 240 : index
      %swap3A_2324 = tpu.vector_load %arg8[%swap3A_2323] {strides = array<i32>} : memref<2048xf32, #tpu.memory_space<vmem>>, vector<16xf32>,
      tpu.vector_store %arg8[%swap3A_2323], %select_n3A_2322 {strides = array<i32>} : memref<2048xf32, #tpu.memory_space<vmem>>, vector<16xf32>,
      %select_n3A_2325 = arith.select %ge3A_2321, %get3A_2318, %get3A_2320 : vector<16xi1>, vector<16xi32>
      %swap3A_2326 = arith.constant 240 : index
      %swap3A_2327 = tpu.vector_load %arg9[%swap3A_2326] {strides = array<i32>} : memref<2048xi32, #tpu.memory_space<vmem>>, vector<16xi32>,
      tpu.vector_store %arg9[%swap3A_2326], %select_n3A_2325 {strides = array<i32>} : memref<2048xi32, #tpu.memory_space<vmem>>, vector<16xi32>,
      %get3A_2328 = arith.constant 448 : index
      %get3A_2329 = tpu.vector_load %arg8[%get3A_2328] {strides = array<i32>} : memref<2048xf32, #tpu.memory_space<vmem>>, vector<16xf32>,
      %get3A_2330 = arith.constant 464 : index
      %get3A_2331 = tpu.vector_load %arg8[%get3A_2330] {strides = array<i32>} : memref<2048xf32, #tpu.memory_space<vmem>>, vector<16xf32>,
      %get3A_2332 = arith.constant 448 : index
      %get3A_2333 = tpu.vector_load %arg9[%get3A_2332] {strides = array<i32>} : memref<2048xi32, #tpu.memory_space<vmem>>, vector<16xi32>,
      %get3A_2334 = arith.constant 464 : index
      %get3A_2335 = tpu.vector_load %arg9[%get3A_2334] {strides = array<i32>} : memref<2048xi32, #tpu.memory_space<vmem>>, vector<16xi32>,
      %ge3A_2336 = arith.cmpf oge, %get3A_2329, %get3A_2331 : vector<16xf32>
      %select_n3A_2337 = arith.select %ge3A_2336, %get3A_2329, %get3A_2331 : vector<16xi1>, vector<16xf32>
      %swap3A_2338 = arith.constant 224 : index
      %swap3A_2339 = tpu.vector_load %arg8[%swap3A_2338] {strides = array<i32>} : memref<2048xf32, #tpu.memory_space<vmem>>, vector<16xf32>,
      tpu.vector_store %arg8[%swap3A_2338], %select_n3A_2337 {strides = array<i32>} : memref<2048xf32, #tpu.memory_space<vmem>>, vector<16xf32>,
      %select_n3A_2340 = arith.select %ge3A_2336, %get3A_2333, %get3A_2335 : vector<16xi1>, vector<16xi32>
      %swap3A_2341 = arith.constant 224 : index
      %swap3A_2342 = tpu.vector_load %arg9[%swap3A_2341] {strides = array<i32>} : memref<2048xi32, #tpu.memory_space<vmem>>, vector<16xi32>,
      tpu.vector_store %arg9[%swap3A_2341], %select_n3A_2340 {strides = array<i32>} : memref<2048xi32, #tpu.memory_space<vmem>>, vector<16xi32>,
      %get3A_2343 = arith.constant 416 : index
      %get3A_2344 = tpu.vector_load %arg8[%get3A_2343] {strides = array<i32>} : memref<2048xf32, #tpu.memory_space<vmem>>, vector<16xf32>,
      %get3A_2345 = arith.constant 432 : index
      %get3A_2346 = tpu.vector_load %arg8[%get3A_2345] {strides = array<i32>} : memref<2048xf32, #tpu.memory_space<vmem>>, vector<16xf32>,
      %get3A_2347 = arith.constant 416 : index
      %get3A_2348 = tpu.vector_load %arg9[%get3A_2347] {strides = array<i32>} : memref<2048xi32, #tpu.memory_space<vmem>>, vector<16xi32>,
      %get3A_2349 = arith.constant 432 : index
      %get3A_2350 = tpu.vector_load %arg9[%get3A_2349] {strides = array<i32>} : memref<2048xi32, #tpu.memory_space<vmem>>, vector<16xi32>,
      %ge3A_2351 = arith.cmpf oge, %get3A_2344, %get3A_2346 : vector<16xf32>
      %select_n3A_2352 = arith.select %ge3A_2351, %get3A_2344, %get3A_2346 : vector<16xi1>, vector<16xf32>
      %swap3A_2353 = arith.constant 208 : index
      %swap3A_2354 = tpu.vector_load %arg8[%swap3A_2353] {strides = array<i32>} : memref<2048xf32, #tpu.memory_space<vmem>>, vector<16xf32>,
      tpu.vector_store %arg8[%swap3A_2353], %select_n3A_2352 {strides = array<i32>} : memref<2048xf32, #tpu.memory_space<vmem>>, vector<16xf32>,
      %select_n3A_2355 = arith.select %ge3A_2351, %get3A_2348, %get3A_2350 : vector<16xi1>, vector<16xi32>
      %swap3A_2356 = arith.constant 208 : index
      %swap3A_2357 = tpu.vector_load %arg9[%swap3A_2356] {strides = array<i32>} : memref<2048xi32, #tpu.memory_space<vmem>>, vector<16xi32>,
      tpu.vector_store %arg9[%swap3A_2356], %select_n3A_2355 {strides = array<i32>} : memref<2048xi32, #tpu.memory_space<vmem>>, vector<16xi32>,
      %get3A_2358 = arith.constant 384 : index
      %get3A_2359 = tpu.vector_load %arg8[%get3A_2358] {strides = array<i32>} : memref<2048xf32, #tpu.memory_space<vmem>>, vector<16xf32>,
      %get3A_2360 = arith.constant 400 : index
      %get3A_2361 = tpu.vector_load %arg8[%get3A_2360] {strides = array<i32>} : memref<2048xf32, #tpu.memory_space<vmem>>, vector<16xf32>,
      %get3A_2362 = arith.constant 384 : index
      %get3A_2363 = tpu.vector_load %arg9[%get3A_2362] {strides = array<i32>} : memref<2048xi32, #tpu.memory_space<vmem>>, vector<16xi32>,
      %get3A_2364 = arith.constant 400 : index
      %get3A_2365 = tpu.vector_load %arg9[%get3A_2364] {strides = array<i32>} : memref<2048xi32, #tpu.memory_space<vmem>>, vector<16xi32>,
      %ge3A_2366 = arith.cmpf oge, %get3A_2359, %get3A_2361 : vector<16xf32>
      %select_n3A_2367 = arith.select %ge3A_2366, %get3A_2359, %get3A_2361 : vector<16xi1>, vector<16xf32>
      %swap3A_2368 = arith.constant 192 : index
      %swap3A_2369 = tpu.vector_load %arg8[%swap3A_2368] {strides = array<i32>} : memref<2048xf32, #tpu.memory_space<vmem>>, vector<16xf32>,
      tpu.vector_store %arg8[%swap3A_2368], %select_n3A_2367 {strides = array<i32>} : memref<2048xf32, #tpu.memory_space<vmem>>, vector<16xf32>,
      %select_n3A_2370 = arith.select %ge3A_2366, %get3A_2363, %get3A_2365 : vector<16xi1>, vector<16xi32>
      %swap3A_2371 = arith.constant 192 : index
      %swap3A_2372 = tpu.vector_load %arg9[%swap3A_2371] {strides = array<i32>} : memref<2048xi32, #tpu.memory_space<vmem>>, vector<16xi32>,
      tpu.vector_store %arg9[%swap3A_2371], %select_n3A_2370 {strides = array<i32>} : memref<2048xi32, #tpu.memory_space<vmem>>, vector<16xi32>,
      %get3A_2373 = arith.constant 352 : index
      %get3A_2374 = tpu.vector_load %arg8[%get3A_2373] {strides = array<i32>} : memref<2048xf32, #tpu.memory_space<vmem>>, vector<16xf32>,
      %get3A_2375 = arith.constant 368 : index
      %get3A_2376 = tpu.vector_load %arg8[%get3A_2375] {strides = array<i32>} : memref<2048xf32, #tpu.memory_space<vmem>>, vector<16xf32>,
      %get3A_2377 = arith.constant 352 : index
      %get3A_2378 = tpu.vector_load %arg9[%get3A_2377] {strides = array<i32>} : memref<2048xi32, #tpu.memory_space<vmem>>, vector<16xi32>,
      %get3A_2379 = arith.constant 368 : index
      %get3A_2380 = tpu.vector_load %arg9[%get3A_2379] {strides = array<i32>} : memref<2048xi32, #tpu.memory_space<vmem>>, vector<16xi32>,
      %ge3A_2381 = arith.cmpf oge, %get3A_2374, %get3A_2376 : vector<16xf32>
      %select_n3A_2382 = arith.select %ge3A_2381, %get3A_2374, %get3A_2376 : vector<16xi1>, vector<16xf32>
      %swap3A_2383 = arith.constant 176 : index
      %swap3A_2384 = tpu.vector_load %arg8[%swap3A_2383] {strides = array<i32>} : memref<2048xf32, #tpu.memory_space<vmem>>, vector<16xf32>,
      tpu.vector_store %arg8[%swap3A_2383], %select_n3A_2382 {strides = array<i32>} : memref<2048xf32, #tpu.memory_space<vmem>>, vector<16xf32>,
      %select_n3A_2385 = arith.select %ge3A_2381, %get3A_2378, %get3A_2380 : vector<16xi1>, vector<16xi32>
      %swap3A_2386 = arith.constant 176 : index
      %swap3A_2387 = tpu.vector_load %arg9[%swap3A_2386] {strides = array<i32>} : memref<2048xi32, #tpu.memory_space<vmem>>, vector<16xi32>,
      tpu.vector_store %arg9[%swap3A_2386], %select_n3A_2385 {strides = array<i32>} : memref<2048xi32, #tpu.memory_space<vmem>>, vector<16xi32>,
      %get3A_2388 = arith.constant 320 : index
      %get3A_2389 = tpu.vector_load %arg8[%get3A_2388] {strides = array<i32>} : memref<2048xf32, #tpu.memory_space<vmem>>, vector<16xf32>,
      %get3A_2390 = arith.constant 336 : index
      %get3A_2391 = tpu.vector_load %arg8[%get3A_2390] {strides = array<i32>} : memref<2048xf32, #tpu.memory_space<vmem>>, vector<16xf32>,
      %get3A_2392 = arith.constant 320 : index
      %get3A_2393 = tpu.vector_load %arg9[%get3A_2392] {strides = array<i32>} : memref<2048xi32, #tpu.memory_space<vmem>>, vector<16xi32>,
      %get3A_2394 = arith.constant 336 : index
      %get3A_2395 = tpu.vector_load %arg9[%get3A_2394] {strides = array<i32>} : memref<2048xi32, #tpu.memory_space<vmem>>, vector<16xi32>,
      %ge3A_2396 = arith.cmpf oge, %get3A_2389, %get3A_2391 : vector<16xf32>
      %select_n3A_2397 = arith.select %ge3A_2396, %get3A_2389, %get3A_2391 : vector<16xi1>, vector<16xf32>
      %swap3A_2398 = arith.constant 160 : index
      %swap3A_2399 = tpu.vector_load %arg8[%swap3A_2398] {strides = array<i32>} : memref<2048xf32, #tpu.memory_space<vmem>>, vector<16xf32>,
      tpu.vector_store %arg8[%swap3A_2398], %select_n3A_2397 {strides = array<i32>} : memref<2048xf32, #tpu.memory_space<vmem>>, vector<16xf32>,
      %select_n3A_2400 = arith.select %ge3A_2396, %get3A_2393, %get3A_2395 : vector<16xi1>, vector<16xi32>
      %swap3A_2401 = arith.constant 160 : index
      %swap3A_2402 = tpu.vector_load %arg9[%swap3A_2401] {strides = array<i32>} : memref<2048xi32, #tpu.memory_space<vmem>>, vector<16xi32>,
      tpu.vector_store %arg9[%swap3A_2401], %select_n3A_2400 {strides = array<i32>} : memref<2048xi32, #tpu.memory_space<vmem>>, vector<16xi32>,
      %get3A_2403 = arith.constant 288 : index
      %get3A_2404 = tpu.vector_load %arg8[%get3A_2403] {strides = array<i32>} : memref<2048xf32, #tpu.memory_space<vmem>>, vector<16xf32>,
      %get3A_2405 = arith.constant 304 : index
      %get3A_2406 = tpu.vector_load %arg8[%get3A_2405] {strides = array<i32>} : memref<2048xf32, #tpu.memory_space<vmem>>, vector<16xf32>,
      %get3A_2407 = arith.constant 288 : index
      %get3A_2408 = tpu.vector_load %arg9[%get3A_2407] {strides = array<i32>} : memref<2048xi32, #tpu.memory_space<vmem>>, vector<16xi32>,
      %get3A_2409 = arith.constant 304 : index
      %get3A_2410 = tpu.vector_load %arg9[%get3A_2409] {strides = array<i32>} : memref<2048xi32, #tpu.memory_space<vmem>>, vector<16xi32>,
      %ge3A_2411 = arith.cmpf oge, %get3A_2404, %get3A_2406 : vector<16xf32>
      %select_n3A_2412 = arith.select %ge3A_2411, %get3A_2404, %get3A_2406 : vector<16xi1>, vector<16xf32>
      %swap3A_2413 = arith.constant 144 : index
      %swap3A_2414 = tpu.vector_load %arg8[%swap3A_2413] {strides = array<i32>} : memref<2048xf32, #tpu.memory_space<vmem>>, vector<16xf32>,
      tpu.vector_store %arg8[%swap3A_2413], %select_n3A_2412 {strides = array<i32>} : memref<2048xf32, #tpu.memory_space<vmem>>, vector<16xf32>,
      %select_n3A_2415 = arith.select %ge3A_2411, %get3A_2408, %get3A_2410 : vector<16xi1>, vector<16xi32>
      %swap3A_2416 = arith.constant 144 : index
      %swap3A_2417 = tpu.vector_load %arg9[%swap3A_2416] {strides = array<i32>} : memref<2048xi32, #tpu.memory_space<vmem>>, vector<16xi32>,
      tpu.vector_store %arg9[%swap3A_2416], %select_n3A_2415 {strides = array<i32>} : memref<2048xi32, #tpu.memory_space<vmem>>, vector<16xi32>,
      %get3A_2418 = arith.constant 256 : index
      %get3A_2419 = tpu.vector_load %arg8[%get3A_2418] {strides = array<i32>} : memref<2048xf32, #tpu.memory_space<vmem>>, vector<16xf32>,
      %get3A_2420 = arith.constant 272 : index
      %get3A_2421 = tpu.vector_load %arg8[%get3A_2420] {strides = array<i32>} : memref<2048xf32, #tpu.memory_space<vmem>>, vector<16xf32>,
      %get3A_2422 = arith.constant 256 : index
      %get3A_2423 = tpu.vector_load %arg9[%get3A_2422] {strides = array<i32>} : memref<2048xi32, #tpu.memory_space<vmem>>, vector<16xi32>,
      %get3A_2424 = arith.constant 272 : index
      %get3A_2425 = tpu.vector_load %arg9[%get3A_2424] {strides = array<i32>} : memref<2048xi32, #tpu.memory_space<vmem>>, vector<16xi32>,
      %ge3A_2426 = arith.cmpf oge, %get3A_2419, %get3A_2421 : vector<16xf32>
      %select_n3A_2427 = arith.select %ge3A_2426, %get3A_2419, %get3A_2421 : vector<16xi1>, vector<16xf32>
      %swap3A_2428 = arith.constant 128 : index
      %swap3A_2429 = tpu.vector_load %arg8[%swap3A_2428] {strides = array<i32>} : memref<2048xf32, #tpu.memory_space<vmem>>, vector<16xf32>,
      tpu.vector_store %arg8[%swap3A_2428], %select_n3A_2427 {strides = array<i32>} : memref<2048xf32, #tpu.memory_space<vmem>>, vector<16xf32>,
      %select_n3A_2430 = arith.select %ge3A_2426, %get3A_2423, %get3A_2425 : vector<16xi1>, vector<16xi32>
      %swap3A_2431 = arith.constant 128 : index
      %swap3A_2432 = tpu.vector_load %arg9[%swap3A_2431] {strides = array<i32>} : memref<2048xi32, #tpu.memory_space<vmem>>, vector<16xi32>,
      tpu.vector_store %arg9[%swap3A_2431], %select_n3A_2430 {strides = array<i32>} : memref<2048xi32, #tpu.memory_space<vmem>>, vector<16xi32>,
      %get3A_2433 = arith.constant 224 : index
      %get3A_2434 = tpu.vector_load %arg8[%get3A_2433] {strides = array<i32>} : memref<2048xf32, #tpu.memory_space<vmem>>, vector<16xf32>,
      %get3A_2435 = arith.constant 240 : index
      %get3A_2436 = tpu.vector_load %arg8[%get3A_2435] {strides = array<i32>} : memref<2048xf32, #tpu.memory_space<vmem>>, vector<16xf32>,
      %get3A_2437 = arith.constant 224 : index
      %get3A_2438 = tpu.vector_load %arg9[%get3A_2437] {strides = array<i32>} : memref<2048xi32, #tpu.memory_space<vmem>>, vector<16xi32>,
      %get3A_2439 = arith.constant 240 : index
      %get3A_2440 = tpu.vector_load %arg9[%get3A_2439] {strides = array<i32>} : memref<2048xi32, #tpu.memory_space<vmem>>, vector<16xi32>,
      %ge3A_2441 = arith.cmpf oge, %get3A_2434, %get3A_2436 : vector<16xf32>
      %select_n3A_2442 = arith.select %ge3A_2441, %get3A_2434, %get3A_2436 : vector<16xi1>, vector<16xf32>
      %swap3A_2443 = arith.constant 112 : index
      %swap3A_2444 = tpu.vector_load %arg8[%swap3A_2443] {strides = array<i32>} : memref<2048xf32, #tpu.memory_space<vmem>>, vector<16xf32>,
      tpu.vector_store %arg8[%swap3A_2443], %select_n3A_2442 {strides = array<i32>} : memref<2048xf32, #tpu.memory_space<vmem>>, vector<16xf32>,
      %select_n3A_2445 = arith.select %ge3A_2441, %get3A_2438, %get3A_2440 : vector<16xi1>, vector<16xi32>
      %swap3A_2446 = arith.constant 112 : index
      %swap3A_2447 = tpu.vector_load %arg9[%swap3A_2446] {strides = array<i32>} : memref<2048xi32, #tpu.memory_space<vmem>>, vector<16xi32>,
      tpu.vector_store %arg9[%swap3A_2446], %select_n3A_2445 {strides = array<i32>} : memref<2048xi32, #tpu.memory_space<vmem>>, vector<16xi32>,
      %get3A_2448 = arith.constant 192 : index
      %get3A_2449 = tpu.vector_load %arg8[%get3A_2448] {strides = array<i32>} : memref<2048xf32, #tpu.memory_space<vmem>>, vector<16xf32>,
      %get3A_2450 = arith.constant 208 : index
      %get3A_2451 = tpu.vector_load %arg8[%get3A_2450] {strides = array<i32>} : memref<2048xf32, #tpu.memory_space<vmem>>, vector<16xf32>,
      %get3A_2452 = arith.constant 192 : index
      %get3A_2453 = tpu.vector_load %arg9[%get3A_2452] {strides = array<i32>} : memref<2048xi32, #tpu.memory_space<vmem>>, vector<16xi32>,
      %get3A_2454 = arith.constant 208 : index
      %get3A_2455 = tpu.vector_load %arg9[%get3A_2454] {strides = array<i32>} : memref<2048xi32, #tpu.memory_space<vmem>>, vector<16xi32>,
      %ge3A_2456 = arith.cmpf oge, %get3A_2449, %get3A_2451 : vector<16xf32>
      %select_n3A_2457 = arith.select %ge3A_2456, %get3A_2449, %get3A_2451 : vector<16xi1>, vector<16xf32>
      %swap3A_2458 = arith.constant 96 : index
      %swap3A_2459 = tpu.vector_load %arg8[%swap3A_2458] {strides = array<i32>} : memref<2048xf32, #tpu.memory_space<vmem>>, vector<16xf32>,
      tpu.vector_store %arg8[%swap3A_2458], %select_n3A_2457 {strides = array<i32>} : memref<2048xf32, #tpu.memory_space<vmem>>, vector<16xf32>,
      %select_n3A_2460 = arith.select %ge3A_2456, %get3A_2453, %get3A_2455 : vector<16xi1>, vector<16xi32>
      %swap3A_2461 = arith.constant 96 : index
      %swap3A_2462 = tpu.vector_load %arg9[%swap3A_2461] {strides = array<i32>} : memref<2048xi32, #tpu.memory_space<vmem>>, vector<16xi32>,
      tpu.vector_store %arg9[%swap3A_2461], %select_n3A_2460 {strides = array<i32>} : memref<2048xi32, #tpu.memory_space<vmem>>, vector<16xi32>,
      %get3A_2463 = arith.constant 160 : index
      %get3A_2464 = tpu.vector_load %arg8[%get3A_2463] {strides = array<i32>} : memref<2048xf32, #tpu.memory_space<vmem>>, vector<16xf32>,
      %get3A_2465 = arith.constant 176 : index
      %get3A_2466 = tpu.vector_load %arg8[%get3A_2465] {strides = array<i32>} : memref<2048xf32, #tpu.memory_space<vmem>>, vector<16xf32>,
      %get3A_2467 = arith.constant 160 : index
      %get3A_2468 = tpu.vector_load %arg9[%get3A_2467] {strides = array<i32>} : memref<2048xi32, #tpu.memory_space<vmem>>, vector<16xi32>,
      %get3A_2469 = arith.constant 176 : index
      %get3A_2470 = tpu.vector_load %arg9[%get3A_2469] {strides = array<i32>} : memref<2048xi32, #tpu.memory_space<vmem>>, vector<16xi32>,
      %ge3A_2471 = arith.cmpf oge, %get3A_2464, %get3A_2466 : vector<16xf32>
      %select_n3A_2472 = arith.select %ge3A_2471, %get3A_2464, %get3A_2466 : vector<16xi1>, vector<16xf32>
      %swap3A_2473 = arith.constant 80 : index
      %swap3A_2474 = tpu.vector_load %arg8[%swap3A_2473] {strides = array<i32>} : memref<2048xf32, #tpu.memory_space<vmem>>, vector<16xf32>,
      tpu.vector_store %arg8[%swap3A_2473], %select_n3A_2472 {strides = array<i32>} : memref<2048xf32, #tpu.memory_space<vmem>>, vector<16xf32>,
      %select_n3A_2475 = arith.select %ge3A_2471, %get3A_2468, %get3A_2470 : vector<16xi1>, vector<16xi32>
      %swap3A_2476 = arith.constant 80 : index
      %swap3A_2477 = tpu.vector_load %arg9[%swap3A_2476] {strides = array<i32>} : memref<2048xi32, #tpu.memory_space<vmem>>, vector<16xi32>,
      tpu.vector_store %arg9[%swap3A_2476], %select_n3A_2475 {strides = array<i32>} : memref<2048xi32, #tpu.memory_space<vmem>>, vector<16xi32>,
      %get3A_2478 = arith.constant 128 : index
      %get3A_2479 = tpu.vector_load %arg8[%get3A_2478] {strides = array<i32>} : memref<2048xf32, #tpu.memory_space<vmem>>, vector<16xf32>,
      %get3A_2480 = arith.constant 144 : index
      %get3A_2481 = tpu.vector_load %arg8[%get3A_2480] {strides = array<i32>} : memref<2048xf32, #tpu.memory_space<vmem>>, vector<16xf32>,
      %get3A_2482 = arith.constant 128 : index
      %get3A_2483 = tpu.vector_load %arg9[%get3A_2482] {strides = array<i32>} : memref<2048xi32, #tpu.memory_space<vmem>>, vector<16xi32>,
      %get3A_2484 = arith.constant 144 : index
      %get3A_2485 = tpu.vector_load %arg9[%get3A_2484] {strides = array<i32>} : memref<2048xi32, #tpu.memory_space<vmem>>, vector<16xi32>,
      %ge3A_2486 = arith.cmpf oge, %get3A_2479, %get3A_2481 : vector<16xf32>
      %select_n3A_2487 = arith.select %ge3A_2486, %get3A_2479, %get3A_2481 : vector<16xi1>, vector<16xf32>
      %swap3A_2488 = arith.constant 64 : index
      %swap3A_2489 = tpu.vector_load %arg8[%swap3A_2488] {strides = array<i32>} : memref<2048xf32, #tpu.memory_space<vmem>>, vector<16xf32>,
      tpu.vector_store %arg8[%swap3A_2488], %select_n3A_2487 {strides = array<i32>} : memref<2048xf32, #tpu.memory_space<vmem>>, vector<16xf32>,
      %select_n3A_2490 = arith.select %ge3A_2486, %get3A_2483, %get3A_2485 : vector<16xi1>, vector<16xi32>
      %swap3A_2491 = arith.constant 64 : index
      %swap3A_2492 = tpu.vector_load %arg9[%swap3A_2491] {strides = array<i32>} : memref<2048xi32, #tpu.memory_space<vmem>>, vector<16xi32>,
      tpu.vector_store %arg9[%swap3A_2491], %select_n3A_2490 {strides = array<i32>} : memref<2048xi32, #tpu.memory_space<vmem>>, vector<16xi32>,
      %get3A_2493 = arith.constant 96 : index
      %get3A_2494 = tpu.vector_load %arg8[%get3A_2493] {strides = array<i32>} : memref<2048xf32, #tpu.memory_space<vmem>>, vector<16xf32>,
      %get3A_2495 = arith.constant 112 : index
      %get3A_2496 = tpu.vector_load %arg8[%get3A_2495] {strides = array<i32>} : memref<2048xf32, #tpu.memory_space<vmem>>, vector<16xf32>,
      %get3A_2497 = arith.constant 96 : index
      %get3A_2498 = tpu.vector_load %arg9[%get3A_2497] {strides = array<i32>} : memref<2048xi32, #tpu.memory_space<vmem>>, vector<16xi32>,
      %get3A_2499 = arith.constant 112 : index
      %get3A_2500 = tpu.vector_load %arg9[%get3A_2499] {strides = array<i32>} : memref<2048xi32, #tpu.memory_space<vmem>>, vector<16xi32>,
      %ge3A_2501 = arith.cmpf oge, %get3A_2494, %get3A_2496 : vector<16xf32>
      %select_n3A_2502 = arith.select %ge3A_2501, %get3A_2494, %get3A_2496 : vector<16xi1>, vector<16xf32>
      %swap3A_2503 = arith.constant 48 : index
      %swap3A_2504 = tpu.vector_load %arg8[%swap3A_2503] {strides = array<i32>} : memref<2048xf32, #tpu.memory_space<vmem>>, vector<16xf32>,
      tpu.vector_store %arg8[%swap3A_2503], %select_n3A_2502 {strides = array<i32>} : memref<2048xf32, #tpu.memory_space<vmem>>, vector<16xf32>,
      %select_n3A_2505 = arith.select %ge3A_2501, %get3A_2498, %get3A_2500 : vector<16xi1>, vector<16xi32>
      %swap3A_2506 = arith.constant 48 : index
      %swap3A_2507 = tpu.vector_load %arg9[%swap3A_2506] {strides = array<i32>} : memref<2048xi32, #tpu.memory_space<vmem>>, vector<16xi32>,
      tpu.vector_store %arg9[%swap3A_2506], %select_n3A_2505 {strides = array<i32>} : memref<2048xi32, #tpu.memory_space<vmem>>, vector<16xi32>,
      %get3A_2508 = arith.constant 64 : index
      %get3A_2509 = tpu.vector_load %arg8[%get3A_2508] {strides = array<i32>} : memref<2048xf32, #tpu.memory_space<vmem>>, vector<16xf32>,
      %get3A_2510 = arith.constant 80 : index
      %get3A_2511 = tpu.vector_load %arg8[%get3A_2510] {strides = array<i32>} : memref<2048xf32, #tpu.memory_space<vmem>>, vector<16xf32>,
      %get3A_2512 = arith.constant 64 : index
      %get3A_2513 = tpu.vector_load %arg9[%get3A_2512] {strides = array<i32>} : memref<2048xi32, #tpu.memory_space<vmem>>, vector<16xi32>,
      %get3A_2514 = arith.constant 80 : index
      %get3A_2515 = tpu.vector_load %arg9[%get3A_2514] {strides = array<i32>} : memref<2048xi32, #tpu.memory_space<vmem>>, vector<16xi32>,
      %ge3A_2516 = arith.cmpf oge, %get3A_2509, %get3A_2511 : vector<16xf32>
      %select_n3A_2517 = arith.select %ge3A_2516, %get3A_2509, %get3A_2511 : vector<16xi1>, vector<16xf32>
      %swap3A_2518 = arith.constant 32 : index
      %swap3A_2519 = tpu.vector_load %arg8[%swap3A_2518] {strides = array<i32>} : memref<2048xf32, #tpu.memory_space<vmem>>, vector<16xf32>,
      tpu.vector_store %arg8[%swap3A_2518], %select_n3A_2517 {strides = array<i32>} : memref<2048xf32, #tpu.memory_space<vmem>>, vector<16xf32>,
      %select_n3A_2520 = arith.select %ge3A_2516, %get3A_2513, %get3A_2515 : vector<16xi1>, vector<16xi32>
      %swap3A_2521 = arith.constant 32 : index
      %swap3A_2522 = tpu.vector_load %arg9[%swap3A_2521] {strides = array<i32>} : memref<2048xi32, #tpu.memory_space<vmem>>, vector<16xi32>,
      tpu.vector_store %arg9[%swap3A_2521], %select_n3A_2520 {strides = array<i32>} : memref<2048xi32, #tpu.memory_space<vmem>>, vector<16xi32>,
      %get3A_2523 = arith.constant 32 : index
      %get3A_2524 = tpu.vector_load %arg8[%get3A_2523] {strides = array<i32>} : memref<2048xf32, #tpu.memory_space<vmem>>, vector<16xf32>,
      %get3A_2525 = arith.constant 48 : index
      %get3A_2526 = tpu.vector_load %arg8[%get3A_2525] {strides = array<i32>} : memref<2048xf32, #tpu.memory_space<vmem>>, vector<16xf32>,
      %get3A_2527 = arith.constant 32 : index
      %get3A_2528 = tpu.vector_load %arg9[%get3A_2527] {strides = array<i32>} : memref<2048xi32, #tpu.memory_space<vmem>>, vector<16xi32>,
      %get3A_2529 = arith.constant 48 : index
      %get3A_2530 = tpu.vector_load %arg9[%get3A_2529] {strides = array<i32>} : memref<2048xi32, #tpu.memory_space<vmem>>, vector<16xi32>,
      %ge3A_2531 = arith.cmpf oge, %get3A_2524, %get3A_2526 : vector<16xf32>
      %select_n3A_2532 = arith.select %ge3A_2531, %get3A_2524, %get3A_2526 : vector<16xi1>, vector<16xf32>
      %swap3A_2533 = arith.constant 16 : index
      %swap3A_2534 = tpu.vector_load %arg8[%swap3A_2533] {strides = array<i32>} : memref<2048xf32, #tpu.memory_space<vmem>>, vector<16xf32>,
      tpu.vector_store %arg8[%swap3A_2533], %select_n3A_2532 {strides = array<i32>} : memref<2048xf32, #tpu.memory_space<vmem>>, vector<16xf32>,
      %select_n3A_2535 = arith.select %ge3A_2531, %get3A_2528, %get3A_2530 : vector<16xi1>, vector<16xi32>
      %swap3A_2536 = arith.constant 16 : index
      %swap3A_2537 = tpu.vector_load %arg9[%swap3A_2536] {strides = array<i32>} : memref<2048xi32, #tpu.memory_space<vmem>>, vector<16xi32>,
      tpu.vector_store %arg9[%swap3A_2536], %select_n3A_2535 {strides = array<i32>} : memref<2048xi32, #tpu.memory_space<vmem>>, vector<16xi32>,
      %broadcast_in_dim3A_2538 = arith.constant 0.000000e+00 : f32
      %broadcast_in_dim3A_2539 = vector.broadcast %broadcast_in_dim3A_2538 : f32 to vector<16xf32>
      %get3A_2540 = arith.constant 16 : index
      %get3A_2541 = tpu.vector_load %arg9[%get3A_2540] {strides = array<i32>} : memref<2048xi32, #tpu.memory_space<vmem>>, vector<16xi32>,
      %add3A_2542 = arith.constant 0 : i32
      %add3A_2543 = arith.addi %add3A_2542, %mul3A_262 : i32
      %swap3A_2544 = arith.index_cast %add3A_2543 : i32 to index
      %swap3A_2545 = tpu.vector_load %arg11[%swap3A_2544] {strides = array<i32>} : memref<2048xi32, #tpu.memory_space<vmem>>, vector<16xi32>,
      tpu.vector_store %arg11[%swap3A_2544], %get3A_2541 {strides = array<i32>} : memref<2048xi32, #tpu.memory_space<vmem>>, vector<16xi32>,
      %mul3A_2546 = arith.constant 256 : i32
      %mul3A_2547 = vector.broadcast %mul3A_2546 : i32 to vector<16xi32>
      %mul3A_2548 = arith.muli %get3A_2541, %mul3A_2547 : vector<16xi32>
      %add3A_2549 = vector.broadcast %mul3A_262 : i32 to vector<16xi32>
      %add3A_2550 = arith.addi %mul3A_2548, %add3A_2549 : vector<16xi32>
      %add3A_2551 = arith.addi %add3A_2550, %iota3A : vector<16xi32>
      %gather3A = tpu.vector_load_idx %arg7[%add3A_2551] : memref<16384xf32, #tpu.memory_space<vmem>>[vector<16xi32>], vector<16xf32>,
      %add3A_2552 = arith.addf %broadcast_in_dim3A_2539, %gather3A : vector<16xf32>
      %add3A_2553 = arith.constant 64 : i32
      %add3A_2554 = vector.broadcast %add3A_2553 : i32 to vector<16xi32>
      %add3A_2555 = arith.addi %get3A_2541, %add3A_2554 : vector<16xi32>
      %mul3A_2556 = arith.constant 16 : i32
      %mul3A_2557 = vector.broadcast %mul3A_2556 : i32 to vector<16xi32>
      %mul3A_2558 = arith.muli %add3A_2555, %mul3A_2557 : vector<16xi32>
      %add3A_2559 = arith.addi %mul3A_2558, %iota3A : vector<16xi32>
      %broadcast_in_dim3A_2560 = arith.constant 0xFF800000 : f32
      %broadcast_in_dim3A_2561 = vector.broadcast %broadcast_in_dim3A_2560 : f32 to vector<16xf32>
      tpu.vector_store_idx %arg8[%add3A_2559], %broadcast_in_dim3A_2561 : memref<2048xf32, #tpu.memory_space<vmem>>[vector<16xi32>], vector<16xf32>,
      %add3A_2562 = arith.constant 64 : i32
      %add3A_2563 = vector.broadcast %add3A_2562 : i32 to vector<16xi32>
      %add3A_2564 = arith.addi %get3A_2541, %add3A_2563 : vector<16xi32>
      %shift_right_logical3A = arith.constant 1 : i32
      %shift_right_logical3A_2565 = vector.broadcast %shift_right_logical3A : i32 to vector<16xi32>
      %shift_right_logical3A_2566 = arith.shrui %add3A_2564, %shift_right_logical3A_2565 : vector<16xi32>
      %mul3A_2567 = arith.constant 32 : i32
      %mul3A_2568 = vector.broadcast %mul3A_2567 : i32 to vector<16xi32>
      %mul3A_2569 = arith.muli %shift_right_logical3A_2566, %mul3A_2568 : vector<16xi32>
      %add3A_2570 = arith.addi %mul3A_2569, %iota3A : vector<16xi32>
      %mul3A_2571 = arith.constant 32 : i32
      %mul3A_2572 = vector.broadcast %mul3A_2571 : i32 to vector<16xi32>
      %mul3A_2573 = arith.muli %shift_right_logical3A_2566, %mul3A_2572 : vector<16xi32>
      %add3A_2574 = arith.constant 16 : i32
      %add3A_2575 = vector.broadcast %add3A_2574 : i32 to vector<16xi32>
      %add3A_2576 = arith.addi %mul3A_2573, %add3A_2575 : vector<16xi32>
      %add3A_2577 = arith.addi %add3A_2576, %iota3A : vector<16xi32>
      %gather3A_2578 = tpu.vector_load_idx %arg8[%add3A_2570] : memref<2048xf32, #tpu.memory_space<vmem>>[vector<16xi32>], vector<16xf32>,
      %gather3A_2579 = tpu.vector_load_idx %arg8[%add3A_2577] : memref<2048xf32, #tpu.memory_space<vmem>>[vector<16xi32>], vector<16xf32>,
      %gather3A_2580 = tpu.vector_load_idx %arg9[%add3A_2570] : memref<2048xi32, #tpu.memory_space<vmem>>[vector<16xi32>], vector<16xi32>,
      %gather3A_2581 = tpu.vector_load_idx %arg9[%add3A_2577] : memref<2048xi32, #tpu.memory_space<vmem>>[vector<16xi32>], vector<16xi32>,
      %ge3A_2582 = arith.cmpf oge, %gather3A_2578, %gather3A_2579 : vector<16xf32>
      %mul3A_2583 = arith.constant 16 : i32
      %mul3A_2584 = vector.broadcast %mul3A_2583 : i32 to vector<16xi32>
      %mul3A_2585 = arith.muli %shift_right_logical3A_2566, %mul3A_2584 : vector<16xi32>
      %add3A_2586 = arith.addi %mul3A_2585, %iota3A : vector<16xi32>
      %select_n3A_2587 = arith.select %ge3A_2582, %gather3A_2578, %gather3A_2579 : vector<16xi1>, vector<16xf32>
      tpu.vector_store_idx %arg8[%add3A_2586], %select_n3A_2587 : memref<2048xf32, #tpu.memory_space<vmem>>[vector<16xi32>], vector<16xf32>,
      %select_n3A_2588 = arith.select %ge3A_2582, %gather3A_2580, %gather3A_2581 : vector<16xi1>, vector<16xi32>
      tpu.vector_store_idx %arg9[%add3A_2586], %select_n3A_2588 : memref<2048xi32, #tpu.memory_space<vmem>>[vector<16xi32>], vector<16xi32>,
      %shift_right_logical3A_2589 = arith.constant 1 : i32
      %shift_right_logical3A_2590 = vector.broadcast %shift_right_logical3A_2589 : i32 to vector<16xi32>
      %shift_right_logical3A_2591 = arith.shrui %shift_right_logical3A_2566, %shift_right_logical3A_2590 : vector<16xi32>
      %mul3A_2592 = arith.constant 32 : i32
      %mul3A_2593 = vector.broadcast %mul3A_2592 : i32 to vector<16xi32>
      %mul3A_2594 = arith.muli %shift_right_logical3A_2591, %mul3A_2593 : vector<16xi32>
      %add3A_2595 = arith.addi %mul3A_2594, %iota3A : vector<16xi32>
      %mul3A_2596 = arith.constant 32 : i32
      %mul3A_2597 = vector.broadcast %mul3A_2596 : i32 to vector<16xi32>
      %mul3A_2598 = arith.muli %shift_right_logical3A_2591, %mul3A_2597 : vector<16xi32>
      %add3A_2599 = arith.constant 16 : i32
      %add3A_2600 = vector.broadcast %add3A_2599 : i32 to vector<16xi32>
      %add3A_2601 = arith.addi %mul3A_2598, %add3A_2600 : vector<16xi32>
      %add3A_2602 = arith.addi %add3A_2601, %iota3A : vector<16xi32>
      %gather3A_2603 = tpu.vector_load_idx %arg8[%add3A_2595] : memref<2048xf32, #tpu.memory_space<vmem>>[vector<16xi32>], vector<16xf32>,
      %gather3A_2604 = tpu.vector_load_idx %arg8[%add3A_2602] : memref<2048xf32, #tpu.memory_space<vmem>>[vector<16xi32>], vector<16xf32>,
      %gather3A_2605 = tpu.vector_load_idx %arg9[%add3A_2595] : memref<2048xi32, #tpu.memory_space<vmem>>[vector<16xi32>], vector<16xi32>,
      %gather3A_2606 = tpu.vector_load_idx %arg9[%add3A_2602] : memref<2048xi32, #tpu.memory_space<vmem>>[vector<16xi32>], vector<16xi32>,
      %ge3A_2607 = arith.cmpf oge, %gather3A_2603, %gather3A_2604 : vector<16xf32>
      %mul3A_2608 = arith.constant 16 : i32
      %mul3A_2609 = vector.broadcast %mul3A_2608 : i32 to vector<16xi32>
      %mul3A_2610 = arith.muli %shift_right_logical3A_2591, %mul3A_2609 : vector<16xi32>
      %add3A_2611 = arith.addi %mul3A_2610, %iota3A : vector<16xi32>
      %select_n3A_2612 = arith.select %ge3A_2607, %gather3A_2603, %gather3A_2604 : vector<16xi1>, vector<16xf32>
      tpu.vector_store_idx %arg8[%add3A_2611], %select_n3A_2612 : memref<2048xf32, #tpu.memory_space<vmem>>[vector<16xi32>], vector<16xf32>,
      %select_n3A_2613 = arith.select %ge3A_2607, %gather3A_2605, %gather3A_2606 : vector<16xi1>, vector<16xi32>
      tpu.vector_store_idx %arg9[%add3A_2611], %select_n3A_2613 : memref<2048xi32, #tpu.memory_space<vmem>>[vector<16xi32>], vector<16xi32>,
      %shift_right_logical3A_2614 = arith.constant 1 : i32
      %shift_right_logical3A_2615 = vector.broadcast %shift_right_logical3A_2614 : i32 to vector<16xi32>
      %shift_right_logical3A_2616 = arith.shrui %shift_right_logical3A_2591, %shift_right_logical3A_2615 : vector<16xi32>
      %mul3A_2617 = arith.constant 32 : i32
      %mul3A_2618 = vector.broadcast %mul3A_2617 : i32 to vector<16xi32>
      %mul3A_2619 = arith.muli %shift_right_logical3A_2616, %mul3A_2618 : vector<16xi32>
      %add3A_2620 = arith.addi %mul3A_2619, %iota3A : vector<16xi32>
      %mul3A_2621 = arith.constant 32 : i32
      %mul3A_2622 = vector.broadcast %mul3A_2621 : i32 to vector<16xi32>
      %mul3A_2623 = arith.muli %shift_right_logical3A_2616, %mul3A_2622 : vector<16xi32>
      %add3A_2624 = arith.constant 16 : i32
      %add3A_2625 = vector.broadcast %add3A_2624 : i32 to vector<16xi32>
      %add3A_2626 = arith.addi %mul3A_2623, %add3A_2625 : vector<16xi32>
      %add3A_2627 = arith.addi %add3A_2626, %iota3A : vector<16xi32>
      %gather3A_2628 = tpu.vector_load_idx %arg8[%add3A_2620] : memref<2048xf32, #tpu.memory_space<vmem>>[vector<16xi32>], vector<16xf32>,
      %gather3A_2629 = tpu.vector_load_idx %arg8[%add3A_2627] : memref<2048xf32, #tpu.memory_space<vmem>>[vector<16xi32>], vector<16xf32>,
      %gather3A_2630 = tpu.vector_load_idx %arg9[%add3A_2620] : memref<2048xi32, #tpu.memory_space<vmem>>[vector<16xi32>], vector<16xi32>,
      %gather3A_2631 = tpu.vector_load_idx %arg9[%add3A_2627] : memref<2048xi32, #tpu.memory_space<vmem>>[vector<16xi32>], vector<16xi32>,
      %ge3A_2632 = arith.cmpf oge, %gather3A_2628, %gather3A_2629 : vector<16xf32>
      %mul3A_2633 = arith.constant 16 : i32
      %mul3A_2634 = vector.broadcast %mul3A_2633 : i32 to vector<16xi32>
      %mul3A_2635 = arith.muli %shift_right_logical3A_2616, %mul3A_2634 : vector<16xi32>
      %add3A_2636 = arith.addi %mul3A_2635, %iota3A : vector<16xi32>
      %select_n3A_2637 = arith.select %ge3A_2632, %gather3A_2628, %gather3A_2629 : vector<16xi1>, vector<16xf32>
      tpu.vector_store_idx %arg8[%add3A_2636], %select_n3A_2637 : memref<2048xf32, #tpu.memory_space<vmem>>[vector<16xi32>], vector<16xf32>,
      %select_n3A_2638 = arith.select %ge3A_2632, %gather3A_2630, %gather3A_2631 : vector<16xi1>, vector<16xi32>
      tpu.vector_store_idx %arg9[%add3A_2636], %select_n3A_2638 : memref<2048xi32, #tpu.memory_space<vmem>>[vector<16xi32>], vector<16xi32>,
      %shift_right_logical3A_2639 = arith.constant 1 : i32
      %shift_right_logical3A_2640 = vector.broadcast %shift_right_logical3A_2639 : i32 to vector<16xi32>
      %shift_right_logical3A_2641 = arith.shrui %shift_right_logical3A_2616, %shift_right_logical3A_2640 : vector<16xi32>
      %mul3A_2642 = arith.constant 32 : i32
      %mul3A_2643 = vector.broadcast %mul3A_2642 : i32 to vector<16xi32>
      %mul3A_2644 = arith.muli %shift_right_logical3A_2641, %mul3A_2643 : vector<16xi32>
      %add3A_2645 = arith.addi %mul3A_2644, %iota3A : vector<16xi32>
      %mul3A_2646 = arith.constant 32 : i32
      %mul3A_2647 = vector.broadcast %mul3A_2646 : i32 to vector<16xi32>
      %mul3A_2648 = arith.muli %shift_right_logical3A_2641, %mul3A_2647 : vector<16xi32>
      %add3A_2649 = arith.constant 16 : i32
      %add3A_2650 = vector.broadcast %add3A_2649 : i32 to vector<16xi32>
      %add3A_2651 = arith.addi %mul3A_2648, %add3A_2650 : vector<16xi32>
      %add3A_2652 = arith.addi %add3A_2651, %iota3A : vector<16xi32>
      %gather3A_2653 = tpu.vector_load_idx %arg8[%add3A_2645] : memref<2048xf32, #tpu.memory_space<vmem>>[vector<16xi32>], vector<16xf32>,
      %gather3A_2654 = tpu.vector_load_idx %arg8[%add3A_2652] : memref<2048xf32, #tpu.memory_space<vmem>>[vector<16xi32>], vector<16xf32>,
      %gather3A_2655 = tpu.vector_load_idx %arg9[%add3A_2645] : memref<2048xi32, #tpu.memory_space<vmem>>[vector<16xi32>], vector<16xi32>,
      %gather3A_2656 = tpu.vector_load_idx %arg9[%add3A_2652] : memref<2048xi32, #tpu.memory_space<vmem>>[vector<16xi32>], vector<16xi32>,
      %ge3A_2657 = arith.cmpf oge, %gather3A_2653, %gather3A_2654 : vector<16xf32>
      %mul3A_2658 = arith.constant 16 : i32
      %mul3A_2659 = vector.broadcast %mul3A_2658 : i32 to vector<16xi32>
      %mul3A_2660 = arith.muli %shift_right_logical3A_2641, %mul3A_2659 : vector<16xi32>
      %add3A_2661 = arith.addi %mul3A_2660, %iota3A : vector<16xi32>
      %select_n3A_2662 = arith.select %ge3A_2657, %gather3A_2653, %gather3A_2654 : vector<16xi1>, vector<16xf32>
      tpu.vector_store_idx %arg8[%add3A_2661], %select_n3A_2662 : memref<2048xf32, #tpu.memory_space<vmem>>[vector<16xi32>], vector<16xf32>,
      %select_n3A_2663 = arith.select %ge3A_2657, %gather3A_2655, %gather3A_2656 : vector<16xi1>, vector<16xi32>
      tpu.vector_store_idx %arg9[%add3A_2661], %select_n3A_2663 : memref<2048xi32, #tpu.memory_space<vmem>>[vector<16xi32>], vector<16xi32>,
      %shift_right_logical3A_2664 = arith.constant 1 : i32
      %shift_right_logical3A_2665 = vector.broadcast %shift_right_logical3A_2664 : i32 to vector<16xi32>
      %shift_right_logical3A_2666 = arith.shrui %shift_right_logical3A_2641, %shift_right_logical3A_2665 : vector<16xi32>
      %mul3A_2667 = arith.constant 32 : i32
      %mul3A_2668 = vector.broadcast %mul3A_2667 : i32 to vector<16xi32>
      %mul3A_2669 = arith.muli %shift_right_logical3A_2666, %mul3A_2668 : vector<16xi32>
      %add3A_2670 = arith.addi %mul3A_2669, %iota3A : vector<16xi32>
      %mul3A_2671 = arith.constant 32 : i32
      %mul3A_2672 = vector.broadcast %mul3A_2671 : i32 to vector<16xi32>
      %mul3A_2673 = arith.muli %shift_right_logical3A_2666, %mul3A_2672 : vector<16xi32>
      %add3A_2674 = arith.constant 16 : i32
      %add3A_2675 = vector.broadcast %add3A_2674 : i32 to vector<16xi32>
      %add3A_2676 = arith.addi %mul3A_2673, %add3A_2675 : vector<16xi32>
      %add3A_2677 = arith.addi %add3A_2676, %iota3A : vector<16xi32>
      %gather3A_2678 = tpu.vector_load_idx %arg8[%add3A_2670] : memref<2048xf32, #tpu.memory_space<vmem>>[vector<16xi32>], vector<16xf32>,
      %gather3A_2679 = tpu.vector_load_idx %arg8[%add3A_2677] : memref<2048xf32, #tpu.memory_space<vmem>>[vector<16xi32>], vector<16xf32>,
      %gather3A_2680 = tpu.vector_load_idx %arg9[%add3A_2670] : memref<2048xi32, #tpu.memory_space<vmem>>[vector<16xi32>], vector<16xi32>,
      %gather3A_2681 = tpu.vector_load_idx %arg9[%add3A_2677] : memref<2048xi32, #tpu.memory_space<vmem>>[vector<16xi32>], vector<16xi32>,
      %ge3A_2682 = arith.cmpf oge, %gather3A_2678, %gather3A_2679 : vector<16xf32>
      %mul3A_2683 = arith.constant 16 : i32
      %mul3A_2684 = vector.broadcast %mul3A_2683 : i32 to vector<16xi32>
      %mul3A_2685 = arith.muli %shift_right_logical3A_2666, %mul3A_2684 : vector<16xi32>
      %add3A_2686 = arith.addi %mul3A_2685, %iota3A : vector<16xi32>
      %select_n3A_2687 = arith.select %ge3A_2682, %gather3A_2678, %gather3A_2679 : vector<16xi1>, vector<16xf32>
      tpu.vector_store_idx %arg8[%add3A_2686], %select_n3A_2687 : memref<2048xf32, #tpu.memory_space<vmem>>[vector<16xi32>], vector<16xf32>,
      %select_n3A_2688 = arith.select %ge3A_2682, %gather3A_2680, %gather3A_2681 : vector<16xi1>, vector<16xi32>
      tpu.vector_store_idx %arg9[%add3A_2686], %select_n3A_2688 : memref<2048xi32, #tpu.memory_space<vmem>>[vector<16xi32>], vector<16xi32>,
      %shift_right_logical3A_2689 = arith.constant 1 : i32
      %shift_right_logical3A_2690 = vector.broadcast %shift_right_logical3A_2689 : i32 to vector<16xi32>
      %shift_right_logical3A_2691 = arith.shrui %shift_right_logical3A_2666, %shift_right_logical3A_2690 : vector<16xi32>
      %mul3A_2692 = arith.constant 32 : i32
      %mul3A_2693 = vector.broadcast %mul3A_2692 : i32 to vector<16xi32>
      %mul3A_2694 = arith.muli %shift_right_logical3A_2691, %mul3A_2693 : vector<16xi32>
      %add3A_2695 = arith.addi %mul3A_2694, %iota3A : vector<16xi32>
      %mul3A_2696 = arith.constant 32 : i32
      %mul3A_2697 = vector.broadcast %mul3A_2696 : i32 to vector<16xi32>
      %mul3A_2698 = arith.muli %shift_right_logical3A_2691, %mul3A_2697 : vector<16xi32>
      %add3A_2699 = arith.constant 16 : i32
      %add3A_2700 = vector.broadcast %add3A_2699 : i32 to vector<16xi32>
      %add3A_2701 = arith.addi %mul3A_2698, %add3A_2700 : vector<16xi32>
      %add3A_2702 = arith.addi %add3A_2701, %iota3A : vector<16xi32>
      %gather3A_2703 = tpu.vector_load_idx %arg8[%add3A_2695] : memref<2048xf32, #tpu.memory_space<vmem>>[vector<16xi32>], vector<16xf32>,
      %gather3A_2704 = tpu.vector_load_idx %arg8[%add3A_2702] : memref<2048xf32, #tpu.memory_space<vmem>>[vector<16xi32>], vector<16xf32>,
      %gather3A_2705 = tpu.vector_load_idx %arg9[%add3A_2695] : memref<2048xi32, #tpu.memory_space<vmem>>[vector<16xi32>], vector<16xi32>,
      %gather3A_2706 = tpu.vector_load_idx %arg9[%add3A_2702] : memref<2048xi32, #tpu.memory_space<vmem>>[vector<16xi32>], vector<16xi32>,
      %ge3A_2707 = arith.cmpf oge, %gather3A_2703, %gather3A_2704 : vector<16xf32>
      %mul3A_2708 = arith.constant 16 : i32
      %mul3A_2709 = vector.broadcast %mul3A_2708 : i32 to vector<16xi32>
      %mul3A_2710 = arith.muli %shift_right_logical3A_2691, %mul3A_2709 : vector<16xi32>
      %add3A_2711 = arith.addi %mul3A_2710, %iota3A : vector<16xi32>
      %select_n3A_2712 = arith.select %ge3A_2707, %gather3A_2703, %gather3A_2704 : vector<16xi1>, vector<16xf32>
      tpu.vector_store_idx %arg8[%add3A_2711], %select_n3A_2712 : memref<2048xf32, #tpu.memory_space<vmem>>[vector<16xi32>], vector<16xf32>,
      %select_n3A_2713 = arith.select %ge3A_2707, %gather3A_2705, %gather3A_2706 : vector<16xi1>, vector<16xi32>
      tpu.vector_store_idx %arg9[%add3A_2711], %select_n3A_2713 : memref<2048xi32, #tpu.memory_space<vmem>>[vector<16xi32>], vector<16xi32>,
      %shift_right_logical3A_2714 = arith.constant 1 : i32
      %shift_right_logical3A_2715 = vector.broadcast %shift_right_logical3A_2714 : i32 to vector<16xi32>
      %shift_right_logical3A_2716 = arith.shrui %shift_right_logical3A_2691, %shift_right_logical3A_2715 : vector<16xi32>
      %get3A_2717 = arith.constant 16 : index
      %get3A_2718 = tpu.vector_load %arg9[%get3A_2717] {strides = array<i32>} : memref<2048xi32, #tpu.memory_space<vmem>>, vector<16xi32>,
      %add3A_2719 = arith.constant 256 : i32
      %add3A_2720 = arith.addi %add3A_2719, %mul3A_262 : i32
      %swap3A_2721 = arith.index_cast %add3A_2720 : i32 to index
      %swap3A_2722 = tpu.vector_load %arg11[%swap3A_2721] {strides = array<i32>} : memref<2048xi32, #tpu.memory_space<vmem>>, vector<16xi32>,
      tpu.vector_store %arg11[%swap3A_2721], %get3A_2718 {strides = array<i32>} : memref<2048xi32, #tpu.memory_space<vmem>>, vector<16xi32>,
      %mul3A_2723 = arith.constant 256 : i32
      %mul3A_2724 = vector.broadcast %mul3A_2723 : i32 to vector<16xi32>
      %mul3A_2725 = arith.muli %get3A_2718, %mul3A_2724 : vector<16xi32>
      %add3A_2726 = vector.broadcast %mul3A_262 : i32 to vector<16xi32>
      %add3A_2727 = arith.addi %mul3A_2725, %add3A_2726 : vector<16xi32>
      %add3A_2728 = arith.addi %add3A_2727, %iota3A : vector<16xi32>
      %gather3A_2729 = tpu.vector_load_idx %arg7[%add3A_2728] : memref<16384xf32, #tpu.memory_space<vmem>>[vector<16xi32>], vector<16xf32>,
      %add3A_2730 = arith.addf %add3A_2552, %gather3A_2729 : vector<16xf32>
      %add3A_2731 = arith.constant 64 : i32
      %add3A_2732 = vector.broadcast %add3A_2731 : i32 to vector<16xi32>
      %add3A_2733 = arith.addi %get3A_2718, %add3A_2732 : vector<16xi32>
      %mul3A_2734 = arith.constant 16 : i32
      %mul3A_2735 = vector.broadcast %mul3A_2734 : i32 to vector<16xi32>
      %mul3A_2736 = arith.muli %add3A_2733, %mul3A_2735 : vector<16xi32>
      %add3A_2737 = arith.addi %mul3A_2736, %iota3A : vector<16xi32>
      %broadcast_in_dim3A_2738 = arith.constant 0xFF800000 : f32
      %broadcast_in_dim3A_2739 = vector.broadcast %broadcast_in_dim3A_2738 : f32 to vector<16xf32>
      tpu.vector_store_idx %arg8[%add3A_2737], %broadcast_in_dim3A_2739 : memref<2048xf32, #tpu.memory_space<vmem>>[vector<16xi32>], vector<16xf32>,
      %add3A_2740 = arith.constant 64 : i32
      %add3A_2741 = vector.broadcast %add3A_2740 : i32 to vector<16xi32>
      %add3A_2742 = arith.addi %get3A_2718, %add3A_2741 : vector<16xi32>
      %shift_right_logical3A_2743 = arith.constant 1 : i32
      %shift_right_logical3A_2744 = vector.broadcast %shift_right_logical3A_2743 : i32 to vector<16xi32>
      %shift_right_logical3A_2745 = arith.shrui %add3A_2742, %shift_right_logical3A_2744 : vector<16xi32>
      %mul3A_2746 = arith.constant 32 : i32
      %mul3A_2747 = vector.broadcast %mul3A_2746 : i32 to vector<16xi32>
      %mul3A_2748 = arith.muli %shift_right_logical3A_2745, %mul3A_2747 : vector<16xi32>
      %add3A_2749 = arith.addi %mul3A_2748, %iota3A : vector<16xi32>
      %mul3A_2750 = arith.constant 32 : i32
      %mul3A_2751 = vector.broadcast %mul3A_2750 : i32 to vector<16xi32>
      %mul3A_2752 = arith.muli %shift_right_logical3A_2745, %mul3A_2751 : vector<16xi32>
      %add3A_2753 = arith.constant 16 : i32
      %add3A_2754 = vector.broadcast %add3A_2753 : i32 to vector<16xi32>
      %add3A_2755 = arith.addi %mul3A_2752, %add3A_2754 : vector<16xi32>
      %add3A_2756 = arith.addi %add3A_2755, %iota3A : vector<16xi32>
      %gather3A_2757 = tpu.vector_load_idx %arg8[%add3A_2749] : memref<2048xf32, #tpu.memory_space<vmem>>[vector<16xi32>], vector<16xf32>,
      %gather3A_2758 = tpu.vector_load_idx %arg8[%add3A_2756] : memref<2048xf32, #tpu.memory_space<vmem>>[vector<16xi32>], vector<16xf32>,
      %gather3A_2759 = tpu.vector_load_idx %arg9[%add3A_2749] : memref<2048xi32, #tpu.memory_space<vmem>>[vector<16xi32>], vector<16xi32>,
      %gather3A_2760 = tpu.vector_load_idx %arg9[%add3A_2756] : memref<2048xi32, #tpu.memory_space<vmem>>[vector<16xi32>], vector<16xi32>,
      %ge3A_2761 = arith.cmpf oge, %gather3A_2757, %gather3A_2758 : vector<16xf32>
      %mul3A_2762 = arith.constant 16 : i32
      %mul3A_2763 = vector.broadcast %mul3A_2762 : i32 to vector<16xi32>
      %mul3A_2764 = arith.muli %shift_right_logical3A_2745, %mul3A_2763 : vector<16xi32>
      %add3A_2765 = arith.addi %mul3A_2764, %iota3A : vector<16xi32>
      %select_n3A_2766 = arith.select %ge3A_2761, %gather3A_2757, %gather3A_2758 : vector<16xi1>, vector<16xf32>
      tpu.vector_store_idx %arg8[%add3A_2765], %select_n3A_2766 : memref<2048xf32, #tpu.memory_space<vmem>>[vector<16xi32>], vector<16xf32>,
      %select_n3A_2767 = arith.select %ge3A_2761, %gather3A_2759, %gather3A_2760 : vector<16xi1>, vector<16xi32>
      tpu.vector_store_idx %arg9[%add3A_2765], %select_n3A_2767 : memref<2048xi32, #tpu.memory_space<vmem>>[vector<16xi32>], vector<16xi32>,
      %shift_right_logical3A_2768 = arith.constant 1 : i32
      %shift_right_logical3A_2769 = vector.broadcast %shift_right_logical3A_2768 : i32 to vector<16xi32>
      %shift_right_logical3A_2770 = arith.shrui %shift_right_logical3A_2745, %shift_right_logical3A_2769 : vector<16xi32>
      %mul3A_2771 = arith.constant 32 : i32
      %mul3A_2772 = vector.broadcast %mul3A_2771 : i32 to vector<16xi32>
      %mul3A_2773 = arith.muli %shift_right_logical3A_2770, %mul3A_2772 : vector<16xi32>
      %add3A_2774 = arith.addi %mul3A_2773, %iota3A : vector<16xi32>
      %mul3A_2775 = arith.constant 32 : i32
      %mul3A_2776 = vector.broadcast %mul3A_2775 : i32 to vector<16xi32>
      %mul3A_2777 = arith.muli %shift_right_logical3A_2770, %mul3A_2776 : vector<16xi32>
      %add3A_2778 = arith.constant 16 : i32
      %add3A_2779 = vector.broadcast %add3A_2778 : i32 to vector<16xi32>
      %add3A_2780 = arith.addi %mul3A_2777, %add3A_2779 : vector<16xi32>
      %add3A_2781 = arith.addi %add3A_2780, %iota3A : vector<16xi32>
      %gather3A_2782 = tpu.vector_load_idx %arg8[%add3A_2774] : memref<2048xf32, #tpu.memory_space<vmem>>[vector<16xi32>], vector<16xf32>,
      %gather3A_2783 = tpu.vector_load_idx %arg8[%add3A_2781] : memref<2048xf32, #tpu.memory_space<vmem>>[vector<16xi32>], vector<16xf32>,
      %gather3A_2784 = tpu.vector_load_idx %arg9[%add3A_2774] : memref<2048xi32, #tpu.memory_space<vmem>>[vector<16xi32>], vector<16xi32>,
      %gather3A_2785 = tpu.vector_load_idx %arg9[%add3A_2781] : memref<2048xi32, #tpu.memory_space<vmem>>[vector<16xi32>], vector<16xi32>,
      %ge3A_2786 = arith.cmpf oge, %gather3A_2782, %gather3A_2783 : vector<16xf32>
      %mul3A_2787 = arith.constant 16 : i32
      %mul3A_2788 = vector.broadcast %mul3A_2787 : i32 to vector<16xi32>
      %mul3A_2789 = arith.muli %shift_right_logical3A_2770, %mul3A_2788 : vector<16xi32>
      %add3A_2790 = arith.addi %mul3A_2789, %iota3A : vector<16xi32>
      %select_n3A_2791 = arith.select %ge3A_2786, %gather3A_2782, %gather3A_2783 : vector<16xi1>, vector<16xf32>
      tpu.vector_store_idx %arg8[%add3A_2790], %select_n3A_2791 : memref<2048xf32, #tpu.memory_space<vmem>>[vector<16xi32>], vector<16xf32>,
      %select_n3A_2792 = arith.select %ge3A_2786, %gather3A_2784, %gather3A_2785 : vector<16xi1>, vector<16xi32>
      tpu.vector_store_idx %arg9[%add3A_2790], %select_n3A_2792 : memref<2048xi32, #tpu.memory_space<vmem>>[vector<16xi32>], vector<16xi32>,
      %shift_right_logical3A_2793 = arith.constant 1 : i32
      %shift_right_logical3A_2794 = vector.broadcast %shift_right_logical3A_2793 : i32 to vector<16xi32>
      %shift_right_logical3A_2795 = arith.shrui %shift_right_logical3A_2770, %shift_right_logical3A_2794 : vector<16xi32>
      %mul3A_2796 = arith.constant 32 : i32
      %mul3A_2797 = vector.broadcast %mul3A_2796 : i32 to vector<16xi32>
      %mul3A_2798 = arith.muli %shift_right_logical3A_2795, %mul3A_2797 : vector<16xi32>
      %add3A_2799 = arith.addi %mul3A_2798, %iota3A : vector<16xi32>
      %mul3A_2800 = arith.constant 32 : i32
      %mul3A_2801 = vector.broadcast %mul3A_2800 : i32 to vector<16xi32>
      %mul3A_2802 = arith.muli %shift_right_logical3A_2795, %mul3A_2801 : vector<16xi32>
      %add3A_2803 = arith.constant 16 : i32
      %add3A_2804 = vector.broadcast %add3A_2803 : i32 to vector<16xi32>
      %add3A_2805 = arith.addi %mul3A_2802, %add3A_2804 : vector<16xi32>
      %add3A_2806 = arith.addi %add3A_2805, %iota3A : vector<16xi32>
      %gather3A_2807 = tpu.vector_load_idx %arg8[%add3A_2799] : memref<2048xf32, #tpu.memory_space<vmem>>[vector<16xi32>], vector<16xf32>,
      %gather3A_2808 = tpu.vector_load_idx %arg8[%add3A_2806] : memref<2048xf32, #tpu.memory_space<vmem>>[vector<16xi32>], vector<16xf32>,
      %gather3A_2809 = tpu.vector_load_idx %arg9[%add3A_2799] : memref<2048xi32, #tpu.memory_space<vmem>>[vector<16xi32>], vector<16xi32>,
      %gather3A_2810 = tpu.vector_load_idx %arg9[%add3A_2806] : memref<2048xi32, #tpu.memory_space<vmem>>[vector<16xi32>], vector<16xi32>,
      %ge3A_2811 = arith.cmpf oge, %gather3A_2807, %gather3A_2808 : vector<16xf32>
      %mul3A_2812 = arith.constant 16 : i32
      %mul3A_2813 = vector.broadcast %mul3A_2812 : i32 to vector<16xi32>
      %mul3A_2814 = arith.muli %shift_right_logical3A_2795, %mul3A_2813 : vector<16xi32>
      %add3A_2815 = arith.addi %mul3A_2814, %iota3A : vector<16xi32>
      %select_n3A_2816 = arith.select %ge3A_2811, %gather3A_2807, %gather3A_2808 : vector<16xi1>, vector<16xf32>
      tpu.vector_store_idx %arg8[%add3A_2815], %select_n3A_2816 : memref<2048xf32, #tpu.memory_space<vmem>>[vector<16xi32>], vector<16xf32>,
      %select_n3A_2817 = arith.select %ge3A_2811, %gather3A_2809, %gather3A_2810 : vector<16xi1>, vector<16xi32>
      tpu.vector_store_idx %arg9[%add3A_2815], %select_n3A_2817 : memref<2048xi32, #tpu.memory_space<vmem>>[vector<16xi32>], vector<16xi32>,
      %shift_right_logical3A_2818 = arith.constant 1 : i32
      %shift_right_logical3A_2819 = vector.broadcast %shift_right_logical3A_2818 : i32 to vector<16xi32>
      %shift_right_logical3A_2820 = arith.shrui %shift_right_logical3A_2795, %shift_right_logical3A_2819 : vector<16xi32>
      %mul3A_2821 = arith.constant 32 : i32
      %mul3A_2822 = vector.broadcast %mul3A_2821 : i32 to vector<16xi32>
      %mul3A_2823 = arith.muli %shift_right_logical3A_2820, %mul3A_2822 : vector<16xi32>
      %add3A_2824 = arith.addi %mul3A_2823, %iota3A : vector<16xi32>
      %mul3A_2825 = arith.constant 32 : i32
      %mul3A_2826 = vector.broadcast %mul3A_2825 : i32 to vector<16xi32>
      %mul3A_2827 = arith.muli %shift_right_logical3A_2820, %mul3A_2826 : vector<16xi32>
      %add3A_2828 = arith.constant 16 : i32
      %add3A_2829 = vector.broadcast %add3A_2828 : i32 to vector<16xi32>
      %add3A_2830 = arith.addi %mul3A_2827, %add3A_2829 : vector<16xi32>
      %add3A_2831 = arith.addi %add3A_2830, %iota3A : vector<16xi32>
      %gather3A_2832 = tpu.vector_load_idx %arg8[%add3A_2824] : memref<2048xf32, #tpu.memory_space<vmem>>[vector<16xi32>], vector<16xf32>,
      %gather3A_2833 = tpu.vector_load_idx %arg8[%add3A_2831] : memref<2048xf32, #tpu.memory_space<vmem>>[vector<16xi32>], vector<16xf32>,
      %gather3A_2834 = tpu.vector_load_idx %arg9[%add3A_2824] : memref<2048xi32, #tpu.memory_space<vmem>>[vector<16xi32>], vector<16xi32>,
      %gather3A_2835 = tpu.vector_load_idx %arg9[%add3A_2831] : memref<2048xi32, #tpu.memory_space<vmem>>[vector<16xi32>], vector<16xi32>,
      %ge3A_2836 = arith.cmpf oge, %gather3A_2832, %gather3A_2833 : vector<16xf32>
      %mul3A_2837 = arith.constant 16 : i32
      %mul3A_2838 = vector.broadcast %mul3A_2837 : i32 to vector<16xi32>
      %mul3A_2839 = arith.muli %shift_right_logical3A_2820, %mul3A_2838 : vector<16xi32>
      %add3A_2840 = arith.addi %mul3A_2839, %iota3A : vector<16xi32>
      %select_n3A_2841 = arith.select %ge3A_2836, %gather3A_2832, %gather3A_2833 : vector<16xi1>, vector<16xf32>
      tpu.vector_store_idx %arg8[%add3A_2840], %select_n3A_2841 : memref<2048xf32, #tpu.memory_space<vmem>>[vector<16xi32>], vector<16xf32>,
      %select_n3A_2842 = arith.select %ge3A_2836, %gather3A_2834, %gather3A_2835 : vector<16xi1>, vector<16xi32>
      tpu.vector_store_idx %arg9[%add3A_2840], %select_n3A_2842 : memref<2048xi32, #tpu.memory_space<vmem>>[vector<16xi32>], vector<16xi32>,
      %shift_right_logical3A_2843 = arith.constant 1 : i32
      %shift_right_logical3A_2844 = vector.broadcast %shift_right_logical3A_2843 : i32 to vector<16xi32>
      %shift_right_logical3A_2845 = arith.shrui %shift_right_logical3A_2820, %shift_right_logical3A_2844 : vector<16xi32>
      %mul3A_2846 = arith.constant 32 : i32
      %mul3A_2847 = vector.broadcast %mul3A_2846 : i32 to vector<16xi32>
      %mul3A_2848 = arith.muli %shift_right_logical3A_2845, %mul3A_2847 : vector<16xi32>
      %add3A_2849 = arith.addi %mul3A_2848, %iota3A : vector<16xi32>
      %mul3A_2850 = arith.constant 32 : i32
      %mul3A_2851 = vector.broadcast %mul3A_2850 : i32 to vector<16xi32>
      %mul3A_2852 = arith.muli %shift_right_logical3A_2845, %mul3A_2851 : vector<16xi32>
      %add3A_2853 = arith.constant 16 : i32
      %add3A_2854 = vector.broadcast %add3A_2853 : i32 to vector<16xi32>
      %add3A_2855 = arith.addi %mul3A_2852, %add3A_2854 : vector<16xi32>
      %add3A_2856 = arith.addi %add3A_2855, %iota3A : vector<16xi32>
      %gather3A_2857 = tpu.vector_load_idx %arg8[%add3A_2849] : memref<2048xf32, #tpu.memory_space<vmem>>[vector<16xi32>], vector<16xf32>,
      %gather3A_2858 = tpu.vector_load_idx %arg8[%add3A_2856] : memref<2048xf32, #tpu.memory_space<vmem>>[vector<16xi32>], vector<16xf32>,
      %gather3A_2859 = tpu.vector_load_idx %arg9[%add3A_2849] : memref<2048xi32, #tpu.memory_space<vmem>>[vector<16xi32>], vector<16xi32>,
      %gather3A_2860 = tpu.vector_load_idx %arg9[%add3A_2856] : memref<2048xi32, #tpu.memory_space<vmem>>[vector<16xi32>], vector<16xi32>,
      %ge3A_2861 = arith.cmpf oge, %gather3A_2857, %gather3A_2858 : vector<16xf32>
      %mul3A_2862 = arith.constant 16 : i32
      %mul3A_2863 = vector.broadcast %mul3A_2862 : i32 to vector<16xi32>
      %mul3A_2864 = arith.muli %shift_right_logical3A_2845, %mul3A_2863 : vector<16xi32>
      %add3A_2865 = arith.addi %mul3A_2864, %iota3A : vector<16xi32>
      %select_n3A_2866 = arith.select %ge3A_2861, %gather3A_2857, %gather3A_2858 : vector<16xi1>, vector<16xf32>
      tpu.vector_store_idx %arg8[%add3A_2865], %select_n3A_2866 : memref<2048xf32, #tpu.memory_space<vmem>>[vector<16xi32>], vector<16xf32>,
      %select_n3A_2867 = arith.select %ge3A_2861, %gather3A_2859, %gather3A_2860 : vector<16xi1>, vector<16xi32>
      tpu.vector_store_idx %arg9[%add3A_2865], %select_n3A_2867 : memref<2048xi32, #tpu.memory_space<vmem>>[vector<16xi32>], vector<16xi32>,
      %shift_right_logical3A_2868 = arith.constant 1 : i32
      %shift_right_logical3A_2869 = vector.broadcast %shift_right_logical3A_2868 : i32 to vector<16xi32>
      %shift_right_logical3A_2870 = arith.shrui %shift_right_logical3A_2845, %shift_right_logical3A_2869 : vector<16xi32>
      %mul3A_2871 = arith.constant 32 : i32
      %mul3A_2872 = vector.broadcast %mul3A_2871 : i32 to vector<16xi32>
      %mul3A_2873 = arith.muli %shift_right_logical3A_2870, %mul3A_2872 : vector<16xi32>
      %add3A_2874 = arith.addi %mul3A_2873, %iota3A : vector<16xi32>
      %mul3A_2875 = arith.constant 32 : i32
      %mul3A_2876 = vector.broadcast %mul3A_2875 : i32 to vector<16xi32>
      %mul3A_2877 = arith.muli %shift_right_logical3A_2870, %mul3A_2876 : vector<16xi32>
      %add3A_2878 = arith.constant 16 : i32
      %add3A_2879 = vector.broadcast %add3A_2878 : i32 to vector<16xi32>
      %add3A_2880 = arith.addi %mul3A_2877, %add3A_2879 : vector<16xi32>
      %add3A_2881 = arith.addi %add3A_2880, %iota3A : vector<16xi32>
      %gather3A_2882 = tpu.vector_load_idx %arg8[%add3A_2874] : memref<2048xf32, #tpu.memory_space<vmem>>[vector<16xi32>], vector<16xf32>,
      %gather3A_2883 = tpu.vector_load_idx %arg8[%add3A_2881] : memref<2048xf32, #tpu.memory_space<vmem>>[vector<16xi32>], vector<16xf32>,
      %gather3A_2884 = tpu.vector_load_idx %arg9[%add3A_2874] : memref<2048xi32, #tpu.memory_space<vmem>>[vector<16xi32>], vector<16xi32>,
      %gather3A_2885 = tpu.vector_load_idx %arg9[%add3A_2881] : memref<2048xi32, #tpu.memory_space<vmem>>[vector<16xi32>], vector<16xi32>,
      %ge3A_2886 = arith.cmpf oge, %gather3A_2882, %gather3A_2883 : vector<16xf32>
      %mul3A_2887 = arith.constant 16 : i32
      %mul3A_2888 = vector.broadcast %mul3A_2887 : i32 to vector<16xi32>
      %mul3A_2889 = arith.muli %shift_right_logical3A_2870, %mul3A_2888 : vector<16xi32>
      %add3A_2890 = arith.addi %mul3A_2889, %iota3A : vector<16xi32>
      %select_n3A_2891 = arith.select %ge3A_2886, %gather3A_2882, %gather3A_2883 : vector<16xi1>, vector<16xf32>
      tpu.vector_store_idx %arg8[%add3A_2890], %select_n3A_2891 : memref<2048xf32, #tpu.memory_space<vmem>>[vector<16xi32>], vector<16xf32>,
      %select_n3A_2892 = arith.select %ge3A_2886, %gather3A_2884, %gather3A_2885 : vector<16xi1>, vector<16xi32>
      tpu.vector_store_idx %arg9[%add3A_2890], %select_n3A_2892 : memref<2048xi32, #tpu.memory_space<vmem>>[vector<16xi32>], vector<16xi32>,
      %shift_right_logical3A_2893 = arith.constant 1 : i32
      %shift_right_logical3A_2894 = vector.broadcast %shift_right_logical3A_2893 : i32 to vector<16xi32>
      %shift_right_logical3A_2895 = arith.shrui %shift_right_logical3A_2870, %shift_right_logical3A_2894 : vector<16xi32>
      %get3A_2896 = arith.constant 16 : index
      %get3A_2897 = tpu.vector_load %arg9[%get3A_2896] {strides = array<i32>} : memref<2048xi32, #tpu.memory_space<vmem>>, vector<16xi32>,
      %add3A_2898 = arith.constant 512 : i32
      %add3A_2899 = arith.addi %add3A_2898, %mul3A_262 : i32
      %swap3A_2900 = arith.index_cast %add3A_2899 : i32 to index
      %swap3A_2901 = tpu.vector_load %arg11[%swap3A_2900] {strides = array<i32>} : memref<2048xi32, #tpu.memory_space<vmem>>, vector<16xi32>,
      tpu.vector_store %arg11[%swap3A_2900], %get3A_2897 {strides = array<i32>} : memref<2048xi32, #tpu.memory_space<vmem>>, vector<16xi32>,
      %mul3A_2902 = arith.constant 256 : i32
      %mul3A_2903 = vector.broadcast %mul3A_2902 : i32 to vector<16xi32>
      %mul3A_2904 = arith.muli %get3A_2897, %mul3A_2903 : vector<16xi32>
      %add3A_2905 = vector.broadcast %mul3A_262 : i32 to vector<16xi32>
      %add3A_2906 = arith.addi %mul3A_2904, %add3A_2905 : vector<16xi32>
      %add3A_2907 = arith.addi %add3A_2906, %iota3A : vector<16xi32>
      %gather3A_2908 = tpu.vector_load_idx %arg7[%add3A_2907] : memref<16384xf32, #tpu.memory_space<vmem>>[vector<16xi32>], vector<16xf32>,
      %add3A_2909 = arith.addf %add3A_2730, %gather3A_2908 : vector<16xf32>
      %add3A_2910 = arith.constant 64 : i32
      %add3A_2911 = vector.broadcast %add3A_2910 : i32 to vector<16xi32>
      %add3A_2912 = arith.addi %get3A_2897, %add3A_2911 : vector<16xi32>
      %mul3A_2913 = arith.constant 16 : i32
      %mul3A_2914 = vector.broadcast %mul3A_2913 : i32 to vector<16xi32>
      %mul3A_2915 = arith.muli %add3A_2912, %mul3A_2914 : vector<16xi32>
      %add3A_2916 = arith.addi %mul3A_2915, %iota3A : vector<16xi32>
      %broadcast_in_dim3A_2917 = arith.constant 0xFF800000 : f32
      %broadcast_in_dim3A_2918 = vector.broadcast %broadcast_in_dim3A_2917 : f32 to vector<16xf32>
      tpu.vector_store_idx %arg8[%add3A_2916], %broadcast_in_dim3A_2918 : memref<2048xf32, #tpu.memory_space<vmem>>[vector<16xi32>], vector<16xf32>,
      %add3A_2919 = arith.constant 64 : i32
      %add3A_2920 = vector.broadcast %add3A_2919 : i32 to vector<16xi32>
      %add3A_2921 = arith.addi %get3A_2897, %add3A_2920 : vector<16xi32>
      %shift_right_logical3A_2922 = arith.constant 1 : i32
      %shift_right_logical3A_2923 = vector.broadcast %shift_right_logical3A_2922 : i32 to vector<16xi32>
      %shift_right_logical3A_2924 = arith.shrui %add3A_2921, %shift_right_logical3A_2923 : vector<16xi32>
      %mul3A_2925 = arith.constant 32 : i32
      %mul3A_2926 = vector.broadcast %mul3A_2925 : i32 to vector<16xi32>
      %mul3A_2927 = arith.muli %shift_right_logical3A_2924, %mul3A_2926 : vector<16xi32>
      %add3A_2928 = arith.addi %mul3A_2927, %iota3A : vector<16xi32>
      %mul3A_2929 = arith.constant 32 : i32
      %mul3A_2930 = vector.broadcast %mul3A_2929 : i32 to vector<16xi32>
      %mul3A_2931 = arith.muli %shift_right_logical3A_2924, %mul3A_2930 : vector<16xi32>
      %add3A_2932 = arith.constant 16 : i32
      %add3A_2933 = vector.broadcast %add3A_2932 : i32 to vector<16xi32>
      %add3A_2934 = arith.addi %mul3A_2931, %add3A_2933 : vector<16xi32>
      %add3A_2935 = arith.addi %add3A_2934, %iota3A : vector<16xi32>
      %gather3A_2936 = tpu.vector_load_idx %arg8[%add3A_2928] : memref<2048xf32, #tpu.memory_space<vmem>>[vector<16xi32>], vector<16xf32>,
      %gather3A_2937 = tpu.vector_load_idx %arg8[%add3A_2935] : memref<2048xf32, #tpu.memory_space<vmem>>[vector<16xi32>], vector<16xf32>,
      %gather3A_2938 = tpu.vector_load_idx %arg9[%add3A_2928] : memref<2048xi32, #tpu.memory_space<vmem>>[vector<16xi32>], vector<16xi32>,
      %gather3A_2939 = tpu.vector_load_idx %arg9[%add3A_2935] : memref<2048xi32, #tpu.memory_space<vmem>>[vector<16xi32>], vector<16xi32>,
      %ge3A_2940 = arith.cmpf oge, %gather3A_2936, %gather3A_2937 : vector<16xf32>
      %mul3A_2941 = arith.constant 16 : i32
      %mul3A_2942 = vector.broadcast %mul3A_2941 : i32 to vector<16xi32>
      %mul3A_2943 = arith.muli %shift_right_logical3A_2924, %mul3A_2942 : vector<16xi32>
      %add3A_2944 = arith.addi %mul3A_2943, %iota3A : vector<16xi32>
      %select_n3A_2945 = arith.select %ge3A_2940, %gather3A_2936, %gather3A_2937 : vector<16xi1>, vector<16xf32>
      tpu.vector_store_idx %arg8[%add3A_2944], %select_n3A_2945 : memref<2048xf32, #tpu.memory_space<vmem>>[vector<16xi32>], vector<16xf32>,
      %select_n3A_2946 = arith.select %ge3A_2940, %gather3A_2938, %gather3A_2939 : vector<16xi1>, vector<16xi32>
      tpu.vector_store_idx %arg9[%add3A_2944], %select_n3A_2946 : memref<2048xi32, #tpu.memory_space<vmem>>[vector<16xi32>], vector<16xi32>,
      %shift_right_logical3A_2947 = arith.constant 1 : i32
      %shift_right_logical3A_2948 = vector.broadcast %shift_right_logical3A_2947 : i32 to vector<16xi32>
      %shift_right_logical3A_2949 = arith.shrui %shift_right_logical3A_2924, %shift_right_logical3A_2948 : vector<16xi32>
      %mul3A_2950 = arith.constant 32 : i32
      %mul3A_2951 = vector.broadcast %mul3A_2950 : i32 to vector<16xi32>
      %mul3A_2952 = arith.muli %shift_right_logical3A_2949, %mul3A_2951 : vector<16xi32>
      %add3A_2953 = arith.addi %mul3A_2952, %iota3A : vector<16xi32>
      %mul3A_2954 = arith.constant 32 : i32
      %mul3A_2955 = vector.broadcast %mul3A_2954 : i32 to vector<16xi32>
      %mul3A_2956 = arith.muli %shift_right_logical3A_2949, %mul3A_2955 : vector<16xi32>
      %add3A_2957 = arith.constant 16 : i32
      %add3A_2958 = vector.broadcast %add3A_2957 : i32 to vector<16xi32>
      %add3A_2959 = arith.addi %mul3A_2956, %add3A_2958 : vector<16xi32>
      %add3A_2960 = arith.addi %add3A_2959, %iota3A : vector<16xi32>
      %gather3A_2961 = tpu.vector_load_idx %arg8[%add3A_2953] : memref<2048xf32, #tpu.memory_space<vmem>>[vector<16xi32>], vector<16xf32>,
      %gather3A_2962 = tpu.vector_load_idx %arg8[%add3A_2960] : memref<2048xf32, #tpu.memory_space<vmem>>[vector<16xi32>], vector<16xf32>,
      %gather3A_2963 = tpu.vector_load_idx %arg9[%add3A_2953] : memref<2048xi32, #tpu.memory_space<vmem>>[vector<16xi32>], vector<16xi32>,
      %gather3A_2964 = tpu.vector_load_idx %arg9[%add3A_2960] : memref<2048xi32, #tpu.memory_space<vmem>>[vector<16xi32>], vector<16xi32>,
      %ge3A_2965 = arith.cmpf oge, %gather3A_2961, %gather3A_2962 : vector<16xf32>
      %mul3A_2966 = arith.constant 16 : i32
      %mul3A_2967 = vector.broadcast %mul3A_2966 : i32 to vector<16xi32>
      %mul3A_2968 = arith.muli %shift_right_logical3A_2949, %mul3A_2967 : vector<16xi32>
      %add3A_2969 = arith.addi %mul3A_2968, %iota3A : vector<16xi32>
      %select_n3A_2970 = arith.select %ge3A_2965, %gather3A_2961, %gather3A_2962 : vector<16xi1>, vector<16xf32>
      tpu.vector_store_idx %arg8[%add3A_2969], %select_n3A_2970 : memref<2048xf32, #tpu.memory_space<vmem>>[vector<16xi32>], vector<16xf32>,
      %select_n3A_2971 = arith.select %ge3A_2965, %gather3A_2963, %gather3A_2964 : vector<16xi1>, vector<16xi32>
      tpu.vector_store_idx %arg9[%add3A_2969], %select_n3A_2971 : memref<2048xi32, #tpu.memory_space<vmem>>[vector<16xi32>], vector<16xi32>,
      %shift_right_logical3A_2972 = arith.constant 1 : i32
      %shift_right_logical3A_2973 = vector.broadcast %shift_right_logical3A_2972 : i32 to vector<16xi32>
      %shift_right_logical3A_2974 = arith.shrui %shift_right_logical3A_2949, %shift_right_logical3A_2973 : vector<16xi32>
      %mul3A_2975 = arith.constant 32 : i32
      %mul3A_2976 = vector.broadcast %mul3A_2975 : i32 to vector<16xi32>
      %mul3A_2977 = arith.muli %shift_right_logical3A_2974, %mul3A_2976 : vector<16xi32>
      %add3A_2978 = arith.addi %mul3A_2977, %iota3A : vector<16xi32>
      %mul3A_2979 = arith.constant 32 : i32
      %mul3A_2980 = vector.broadcast %mul3A_2979 : i32 to vector<16xi32>
      %mul3A_2981 = arith.muli %shift_right_logical3A_2974, %mul3A_2980 : vector<16xi32>
      %add3A_2982 = arith.constant 16 : i32
      %add3A_2983 = vector.broadcast %add3A_2982 : i32 to vector<16xi32>
      %add3A_2984 = arith.addi %mul3A_2981, %add3A_2983 : vector<16xi32>
      %add3A_2985 = arith.addi %add3A_2984, %iota3A : vector<16xi32>
      %gather3A_2986 = tpu.vector_load_idx %arg8[%add3A_2978] : memref<2048xf32, #tpu.memory_space<vmem>>[vector<16xi32>], vector<16xf32>,
      %gather3A_2987 = tpu.vector_load_idx %arg8[%add3A_2985] : memref<2048xf32, #tpu.memory_space<vmem>>[vector<16xi32>], vector<16xf32>,
      %gather3A_2988 = tpu.vector_load_idx %arg9[%add3A_2978] : memref<2048xi32, #tpu.memory_space<vmem>>[vector<16xi32>], vector<16xi32>,
      %gather3A_2989 = tpu.vector_load_idx %arg9[%add3A_2985] : memref<2048xi32, #tpu.memory_space<vmem>>[vector<16xi32>], vector<16xi32>,
      %ge3A_2990 = arith.cmpf oge, %gather3A_2986, %gather3A_2987 : vector<16xf32>
      %mul3A_2991 = arith.constant 16 : i32
      %mul3A_2992 = vector.broadcast %mul3A_2991 : i32 to vector<16xi32>
      %mul3A_2993 = arith.muli %shift_right_logical3A_2974, %mul3A_2992 : vector<16xi32>
      %add3A_2994 = arith.addi %mul3A_2993, %iota3A : vector<16xi32>
      %select_n3A_2995 = arith.select %ge3A_2990, %gather3A_2986, %gather3A_2987 : vector<16xi1>, vector<16xf32>
      tpu.vector_store_idx %arg8[%add3A_2994], %select_n3A_2995 : memref<2048xf32, #tpu.memory_space<vmem>>[vector<16xi32>], vector<16xf32>,
      %select_n3A_2996 = arith.select %ge3A_2990, %gather3A_2988, %gather3A_2989 : vector<16xi1>, vector<16xi32>
      tpu.vector_store_idx %arg9[%add3A_2994], %select_n3A_2996 : memref<2048xi32, #tpu.memory_space<vmem>>[vector<16xi32>], vector<16xi32>,
      %shift_right_logical3A_2997 = arith.constant 1 : i32
      %shift_right_logical3A_2998 = vector.broadcast %shift_right_logical3A_2997 : i32 to vector<16xi32>
      %shift_right_logical3A_2999 = arith.shrui %shift_right_logical3A_2974, %shift_right_logical3A_2998 : vector<16xi32>
      %mul3A_3000 = arith.constant 32 : i32
      %mul3A_3001 = vector.broadcast %mul3A_3000 : i32 to vector<16xi32>
      %mul3A_3002 = arith.muli %shift_right_logical3A_2999, %mul3A_3001 : vector<16xi32>
      %add3A_3003 = arith.addi %mul3A_3002, %iota3A : vector<16xi32>
      %mul3A_3004 = arith.constant 32 : i32
      %mul3A_3005 = vector.broadcast %mul3A_3004 : i32 to vector<16xi32>
      %mul3A_3006 = arith.muli %shift_right_logical3A_2999, %mul3A_3005 : vector<16xi32>
      %add3A_3007 = arith.constant 16 : i32
      %add3A_3008 = vector.broadcast %add3A_3007 : i32 to vector<16xi32>
      %add3A_3009 = arith.addi %mul3A_3006, %add3A_3008 : vector<16xi32>
      %add3A_3010 = arith.addi %add3A_3009, %iota3A : vector<16xi32>
      %gather3A_3011 = tpu.vector_load_idx %arg8[%add3A_3003] : memref<2048xf32, #tpu.memory_space<vmem>>[vector<16xi32>], vector<16xf32>,
      %gather3A_3012 = tpu.vector_load_idx %arg8[%add3A_3010] : memref<2048xf32, #tpu.memory_space<vmem>>[vector<16xi32>], vector<16xf32>,
      %gather3A_3013 = tpu.vector_load_idx %arg9[%add3A_3003] : memref<2048xi32, #tpu.memory_space<vmem>>[vector<16xi32>], vector<16xi32>,
      %gather3A_3014 = tpu.vector_load_idx %arg9[%add3A_3010] : memref<2048xi32, #tpu.memory_space<vmem>>[vector<16xi32>], vector<16xi32>,
      %ge3A_3015 = arith.cmpf oge, %gather3A_3011, %gather3A_3012 : vector<16xf32>
      %mul3A_3016 = arith.constant 16 : i32
      %mul3A_3017 = vector.broadcast %mul3A_3016 : i32 to vector<16xi32>
      %mul3A_3018 = arith.muli %shift_right_logical3A_2999, %mul3A_3017 : vector<16xi32>
      %add3A_3019 = arith.addi %mul3A_3018, %iota3A : vector<16xi32>
      %select_n3A_3020 = arith.select %ge3A_3015, %gather3A_3011, %gather3A_3012 : vector<16xi1>, vector<16xf32>
      tpu.vector_store_idx %arg8[%add3A_3019], %select_n3A_3020 : memref<2048xf32, #tpu.memory_space<vmem>>[vector<16xi32>], vector<16xf32>,
      %select_n3A_3021 = arith.select %ge3A_3015, %gather3A_3013, %gather3A_3014 : vector<16xi1>, vector<16xi32>
      tpu.vector_store_idx %arg9[%add3A_3019], %select_n3A_3021 : memref<2048xi32, #tpu.memory_space<vmem>>[vector<16xi32>], vector<16xi32>,
      %shift_right_logical3A_3022 = arith.constant 1 : i32
      %shift_right_logical3A_3023 = vector.broadcast %shift_right_logical3A_3022 : i32 to vector<16xi32>
      %shift_right_logical3A_3024 = arith.shrui %shift_right_logical3A_2999, %shift_right_logical3A_3023 : vector<16xi32>
      %mul3A_3025 = arith.constant 32 : i32
      %mul3A_3026 = vector.broadcast %mul3A_3025 : i32 to vector<16xi32>
      %mul3A_3027 = arith.muli %shift_right_logical3A_3024, %mul3A_3026 : vector<16xi32>
      %add3A_3028 = arith.addi %mul3A_3027, %iota3A : vector<16xi32>
      %mul3A_3029 = arith.constant 32 : i32
      %mul3A_3030 = vector.broadcast %mul3A_3029 : i32 to vector<16xi32>
      %mul3A_3031 = arith.muli %shift_right_logical3A_3024, %mul3A_3030 : vector<16xi32>
      %add3A_3032 = arith.constant 16 : i32
      %add3A_3033 = vector.broadcast %add3A_3032 : i32 to vector<16xi32>
      %add3A_3034 = arith.addi %mul3A_3031, %add3A_3033 : vector<16xi32>
      %add3A_3035 = arith.addi %add3A_3034, %iota3A : vector<16xi32>
      %gather3A_3036 = tpu.vector_load_idx %arg8[%add3A_3028] : memref<2048xf32, #tpu.memory_space<vmem>>[vector<16xi32>], vector<16xf32>,
      %gather3A_3037 = tpu.vector_load_idx %arg8[%add3A_3035] : memref<2048xf32, #tpu.memory_space<vmem>>[vector<16xi32>], vector<16xf32>,
      %gather3A_3038 = tpu.vector_load_idx %arg9[%add3A_3028] : memref<2048xi32, #tpu.memory_space<vmem>>[vector<16xi32>], vector<16xi32>,
      %gather3A_3039 = tpu.vector_load_idx %arg9[%add3A_3035] : memref<2048xi32, #tpu.memory_space<vmem>>[vector<16xi32>], vector<16xi32>,
      %ge3A_3040 = arith.cmpf oge, %gather3A_3036, %gather3A_3037 : vector<16xf32>
      %mul3A_3041 = arith.constant 16 : i32
      %mul3A_3042 = vector.broadcast %mul3A_3041 : i32 to vector<16xi32>
      %mul3A_3043 = arith.muli %shift_right_logical3A_3024, %mul3A_3042 : vector<16xi32>
      %add3A_3044 = arith.addi %mul3A_3043, %iota3A : vector<16xi32>
      %select_n3A_3045 = arith.select %ge3A_3040, %gather3A_3036, %gather3A_3037 : vector<16xi1>, vector<16xf32>
      tpu.vector_store_idx %arg8[%add3A_3044], %select_n3A_3045 : memref<2048xf32, #tpu.memory_space<vmem>>[vector<16xi32>], vector<16xf32>,
      %select_n3A_3046 = arith.select %ge3A_3040, %gather3A_3038, %gather3A_3039 : vector<16xi1>, vector<16xi32>
      tpu.vector_store_idx %arg9[%add3A_3044], %select_n3A_3046 : memref<2048xi32, #tpu.memory_space<vmem>>[vector<16xi32>], vector<16xi32>,
      %shift_right_logical3A_3047 = arith.constant 1 : i32
      %shift_right_logical3A_3048 = vector.broadcast %shift_right_logical3A_3047 : i32 to vector<16xi32>
      %shift_right_logical3A_3049 = arith.shrui %shift_right_logical3A_3024, %shift_right_logical3A_3048 : vector<16xi32>
      %mul3A_3050 = arith.constant 32 : i32
      %mul3A_3051 = vector.broadcast %mul3A_3050 : i32 to vector<16xi32>
      %mul3A_3052 = arith.muli %shift_right_logical3A_3049, %mul3A_3051 : vector<16xi32>
      %add3A_3053 = arith.addi %mul3A_3052, %iota3A : vector<16xi32>
      %mul3A_3054 = arith.constant 32 : i32
      %mul3A_3055 = vector.broadcast %mul3A_3054 : i32 to vector<16xi32>
      %mul3A_3056 = arith.muli %shift_right_logical3A_3049, %mul3A_3055 : vector<16xi32>
      %add3A_3057 = arith.constant 16 : i32
      %add3A_3058 = vector.broadcast %add3A_3057 : i32 to vector<16xi32>
      %add3A_3059 = arith.addi %mul3A_3056, %add3A_3058 : vector<16xi32>
      %add3A_3060 = arith.addi %add3A_3059, %iota3A : vector<16xi32>
      %gather3A_3061 = tpu.vector_load_idx %arg8[%add3A_3053] : memref<2048xf32, #tpu.memory_space<vmem>>[vector<16xi32>], vector<16xf32>,
      %gather3A_3062 = tpu.vector_load_idx %arg8[%add3A_3060] : memref<2048xf32, #tpu.memory_space<vmem>>[vector<16xi32>], vector<16xf32>,
      %gather3A_3063 = tpu.vector_load_idx %arg9[%add3A_3053] : memref<2048xi32, #tpu.memory_space<vmem>>[vector<16xi32>], vector<16xi32>,
      %gather3A_3064 = tpu.vector_load_idx %arg9[%add3A_3060] : memref<2048xi32, #tpu.memory_space<vmem>>[vector<16xi32>], vector<16xi32>,
      %ge3A_3065 = arith.cmpf oge, %gather3A_3061, %gather3A_3062 : vector<16xf32>
      %mul3A_3066 = arith.constant 16 : i32
      %mul3A_3067 = vector.broadcast %mul3A_3066 : i32 to vector<16xi32>
      %mul3A_3068 = arith.muli %shift_right_logical3A_3049, %mul3A_3067 : vector<16xi32>
      %add3A_3069 = arith.addi %mul3A_3068, %iota3A : vector<16xi32>
      %select_n3A_3070 = arith.select %ge3A_3065, %gather3A_3061, %gather3A_3062 : vector<16xi1>, vector<16xf32>
      tpu.vector_store_idx %arg8[%add3A_3069], %select_n3A_3070 : memref<2048xf32, #tpu.memory_space<vmem>>[vector<16xi32>], vector<16xf32>,
      %select_n3A_3071 = arith.select %ge3A_3065, %gather3A_3063, %gather3A_3064 : vector<16xi1>, vector<16xi32>
      tpu.vector_store_idx %arg9[%add3A_3069], %select_n3A_3071 : memref<2048xi32, #tpu.memory_space<vmem>>[vector<16xi32>], vector<16xi32>,
      %shift_right_logical3A_3072 = arith.constant 1 : i32
      %shift_right_logical3A_3073 = vector.broadcast %shift_right_logical3A_3072 : i32 to vector<16xi32>
      %shift_right_logical3A_3074 = arith.shrui %shift_right_logical3A_3049, %shift_right_logical3A_3073 : vector<16xi32>
      %get3A_3075 = arith.constant 16 : index
      %get3A_3076 = tpu.vector_load %arg9[%get3A_3075] {strides = array<i32>} : memref<2048xi32, #tpu.memory_space<vmem>>, vector<16xi32>,
      %add3A_3077 = arith.constant 768 : i32
      %add3A_3078 = arith.addi %add3A_3077, %mul3A_262 : i32
      %swap3A_3079 = arith.index_cast %add3A_3078 : i32 to index
      %swap3A_3080 = tpu.vector_load %arg11[%swap3A_3079] {strides = array<i32>} : memref<2048xi32, #tpu.memory_space<vmem>>, vector<16xi32>,
      tpu.vector_store %arg11[%swap3A_3079], %get3A_3076 {strides = array<i32>} : memref<2048xi32, #tpu.memory_space<vmem>>, vector<16xi32>,
      %mul3A_3081 = arith.constant 256 : i32
      %mul3A_3082 = vector.broadcast %mul3A_3081 : i32 to vector<16xi32>
      %mul3A_3083 = arith.muli %get3A_3076, %mul3A_3082 : vector<16xi32>
      %add3A_3084 = vector.broadcast %mul3A_262 : i32 to vector<16xi32>
      %add3A_3085 = arith.addi %mul3A_3083, %add3A_3084 : vector<16xi32>
      %add3A_3086 = arith.addi %add3A_3085, %iota3A : vector<16xi32>
      %gather3A_3087 = tpu.vector_load_idx %arg7[%add3A_3086] : memref<16384xf32, #tpu.memory_space<vmem>>[vector<16xi32>], vector<16xf32>,
      %add3A_3088 = arith.addf %add3A_2909, %gather3A_3087 : vector<16xf32>
      %add3A_3089 = arith.constant 64 : i32
      %add3A_3090 = vector.broadcast %add3A_3089 : i32 to vector<16xi32>
      %add3A_3091 = arith.addi %get3A_3076, %add3A_3090 : vector<16xi32>
      %mul3A_3092 = arith.constant 16 : i32
      %mul3A_3093 = vector.broadcast %mul3A_3092 : i32 to vector<16xi32>
      %mul3A_3094 = arith.muli %add3A_3091, %mul3A_3093 : vector<16xi32>
      %add3A_3095 = arith.addi %mul3A_3094, %iota3A : vector<16xi32>
      %broadcast_in_dim3A_3096 = arith.constant 0xFF800000 : f32
      %broadcast_in_dim3A_3097 = vector.broadcast %broadcast_in_dim3A_3096 : f32 to vector<16xf32>
      tpu.vector_store_idx %arg8[%add3A_3095], %broadcast_in_dim3A_3097 : memref<2048xf32, #tpu.memory_space<vmem>>[vector<16xi32>], vector<16xf32>,
      %add3A_3098 = arith.constant 64 : i32
      %add3A_3099 = vector.broadcast %add3A_3098 : i32 to vector<16xi32>
      %add3A_3100 = arith.addi %get3A_3076, %add3A_3099 : vector<16xi32>
      %shift_right_logical3A_3101 = arith.constant 1 : i32
      %shift_right_logical3A_3102 = vector.broadcast %shift_right_logical3A_3101 : i32 to vector<16xi32>
      %shift_right_logical3A_3103 = arith.shrui %add3A_3100, %shift_right_logical3A_3102 : vector<16xi32>
      %mul3A_3104 = arith.constant 32 : i32
      %mul3A_3105 = vector.broadcast %mul3A_3104 : i32 to vector<16xi32>
      %mul3A_3106 = arith.muli %shift_right_logical3A_3103, %mul3A_3105 : vector<16xi32>
      %add3A_3107 = arith.addi %mul3A_3106, %iota3A : vector<16xi32>
      %mul3A_3108 = arith.constant 32 : i32
      %mul3A_3109 = vector.broadcast %mul3A_3108 : i32 to vector<16xi32>
      %mul3A_3110 = arith.muli %shift_right_logical3A_3103, %mul3A_3109 : vector<16xi32>
      %add3A_3111 = arith.constant 16 : i32
      %add3A_3112 = vector.broadcast %add3A_3111 : i32 to vector<16xi32>
      %add3A_3113 = arith.addi %mul3A_3110, %add3A_3112 : vector<16xi32>
      %add3A_3114 = arith.addi %add3A_3113, %iota3A : vector<16xi32>
      %gather3A_3115 = tpu.vector_load_idx %arg8[%add3A_3107] : memref<2048xf32, #tpu.memory_space<vmem>>[vector<16xi32>], vector<16xf32>,
      %gather3A_3116 = tpu.vector_load_idx %arg8[%add3A_3114] : memref<2048xf32, #tpu.memory_space<vmem>>[vector<16xi32>], vector<16xf32>,
      %gather3A_3117 = tpu.vector_load_idx %arg9[%add3A_3107] : memref<2048xi32, #tpu.memory_space<vmem>>[vector<16xi32>], vector<16xi32>,
      %gather3A_3118 = tpu.vector_load_idx %arg9[%add3A_3114] : memref<2048xi32, #tpu.memory_space<vmem>>[vector<16xi32>], vector<16xi32>,
      %ge3A_3119 = arith.cmpf oge, %gather3A_3115, %gather3A_3116 : vector<16xf32>
      %mul3A_3120 = arith.constant 16 : i32
      %mul3A_3121 = vector.broadcast %mul3A_3120 : i32 to vector<16xi32>
      %mul3A_3122 = arith.muli %shift_right_logical3A_3103, %mul3A_3121 : vector<16xi32>
      %add3A_3123 = arith.addi %mul3A_3122, %iota3A : vector<16xi32>
      %select_n3A_3124 = arith.select %ge3A_3119, %gather3A_3115, %gather3A_3116 : vector<16xi1>, vector<16xf32>
      tpu.vector_store_idx %arg8[%add3A_3123], %select_n3A_3124 : memref<2048xf32, #tpu.memory_space<vmem>>[vector<16xi32>], vector<16xf32>,
      %select_n3A_3125 = arith.select %ge3A_3119, %gather3A_3117, %gather3A_3118 : vector<16xi1>, vector<16xi32>
      tpu.vector_store_idx %arg9[%add3A_3123], %select_n3A_3125 : memref<2048xi32, #tpu.memory_space<vmem>>[vector<16xi32>], vector<16xi32>,
      %shift_right_logical3A_3126 = arith.constant 1 : i32
      %shift_right_logical3A_3127 = vector.broadcast %shift_right_logical3A_3126 : i32 to vector<16xi32>
      %shift_right_logical3A_3128 = arith.shrui %shift_right_logical3A_3103, %shift_right_logical3A_3127 : vector<16xi32>
      %mul3A_3129 = arith.constant 32 : i32
      %mul3A_3130 = vector.broadcast %mul3A_3129 : i32 to vector<16xi32>
      %mul3A_3131 = arith.muli %shift_right_logical3A_3128, %mul3A_3130 : vector<16xi32>
      %add3A_3132 = arith.addi %mul3A_3131, %iota3A : vector<16xi32>
      %mul3A_3133 = arith.constant 32 : i32
      %mul3A_3134 = vector.broadcast %mul3A_3133 : i32 to vector<16xi32>
      %mul3A_3135 = arith.muli %shift_right_logical3A_3128, %mul3A_3134 : vector<16xi32>
      %add3A_3136 = arith.constant 16 : i32
      %add3A_3137 = vector.broadcast %add3A_3136 : i32 to vector<16xi32>
      %add3A_3138 = arith.addi %mul3A_3135, %add3A_3137 : vector<16xi32>
      %add3A_3139 = arith.addi %add3A_3138, %iota3A : vector<16xi32>
      %gather3A_3140 = tpu.vector_load_idx %arg8[%add3A_3132] : memref<2048xf32, #tpu.memory_space<vmem>>[vector<16xi32>], vector<16xf32>,
      %gather3A_3141 = tpu.vector_load_idx %arg8[%add3A_3139] : memref<2048xf32, #tpu.memory_space<vmem>>[vector<16xi32>], vector<16xf32>,
      %gather3A_3142 = tpu.vector_load_idx %arg9[%add3A_3132] : memref<2048xi32, #tpu.memory_space<vmem>>[vector<16xi32>], vector<16xi32>,
      %gather3A_3143 = tpu.vector_load_idx %arg9[%add3A_3139] : memref<2048xi32, #tpu.memory_space<vmem>>[vector<16xi32>], vector<16xi32>,
      %ge3A_3144 = arith.cmpf oge, %gather3A_3140, %gather3A_3141 : vector<16xf32>
      %mul3A_3145 = arith.constant 16 : i32
      %mul3A_3146 = vector.broadcast %mul3A_3145 : i32 to vector<16xi32>
      %mul3A_3147 = arith.muli %shift_right_logical3A_3128, %mul3A_3146 : vector<16xi32>
      %add3A_3148 = arith.addi %mul3A_3147, %iota3A : vector<16xi32>
      %select_n3A_3149 = arith.select %ge3A_3144, %gather3A_3140, %gather3A_3141 : vector<16xi1>, vector<16xf32>
      tpu.vector_store_idx %arg8[%add3A_3148], %select_n3A_3149 : memref<2048xf32, #tpu.memory_space<vmem>>[vector<16xi32>], vector<16xf32>,
      %select_n3A_3150 = arith.select %ge3A_3144, %gather3A_3142, %gather3A_3143 : vector<16xi1>, vector<16xi32>
      tpu.vector_store_idx %arg9[%add3A_3148], %select_n3A_3150 : memref<2048xi32, #tpu.memory_space<vmem>>[vector<16xi32>], vector<16xi32>,
      %shift_right_logical3A_3151 = arith.constant 1 : i32
      %shift_right_logical3A_3152 = vector.broadcast %shift_right_logical3A_3151 : i32 to vector<16xi32>
      %shift_right_logical3A_3153 = arith.shrui %shift_right_logical3A_3128, %shift_right_logical3A_3152 : vector<16xi32>
      %mul3A_3154 = arith.constant 32 : i32
      %mul3A_3155 = vector.broadcast %mul3A_3154 : i32 to vector<16xi32>
      %mul3A_3156 = arith.muli %shift_right_logical3A_3153, %mul3A_3155 : vector<16xi32>
      %add3A_3157 = arith.addi %mul3A_3156, %iota3A : vector<16xi32>
      %mul3A_3158 = arith.constant 32 : i32
      %mul3A_3159 = vector.broadcast %mul3A_3158 : i32 to vector<16xi32>
      %mul3A_3160 = arith.muli %shift_right_logical3A_3153, %mul3A_3159 : vector<16xi32>
      %add3A_3161 = arith.constant 16 : i32
      %add3A_3162 = vector.broadcast %add3A_3161 : i32 to vector<16xi32>
      %add3A_3163 = arith.addi %mul3A_3160, %add3A_3162 : vector<16xi32>
      %add3A_3164 = arith.addi %add3A_3163, %iota3A : vector<16xi32>
      %gather3A_3165 = tpu.vector_load_idx %arg8[%add3A_3157] : memref<2048xf32, #tpu.memory_space<vmem>>[vector<16xi32>], vector<16xf32>,
      %gather3A_3166 = tpu.vector_load_idx %arg8[%add3A_3164] : memref<2048xf32, #tpu.memory_space<vmem>>[vector<16xi32>], vector<16xf32>,
      %gather3A_3167 = tpu.vector_load_idx %arg9[%add3A_3157] : memref<2048xi32, #tpu.memory_space<vmem>>[vector<16xi32>], vector<16xi32>,
      %gather3A_3168 = tpu.vector_load_idx %arg9[%add3A_3164] : memref<2048xi32, #tpu.memory_space<vmem>>[vector<16xi32>], vector<16xi32>,
      %ge3A_3169 = arith.cmpf oge, %gather3A_3165, %gather3A_3166 : vector<16xf32>
      %mul3A_3170 = arith.constant 16 : i32
      %mul3A_3171 = vector.broadcast %mul3A_3170 : i32 to vector<16xi32>
      %mul3A_3172 = arith.muli %shift_right_logical3A_3153, %mul3A_3171 : vector<16xi32>
      %add3A_3173 = arith.addi %mul3A_3172, %iota3A : vector<16xi32>
      %select_n3A_3174 = arith.select %ge3A_3169, %gather3A_3165, %gather3A_3166 : vector<16xi1>, vector<16xf32>
      tpu.vector_store_idx %arg8[%add3A_3173], %select_n3A_3174 : memref<2048xf32, #tpu.memory_space<vmem>>[vector<16xi32>], vector<16xf32>,
      %select_n3A_3175 = arith.select %ge3A_3169, %gather3A_3167, %gather3A_3168 : vector<16xi1>, vector<16xi32>
      tpu.vector_store_idx %arg9[%add3A_3173], %select_n3A_3175 : memref<2048xi32, #tpu.memory_space<vmem>>[vector<16xi32>], vector<16xi32>,
      %shift_right_logical3A_3176 = arith.constant 1 : i32
      %shift_right_logical3A_3177 = vector.broadcast %shift_right_logical3A_3176 : i32 to vector<16xi32>
      %shift_right_logical3A_3178 = arith.shrui %shift_right_logical3A_3153, %shift_right_logical3A_3177 : vector<16xi32>
      %mul3A_3179 = arith.constant 32 : i32
      %mul3A_3180 = vector.broadcast %mul3A_3179 : i32 to vector<16xi32>
      %mul3A_3181 = arith.muli %shift_right_logical3A_3178, %mul3A_3180 : vector<16xi32>
      %add3A_3182 = arith.addi %mul3A_3181, %iota3A : vector<16xi32>
      %mul3A_3183 = arith.constant 32 : i32
      %mul3A_3184 = vector.broadcast %mul3A_3183 : i32 to vector<16xi32>
      %mul3A_3185 = arith.muli %shift_right_logical3A_3178, %mul3A_3184 : vector<16xi32>
      %add3A_3186 = arith.constant 16 : i32
      %add3A_3187 = vector.broadcast %add3A_3186 : i32 to vector<16xi32>
      %add3A_3188 = arith.addi %mul3A_3185, %add3A_3187 : vector<16xi32>
      %add3A_3189 = arith.addi %add3A_3188, %iota3A : vector<16xi32>
      %gather3A_3190 = tpu.vector_load_idx %arg8[%add3A_3182] : memref<2048xf32, #tpu.memory_space<vmem>>[vector<16xi32>], vector<16xf32>,
      %gather3A_3191 = tpu.vector_load_idx %arg8[%add3A_3189] : memref<2048xf32, #tpu.memory_space<vmem>>[vector<16xi32>], vector<16xf32>,
      %gather3A_3192 = tpu.vector_load_idx %arg9[%add3A_3182] : memref<2048xi32, #tpu.memory_space<vmem>>[vector<16xi32>], vector<16xi32>,
      %gather3A_3193 = tpu.vector_load_idx %arg9[%add3A_3189] : memref<2048xi32, #tpu.memory_space<vmem>>[vector<16xi32>], vector<16xi32>,
      %ge3A_3194 = arith.cmpf oge, %gather3A_3190, %gather3A_3191 : vector<16xf32>
      %mul3A_3195 = arith.constant 16 : i32
      %mul3A_3196 = vector.broadcast %mul3A_3195 : i32 to vector<16xi32>
      %mul3A_3197 = arith.muli %shift_right_logical3A_3178, %mul3A_3196 : vector<16xi32>
      %add3A_3198 = arith.addi %mul3A_3197, %iota3A : vector<16xi32>
      %select_n3A_3199 = arith.select %ge3A_3194, %gather3A_3190, %gather3A_3191 : vector<16xi1>, vector<16xf32>
      tpu.vector_store_idx %arg8[%add3A_3198], %select_n3A_3199 : memref<2048xf32, #tpu.memory_space<vmem>>[vector<16xi32>], vector<16xf32>,
      %select_n3A_3200 = arith.select %ge3A_3194, %gather3A_3192, %gather3A_3193 : vector<16xi1>, vector<16xi32>
      tpu.vector_store_idx %arg9[%add3A_3198], %select_n3A_3200 : memref<2048xi32, #tpu.memory_space<vmem>>[vector<16xi32>], vector<16xi32>,
      %shift_right_logical3A_3201 = arith.constant 1 : i32
      %shift_right_logical3A_3202 = vector.broadcast %shift_right_logical3A_3201 : i32 to vector<16xi32>
      %shift_right_logical3A_3203 = arith.shrui %shift_right_logical3A_3178, %shift_right_logical3A_3202 : vector<16xi32>
      %mul3A_3204 = arith.constant 32 : i32
      %mul3A_3205 = vector.broadcast %mul3A_3204 : i32 to vector<16xi32>
      %mul3A_3206 = arith.muli %shift_right_logical3A_3203, %mul3A_3205 : vector<16xi32>
      %add3A_3207 = arith.addi %mul3A_3206, %iota3A : vector<16xi32>
      %mul3A_3208 = arith.constant 32 : i32
      %mul3A_3209 = vector.broadcast %mul3A_3208 : i32 to vector<16xi32>
      %mul3A_3210 = arith.muli %shift_right_logical3A_3203, %mul3A_3209 : vector<16xi32>
      %add3A_3211 = arith.constant 16 : i32
      %add3A_3212 = vector.broadcast %add3A_3211 : i32 to vector<16xi32>
      %add3A_3213 = arith.addi %mul3A_3210, %add3A_3212 : vector<16xi32>
      %add3A_3214 = arith.addi %add3A_3213, %iota3A : vector<16xi32>
      %gather3A_3215 = tpu.vector_load_idx %arg8[%add3A_3207] : memref<2048xf32, #tpu.memory_space<vmem>>[vector<16xi32>], vector<16xf32>,
      %gather3A_3216 = tpu.vector_load_idx %arg8[%add3A_3214] : memref<2048xf32, #tpu.memory_space<vmem>>[vector<16xi32>], vector<16xf32>,
      %gather3A_3217 = tpu.vector_load_idx %arg9[%add3A_3207] : memref<2048xi32, #tpu.memory_space<vmem>>[vector<16xi32>], vector<16xi32>,
      %gather3A_3218 = tpu.vector_load_idx %arg9[%add3A_3214] : memref<2048xi32, #tpu.memory_space<vmem>>[vector<16xi32>], vector<16xi32>,
      %ge3A_3219 = arith.cmpf oge, %gather3A_3215, %gather3A_3216 : vector<16xf32>
      %mul3A_3220 = arith.constant 16 : i32
      %mul3A_3221 = vector.broadcast %mul3A_3220 : i32 to vector<16xi32>
      %mul3A_3222 = arith.muli %shift_right_logical3A_3203, %mul3A_3221 : vector<16xi32>
      %add3A_3223 = arith.addi %mul3A_3222, %iota3A : vector<16xi32>
      %select_n3A_3224 = arith.select %ge3A_3219, %gather3A_3215, %gather3A_3216 : vector<16xi1>, vector<16xf32>
      tpu.vector_store_idx %arg8[%add3A_3223], %select_n3A_3224 : memref<2048xf32, #tpu.memory_space<vmem>>[vector<16xi32>], vector<16xf32>,
      %select_n3A_3225 = arith.select %ge3A_3219, %gather3A_3217, %gather3A_3218 : vector<16xi1>, vector<16xi32>
      tpu.vector_store_idx %arg9[%add3A_3223], %select_n3A_3225 : memref<2048xi32, #tpu.memory_space<vmem>>[vector<16xi32>], vector<16xi32>,
      %shift_right_logical3A_3226 = arith.constant 1 : i32
      %shift_right_logical3A_3227 = vector.broadcast %shift_right_logical3A_3226 : i32 to vector<16xi32>
      %shift_right_logical3A_3228 = arith.shrui %shift_right_logical3A_3203, %shift_right_logical3A_3227 : vector<16xi32>
      %mul3A_3229 = arith.constant 32 : i32
      %mul3A_3230 = vector.broadcast %mul3A_3229 : i32 to vector<16xi32>
      %mul3A_3231 = arith.muli %shift_right_logical3A_3228, %mul3A_3230 : vector<16xi32>
      %add3A_3232 = arith.addi %mul3A_3231, %iota3A : vector<16xi32>
      %mul3A_3233 = arith.constant 32 : i32
      %mul3A_3234 = vector.broadcast %mul3A_3233 : i32 to vector<16xi32>
      %mul3A_3235 = arith.muli %shift_right_logical3A_3228, %mul3A_3234 : vector<16xi32>
      %add3A_3236 = arith.constant 16 : i32
      %add3A_3237 = vector.broadcast %add3A_3236 : i32 to vector<16xi32>
      %add3A_3238 = arith.addi %mul3A_3235, %add3A_3237 : vector<16xi32>
      %add3A_3239 = arith.addi %add3A_3238, %iota3A : vector<16xi32>
      %gather3A_3240 = tpu.vector_load_idx %arg8[%add3A_3232] : memref<2048xf32, #tpu.memory_space<vmem>>[vector<16xi32>], vector<16xf32>,
      %gather3A_3241 = tpu.vector_load_idx %arg8[%add3A_3239] : memref<2048xf32, #tpu.memory_space<vmem>>[vector<16xi32>], vector<16xf32>,
      %gather3A_3242 = tpu.vector_load_idx %arg9[%add3A_3232] : memref<2048xi32, #tpu.memory_space<vmem>>[vector<16xi32>], vector<16xi32>,
      %gather3A_3243 = tpu.vector_load_idx %arg9[%add3A_3239] : memref<2048xi32, #tpu.memory_space<vmem>>[vector<16xi32>], vector<16xi32>,
      %ge3A_3244 = arith.cmpf oge, %gather3A_3240, %gather3A_3241 : vector<16xf32>
      %mul3A_3245 = arith.constant 16 : i32
      %mul3A_3246 = vector.broadcast %mul3A_3245 : i32 to vector<16xi32>
      %mul3A_3247 = arith.muli %shift_right_logical3A_3228, %mul3A_3246 : vector<16xi32>
      %add3A_3248 = arith.addi %mul3A_3247, %iota3A : vector<16xi32>
      %select_n3A_3249 = arith.select %ge3A_3244, %gather3A_3240, %gather3A_3241 : vector<16xi1>, vector<16xf32>
      tpu.vector_store_idx %arg8[%add3A_3248], %select_n3A_3249 : memref<2048xf32, #tpu.memory_space<vmem>>[vector<16xi32>], vector<16xf32>,
      %select_n3A_3250 = arith.select %ge3A_3244, %gather3A_3242, %gather3A_3243 : vector<16xi1>, vector<16xi32>
      tpu.vector_store_idx %arg9[%add3A_3248], %select_n3A_3250 : memref<2048xi32, #tpu.memory_space<vmem>>[vector<16xi32>], vector<16xi32>,
      %shift_right_logical3A_3251 = arith.constant 1 : i32
      %shift_right_logical3A_3252 = vector.broadcast %shift_right_logical3A_3251 : i32 to vector<16xi32>
      %shift_right_logical3A_3253 = arith.shrui %shift_right_logical3A_3228, %shift_right_logical3A_3252 : vector<16xi32>
      %get3A_3254 = arith.constant 16 : index
      %get3A_3255 = tpu.vector_load %arg9[%get3A_3254] {strides = array<i32>} : memref<2048xi32, #tpu.memory_space<vmem>>, vector<16xi32>,
      %add3A_3256 = arith.constant 1024 : i32
      %add3A_3257 = arith.addi %add3A_3256, %mul3A_262 : i32
      %swap3A_3258 = arith.index_cast %add3A_3257 : i32 to index
      %swap3A_3259 = tpu.vector_load %arg11[%swap3A_3258] {strides = array<i32>} : memref<2048xi32, #tpu.memory_space<vmem>>, vector<16xi32>,
      tpu.vector_store %arg11[%swap3A_3258], %get3A_3255 {strides = array<i32>} : memref<2048xi32, #tpu.memory_space<vmem>>, vector<16xi32>,
      %mul3A_3260 = arith.constant 256 : i32
      %mul3A_3261 = vector.broadcast %mul3A_3260 : i32 to vector<16xi32>
      %mul3A_3262 = arith.muli %get3A_3255, %mul3A_3261 : vector<16xi32>
      %add3A_3263 = vector.broadcast %mul3A_262 : i32 to vector<16xi32>
      %add3A_3264 = arith.addi %mul3A_3262, %add3A_3263 : vector<16xi32>
      %add3A_3265 = arith.addi %add3A_3264, %iota3A : vector<16xi32>
      %gather3A_3266 = tpu.vector_load_idx %arg7[%add3A_3265] : memref<16384xf32, #tpu.memory_space<vmem>>[vector<16xi32>], vector<16xf32>,
      %add3A_3267 = arith.addf %add3A_3088, %gather3A_3266 : vector<16xf32>
      %add3A_3268 = arith.constant 64 : i32
      %add3A_3269 = vector.broadcast %add3A_3268 : i32 to vector<16xi32>
      %add3A_3270 = arith.addi %get3A_3255, %add3A_3269 : vector<16xi32>
      %mul3A_3271 = arith.constant 16 : i32
      %mul3A_3272 = vector.broadcast %mul3A_3271 : i32 to vector<16xi32>
      %mul3A_3273 = arith.muli %add3A_3270, %mul3A_3272 : vector<16xi32>
      %add3A_3274 = arith.addi %mul3A_3273, %iota3A : vector<16xi32>
      %broadcast_in_dim3A_3275 = arith.constant 0xFF800000 : f32
      %broadcast_in_dim3A_3276 = vector.broadcast %broadcast_in_dim3A_3275 : f32 to vector<16xf32>
      tpu.vector_store_idx %arg8[%add3A_3274], %broadcast_in_dim3A_3276 : memref<2048xf32, #tpu.memory_space<vmem>>[vector<16xi32>], vector<16xf32>,
      %add3A_3277 = arith.constant 64 : i32
      %add3A_3278 = vector.broadcast %add3A_3277 : i32 to vector<16xi32>
      %add3A_3279 = arith.addi %get3A_3255, %add3A_3278 : vector<16xi32>
      %shift_right_logical3A_3280 = arith.constant 1 : i32
      %shift_right_logical3A_3281 = vector.broadcast %shift_right_logical3A_3280 : i32 to vector<16xi32>
      %shift_right_logical3A_3282 = arith.shrui %add3A_3279, %shift_right_logical3A_3281 : vector<16xi32>
      %mul3A_3283 = arith.constant 32 : i32
      %mul3A_3284 = vector.broadcast %mul3A_3283 : i32 to vector<16xi32>
      %mul3A_3285 = arith.muli %shift_right_logical3A_3282, %mul3A_3284 : vector<16xi32>
      %add3A_3286 = arith.addi %mul3A_3285, %iota3A : vector<16xi32>
      %mul3A_3287 = arith.constant 32 : i32
      %mul3A_3288 = vector.broadcast %mul3A_3287 : i32 to vector<16xi32>
      %mul3A_3289 = arith.muli %shift_right_logical3A_3282, %mul3A_3288 : vector<16xi32>
      %add3A_3290 = arith.constant 16 : i32
      %add3A_3291 = vector.broadcast %add3A_3290 : i32 to vector<16xi32>
      %add3A_3292 = arith.addi %mul3A_3289, %add3A_3291 : vector<16xi32>
      %add3A_3293 = arith.addi %add3A_3292, %iota3A : vector<16xi32>
      %gather3A_3294 = tpu.vector_load_idx %arg8[%add3A_3286] : memref<2048xf32, #tpu.memory_space<vmem>>[vector<16xi32>], vector<16xf32>,
      %gather3A_3295 = tpu.vector_load_idx %arg8[%add3A_3293] : memref<2048xf32, #tpu.memory_space<vmem>>[vector<16xi32>], vector<16xf32>,
      %gather3A_3296 = tpu.vector_load_idx %arg9[%add3A_3286] : memref<2048xi32, #tpu.memory_space<vmem>>[vector<16xi32>], vector<16xi32>,
      %gather3A_3297 = tpu.vector_load_idx %arg9[%add3A_3293] : memref<2048xi32, #tpu.memory_space<vmem>>[vector<16xi32>], vector<16xi32>,
      %ge3A_3298 = arith.cmpf oge, %gather3A_3294, %gather3A_3295 : vector<16xf32>
      %mul3A_3299 = arith.constant 16 : i32
      %mul3A_3300 = vector.broadcast %mul3A_3299 : i32 to vector<16xi32>
      %mul3A_3301 = arith.muli %shift_right_logical3A_3282, %mul3A_3300 : vector<16xi32>
      %add3A_3302 = arith.addi %mul3A_3301, %iota3A : vector<16xi32>
      %select_n3A_3303 = arith.select %ge3A_3298, %gather3A_3294, %gather3A_3295 : vector<16xi1>, vector<16xf32>
      tpu.vector_store_idx %arg8[%add3A_3302], %select_n3A_3303 : memref<2048xf32, #tpu.memory_space<vmem>>[vector<16xi32>], vector<16xf32>,
      %select_n3A_3304 = arith.select %ge3A_3298, %gather3A_3296, %gather3A_3297 : vector<16xi1>, vector<16xi32>
      tpu.vector_store_idx %arg9[%add3A_3302], %select_n3A_3304 : memref<2048xi32, #tpu.memory_space<vmem>>[vector<16xi32>], vector<16xi32>,
      %shift_right_logical3A_3305 = arith.constant 1 : i32
      %shift_right_logical3A_3306 = vector.broadcast %shift_right_logical3A_3305 : i32 to vector<16xi32>
      %shift_right_logical3A_3307 = arith.shrui %shift_right_logical3A_3282, %shift_right_logical3A_3306 : vector<16xi32>
      %mul3A_3308 = arith.constant 32 : i32
      %mul3A_3309 = vector.broadcast %mul3A_3308 : i32 to vector<16xi32>
      %mul3A_3310 = arith.muli %shift_right_logical3A_3307, %mul3A_3309 : vector<16xi32>
      %add3A_3311 = arith.addi %mul3A_3310, %iota3A : vector<16xi32>
      %mul3A_3312 = arith.constant 32 : i32
      %mul3A_3313 = vector.broadcast %mul3A_3312 : i32 to vector<16xi32>
      %mul3A_3314 = arith.muli %shift_right_logical3A_3307, %mul3A_3313 : vector<16xi32>
      %add3A_3315 = arith.constant 16 : i32
      %add3A_3316 = vector.broadcast %add3A_3315 : i32 to vector<16xi32>
      %add3A_3317 = arith.addi %mul3A_3314, %add3A_3316 : vector<16xi32>
      %add3A_3318 = arith.addi %add3A_3317, %iota3A : vector<16xi32>
      %gather3A_3319 = tpu.vector_load_idx %arg8[%add3A_3311] : memref<2048xf32, #tpu.memory_space<vmem>>[vector<16xi32>], vector<16xf32>,
      %gather3A_3320 = tpu.vector_load_idx %arg8[%add3A_3318] : memref<2048xf32, #tpu.memory_space<vmem>>[vector<16xi32>], vector<16xf32>,
      %gather3A_3321 = tpu.vector_load_idx %arg9[%add3A_3311] : memref<2048xi32, #tpu.memory_space<vmem>>[vector<16xi32>], vector<16xi32>,
      %gather3A_3322 = tpu.vector_load_idx %arg9[%add3A_3318] : memref<2048xi32, #tpu.memory_space<vmem>>[vector<16xi32>], vector<16xi32>,
      %ge3A_3323 = arith.cmpf oge, %gather3A_3319, %gather3A_3320 : vector<16xf32>
      %mul3A_3324 = arith.constant 16 : i32
      %mul3A_3325 = vector.broadcast %mul3A_3324 : i32 to vector<16xi32>
      %mul3A_3326 = arith.muli %shift_right_logical3A_3307, %mul3A_3325 : vector<16xi32>
      %add3A_3327 = arith.addi %mul3A_3326, %iota3A : vector<16xi32>
      %select_n3A_3328 = arith.select %ge3A_3323, %gather3A_3319, %gather3A_3320 : vector<16xi1>, vector<16xf32>
      tpu.vector_store_idx %arg8[%add3A_3327], %select_n3A_3328 : memref<2048xf32, #tpu.memory_space<vmem>>[vector<16xi32>], vector<16xf32>,
      %select_n3A_3329 = arith.select %ge3A_3323, %gather3A_3321, %gather3A_3322 : vector<16xi1>, vector<16xi32>
      tpu.vector_store_idx %arg9[%add3A_3327], %select_n3A_3329 : memref<2048xi32, #tpu.memory_space<vmem>>[vector<16xi32>], vector<16xi32>,
      %shift_right_logical3A_3330 = arith.constant 1 : i32
      %shift_right_logical3A_3331 = vector.broadcast %shift_right_logical3A_3330 : i32 to vector<16xi32>
      %shift_right_logical3A_3332 = arith.shrui %shift_right_logical3A_3307, %shift_right_logical3A_3331 : vector<16xi32>
      %mul3A_3333 = arith.constant 32 : i32
      %mul3A_3334 = vector.broadcast %mul3A_3333 : i32 to vector<16xi32>
      %mul3A_3335 = arith.muli %shift_right_logical3A_3332, %mul3A_3334 : vector<16xi32>
      %add3A_3336 = arith.addi %mul3A_3335, %iota3A : vector<16xi32>
      %mul3A_3337 = arith.constant 32 : i32
      %mul3A_3338 = vector.broadcast %mul3A_3337 : i32 to vector<16xi32>
      %mul3A_3339 = arith.muli %shift_right_logical3A_3332, %mul3A_3338 : vector<16xi32>
      %add3A_3340 = arith.constant 16 : i32
      %add3A_3341 = vector.broadcast %add3A_3340 : i32 to vector<16xi32>
      %add3A_3342 = arith.addi %mul3A_3339, %add3A_3341 : vector<16xi32>
      %add3A_3343 = arith.addi %add3A_3342, %iota3A : vector<16xi32>
      %gather3A_3344 = tpu.vector_load_idx %arg8[%add3A_3336] : memref<2048xf32, #tpu.memory_space<vmem>>[vector<16xi32>], vector<16xf32>,
      %gather3A_3345 = tpu.vector_load_idx %arg8[%add3A_3343] : memref<2048xf32, #tpu.memory_space<vmem>>[vector<16xi32>], vector<16xf32>,
      %gather3A_3346 = tpu.vector_load_idx %arg9[%add3A_3336] : memref<2048xi32, #tpu.memory_space<vmem>>[vector<16xi32>], vector<16xi32>,
      %gather3A_3347 = tpu.vector_load_idx %arg9[%add3A_3343] : memref<2048xi32, #tpu.memory_space<vmem>>[vector<16xi32>], vector<16xi32>,
      %ge3A_3348 = arith.cmpf oge, %gather3A_3344, %gather3A_3345 : vector<16xf32>
      %mul3A_3349 = arith.constant 16 : i32
      %mul3A_3350 = vector.broadcast %mul3A_3349 : i32 to vector<16xi32>
      %mul3A_3351 = arith.muli %shift_right_logical3A_3332, %mul3A_3350 : vector<16xi32>
      %add3A_3352 = arith.addi %mul3A_3351, %iota3A : vector<16xi32>
      %select_n3A_3353 = arith.select %ge3A_3348, %gather3A_3344, %gather3A_3345 : vector<16xi1>, vector<16xf32>
      tpu.vector_store_idx %arg8[%add3A_3352], %select_n3A_3353 : memref<2048xf32, #tpu.memory_space<vmem>>[vector<16xi32>], vector<16xf32>,
      %select_n3A_3354 = arith.select %ge3A_3348, %gather3A_3346, %gather3A_3347 : vector<16xi1>, vector<16xi32>
      tpu.vector_store_idx %arg9[%add3A_3352], %select_n3A_3354 : memref<2048xi32, #tpu.memory_space<vmem>>[vector<16xi32>], vector<16xi32>,
      %shift_right_logical3A_3355 = arith.constant 1 : i32
      %shift_right_logical3A_3356 = vector.broadcast %shift_right_logical3A_3355 : i32 to vector<16xi32>
      %shift_right_logical3A_3357 = arith.shrui %shift_right_logical3A_3332, %shift_right_logical3A_3356 : vector<16xi32>
      %mul3A_3358 = arith.constant 32 : i32
      %mul3A_3359 = vector.broadcast %mul3A_3358 : i32 to vector<16xi32>
      %mul3A_3360 = arith.muli %shift_right_logical3A_3357, %mul3A_3359 : vector<16xi32>
      %add3A_3361 = arith.addi %mul3A_3360, %iota3A : vector<16xi32>
      %mul3A_3362 = arith.constant 32 : i32
      %mul3A_3363 = vector.broadcast %mul3A_3362 : i32 to vector<16xi32>
      %mul3A_3364 = arith.muli %shift_right_logical3A_3357, %mul3A_3363 : vector<16xi32>
      %add3A_3365 = arith.constant 16 : i32
      %add3A_3366 = vector.broadcast %add3A_3365 : i32 to vector<16xi32>
      %add3A_3367 = arith.addi %mul3A_3364, %add3A_3366 : vector<16xi32>
      %add3A_3368 = arith.addi %add3A_3367, %iota3A : vector<16xi32>
      %gather3A_3369 = tpu.vector_load_idx %arg8[%add3A_3361] : memref<2048xf32, #tpu.memory_space<vmem>>[vector<16xi32>], vector<16xf32>,
      %gather3A_3370 = tpu.vector_load_idx %arg8[%add3A_3368] : memref<2048xf32, #tpu.memory_space<vmem>>[vector<16xi32>], vector<16xf32>,
      %gather3A_3371 = tpu.vector_load_idx %arg9[%add3A_3361] : memref<2048xi32, #tpu.memory_space<vmem>>[vector<16xi32>], vector<16xi32>,
      %gather3A_3372 = tpu.vector_load_idx %arg9[%add3A_3368] : memref<2048xi32, #tpu.memory_space<vmem>>[vector<16xi32>], vector<16xi32>,
      %ge3A_3373 = arith.cmpf oge, %gather3A_3369, %gather3A_3370 : vector<16xf32>
      %mul3A_3374 = arith.constant 16 : i32
      %mul3A_3375 = vector.broadcast %mul3A_3374 : i32 to vector<16xi32>
      %mul3A_3376 = arith.muli %shift_right_logical3A_3357, %mul3A_3375 : vector<16xi32>
      %add3A_3377 = arith.addi %mul3A_3376, %iota3A : vector<16xi32>
      %select_n3A_3378 = arith.select %ge3A_3373, %gather3A_3369, %gather3A_3370 : vector<16xi1>, vector<16xf32>
      tpu.vector_store_idx %arg8[%add3A_3377], %select_n3A_3378 : memref<2048xf32, #tpu.memory_space<vmem>>[vector<16xi32>], vector<16xf32>,
      %select_n3A_3379 = arith.select %ge3A_3373, %gather3A_3371, %gather3A_3372 : vector<16xi1>, vector<16xi32>
      tpu.vector_store_idx %arg9[%add3A_3377], %select_n3A_3379 : memref<2048xi32, #tpu.memory_space<vmem>>[vector<16xi32>], vector<16xi32>,
      %shift_right_logical3A_3380 = arith.constant 1 : i32
      %shift_right_logical3A_3381 = vector.broadcast %shift_right_logical3A_3380 : i32 to vector<16xi32>
      %shift_right_logical3A_3382 = arith.shrui %shift_right_logical3A_3357, %shift_right_logical3A_3381 : vector<16xi32>
      %mul3A_3383 = arith.constant 32 : i32
      %mul3A_3384 = vector.broadcast %mul3A_3383 : i32 to vector<16xi32>
      %mul3A_3385 = arith.muli %shift_right_logical3A_3382, %mul3A_3384 : vector<16xi32>
      %add3A_3386 = arith.addi %mul3A_3385, %iota3A : vector<16xi32>
      %mul3A_3387 = arith.constant 32 : i32
      %mul3A_3388 = vector.broadcast %mul3A_3387 : i32 to vector<16xi32>
      %mul3A_3389 = arith.muli %shift_right_logical3A_3382, %mul3A_3388 : vector<16xi32>
      %add3A_3390 = arith.constant 16 : i32
      %add3A_3391 = vector.broadcast %add3A_3390 : i32 to vector<16xi32>
      %add3A_3392 = arith.addi %mul3A_3389, %add3A_3391 : vector<16xi32>
      %add3A_3393 = arith.addi %add3A_3392, %iota3A : vector<16xi32>
      %gather3A_3394 = tpu.vector_load_idx %arg8[%add3A_3386] : memref<2048xf32, #tpu.memory_space<vmem>>[vector<16xi32>], vector<16xf32>,
      %gather3A_3395 = tpu.vector_load_idx %arg8[%add3A_3393] : memref<2048xf32, #tpu.memory_space<vmem>>[vector<16xi32>], vector<16xf32>,
      %gather3A_3396 = tpu.vector_load_idx %arg9[%add3A_3386] : memref<2048xi32, #tpu.memory_space<vmem>>[vector<16xi32>], vector<16xi32>,
      %gather3A_3397 = tpu.vector_load_idx %arg9[%add3A_3393] : memref<2048xi32, #tpu.memory_space<vmem>>[vector<16xi32>], vector<16xi32>,
      %ge3A_3398 = arith.cmpf oge, %gather3A_3394, %gather3A_3395 : vector<16xf32>
      %mul3A_3399 = arith.constant 16 : i32
      %mul3A_3400 = vector.broadcast %mul3A_3399 : i32 to vector<16xi32>
      %mul3A_3401 = arith.muli %shift_right_logical3A_3382, %mul3A_3400 : vector<16xi32>
      %add3A_3402 = arith.addi %mul3A_3401, %iota3A : vector<16xi32>
      %select_n3A_3403 = arith.select %ge3A_3398, %gather3A_3394, %gather3A_3395 : vector<16xi1>, vector<16xf32>
      tpu.vector_store_idx %arg8[%add3A_3402], %select_n3A_3403 : memref<2048xf32, #tpu.memory_space<vmem>>[vector<16xi32>], vector<16xf32>,
      %select_n3A_3404 = arith.select %ge3A_3398, %gather3A_3396, %gather3A_3397 : vector<16xi1>, vector<16xi32>
      tpu.vector_store_idx %arg9[%add3A_3402], %select_n3A_3404 : memref<2048xi32, #tpu.memory_space<vmem>>[vector<16xi32>], vector<16xi32>,
      %shift_right_logical3A_3405 = arith.constant 1 : i32
      %shift_right_logical3A_3406 = vector.broadcast %shift_right_logical3A_3405 : i32 to vector<16xi32>
      %shift_right_logical3A_3407 = arith.shrui %shift_right_logical3A_3382, %shift_right_logical3A_3406 : vector<16xi32>
      %mul3A_3408 = arith.constant 32 : i32
      %mul3A_3409 = vector.broadcast %mul3A_3408 : i32 to vector<16xi32>
      %mul3A_3410 = arith.muli %shift_right_logical3A_3407, %mul3A_3409 : vector<16xi32>
      %add3A_3411 = arith.addi %mul3A_3410, %iota3A : vector<16xi32>
      %mul3A_3412 = arith.constant 32 : i32
      %mul3A_3413 = vector.broadcast %mul3A_3412 : i32 to vector<16xi32>
      %mul3A_3414 = arith.muli %shift_right_logical3A_3407, %mul3A_3413 : vector<16xi32>
      %add3A_3415 = arith.constant 16 : i32
      %add3A_3416 = vector.broadcast %add3A_3415 : i32 to vector<16xi32>
      %add3A_3417 = arith.addi %mul3A_3414, %add3A_3416 : vector<16xi32>
      %add3A_3418 = arith.addi %add3A_3417, %iota3A : vector<16xi32>
      %gather3A_3419 = tpu.vector_load_idx %arg8[%add3A_3411] : memref<2048xf32, #tpu.memory_space<vmem>>[vector<16xi32>], vector<16xf32>,
      %gather3A_3420 = tpu.vector_load_idx %arg8[%add3A_3418] : memref<2048xf32, #tpu.memory_space<vmem>>[vector<16xi32>], vector<16xf32>,
      %gather3A_3421 = tpu.vector_load_idx %arg9[%add3A_3411] : memref<2048xi32, #tpu.memory_space<vmem>>[vector<16xi32>], vector<16xi32>,
      %gather3A_3422 = tpu.vector_load_idx %arg9[%add3A_3418] : memref<2048xi32, #tpu.memory_space<vmem>>[vector<16xi32>], vector<16xi32>,
      %ge3A_3423 = arith.cmpf oge, %gather3A_3419, %gather3A_3420 : vector<16xf32>
      %mul3A_3424 = arith.constant 16 : i32
      %mul3A_3425 = vector.broadcast %mul3A_3424 : i32 to vector<16xi32>
      %mul3A_3426 = arith.muli %shift_right_logical3A_3407, %mul3A_3425 : vector<16xi32>
      %add3A_3427 = arith.addi %mul3A_3426, %iota3A : vector<16xi32>
      %select_n3A_3428 = arith.select %ge3A_3423, %gather3A_3419, %gather3A_3420 : vector<16xi1>, vector<16xf32>
      tpu.vector_store_idx %arg8[%add3A_3427], %select_n3A_3428 : memref<2048xf32, #tpu.memory_space<vmem>>[vector<16xi32>], vector<16xf32>,
      %select_n3A_3429 = arith.select %ge3A_3423, %gather3A_3421, %gather3A_3422 : vector<16xi1>, vector<16xi32>
      tpu.vector_store_idx %arg9[%add3A_3427], %select_n3A_3429 : memref<2048xi32, #tpu.memory_space<vmem>>[vector<16xi32>], vector<16xi32>,
      %shift_right_logical3A_3430 = arith.constant 1 : i32
      %shift_right_logical3A_3431 = vector.broadcast %shift_right_logical3A_3430 : i32 to vector<16xi32>
      %shift_right_logical3A_3432 = arith.shrui %shift_right_logical3A_3407, %shift_right_logical3A_3431 : vector<16xi32>
      %get3A_3433 = arith.constant 16 : index
      %get3A_3434 = tpu.vector_load %arg9[%get3A_3433] {strides = array<i32>} : memref<2048xi32, #tpu.memory_space<vmem>>, vector<16xi32>,
      %add3A_3435 = arith.constant 1280 : i32
      %add3A_3436 = arith.addi %add3A_3435, %mul3A_262 : i32
      %swap3A_3437 = arith.index_cast %add3A_3436 : i32 to index
      %swap3A_3438 = tpu.vector_load %arg11[%swap3A_3437] {strides = array<i32>} : memref<2048xi32, #tpu.memory_space<vmem>>, vector<16xi32>,
      tpu.vector_store %arg11[%swap3A_3437], %get3A_3434 {strides = array<i32>} : memref<2048xi32, #tpu.memory_space<vmem>>, vector<16xi32>,
      %mul3A_3439 = arith.constant 256 : i32
      %mul3A_3440 = vector.broadcast %mul3A_3439 : i32 to vector<16xi32>
      %mul3A_3441 = arith.muli %get3A_3434, %mul3A_3440 : vector<16xi32>
      %add3A_3442 = vector.broadcast %mul3A_262 : i32 to vector<16xi32>
      %add3A_3443 = arith.addi %mul3A_3441, %add3A_3442 : vector<16xi32>
      %add3A_3444 = arith.addi %add3A_3443, %iota3A : vector<16xi32>
      %gather3A_3445 = tpu.vector_load_idx %arg7[%add3A_3444] : memref<16384xf32, #tpu.memory_space<vmem>>[vector<16xi32>], vector<16xf32>,
      %add3A_3446 = arith.addf %add3A_3267, %gather3A_3445 : vector<16xf32>
      %add3A_3447 = arith.constant 64 : i32
      %add3A_3448 = vector.broadcast %add3A_3447 : i32 to vector<16xi32>
      %add3A_3449 = arith.addi %get3A_3434, %add3A_3448 : vector<16xi32>
      %mul3A_3450 = arith.constant 16 : i32
      %mul3A_3451 = vector.broadcast %mul3A_3450 : i32 to vector<16xi32>
      %mul3A_3452 = arith.muli %add3A_3449, %mul3A_3451 : vector<16xi32>
      %add3A_3453 = arith.addi %mul3A_3452, %iota3A : vector<16xi32>
      %broadcast_in_dim3A_3454 = arith.constant 0xFF800000 : f32
      %broadcast_in_dim3A_3455 = vector.broadcast %broadcast_in_dim3A_3454 : f32 to vector<16xf32>
      tpu.vector_store_idx %arg8[%add3A_3453], %broadcast_in_dim3A_3455 : memref<2048xf32, #tpu.memory_space<vmem>>[vector<16xi32>], vector<16xf32>,
      %add3A_3456 = arith.constant 64 : i32
      %add3A_3457 = vector.broadcast %add3A_3456 : i32 to vector<16xi32>
      %add3A_3458 = arith.addi %get3A_3434, %add3A_3457 : vector<16xi32>
      %shift_right_logical3A_3459 = arith.constant 1 : i32
      %shift_right_logical3A_3460 = vector.broadcast %shift_right_logical3A_3459 : i32 to vector<16xi32>
      %shift_right_logical3A_3461 = arith.shrui %add3A_3458, %shift_right_logical3A_3460 : vector<16xi32>
      %mul3A_3462 = arith.constant 32 : i32
      %mul3A_3463 = vector.broadcast %mul3A_3462 : i32 to vector<16xi32>
      %mul3A_3464 = arith.muli %shift_right_logical3A_3461, %mul3A_3463 : vector<16xi32>
      %add3A_3465 = arith.addi %mul3A_3464, %iota3A : vector<16xi32>
      %mul3A_3466 = arith.constant 32 : i32
      %mul3A_3467 = vector.broadcast %mul3A_3466 : i32 to vector<16xi32>
      %mul3A_3468 = arith.muli %shift_right_logical3A_3461, %mul3A_3467 : vector<16xi32>
      %add3A_3469 = arith.constant 16 : i32
      %add3A_3470 = vector.broadcast %add3A_3469 : i32 to vector<16xi32>
      %add3A_3471 = arith.addi %mul3A_3468, %add3A_3470 : vector<16xi32>
      %add3A_3472 = arith.addi %add3A_3471, %iota3A : vector<16xi32>
      %gather3A_3473 = tpu.vector_load_idx %arg8[%add3A_3465] : memref<2048xf32, #tpu.memory_space<vmem>>[vector<16xi32>], vector<16xf32>,
      %gather3A_3474 = tpu.vector_load_idx %arg8[%add3A_3472] : memref<2048xf32, #tpu.memory_space<vmem>>[vector<16xi32>], vector<16xf32>,
      %gather3A_3475 = tpu.vector_load_idx %arg9[%add3A_3465] : memref<2048xi32, #tpu.memory_space<vmem>>[vector<16xi32>], vector<16xi32>,
      %gather3A_3476 = tpu.vector_load_idx %arg9[%add3A_3472] : memref<2048xi32, #tpu.memory_space<vmem>>[vector<16xi32>], vector<16xi32>,
      %ge3A_3477 = arith.cmpf oge, %gather3A_3473, %gather3A_3474 : vector<16xf32>
      %mul3A_3478 = arith.constant 16 : i32
      %mul3A_3479 = vector.broadcast %mul3A_3478 : i32 to vector<16xi32>
      %mul3A_3480 = arith.muli %shift_right_logical3A_3461, %mul3A_3479 : vector<16xi32>
      %add3A_3481 = arith.addi %mul3A_3480, %iota3A : vector<16xi32>
      %select_n3A_3482 = arith.select %ge3A_3477, %gather3A_3473, %gather3A_3474 : vector<16xi1>, vector<16xf32>
      tpu.vector_store_idx %arg8[%add3A_3481], %select_n3A_3482 : memref<2048xf32, #tpu.memory_space<vmem>>[vector<16xi32>], vector<16xf32>,
      %select_n3A_3483 = arith.select %ge3A_3477, %gather3A_3475, %gather3A_3476 : vector<16xi1>, vector<16xi32>
      tpu.vector_store_idx %arg9[%add3A_3481], %select_n3A_3483 : memref<2048xi32, #tpu.memory_space<vmem>>[vector<16xi32>], vector<16xi32>,
      %shift_right_logical3A_3484 = arith.constant 1 : i32
      %shift_right_logical3A_3485 = vector.broadcast %shift_right_logical3A_3484 : i32 to vector<16xi32>
      %shift_right_logical3A_3486 = arith.shrui %shift_right_logical3A_3461, %shift_right_logical3A_3485 : vector<16xi32>
      %mul3A_3487 = arith.constant 32 : i32
      %mul3A_3488 = vector.broadcast %mul3A_3487 : i32 to vector<16xi32>
      %mul3A_3489 = arith.muli %shift_right_logical3A_3486, %mul3A_3488 : vector<16xi32>
      %add3A_3490 = arith.addi %mul3A_3489, %iota3A : vector<16xi32>
      %mul3A_3491 = arith.constant 32 : i32
      %mul3A_3492 = vector.broadcast %mul3A_3491 : i32 to vector<16xi32>
      %mul3A_3493 = arith.muli %shift_right_logical3A_3486, %mul3A_3492 : vector<16xi32>
      %add3A_3494 = arith.constant 16 : i32
      %add3A_3495 = vector.broadcast %add3A_3494 : i32 to vector<16xi32>
      %add3A_3496 = arith.addi %mul3A_3493, %add3A_3495 : vector<16xi32>
      %add3A_3497 = arith.addi %add3A_3496, %iota3A : vector<16xi32>
      %gather3A_3498 = tpu.vector_load_idx %arg8[%add3A_3490] : memref<2048xf32, #tpu.memory_space<vmem>>[vector<16xi32>], vector<16xf32>,
      %gather3A_3499 = tpu.vector_load_idx %arg8[%add3A_3497] : memref<2048xf32, #tpu.memory_space<vmem>>[vector<16xi32>], vector<16xf32>,
      %gather3A_3500 = tpu.vector_load_idx %arg9[%add3A_3490] : memref<2048xi32, #tpu.memory_space<vmem>>[vector<16xi32>], vector<16xi32>,
      %gather3A_3501 = tpu.vector_load_idx %arg9[%add3A_3497] : memref<2048xi32, #tpu.memory_space<vmem>>[vector<16xi32>], vector<16xi32>,
      %ge3A_3502 = arith.cmpf oge, %gather3A_3498, %gather3A_3499 : vector<16xf32>
      %mul3A_3503 = arith.constant 16 : i32
      %mul3A_3504 = vector.broadcast %mul3A_3503 : i32 to vector<16xi32>
      %mul3A_3505 = arith.muli %shift_right_logical3A_3486, %mul3A_3504 : vector<16xi32>
      %add3A_3506 = arith.addi %mul3A_3505, %iota3A : vector<16xi32>
      %select_n3A_3507 = arith.select %ge3A_3502, %gather3A_3498, %gather3A_3499 : vector<16xi1>, vector<16xf32>
      tpu.vector_store_idx %arg8[%add3A_3506], %select_n3A_3507 : memref<2048xf32, #tpu.memory_space<vmem>>[vector<16xi32>], vector<16xf32>,
      %select_n3A_3508 = arith.select %ge3A_3502, %gather3A_3500, %gather3A_3501 : vector<16xi1>, vector<16xi32>
      tpu.vector_store_idx %arg9[%add3A_3506], %select_n3A_3508 : memref<2048xi32, #tpu.memory_space<vmem>>[vector<16xi32>], vector<16xi32>,
      %shift_right_logical3A_3509 = arith.constant 1 : i32
      %shift_right_logical3A_3510 = vector.broadcast %shift_right_logical3A_3509 : i32 to vector<16xi32>
      %shift_right_logical3A_3511 = arith.shrui %shift_right_logical3A_3486, %shift_right_logical3A_3510 : vector<16xi32>
      %mul3A_3512 = arith.constant 32 : i32
      %mul3A_3513 = vector.broadcast %mul3A_3512 : i32 to vector<16xi32>
      %mul3A_3514 = arith.muli %shift_right_logical3A_3511, %mul3A_3513 : vector<16xi32>
      %add3A_3515 = arith.addi %mul3A_3514, %iota3A : vector<16xi32>
      %mul3A_3516 = arith.constant 32 : i32
      %mul3A_3517 = vector.broadcast %mul3A_3516 : i32 to vector<16xi32>
      %mul3A_3518 = arith.muli %shift_right_logical3A_3511, %mul3A_3517 : vector<16xi32>
      %add3A_3519 = arith.constant 16 : i32
      %add3A_3520 = vector.broadcast %add3A_3519 : i32 to vector<16xi32>
      %add3A_3521 = arith.addi %mul3A_3518, %add3A_3520 : vector<16xi32>
      %add3A_3522 = arith.addi %add3A_3521, %iota3A : vector<16xi32>
      %gather3A_3523 = tpu.vector_load_idx %arg8[%add3A_3515] : memref<2048xf32, #tpu.memory_space<vmem>>[vector<16xi32>], vector<16xf32>,
      %gather3A_3524 = tpu.vector_load_idx %arg8[%add3A_3522] : memref<2048xf32, #tpu.memory_space<vmem>>[vector<16xi32>], vector<16xf32>,
      %gather3A_3525 = tpu.vector_load_idx %arg9[%add3A_3515] : memref<2048xi32, #tpu.memory_space<vmem>>[vector<16xi32>], vector<16xi32>,
      %gather3A_3526 = tpu.vector_load_idx %arg9[%add3A_3522] : memref<2048xi32, #tpu.memory_space<vmem>>[vector<16xi32>], vector<16xi32>,
      %ge3A_3527 = arith.cmpf oge, %gather3A_3523, %gather3A_3524 : vector<16xf32>
      %mul3A_3528 = arith.constant 16 : i32
      %mul3A_3529 = vector.broadcast %mul3A_3528 : i32 to vector<16xi32>
      %mul3A_3530 = arith.muli %shift_right_logical3A_3511, %mul3A_3529 : vector<16xi32>
      %add3A_3531 = arith.addi %mul3A_3530, %iota3A : vector<16xi32>
      %select_n3A_3532 = arith.select %ge3A_3527, %gather3A_3523, %gather3A_3524 : vector<16xi1>, vector<16xf32>
      tpu.vector_store_idx %arg8[%add3A_3531], %select_n3A_3532 : memref<2048xf32, #tpu.memory_space<vmem>>[vector<16xi32>], vector<16xf32>,
      %select_n3A_3533 = arith.select %ge3A_3527, %gather3A_3525, %gather3A_3526 : vector<16xi1>, vector<16xi32>
      tpu.vector_store_idx %arg9[%add3A_3531], %select_n3A_3533 : memref<2048xi32, #tpu.memory_space<vmem>>[vector<16xi32>], vector<16xi32>,
      %shift_right_logical3A_3534 = arith.constant 1 : i32
      %shift_right_logical3A_3535 = vector.broadcast %shift_right_logical3A_3534 : i32 to vector<16xi32>
      %shift_right_logical3A_3536 = arith.shrui %shift_right_logical3A_3511, %shift_right_logical3A_3535 : vector<16xi32>
      %mul3A_3537 = arith.constant 32 : i32
      %mul3A_3538 = vector.broadcast %mul3A_3537 : i32 to vector<16xi32>
      %mul3A_3539 = arith.muli %shift_right_logical3A_3536, %mul3A_3538 : vector<16xi32>
      %add3A_3540 = arith.addi %mul3A_3539, %iota3A : vector<16xi32>
      %mul3A_3541 = arith.constant 32 : i32
      %mul3A_3542 = vector.broadcast %mul3A_3541 : i32 to vector<16xi32>
      %mul3A_3543 = arith.muli %shift_right_logical3A_3536, %mul3A_3542 : vector<16xi32>
      %add3A_3544 = arith.constant 16 : i32
      %add3A_3545 = vector.broadcast %add3A_3544 : i32 to vector<16xi32>
      %add3A_3546 = arith.addi %mul3A_3543, %add3A_3545 : vector<16xi32>
      %add3A_3547 = arith.addi %add3A_3546, %iota3A : vector<16xi32>
      %gather3A_3548 = tpu.vector_load_idx %arg8[%add3A_3540] : memref<2048xf32, #tpu.memory_space<vmem>>[vector<16xi32>], vector<16xf32>,
      %gather3A_3549 = tpu.vector_load_idx %arg8[%add3A_3547] : memref<2048xf32, #tpu.memory_space<vmem>>[vector<16xi32>], vector<16xf32>,
      %gather3A_3550 = tpu.vector_load_idx %arg9[%add3A_3540] : memref<2048xi32, #tpu.memory_space<vmem>>[vector<16xi32>], vector<16xi32>,
      %gather3A_3551 = tpu.vector_load_idx %arg9[%add3A_3547] : memref<2048xi32, #tpu.memory_space<vmem>>[vector<16xi32>], vector<16xi32>,
      %ge3A_3552 = arith.cmpf oge, %gather3A_3548, %gather3A_3549 : vector<16xf32>
      %mul3A_3553 = arith.constant 16 : i32
      %mul3A_3554 = vector.broadcast %mul3A_3553 : i32 to vector<16xi32>
      %mul3A_3555 = arith.muli %shift_right_logical3A_3536, %mul3A_3554 : vector<16xi32>
      %add3A_3556 = arith.addi %mul3A_3555, %iota3A : vector<16xi32>
      %select_n3A_3557 = arith.select %ge3A_3552, %gather3A_3548, %gather3A_3549 : vector<16xi1>, vector<16xf32>
      tpu.vector_store_idx %arg8[%add3A_3556], %select_n3A_3557 : memref<2048xf32, #tpu.memory_space<vmem>>[vector<16xi32>], vector<16xf32>,
      %select_n3A_3558 = arith.select %ge3A_3552, %gather3A_3550, %gather3A_3551 : vector<16xi1>, vector<16xi32>
      tpu.vector_store_idx %arg9[%add3A_3556], %select_n3A_3558 : memref<2048xi32, #tpu.memory_space<vmem>>[vector<16xi32>], vector<16xi32>,
      %shift_right_logical3A_3559 = arith.constant 1 : i32
      %shift_right_logical3A_3560 = vector.broadcast %shift_right_logical3A_3559 : i32 to vector<16xi32>
      %shift_right_logical3A_3561 = arith.shrui %shift_right_logical3A_3536, %shift_right_logical3A_3560 : vector<16xi32>
      %mul3A_3562 = arith.constant 32 : i32
      %mul3A_3563 = vector.broadcast %mul3A_3562 : i32 to vector<16xi32>
      %mul3A_3564 = arith.muli %shift_right_logical3A_3561, %mul3A_3563 : vector<16xi32>
      %add3A_3565 = arith.addi %mul3A_3564, %iota3A : vector<16xi32>
      %mul3A_3566 = arith.constant 32 : i32
      %mul3A_3567 = vector.broadcast %mul3A_3566 : i32 to vector<16xi32>
      %mul3A_3568 = arith.muli %shift_right_logical3A_3561, %mul3A_3567 : vector<16xi32>
      %add3A_3569 = arith.constant 16 : i32
      %add3A_3570 = vector.broadcast %add3A_3569 : i32 to vector<16xi32>
      %add3A_3571 = arith.addi %mul3A_3568, %add3A_3570 : vector<16xi32>
      %add3A_3572 = arith.addi %add3A_3571, %iota3A : vector<16xi32>
      %gather3A_3573 = tpu.vector_load_idx %arg8[%add3A_3565] : memref<2048xf32, #tpu.memory_space<vmem>>[vector<16xi32>], vector<16xf32>,
      %gather3A_3574 = tpu.vector_load_idx %arg8[%add3A_3572] : memref<2048xf32, #tpu.memory_space<vmem>>[vector<16xi32>], vector<16xf32>,
      %gather3A_3575 = tpu.vector_load_idx %arg9[%add3A_3565] : memref<2048xi32, #tpu.memory_space<vmem>>[vector<16xi32>], vector<16xi32>,
      %gather3A_3576 = tpu.vector_load_idx %arg9[%add3A_3572] : memref<2048xi32, #tpu.memory_space<vmem>>[vector<16xi32>], vector<16xi32>,
      %ge3A_3577 = arith.cmpf oge, %gather3A_3573, %gather3A_3574 : vector<16xf32>
      %mul3A_3578 = arith.constant 16 : i32
      %mul3A_3579 = vector.broadcast %mul3A_3578 : i32 to vector<16xi32>
      %mul3A_3580 = arith.muli %shift_right_logical3A_3561, %mul3A_3579 : vector<16xi32>
      %add3A_3581 = arith.addi %mul3A_3580, %iota3A : vector<16xi32>
      %select_n3A_3582 = arith.select %ge3A_3577, %gather3A_3573, %gather3A_3574 : vector<16xi1>, vector<16xf32>
      tpu.vector_store_idx %arg8[%add3A_3581], %select_n3A_3582 : memref<2048xf32, #tpu.memory_space<vmem>>[vector<16xi32>], vector<16xf32>,
      %select_n3A_3583 = arith.select %ge3A_3577, %gather3A_3575, %gather3A_3576 : vector<16xi1>, vector<16xi32>
      tpu.vector_store_idx %arg9[%add3A_3581], %select_n3A_3583 : memref<2048xi32, #tpu.memory_space<vmem>>[vector<16xi32>], vector<16xi32>,
      %shift_right_logical3A_3584 = arith.constant 1 : i32
      %shift_right_logical3A_3585 = vector.broadcast %shift_right_logical3A_3584 : i32 to vector<16xi32>
      %shift_right_logical3A_3586 = arith.shrui %shift_right_logical3A_3561, %shift_right_logical3A_3585 : vector<16xi32>
      %mul3A_3587 = arith.constant 32 : i32
      %mul3A_3588 = vector.broadcast %mul3A_3587 : i32 to vector<16xi32>
      %mul3A_3589 = arith.muli %shift_right_logical3A_3586, %mul3A_3588 : vector<16xi32>
      %add3A_3590 = arith.addi %mul3A_3589, %iota3A : vector<16xi32>
      %mul3A_3591 = arith.constant 32 : i32
      %mul3A_3592 = vector.broadcast %mul3A_3591 : i32 to vector<16xi32>
      %mul3A_3593 = arith.muli %shift_right_logical3A_3586, %mul3A_3592 : vector<16xi32>
      %add3A_3594 = arith.constant 16 : i32
      %add3A_3595 = vector.broadcast %add3A_3594 : i32 to vector<16xi32>
      %add3A_3596 = arith.addi %mul3A_3593, %add3A_3595 : vector<16xi32>
      %add3A_3597 = arith.addi %add3A_3596, %iota3A : vector<16xi32>
      %gather3A_3598 = tpu.vector_load_idx %arg8[%add3A_3590] : memref<2048xf32, #tpu.memory_space<vmem>>[vector<16xi32>], vector<16xf32>,
      %gather3A_3599 = tpu.vector_load_idx %arg8[%add3A_3597] : memref<2048xf32, #tpu.memory_space<vmem>>[vector<16xi32>], vector<16xf32>,
      %gather3A_3600 = tpu.vector_load_idx %arg9[%add3A_3590] : memref<2048xi32, #tpu.memory_space<vmem>>[vector<16xi32>], vector<16xi32>,
      %gather3A_3601 = tpu.vector_load_idx %arg9[%add3A_3597] : memref<2048xi32, #tpu.memory_space<vmem>>[vector<16xi32>], vector<16xi32>,
      %ge3A_3602 = arith.cmpf oge, %gather3A_3598, %gather3A_3599 : vector<16xf32>
      %mul3A_3603 = arith.constant 16 : i32
      %mul3A_3604 = vector.broadcast %mul3A_3603 : i32 to vector<16xi32>
      %mul3A_3605 = arith.muli %shift_right_logical3A_3586, %mul3A_3604 : vector<16xi32>
      %add3A_3606 = arith.addi %mul3A_3605, %iota3A : vector<16xi32>
      %select_n3A_3607 = arith.select %ge3A_3602, %gather3A_3598, %gather3A_3599 : vector<16xi1>, vector<16xf32>
      tpu.vector_store_idx %arg8[%add3A_3606], %select_n3A_3607 : memref<2048xf32, #tpu.memory_space<vmem>>[vector<16xi32>], vector<16xf32>,
      %select_n3A_3608 = arith.select %ge3A_3602, %gather3A_3600, %gather3A_3601 : vector<16xi1>, vector<16xi32>
      tpu.vector_store_idx %arg9[%add3A_3606], %select_n3A_3608 : memref<2048xi32, #tpu.memory_space<vmem>>[vector<16xi32>], vector<16xi32>,
      %shift_right_logical3A_3609 = arith.constant 1 : i32
      %shift_right_logical3A_3610 = vector.broadcast %shift_right_logical3A_3609 : i32 to vector<16xi32>
      %shift_right_logical3A_3611 = arith.shrui %shift_right_logical3A_3586, %shift_right_logical3A_3610 : vector<16xi32>
      %get3A_3612 = arith.constant 16 : index
      %get3A_3613 = tpu.vector_load %arg9[%get3A_3612] {strides = array<i32>} : memref<2048xi32, #tpu.memory_space<vmem>>, vector<16xi32>,
      %add3A_3614 = arith.constant 1536 : i32
      %add3A_3615 = arith.addi %add3A_3614, %mul3A_262 : i32
      %swap3A_3616 = arith.index_cast %add3A_3615 : i32 to index
      %swap3A_3617 = tpu.vector_load %arg11[%swap3A_3616] {strides = array<i32>} : memref<2048xi32, #tpu.memory_space<vmem>>, vector<16xi32>,
      tpu.vector_store %arg11[%swap3A_3616], %get3A_3613 {strides = array<i32>} : memref<2048xi32, #tpu.memory_space<vmem>>, vector<16xi32>,
      %mul3A_3618 = arith.constant 256 : i32
      %mul3A_3619 = vector.broadcast %mul3A_3618 : i32 to vector<16xi32>
      %mul3A_3620 = arith.muli %get3A_3613, %mul3A_3619 : vector<16xi32>
      %add3A_3621 = vector.broadcast %mul3A_262 : i32 to vector<16xi32>
      %add3A_3622 = arith.addi %mul3A_3620, %add3A_3621 : vector<16xi32>
      %add3A_3623 = arith.addi %add3A_3622, %iota3A : vector<16xi32>
      %gather3A_3624 = tpu.vector_load_idx %arg7[%add3A_3623] : memref<16384xf32, #tpu.memory_space<vmem>>[vector<16xi32>], vector<16xf32>,
      %add3A_3625 = arith.addf %add3A_3446, %gather3A_3624 : vector<16xf32>
      %add3A_3626 = arith.constant 64 : i32
      %add3A_3627 = vector.broadcast %add3A_3626 : i32 to vector<16xi32>
      %add3A_3628 = arith.addi %get3A_3613, %add3A_3627 : vector<16xi32>
      %mul3A_3629 = arith.constant 16 : i32
      %mul3A_3630 = vector.broadcast %mul3A_3629 : i32 to vector<16xi32>
      %mul3A_3631 = arith.muli %add3A_3628, %mul3A_3630 : vector<16xi32>
      %add3A_3632 = arith.addi %mul3A_3631, %iota3A : vector<16xi32>
      %broadcast_in_dim3A_3633 = arith.constant 0xFF800000 : f32
      %broadcast_in_dim3A_3634 = vector.broadcast %broadcast_in_dim3A_3633 : f32 to vector<16xf32>
      tpu.vector_store_idx %arg8[%add3A_3632], %broadcast_in_dim3A_3634 : memref<2048xf32, #tpu.memory_space<vmem>>[vector<16xi32>], vector<16xf32>,
      %add3A_3635 = arith.constant 64 : i32
      %add3A_3636 = vector.broadcast %add3A_3635 : i32 to vector<16xi32>
      %add3A_3637 = arith.addi %get3A_3613, %add3A_3636 : vector<16xi32>
      %shift_right_logical3A_3638 = arith.constant 1 : i32
      %shift_right_logical3A_3639 = vector.broadcast %shift_right_logical3A_3638 : i32 to vector<16xi32>
      %shift_right_logical3A_3640 = arith.shrui %add3A_3637, %shift_right_logical3A_3639 : vector<16xi32>
      %mul3A_3641 = arith.constant 32 : i32
      %mul3A_3642 = vector.broadcast %mul3A_3641 : i32 to vector<16xi32>
      %mul3A_3643 = arith.muli %shift_right_logical3A_3640, %mul3A_3642 : vector<16xi32>
      %add3A_3644 = arith.addi %mul3A_3643, %iota3A : vector<16xi32>
      %mul3A_3645 = arith.constant 32 : i32
      %mul3A_3646 = vector.broadcast %mul3A_3645 : i32 to vector<16xi32>
      %mul3A_3647 = arith.muli %shift_right_logical3A_3640, %mul3A_3646 : vector<16xi32>
      %add3A_3648 = arith.constant 16 : i32
      %add3A_3649 = vector.broadcast %add3A_3648 : i32 to vector<16xi32>
      %add3A_3650 = arith.addi %mul3A_3647, %add3A_3649 : vector<16xi32>
      %add3A_3651 = arith.addi %add3A_3650, %iota3A : vector<16xi32>
      %gather3A_3652 = tpu.vector_load_idx %arg8[%add3A_3644] : memref<2048xf32, #tpu.memory_space<vmem>>[vector<16xi32>], vector<16xf32>,
      %gather3A_3653 = tpu.vector_load_idx %arg8[%add3A_3651] : memref<2048xf32, #tpu.memory_space<vmem>>[vector<16xi32>], vector<16xf32>,
      %gather3A_3654 = tpu.vector_load_idx %arg9[%add3A_3644] : memref<2048xi32, #tpu.memory_space<vmem>>[vector<16xi32>], vector<16xi32>,
      %gather3A_3655 = tpu.vector_load_idx %arg9[%add3A_3651] : memref<2048xi32, #tpu.memory_space<vmem>>[vector<16xi32>], vector<16xi32>,
      %ge3A_3656 = arith.cmpf oge, %gather3A_3652, %gather3A_3653 : vector<16xf32>
      %mul3A_3657 = arith.constant 16 : i32
      %mul3A_3658 = vector.broadcast %mul3A_3657 : i32 to vector<16xi32>
      %mul3A_3659 = arith.muli %shift_right_logical3A_3640, %mul3A_3658 : vector<16xi32>
      %add3A_3660 = arith.addi %mul3A_3659, %iota3A : vector<16xi32>
      %select_n3A_3661 = arith.select %ge3A_3656, %gather3A_3652, %gather3A_3653 : vector<16xi1>, vector<16xf32>
      tpu.vector_store_idx %arg8[%add3A_3660], %select_n3A_3661 : memref<2048xf32, #tpu.memory_space<vmem>>[vector<16xi32>], vector<16xf32>,
      %select_n3A_3662 = arith.select %ge3A_3656, %gather3A_3654, %gather3A_3655 : vector<16xi1>, vector<16xi32>
      tpu.vector_store_idx %arg9[%add3A_3660], %select_n3A_3662 : memref<2048xi32, #tpu.memory_space<vmem>>[vector<16xi32>], vector<16xi32>,
      %shift_right_logical3A_3663 = arith.constant 1 : i32
      %shift_right_logical3A_3664 = vector.broadcast %shift_right_logical3A_3663 : i32 to vector<16xi32>
      %shift_right_logical3A_3665 = arith.shrui %shift_right_logical3A_3640, %shift_right_logical3A_3664 : vector<16xi32>
      %mul3A_3666 = arith.constant 32 : i32
      %mul3A_3667 = vector.broadcast %mul3A_3666 : i32 to vector<16xi32>
      %mul3A_3668 = arith.muli %shift_right_logical3A_3665, %mul3A_3667 : vector<16xi32>
      %add3A_3669 = arith.addi %mul3A_3668, %iota3A : vector<16xi32>
      %mul3A_3670 = arith.constant 32 : i32
      %mul3A_3671 = vector.broadcast %mul3A_3670 : i32 to vector<16xi32>
      %mul3A_3672 = arith.muli %shift_right_logical3A_3665, %mul3A_3671 : vector<16xi32>
      %add3A_3673 = arith.constant 16 : i32
      %add3A_3674 = vector.broadcast %add3A_3673 : i32 to vector<16xi32>
      %add3A_3675 = arith.addi %mul3A_3672, %add3A_3674 : vector<16xi32>
      %add3A_3676 = arith.addi %add3A_3675, %iota3A : vector<16xi32>
      %gather3A_3677 = tpu.vector_load_idx %arg8[%add3A_3669] : memref<2048xf32, #tpu.memory_space<vmem>>[vector<16xi32>], vector<16xf32>,
      %gather3A_3678 = tpu.vector_load_idx %arg8[%add3A_3676] : memref<2048xf32, #tpu.memory_space<vmem>>[vector<16xi32>], vector<16xf32>,
      %gather3A_3679 = tpu.vector_load_idx %arg9[%add3A_3669] : memref<2048xi32, #tpu.memory_space<vmem>>[vector<16xi32>], vector<16xi32>,
      %gather3A_3680 = tpu.vector_load_idx %arg9[%add3A_3676] : memref<2048xi32, #tpu.memory_space<vmem>>[vector<16xi32>], vector<16xi32>,
      %ge3A_3681 = arith.cmpf oge, %gather3A_3677, %gather3A_3678 : vector<16xf32>
      %mul3A_3682 = arith.constant 16 : i32
      %mul3A_3683 = vector.broadcast %mul3A_3682 : i32 to vector<16xi32>
      %mul3A_3684 = arith.muli %shift_right_logical3A_3665, %mul3A_3683 : vector<16xi32>
      %add3A_3685 = arith.addi %mul3A_3684, %iota3A : vector<16xi32>
      %select_n3A_3686 = arith.select %ge3A_3681, %gather3A_3677, %gather3A_3678 : vector<16xi1>, vector<16xf32>
      tpu.vector_store_idx %arg8[%add3A_3685], %select_n3A_3686 : memref<2048xf32, #tpu.memory_space<vmem>>[vector<16xi32>], vector<16xf32>,
      %select_n3A_3687 = arith.select %ge3A_3681, %gather3A_3679, %gather3A_3680 : vector<16xi1>, vector<16xi32>
      tpu.vector_store_idx %arg9[%add3A_3685], %select_n3A_3687 : memref<2048xi32, #tpu.memory_space<vmem>>[vector<16xi32>], vector<16xi32>,
      %shift_right_logical3A_3688 = arith.constant 1 : i32
      %shift_right_logical3A_3689 = vector.broadcast %shift_right_logical3A_3688 : i32 to vector<16xi32>
      %shift_right_logical3A_3690 = arith.shrui %shift_right_logical3A_3665, %shift_right_logical3A_3689 : vector<16xi32>
      %mul3A_3691 = arith.constant 32 : i32
      %mul3A_3692 = vector.broadcast %mul3A_3691 : i32 to vector<16xi32>
      %mul3A_3693 = arith.muli %shift_right_logical3A_3690, %mul3A_3692 : vector<16xi32>
      %add3A_3694 = arith.addi %mul3A_3693, %iota3A : vector<16xi32>
      %mul3A_3695 = arith.constant 32 : i32
      %mul3A_3696 = vector.broadcast %mul3A_3695 : i32 to vector<16xi32>
      %mul3A_3697 = arith.muli %shift_right_logical3A_3690, %mul3A_3696 : vector<16xi32>
      %add3A_3698 = arith.constant 16 : i32
      %add3A_3699 = vector.broadcast %add3A_3698 : i32 to vector<16xi32>
      %add3A_3700 = arith.addi %mul3A_3697, %add3A_3699 : vector<16xi32>
      %add3A_3701 = arith.addi %add3A_3700, %iota3A : vector<16xi32>
      %gather3A_3702 = tpu.vector_load_idx %arg8[%add3A_3694] : memref<2048xf32, #tpu.memory_space<vmem>>[vector<16xi32>], vector<16xf32>,
      %gather3A_3703 = tpu.vector_load_idx %arg8[%add3A_3701] : memref<2048xf32, #tpu.memory_space<vmem>>[vector<16xi32>], vector<16xf32>,
      %gather3A_3704 = tpu.vector_load_idx %arg9[%add3A_3694] : memref<2048xi32, #tpu.memory_space<vmem>>[vector<16xi32>], vector<16xi32>,
      %gather3A_3705 = tpu.vector_load_idx %arg9[%add3A_3701] : memref<2048xi32, #tpu.memory_space<vmem>>[vector<16xi32>], vector<16xi32>,
      %ge3A_3706 = arith.cmpf oge, %gather3A_3702, %gather3A_3703 : vector<16xf32>
      %mul3A_3707 = arith.constant 16 : i32
      %mul3A_3708 = vector.broadcast %mul3A_3707 : i32 to vector<16xi32>
      %mul3A_3709 = arith.muli %shift_right_logical3A_3690, %mul3A_3708 : vector<16xi32>
      %add3A_3710 = arith.addi %mul3A_3709, %iota3A : vector<16xi32>
      %select_n3A_3711 = arith.select %ge3A_3706, %gather3A_3702, %gather3A_3703 : vector<16xi1>, vector<16xf32>
      tpu.vector_store_idx %arg8[%add3A_3710], %select_n3A_3711 : memref<2048xf32, #tpu.memory_space<vmem>>[vector<16xi32>], vector<16xf32>,
      %select_n3A_3712 = arith.select %ge3A_3706, %gather3A_3704, %gather3A_3705 : vector<16xi1>, vector<16xi32>
      tpu.vector_store_idx %arg9[%add3A_3710], %select_n3A_3712 : memref<2048xi32, #tpu.memory_space<vmem>>[vector<16xi32>], vector<16xi32>,
      %shift_right_logical3A_3713 = arith.constant 1 : i32
      %shift_right_logical3A_3714 = vector.broadcast %shift_right_logical3A_3713 : i32 to vector<16xi32>
      %shift_right_logical3A_3715 = arith.shrui %shift_right_logical3A_3690, %shift_right_logical3A_3714 : vector<16xi32>
      %mul3A_3716 = arith.constant 32 : i32
      %mul3A_3717 = vector.broadcast %mul3A_3716 : i32 to vector<16xi32>
      %mul3A_3718 = arith.muli %shift_right_logical3A_3715, %mul3A_3717 : vector<16xi32>
      %add3A_3719 = arith.addi %mul3A_3718, %iota3A : vector<16xi32>
      %mul3A_3720 = arith.constant 32 : i32
      %mul3A_3721 = vector.broadcast %mul3A_3720 : i32 to vector<16xi32>
      %mul3A_3722 = arith.muli %shift_right_logical3A_3715, %mul3A_3721 : vector<16xi32>
      %add3A_3723 = arith.constant 16 : i32
      %add3A_3724 = vector.broadcast %add3A_3723 : i32 to vector<16xi32>
      %add3A_3725 = arith.addi %mul3A_3722, %add3A_3724 : vector<16xi32>
      %add3A_3726 = arith.addi %add3A_3725, %iota3A : vector<16xi32>
      %gather3A_3727 = tpu.vector_load_idx %arg8[%add3A_3719] : memref<2048xf32, #tpu.memory_space<vmem>>[vector<16xi32>], vector<16xf32>,
      %gather3A_3728 = tpu.vector_load_idx %arg8[%add3A_3726] : memref<2048xf32, #tpu.memory_space<vmem>>[vector<16xi32>], vector<16xf32>,
      %gather3A_3729 = tpu.vector_load_idx %arg9[%add3A_3719] : memref<2048xi32, #tpu.memory_space<vmem>>[vector<16xi32>], vector<16xi32>,
      %gather3A_3730 = tpu.vector_load_idx %arg9[%add3A_3726] : memref<2048xi32, #tpu.memory_space<vmem>>[vector<16xi32>], vector<16xi32>,
      %ge3A_3731 = arith.cmpf oge, %gather3A_3727, %gather3A_3728 : vector<16xf32>
      %mul3A_3732 = arith.constant 16 : i32
      %mul3A_3733 = vector.broadcast %mul3A_3732 : i32 to vector<16xi32>
      %mul3A_3734 = arith.muli %shift_right_logical3A_3715, %mul3A_3733 : vector<16xi32>
      %add3A_3735 = arith.addi %mul3A_3734, %iota3A : vector<16xi32>
      %select_n3A_3736 = arith.select %ge3A_3731, %gather3A_3727, %gather3A_3728 : vector<16xi1>, vector<16xf32>
      tpu.vector_store_idx %arg8[%add3A_3735], %select_n3A_3736 : memref<2048xf32, #tpu.memory_space<vmem>>[vector<16xi32>], vector<16xf32>,
      %select_n3A_3737 = arith.select %ge3A_3731, %gather3A_3729, %gather3A_3730 : vector<16xi1>, vector<16xi32>
      tpu.vector_store_idx %arg9[%add3A_3735], %select_n3A_3737 : memref<2048xi32, #tpu.memory_space<vmem>>[vector<16xi32>], vector<16xi32>,
      %shift_right_logical3A_3738 = arith.constant 1 : i32
      %shift_right_logical3A_3739 = vector.broadcast %shift_right_logical3A_3738 : i32 to vector<16xi32>
      %shift_right_logical3A_3740 = arith.shrui %shift_right_logical3A_3715, %shift_right_logical3A_3739 : vector<16xi32>
      %mul3A_3741 = arith.constant 32 : i32
      %mul3A_3742 = vector.broadcast %mul3A_3741 : i32 to vector<16xi32>
      %mul3A_3743 = arith.muli %shift_right_logical3A_3740, %mul3A_3742 : vector<16xi32>
      %add3A_3744 = arith.addi %mul3A_3743, %iota3A : vector<16xi32>
      %mul3A_3745 = arith.constant 32 : i32
      %mul3A_3746 = vector.broadcast %mul3A_3745 : i32 to vector<16xi32>
      %mul3A_3747 = arith.muli %shift_right_logical3A_3740, %mul3A_3746 : vector<16xi32>
      %add3A_3748 = arith.constant 16 : i32
      %add3A_3749 = vector.broadcast %add3A_3748 : i32 to vector<16xi32>
      %add3A_3750 = arith.addi %mul3A_3747, %add3A_3749 : vector<16xi32>
      %add3A_3751 = arith.addi %add3A_3750, %iota3A : vector<16xi32>
      %gather3A_3752 = tpu.vector_load_idx %arg8[%add3A_3744] : memref<2048xf32, #tpu.memory_space<vmem>>[vector<16xi32>], vector<16xf32>,
      %gather3A_3753 = tpu.vector_load_idx %arg8[%add3A_3751] : memref<2048xf32, #tpu.memory_space<vmem>>[vector<16xi32>], vector<16xf32>,
      %gather3A_3754 = tpu.vector_load_idx %arg9[%add3A_3744] : memref<2048xi32, #tpu.memory_space<vmem>>[vector<16xi32>], vector<16xi32>,
      %gather3A_3755 = tpu.vector_load_idx %arg9[%add3A_3751] : memref<2048xi32, #tpu.memory_space<vmem>>[vector<16xi32>], vector<16xi32>,
      %ge3A_3756 = arith.cmpf oge, %gather3A_3752, %gather3A_3753 : vector<16xf32>
      %mul3A_3757 = arith.constant 16 : i32
      %mul3A_3758 = vector.broadcast %mul3A_3757 : i32 to vector<16xi32>
      %mul3A_3759 = arith.muli %shift_right_logical3A_3740, %mul3A_3758 : vector<16xi32>
      %add3A_3760 = arith.addi %mul3A_3759, %iota3A : vector<16xi32>
      %select_n3A_3761 = arith.select %ge3A_3756, %gather3A_3752, %gather3A_3753 : vector<16xi1>, vector<16xf32>
      tpu.vector_store_idx %arg8[%add3A_3760], %select_n3A_3761 : memref<2048xf32, #tpu.memory_space<vmem>>[vector<16xi32>], vector<16xf32>,
      %select_n3A_3762 = arith.select %ge3A_3756, %gather3A_3754, %gather3A_3755 : vector<16xi1>, vector<16xi32>
      tpu.vector_store_idx %arg9[%add3A_3760], %select_n3A_3762 : memref<2048xi32, #tpu.memory_space<vmem>>[vector<16xi32>], vector<16xi32>,
      %shift_right_logical3A_3763 = arith.constant 1 : i32
      %shift_right_logical3A_3764 = vector.broadcast %shift_right_logical3A_3763 : i32 to vector<16xi32>
      %shift_right_logical3A_3765 = arith.shrui %shift_right_logical3A_3740, %shift_right_logical3A_3764 : vector<16xi32>
      %mul3A_3766 = arith.constant 32 : i32
      %mul3A_3767 = vector.broadcast %mul3A_3766 : i32 to vector<16xi32>
      %mul3A_3768 = arith.muli %shift_right_logical3A_3765, %mul3A_3767 : vector<16xi32>
      %add3A_3769 = arith.addi %mul3A_3768, %iota3A : vector<16xi32>
      %mul3A_3770 = arith.constant 32 : i32
      %mul3A_3771 = vector.broadcast %mul3A_3770 : i32 to vector<16xi32>
      %mul3A_3772 = arith.muli %shift_right_logical3A_3765, %mul3A_3771 : vector<16xi32>
      %add3A_3773 = arith.constant 16 : i32
      %add3A_3774 = vector.broadcast %add3A_3773 : i32 to vector<16xi32>
      %add3A_3775 = arith.addi %mul3A_3772, %add3A_3774 : vector<16xi32>
      %add3A_3776 = arith.addi %add3A_3775, %iota3A : vector<16xi32>
      %gather3A_3777 = tpu.vector_load_idx %arg8[%add3A_3769] : memref<2048xf32, #tpu.memory_space<vmem>>[vector<16xi32>], vector<16xf32>,
      %gather3A_3778 = tpu.vector_load_idx %arg8[%add3A_3776] : memref<2048xf32, #tpu.memory_space<vmem>>[vector<16xi32>], vector<16xf32>,
      %gather3A_3779 = tpu.vector_load_idx %arg9[%add3A_3769] : memref<2048xi32, #tpu.memory_space<vmem>>[vector<16xi32>], vector<16xi32>,
      %gather3A_3780 = tpu.vector_load_idx %arg9[%add3A_3776] : memref<2048xi32, #tpu.memory_space<vmem>>[vector<16xi32>], vector<16xi32>,
      %ge3A_3781 = arith.cmpf oge, %gather3A_3777, %gather3A_3778 : vector<16xf32>
      %mul3A_3782 = arith.constant 16 : i32
      %mul3A_3783 = vector.broadcast %mul3A_3782 : i32 to vector<16xi32>
      %mul3A_3784 = arith.muli %shift_right_logical3A_3765, %mul3A_3783 : vector<16xi32>
      %add3A_3785 = arith.addi %mul3A_3784, %iota3A : vector<16xi32>
      %select_n3A_3786 = arith.select %ge3A_3781, %gather3A_3777, %gather3A_3778 : vector<16xi1>, vector<16xf32>
      tpu.vector_store_idx %arg8[%add3A_3785], %select_n3A_3786 : memref<2048xf32, #tpu.memory_space<vmem>>[vector<16xi32>], vector<16xf32>,
      %select_n3A_3787 = arith.select %ge3A_3781, %gather3A_3779, %gather3A_3780 : vector<16xi1>, vector<16xi32>
      tpu.vector_store_idx %arg9[%add3A_3785], %select_n3A_3787 : memref<2048xi32, #tpu.memory_space<vmem>>[vector<16xi32>], vector<16xi32>,
      %shift_right_logical3A_3788 = arith.constant 1 : i32
      %shift_right_logical3A_3789 = vector.broadcast %shift_right_logical3A_3788 : i32 to vector<16xi32>
      %shift_right_logical3A_3790 = arith.shrui %shift_right_logical3A_3765, %shift_right_logical3A_3789 : vector<16xi32>
      %get3A_3791 = arith.constant 16 : index
      %get3A_3792 = tpu.vector_load %arg9[%get3A_3791] {strides = array<i32>} : memref<2048xi32, #tpu.memory_space<vmem>>, vector<16xi32>,
      %add3A_3793 = arith.constant 1792 : i32
      %add3A_3794 = arith.addi %add3A_3793, %mul3A_262 : i32
      %swap3A_3795 = arith.index_cast %add3A_3794 : i32 to index
      %swap3A_3796 = tpu.vector_load %arg11[%swap3A_3795] {strides = array<i32>} : memref<2048xi32, #tpu.memory_space<vmem>>, vector<16xi32>,
      tpu.vector_store %arg11[%swap3A_3795], %get3A_3792 {strides = array<i32>} : memref<2048xi32, #tpu.memory_space<vmem>>, vector<16xi32>,
      %mul3A_3797 = arith.constant 256 : i32
      %mul3A_3798 = vector.broadcast %mul3A_3797 : i32 to vector<16xi32>
      %mul3A_3799 = arith.muli %get3A_3792, %mul3A_3798 : vector<16xi32>
      %add3A_3800 = vector.broadcast %mul3A_262 : i32 to vector<16xi32>
      %add3A_3801 = arith.addi %mul3A_3799, %add3A_3800 : vector<16xi32>
      %add3A_3802 = arith.addi %add3A_3801, %iota3A : vector<16xi32>
      %gather3A_3803 = tpu.vector_load_idx %arg7[%add3A_3802] : memref<16384xf32, #tpu.memory_space<vmem>>[vector<16xi32>], vector<16xf32>,
      %add3A_3804 = arith.addf %add3A_3625, %gather3A_3803 : vector<16xf32>
      %div3A = arith.divf %gather3A, %add3A_3804 : vector<16xf32>
      %mul3A_3805 = arith.constant 2.500000e+00 : f32
      %mul3A_3806 = vector.broadcast %mul3A_3805 : f32 to vector<16xf32>
      %mul3A_3807 = arith.mulf %div3A, %mul3A_3806 : vector<16xf32>
      %add3A_3808 = arith.constant 0 : i32
      %add3A_3809 = arith.addi %add3A_3808, %mul3A_262 : i32
      %swap3A_3810 = arith.index_cast %add3A_3809 : i32 to index
      %swap3A_3811 = tpu.vector_load %arg10[%swap3A_3810] {strides = array<i32>} : memref<2048xf32, #tpu.memory_space<vmem>>, vector<16xf32>,
      tpu.vector_store %arg10[%swap3A_3810], %mul3A_3807 {strides = array<i32>} : memref<2048xf32, #tpu.memory_space<vmem>>, vector<16xf32>,
      %div3A_3812 = arith.divf %gather3A_2729, %add3A_3804 : vector<16xf32>
      %mul3A_3813 = arith.constant 2.500000e+00 : f32
      %mul3A_3814 = vector.broadcast %mul3A_3813 : f32 to vector<16xf32>
      %mul3A_3815 = arith.mulf %div3A_3812, %mul3A_3814 : vector<16xf32>
      %add3A_3816 = arith.constant 256 : i32
      %add3A_3817 = arith.addi %add3A_3816, %mul3A_262 : i32
      %swap3A_3818 = arith.index_cast %add3A_3817 : i32 to index
      %swap3A_3819 = tpu.vector_load %arg10[%swap3A_3818] {strides = array<i32>} : memref<2048xf32, #tpu.memory_space<vmem>>, vector<16xf32>,
      tpu.vector_store %arg10[%swap3A_3818], %mul3A_3815 {strides = array<i32>} : memref<2048xf32, #tpu.memory_space<vmem>>, vector<16xf32>,
      %div3A_3820 = arith.divf %gather3A_2908, %add3A_3804 : vector<16xf32>
      %mul3A_3821 = arith.constant 2.500000e+00 : f32
      %mul3A_3822 = vector.broadcast %mul3A_3821 : f32 to vector<16xf32>
      %mul3A_3823 = arith.mulf %div3A_3820, %mul3A_3822 : vector<16xf32>
      %add3A_3824 = arith.constant 512 : i32
      %add3A_3825 = arith.addi %add3A_3824, %mul3A_262 : i32
      %swap3A_3826 = arith.index_cast %add3A_3825 : i32 to index
      %swap3A_3827 = tpu.vector_load %arg10[%swap3A_3826] {strides = array<i32>} : memref<2048xf32, #tpu.memory_space<vmem>>, vector<16xf32>,
      tpu.vector_store %arg10[%swap3A_3826], %mul3A_3823 {strides = array<i32>} : memref<2048xf32, #tpu.memory_space<vmem>>, vector<16xf32>,
      %div3A_3828 = arith.divf %gather3A_3087, %add3A_3804 : vector<16xf32>
      %mul3A_3829 = arith.constant 2.500000e+00 : f32
      %mul3A_3830 = vector.broadcast %mul3A_3829 : f32 to vector<16xf32>
      %mul3A_3831 = arith.mulf %div3A_3828, %mul3A_3830 : vector<16xf32>
      %add3A_3832 = arith.constant 768 : i32
      %add3A_3833 = arith.addi %add3A_3832, %mul3A_262 : i32
      %swap3A_3834 = arith.index_cast %add3A_3833 : i32 to index
      %swap3A_3835 = tpu.vector_load %arg10[%swap3A_3834] {strides = array<i32>} : memref<2048xf32, #tpu.memory_space<vmem>>, vector<16xf32>,
      tpu.vector_store %arg10[%swap3A_3834], %mul3A_3831 {strides = array<i32>} : memref<2048xf32, #tpu.memory_space<vmem>>, vector<16xf32>,
      %div3A_3836 = arith.divf %gather3A_3266, %add3A_3804 : vector<16xf32>
      %mul3A_3837 = arith.constant 2.500000e+00 : f32
      %mul3A_3838 = vector.broadcast %mul3A_3837 : f32 to vector<16xf32>
      %mul3A_3839 = arith.mulf %div3A_3836, %mul3A_3838 : vector<16xf32>
      %add3A_3840 = arith.constant 1024 : i32
      %add3A_3841 = arith.addi %add3A_3840, %mul3A_262 : i32
      %swap3A_3842 = arith.index_cast %add3A_3841 : i32 to index
      %swap3A_3843 = tpu.vector_load %arg10[%swap3A_3842] {strides = array<i32>} : memref<2048xf32, #tpu.memory_space<vmem>>, vector<16xf32>,
      tpu.vector_store %arg10[%swap3A_3842], %mul3A_3839 {strides = array<i32>} : memref<2048xf32, #tpu.memory_space<vmem>>, vector<16xf32>,
      %div3A_3844 = arith.divf %gather3A_3445, %add3A_3804 : vector<16xf32>
      %mul3A_3845 = arith.constant 2.500000e+00 : f32
      %mul3A_3846 = vector.broadcast %mul3A_3845 : f32 to vector<16xf32>
      %mul3A_3847 = arith.mulf %div3A_3844, %mul3A_3846 : vector<16xf32>
      %add3A_3848 = arith.constant 1280 : i32
      %add3A_3849 = arith.addi %add3A_3848, %mul3A_262 : i32
      %swap3A_3850 = arith.index_cast %add3A_3849 : i32 to index
      %swap3A_3851 = tpu.vector_load %arg10[%swap3A_3850] {strides = array<i32>} : memref<2048xf32, #tpu.memory_space<vmem>>, vector<16xf32>,
      tpu.vector_store %arg10[%swap3A_3850], %mul3A_3847 {strides = array<i32>} : memref<2048xf32, #tpu.memory_space<vmem>>, vector<16xf32>,
      %div3A_3852 = arith.divf %gather3A_3624, %add3A_3804 : vector<16xf32>
      %mul3A_3853 = arith.constant 2.500000e+00 : f32
      %mul3A_3854 = vector.broadcast %mul3A_3853 : f32 to vector<16xf32>
      %mul3A_3855 = arith.mulf %div3A_3852, %mul3A_3854 : vector<16xf32>
      %add3A_3856 = arith.constant 1536 : i32
      %add3A_3857 = arith.addi %add3A_3856, %mul3A_262 : i32
      %swap3A_3858 = arith.index_cast %add3A_3857 : i32 to index
      %swap3A_3859 = tpu.vector_load %arg10[%swap3A_3858] {strides = array<i32>} : memref<2048xf32, #tpu.memory_space<vmem>>, vector<16xf32>,
      tpu.vector_store %arg10[%swap3A_3858], %mul3A_3855 {strides = array<i32>} : memref<2048xf32, #tpu.memory_space<vmem>>, vector<16xf32>,
      %div3A_3860 = arith.divf %gather3A_3803, %add3A_3804 : vector<16xf32>
      %mul3A_3861 = arith.constant 2.500000e+00 : f32
      %mul3A_3862 = vector.broadcast %mul3A_3861 : f32 to vector<16xf32>
      %mul3A_3863 = arith.mulf %div3A_3860, %mul3A_3862 : vector<16xf32>
      %add3A_3864 = arith.constant 1792 : i32
      %add3A_3865 = arith.addi %add3A_3864, %mul3A_262 : i32
      %swap3A_3866 = arith.index_cast %add3A_3865 : i32 to index
      %swap3A_3867 = tpu.vector_load %arg10[%swap3A_3866] {strides = array<i32>} : memref<2048xf32, #tpu.memory_space<vmem>>, vector<16xf32>,
      tpu.vector_store %arg10[%swap3A_3866], %mul3A_3863 {strides = array<i32>} : memref<2048xf32, #tpu.memory_space<vmem>>, vector<16xf32>,
    }
    %scan3A_259 = arith.constant 16 : i32
    "tpu.region"() ({
      %run_scoped3A = tpu.sem_alloc : memref<!tpu.dma_semaphore, #tpu.memory_space<semaphore_mem>>
      %dma_start3A = arith.constant 0 : i32
      %dma_start3A_260 = tpu.memref_slice %arg4[%add3A, %dma_start3A] : memref<32x2048xf32, #tpu.memory_space<hbm>> -> memref<1x2048xf32, #tpu.memory_space<hbm>>
      %dma_start3A_261 = tpu.memref_squeeze %dma_start3A_260 : memref<1x2048xf32, #tpu.memory_space<hbm>> -> memref<2048xf32, #tpu.memory_space<hbm>>
      %dma_start3A_262 = arith.constant 0 : i32
      %dma_start3A_263 = tpu.memref_slice %arg4[%add3A, %dma_start3A_262] : memref<32x2048xf32, #tpu.memory_space<hbm>> -> memref<1x2048xf32, #tpu.memory_space<hbm>>
      %dma_start3A_264 = tpu.memref_squeeze %dma_start3A_263 : memref<1x2048xf32, #tpu.memory_space<hbm>> -> memref<2048xf32, #tpu.memory_space<hbm>>
      tpu.enqueue_dma source(%arg10 : memref<2048xf32, #tpu.memory_space<vmem>>) target(%dma_start3A_264 : memref<2048xf32, #tpu.memory_space<hbm>>) target_semaphore(%run_scoped3A : memref<!tpu.dma_semaphore, #tpu.memory_space<semaphore_mem>>)
      %dma_wait3A = arith.constant 0 : i32
      %dma_wait3A_265 = tpu.memref_slice %arg4[%add3A, %dma_wait3A] : memref<32x2048xf32, #tpu.memory_space<hbm>> -> memref<1x2048xf32, #tpu.memory_space<hbm>>
      %dma_wait3A_266 = tpu.memref_squeeze %dma_wait3A_265 : memref<1x2048xf32, #tpu.memory_space<hbm>> -> memref<2048xf32, #tpu.memory_space<hbm>>
      %dma_wait3A_267 = arith.constant 0 : i32
      %dma_wait3A_268 = tpu.memref_slice %arg4[%add3A, %dma_wait3A_267] : memref<32x2048xf32, #tpu.memory_space<hbm>> -> memref<1x2048xf32, #tpu.memory_space<hbm>>
      %dma_wait3A_269 = tpu.memref_squeeze %dma_wait3A_268 : memref<1x2048xf32, #tpu.memory_space<hbm>> -> memref<2048xf32, #tpu.memory_space<hbm>>
      tpu.wait_dma2 semaphore(%run_scoped3A : memref<!tpu.dma_semaphore, #tpu.memory_space<semaphore_mem>>) src(%arg10 : memref<2048xf32, #tpu.memory_space<vmem>>) dst(%dma_wait3A_269 : memref<2048xf32, #tpu.memory_space<hbm>>)
      tpu.yield
    }) : () -> ()
    "tpu.region"() ({
      %run_scoped3A = tpu.sem_alloc : memref<!tpu.dma_semaphore, #tpu.memory_space<semaphore_mem>>
      %dma_start3A = arith.constant 0 : i32
      %dma_start3A_260 = tpu.memref_slice %arg5[%add3A, %dma_start3A] : memref<32x2048xi32, #tpu.memory_space<hbm>> -> memref<1x2048xi32, #tpu.memory_space<hbm>>
      %dma_start3A_261 = tpu.memref_squeeze %dma_start3A_260 : memref<1x2048xi32, #tpu.memory_space<hbm>> -> memref<2048xi32, #tpu.memory_space<hbm>>
      %dma_start3A_262 = arith.constant 0 : i32
      %dma_start3A_263 = tpu.memref_slice %arg5[%add3A, %dma_start3A_262] : memref<32x2048xi32, #tpu.memory_space<hbm>> -> memref<1x2048xi32, #tpu.memory_space<hbm>>
      %dma_start3A_264 = tpu.memref_squeeze %dma_start3A_263 : memref<1x2048xi32, #tpu.memory_space<hbm>> -> memref<2048xi32, #tpu.memory_space<hbm>>
      tpu.enqueue_dma source(%arg11 : memref<2048xi32, #tpu.memory_space<vmem>>) target(%dma_start3A_264 : memref<2048xi32, #tpu.memory_space<hbm>>) target_semaphore(%run_scoped3A : memref<!tpu.dma_semaphore, #tpu.memory_space<semaphore_mem>>)
      %dma_wait3A = arith.constant 0 : i32
      %dma_wait3A_265 = tpu.memref_slice %arg5[%add3A, %dma_wait3A] : memref<32x2048xi32, #tpu.memory_space<hbm>> -> memref<1x2048xi32, #tpu.memory_space<hbm>>
      %dma_wait3A_266 = tpu.memref_squeeze %dma_wait3A_265 : memref<1x2048xi32, #tpu.memory_space<hbm>> -> memref<2048xi32, #tpu.memory_space<hbm>>
      %dma_wait3A_267 = arith.constant 0 : i32
      %dma_wait3A_268 = tpu.memref_slice %arg5[%add3A, %dma_wait3A_267] : memref<32x2048xi32, #tpu.memory_space<hbm>> -> memref<1x2048xi32, #tpu.memory_space<hbm>>
      %dma_wait3A_269 = tpu.memref_squeeze %dma_wait3A_268 : memref<1x2048xi32, #tpu.memory_space<hbm>> -> memref<2048xi32, #tpu.memory_space<hbm>>
      tpu.wait_dma2 semaphore(%run_scoped3A : memref<!tpu.dma_semaphore, #tpu.memory_space<semaphore_mem>>) src(%arg11 : memref<2048xi32, #tpu.memory_space<vmem>>) dst(%dma_wait3A_269 : memref<2048xi32, #tpu.memory_space<hbm>>)
      tpu.yield
    }) : () -> ()
    return
  }
}

module attributes {stable_mosaic.version = 14 : i64} {
  func.func @_dense_block(%arg0: i32, %arg1: memref<1024x4096xf32, #tpu.memory_space<vmem>>, %arg2: memref<4096x64xf32, #tpu.memory_space<vmem>>, %arg3: memref<64x1xf32, #tpu.memory_space<vmem>>, %arg4: memref<4x64x256xf32, #tpu.memory_space<vmem>>, %arg5: memref<4x64x256xf32, #tpu.memory_space<vmem>>) attributes {dimension_semantics = [#tpu.dimension_semantics<arbitrary>], iteration_bounds = array<i64: 8>, scalar_prefetch = 0 : i64, scratch_operands = 0 : i64, tpu.core_type = #tpu.core_type<tc>, window_params = [{transform_indices = @transform_0, window_bounds = array<i64: 1024, 4096>}, {pipeline_mode = #tpu.pipeline_mode<synchronous>, transform_indices = @transform_1, window_bounds = array<i64: 4096, 64>}, {pipeline_mode = #tpu.pipeline_mode<synchronous>, transform_indices = @transform_2, window_bounds = array<i64: 64, 1>}, {transform_indices = @transform_3, window_bounds = array<i64: 4, 64, 256>}, {transform_indices = @transform_4, window_bounds = array<i64: 4, 64, 256>}]} {
    %get3A = arith.constant 0 : index
    %get3A_0 = arith.constant 0 : index
    %get3A_1 = vector.load %arg1[%get3A, %get3A_0] : memref<1024x4096xf32, #tpu.memory_space<vmem>>, vector<1024x4096xf32>
    %get3A_2 = arith.constant 0 : index
    %get3A_3 = arith.constant 0 : index
    %get3A_4 = vector.load %arg2[%get3A_2, %get3A_3] : memref<4096x64xf32, #tpu.memory_space<vmem>>, vector<4096x64xf32>
    %dot_general3A = arith.constant dense<0.000000e+00> : vector<1024x64xf32>
    %dot_general3A_5 = tpu.matmul %get3A_1, %get3A_4, %dot_general3A {dimension_numbers = #tpu.dot_dimension_numbers<[1], [0], [0], [1], [0, 0, 1, 1], [], []>, transpose_lhs_hint = false} : vector<1024x4096xf32>, vector<4096x64xf32>, vector<1024x64xf32> -> vector<1024x64xf32>
    %transpose3A = tpu.transpose %dot_general3A_5, [1, 0] : vector<1024x64xf32> -> vector<64x1024xf32>
    %logistic3A = arith.negf %transpose3A : vector<64x1024xf32>
    %logistic3A_6 = math.exp %logistic3A : vector<64x1024xf32>
    %logistic3A_7 = arith.constant 1.000000e+00 : f32
    %logistic3A_8 = vector.broadcast %logistic3A_7 : f32 to vector<64x1024xf32>
    %logistic3A_9 = arith.addf %logistic3A_8, %logistic3A_6 : vector<64x1024xf32>
    %logistic3A_10 = arith.divf %logistic3A_8, %logistic3A_9 : vector<64x1024xf32>
    %get3A_11 = arith.constant 0 : index
    %get3A_12 = arith.constant 0 : index
    %get3A_13 = vector.load %arg3[%get3A_11, %get3A_12] : memref<64x1xf32, #tpu.memory_space<vmem>>, vector<64x1xf32>
    %add3A = vector.broadcast %get3A_13 : vector<64x1xf32> to vector<64x1024xf32>
    %add3A_14 = arith.addf %logistic3A_10, %add3A : vector<64x1024xf32>
    %slice3A = vector.extract_strided_slice %add3A_14 {offsets = [0, 0], sizes = [64, 256], strides = [1, 1]} : vector<64x1024xf32> to vector<64x256xf32>
    %swap3A = arith.constant 0 : index
    %swap3A_15 = arith.constant 0 : index
    %swap3A_16 = arith.constant 0 : index
    %swap3A_17 = vector.load %arg4[%swap3A, %swap3A_15, %swap3A_16] : memref<4x64x256xf32, #tpu.memory_space<vmem>>, vector<1x64x256xf32>
    %swap3A_18 = vector.shape_cast %swap3A_17 : vector<1x64x256xf32> to vector<64x256xf32>
    %swap3A_19 = vector.shape_cast %slice3A : vector<64x256xf32> to vector<1x64x256xf32>
    tpu.vector_store %arg4[%swap3A, %swap3A_15, %swap3A_16], %swap3A_19 {strides = array<i32>} : memref<4x64x256xf32, #tpu.memory_space<vmem>>, vector<1x64x256xf32>,
    %slice3A_20 = vector.extract_strided_slice %logistic3A_10 {offsets = [0, 0], sizes = [64, 256], strides = [1, 1]} : vector<64x1024xf32> to vector<64x256xf32>
    %swap3A_21 = arith.constant 0 : index
    %swap3A_22 = arith.constant 0 : index
    %swap3A_23 = arith.constant 0 : index
    %swap3A_24 = vector.load %arg5[%swap3A_21, %swap3A_22, %swap3A_23] : memref<4x64x256xf32, #tpu.memory_space<vmem>>, vector<1x64x256xf32>
    %swap3A_25 = vector.shape_cast %swap3A_24 : vector<1x64x256xf32> to vector<64x256xf32>
    %swap3A_26 = vector.shape_cast %slice3A_20 : vector<64x256xf32> to vector<1x64x256xf32>
    tpu.vector_store %arg5[%swap3A_21, %swap3A_22, %swap3A_23], %swap3A_26 {strides = array<i32>} : memref<4x64x256xf32, #tpu.memory_space<vmem>>, vector<1x64x256xf32>,
    %slice3A_27 = vector.extract_strided_slice %add3A_14 {offsets = [0, 256], sizes = [64, 256], strides = [1, 1]} : vector<64x1024xf32> to vector<64x256xf32>
    %swap3A_28 = arith.constant 1 : index
    %swap3A_29 = arith.constant 0 : index
    %swap3A_30 = arith.constant 0 : index
    %swap3A_31 = vector.load %arg4[%swap3A_28, %swap3A_29, %swap3A_30] : memref<4x64x256xf32, #tpu.memory_space<vmem>>, vector<1x64x256xf32>
    %swap3A_32 = vector.shape_cast %swap3A_31 : vector<1x64x256xf32> to vector<64x256xf32>
    %swap3A_33 = vector.shape_cast %slice3A_27 : vector<64x256xf32> to vector<1x64x256xf32>
    tpu.vector_store %arg4[%swap3A_28, %swap3A_29, %swap3A_30], %swap3A_33 {strides = array<i32>} : memref<4x64x256xf32, #tpu.memory_space<vmem>>, vector<1x64x256xf32>,
    %slice3A_34 = vector.extract_strided_slice %logistic3A_10 {offsets = [0, 256], sizes = [64, 256], strides = [1, 1]} : vector<64x1024xf32> to vector<64x256xf32>
    %swap3A_35 = arith.constant 1 : index
    %swap3A_36 = arith.constant 0 : index
    %swap3A_37 = arith.constant 0 : index
    %swap3A_38 = vector.load %arg5[%swap3A_35, %swap3A_36, %swap3A_37] : memref<4x64x256xf32, #tpu.memory_space<vmem>>, vector<1x64x256xf32>
    %swap3A_39 = vector.shape_cast %swap3A_38 : vector<1x64x256xf32> to vector<64x256xf32>
    %swap3A_40 = vector.shape_cast %slice3A_34 : vector<64x256xf32> to vector<1x64x256xf32>
    tpu.vector_store %arg5[%swap3A_35, %swap3A_36, %swap3A_37], %swap3A_40 {strides = array<i32>} : memref<4x64x256xf32, #tpu.memory_space<vmem>>, vector<1x64x256xf32>,
    %slice3A_41 = vector.extract_strided_slice %add3A_14 {offsets = [0, 512], sizes = [64, 256], strides = [1, 1]} : vector<64x1024xf32> to vector<64x256xf32>
    %swap3A_42 = arith.constant 2 : index
    %swap3A_43 = arith.constant 0 : index
    %swap3A_44 = arith.constant 0 : index
    %swap3A_45 = vector.load %arg4[%swap3A_42, %swap3A_43, %swap3A_44] : memref<4x64x256xf32, #tpu.memory_space<vmem>>, vector<1x64x256xf32>
    %swap3A_46 = vector.shape_cast %swap3A_45 : vector<1x64x256xf32> to vector<64x256xf32>
    %swap3A_47 = vector.shape_cast %slice3A_41 : vector<64x256xf32> to vector<1x64x256xf32>
    tpu.vector_store %arg4[%swap3A_42, %swap3A_43, %swap3A_44], %swap3A_47 {strides = array<i32>} : memref<4x64x256xf32, #tpu.memory_space<vmem>>, vector<1x64x256xf32>,
    %slice3A_48 = vector.extract_strided_slice %logistic3A_10 {offsets = [0, 512], sizes = [64, 256], strides = [1, 1]} : vector<64x1024xf32> to vector<64x256xf32>
    %swap3A_49 = arith.constant 2 : index
    %swap3A_50 = arith.constant 0 : index
    %swap3A_51 = arith.constant 0 : index
    %swap3A_52 = vector.load %arg5[%swap3A_49, %swap3A_50, %swap3A_51] : memref<4x64x256xf32, #tpu.memory_space<vmem>>, vector<1x64x256xf32>
    %swap3A_53 = vector.shape_cast %swap3A_52 : vector<1x64x256xf32> to vector<64x256xf32>
    %swap3A_54 = vector.shape_cast %slice3A_48 : vector<64x256xf32> to vector<1x64x256xf32>
    tpu.vector_store %arg5[%swap3A_49, %swap3A_50, %swap3A_51], %swap3A_54 {strides = array<i32>} : memref<4x64x256xf32, #tpu.memory_space<vmem>>, vector<1x64x256xf32>,
    %slice3A_55 = vector.extract_strided_slice %add3A_14 {offsets = [0, 768], sizes = [64, 256], strides = [1, 1]} : vector<64x1024xf32> to vector<64x256xf32>
    %swap3A_56 = arith.constant 3 : index
    %swap3A_57 = arith.constant 0 : index
    %swap3A_58 = arith.constant 0 : index
    %swap3A_59 = vector.load %arg4[%swap3A_56, %swap3A_57, %swap3A_58] : memref<4x64x256xf32, #tpu.memory_space<vmem>>, vector<1x64x256xf32>
    %swap3A_60 = vector.shape_cast %swap3A_59 : vector<1x64x256xf32> to vector<64x256xf32>
    %swap3A_61 = vector.shape_cast %slice3A_55 : vector<64x256xf32> to vector<1x64x256xf32>
    tpu.vector_store %arg4[%swap3A_56, %swap3A_57, %swap3A_58], %swap3A_61 {strides = array<i32>} : memref<4x64x256xf32, #tpu.memory_space<vmem>>, vector<1x64x256xf32>,
    %slice3A_62 = vector.extract_strided_slice %logistic3A_10 {offsets = [0, 768], sizes = [64, 256], strides = [1, 1]} : vector<64x1024xf32> to vector<64x256xf32>
    %swap3A_63 = arith.constant 3 : index
    %swap3A_64 = arith.constant 0 : index
    %swap3A_65 = arith.constant 0 : index
    %swap3A_66 = vector.load %arg5[%swap3A_63, %swap3A_64, %swap3A_65] : memref<4x64x256xf32, #tpu.memory_space<vmem>>, vector<1x64x256xf32>
    %swap3A_67 = vector.shape_cast %swap3A_66 : vector<1x64x256xf32> to vector<64x256xf32>
    %swap3A_68 = vector.shape_cast %slice3A_62 : vector<64x256xf32> to vector<1x64x256xf32>
    tpu.vector_store %arg5[%swap3A_63, %swap3A_64, %swap3A_65], %swap3A_68 {strides = array<i32>} : memref<4x64x256xf32, #tpu.memory_space<vmem>>, vector<1x64x256xf32>,
    return
  }
  func.func @transform_0(%arg0: i32) -> (i32, i32) {
    %c0_i32 = arith.constant 0 : i32
    %c0_i32_0 = arith.constant 0 : i32
    return %arg0, %c0_i32 : i32, i32
  }
  func.func @transform_1(%arg0: i32) -> (i32, i32) {
    %c0_i32 = arith.constant 0 : i32
    %c0_i32_0 = arith.constant 0 : i32
    %c0_i32_1 = arith.constant 0 : i32
    return %c0_i32, %c0_i32_0 : i32, i32
  }
  func.func @transform_2(%arg0: i32) -> (i32, i32) {
    %c0_i32 = arith.constant 0 : i32
    %c0_i32_0 = arith.constant 0 : i32
    %c0_i32_1 = arith.constant 0 : i32
    return %c0_i32, %c0_i32_0 : i32, i32
  }
  func.func @transform_3(%arg0: i32) -> (i32, i32, i32) {
    %c0_i32 = arith.constant 0 : i32
    %c0_i32_0 = arith.constant 0 : i32
    %c0_i32_1 = arith.constant 0 : i32
    return %arg0, %c0_i32, %c0_i32_0 : i32, i32, i32
  }
  func.func @transform_4(%arg0: i32) -> (i32, i32, i32) {
    %c0_i32 = arith.constant 0 : i32
    %c0_i32_0 = arith.constant 0 : i32
    %c0_i32_1 = arith.constant 0 : i32
    return %arg0, %c0_i32, %c0_i32_0 : i32, i32, i32
  }
}

</mosaic_0001>

<sc_bundles>
// kernel: kernel.4.cloned.1.call-start
scs
__scs_entry_jumppad:
0x0: {  	(pc) =	sbr.rel $0x88, $3  }
0x1: {  	(tag) =	ssettag $0x0;
	lr =	simm.s32 $0x1  }
0x2: {  	[smem:$0x3F9E] =	sst lr;
	_ =	strace $0xD0000000  }
0x3: {  	_ = 	snop  }
0x4: {  	_ = 	snop  }
0x5: {  	_ = 	snop  }
0x6: {  	_ = 	snop  }
0x7: {  	_ = 	snop  }
__scs_overlays_trampoline_lowered:
0x8: {  	[smem:$0x3FAD] =	sst s0  }
0x9: {  	[smem:$0x3FAE] =	sst s1  }
0xa: {  	[smem:$0x3FAF] =	sst s2  }
0xb: {  	[smem:$0x3FB0] =	sst s3  }
0xc: {  	[smem:$0x3FB1] =	sst s4  }
0xd: {  	[smem:$0x3FB2] =	sst s5  }
0xe: {  	[smem:$0x3FB3] =	sst s6  }
0xf: {  	[smem:$0x3FB4] =	sst s7  }
0x10: {  	[smem:$0x3FB5] =	sst s8  }
0x11: {  	[smem:$0x3FB6] =	sst s9;
	s0 =	simm.s32 @!p0 $0x0  }
0x12: {  	s1 =	sld [smem:$0x3F9C];
	s0 =	simm.s32 @p0 $0x1  }
0x13: {  	[smem:$0x3FB7] =	sst s0;
	s0 =	simm.s32 @!p1 $0x0  }
0x14: {  	s2 =	sld [smem:$0x3F9B];
	s0 =	simm.s32 @p1 $0x1  }
0x15: {  	[smem:$0x3FB8] =	sst s0;
	s0 =	simm.s32 @!p2 $0x0  }
0x16: {  	s3 =	sld [smem:$0x3FDB];
	s0 =	simm.s32 @p2 $0x1  }
0x17: {  	s4 =	simm.s32 $0x1BF5;
	[smem:$0x3FBA] =	sst s0  }
0x18: {  	s0 =	sld [smem:$0x3F9D];
	_ =	swait.ge [sflag:s4], $0x0  }
0x19: {  	s7 =	sld [smem:$0x3F9E]  }
0x1a: {  	s8 =	sadd.s32 $0xFFFFE003, lr  }
0x1b: {  	s9 =	sadd.s32 $0xFFFFFEF7, lr;
	s5 =	simm.s32 $0xFFFFFFFF;
	p2 =	slt.u32 s8, $0xFFFFF086  }
0x1c: {  	p1 =	slt.u32 s9, $0xF7A;
	s5 =	simm.s32 @!p2 $0x0  }
0x1d: {  	s5 =	simm.s32 @p1 $0x1;
	p0 =	seq.s32 s7, s2  }
0x1e: {  	s7 =	smul.u32 @!p0 $0xF7A, s2;
	p2 =	seq.s32 @!p0 s5, $0x0  }
0x1f: {  	s9 =	smul.u32 $0xF7A, s1;
	s8 =	simm.s32 @!p0 $0x1BF5;
	p2 =	por !p2, p0  }
0x20: {  	[sflag:s8] =	ssyncset.s32 @!p0 $0xFFFFF086;
	s6 =	sadd.s32 @!p0 s3, s7;
	s7 =	simm.s32 @!p0 $0x108  }
0x21: {  	s3 =	sadd.s32 s3, s9;
	s6 =	sadd.s32 @!p0 $0x88, s6;
	s7 =	simm.s32 @p2 $0x1082  }
0x22: {  	[simem:s7], [sflag:s8] =	dma.local @!p0 [hbm:s6], $0xF7A  }
0x23: {  	s9 =	sor.u32 $0xD0000000, s2;
	s6 =	simm.s32 $0x108;
	_ =	swait.ge @!p0 [sflag:s8], $0x0  }
0x24: {  	s3 =	sadd.s32 $0x88, s3;
	s6 =	simm.s32 @!p1 $0x1082;
	[sflag:s4] =	ssyncset.s32 $0xFFFFF086  }
0x25: {  	[simem:s6], [sflag:s4] =	dma.local [hbm:s3], $0xF7A  }
0x26: {  	[smem:$0x3F9E] =	sst s1;
	(tag) =	ssettag s2;
	_ =	strace s9  }
0x27: {  	s1 =	sld [smem:$0x3FAE]  }
0x28: {  	s2 =	sld [smem:$0x3FAF]  }
0x29: {  	s4 =	sld [smem:$0x3FB1]  }
0x2a: {  	p0 =	seq.s32 s5, $0x0;
	s5 =	sld [smem:$0x3FB2]  }
0x2b: {  	s6 =	sld [smem:$0x3FB3]  }
0x2c: {  	s7 =	sld [smem:$0x3FB4]  }
0x2d: {  	s3 =	simm.s32 $0x108;
	s8 =	sld [smem:$0x3FB5]  }
0x2e: {  	s3 =	simm.s32 @!p0 $0x1082;
	s9 =	sld [smem:$0x3FB6]  }
0x2f: {  	lr =	sadd.s32 s0, s3;
	s0 =	sld [smem:$0x3FAD]  }
0x30: {  	s3 =	sld [smem:$0x3FB0]  }
0x31: {  	[smem:$0x3FB9] =	sst s10  }
0x32: {  	s10 =	sld [smem:$0x3FB7];
	_ =	sdelay $0x3  }
0x33: {  	p0 =	seq.s32 s10, $0x1;
	s10 =	sld [smem:$0x3FB9];
	_ =	sdelay $0x3  }
0x34: {  	[smem:$0x3FB9] =	sst s10  }
0x35: {  	s10 =	sld [smem:$0x3FB8];
	_ =	sdelay $0x3  }
0x36: {  	p1 =	seq.s32 s10, $0x1;
	s10 =	sld [smem:$0x3FB9];
	_ =	sdelay $0x3  }
0x37: {  	[smem:$0x3FB9] =	sst s10  }
0x38: {  	s10 =	sld [smem:$0x3FBA]  }
0x39: {  	_ = 	snop;
	(pc) =	sbr.ind lr, $3  }
0x3a: {  	_ = 	snop  }
0x3b: {  	_ = 	snop  }
0x3c: {  	p2 =	seq.s32 s10, $0x1;
	s10 =	sld [smem:$0x3FB9]  }
0x3d: {  	_ =	shalt  }
0x3e: {  	_ =	shalt  }
0x3f: {  	_ =	shalt  }
0x40: {  	_ =	shalt  }
0x41: {  	_ =	shalt  }
0x42: {  	_ =	shalt  }
0x43: {  	_ =	shalt  }
0x44: {  	_ =	shalt  }
0x45: {  	_ =	shalt  }
0x46: {  	_ =	shalt  }
0x47: {  	_ =	shalt  }
0x48: {  	_ =	shalt  }
0x49: {  	_ =	shalt  }
0x4a: {  	_ =	shalt  }
0x4b: {  	_ =	shalt  }
0x4c: {  	_ =	shalt  }
0x4d: {  	_ =	shalt  }
0x4e: {  	_ =	shalt  }
0x4f: {  	_ =	shalt  }
0x50: {  	_ =	shalt  }
0x51: {  	_ =	shalt  }
0x52: {  	_ =	shalt  }
0x53: {  	_ =	shalt  }
0x54: {  	_ =	shalt  }
0x55: {  	_ =	shalt  }
0x56: {  	_ =	shalt  }
0x57: {  	_ =	shalt  }
0x58: {  	_ =	shalt  }
0x59: {  	_ =	shalt  }
0x5a: {  	_ =	shalt  }
0x5b: {  	_ =	shalt  }
0x5c: {  	_ =	shalt  }
0x5d: {  	_ =	shalt  }
0x5e: {  	_ =	shalt  }
0x5f: {  	_ =	shalt  }
0x60: {  	_ =	shalt  }
0x61: {  	_ =	shalt  }
0x62: {  	_ =	shalt  }
0x63: {  	_ =	shalt  }
0x64: {  	_ =	shalt  }
0x65: {  	_ =	shalt  }
0x66: {  	_ =	shalt  }
0x67: {  	_ =	shalt  }
0x68: {  	_ =	shalt  }
0x69: {  	_ =	shalt  }
0x6a: {  	_ =	shalt  }
0x6b: {  	_ =	shalt  }
0x6c: {  	_ =	shalt  }
0x6d: {  	_ =	shalt  }
0x6e: {  	_ =	shalt  }
0x6f: {  	_ =	shalt  }
0x70: {  	_ =	shalt  }
0x71: {  	_ =	shalt  }
0x72: {  	_ =	shalt  }
0x73: {  	_ =	shalt  }
0x74: {  	_ =	shalt  }
0x75: {  	_ =	shalt  }
0x76: {  	_ =	shalt  }
0x77: {  	_ =	shalt  }
0x78: {  	_ =	shalt  }
0x79: {  	_ =	shalt  }
0x7a: {  	_ =	shalt  }
0x7b: {  	_ =	shalt  }
0x7c: {  	_ =	shalt  }
0x7d: {  	_ =	shalt  }
0x7e: {  	_ =	shalt  }
0x7f: {  	_ =	shalt  }
0x80: {  	_ =	shalt  }
0x81: {  	_ =	shalt  }
0x82: {  	_ =	shalt  }
0x83: {  	_ =	shalt  }
0x84: {  	_ =	shalt  }
0x85: {  	_ =	shalt  }
0x86: {  	_ =	shalt  }
0x87: {  	_ =	shalt  }
.Lfunc_end0:
.L_simem_size_0:
called_computation_lowered:
.L_overlay_start_0:
0x88: {  	s2 =	sld [smem:$0x3FD9]  }
0x89: {  	s3 =	sld [smem:$0x3FFE];
	_ =	sdelay $0x1  }
0x8a: {  	s1 =	srdreg.scid  }
0x8b: {  	s0 =	sand.u32 $0x1, s1  }
0x8c: {  	s14 =	sshll.u32 s0, $0xA;
	s2 =	sadd.s32 s3, s2  }
0x8d: {  	s2 =	sadd.s32 s2, s14  }
0x8e: {  	[smem:$0x3FC5] =	sst s2  }
0x8f: {  	_ = 	snop  }
0x90: {  	s2 =	sld [smem:$0x3FD0];
	_ =	sdelay $0x2  }
0x91: {  	s15 =	simm.s32 $0xA;
	s4 =	simm.s32 $0x10  }
0x92: {  	[smem:s4], [sflag:s15] =	dma.local [hbm:s2], $0x1  }
0x93: {  	_ =	swait.eq [sflag:s15], $0x1  }
0x94: {  	[sflag:s15] =	ssyncset.done $0x0  }
0x95: {  	[sflag:s15] =	ssyncadd.s32 $0xFFFFFFFF  }
0x96: {  	s16 =	sld [smem:$0x11];
	(tm) =	ssettm $0x1  }
0x97: {  	s17 =	sld [smem:$0x3FFB];
	_ =	sdelay $0x3  }
0x98: {  	_ =	strace s17  }
0x99: {  	s3 =	sld [smem:$0x3FFC];
	_ =	sdelay $0x3  }
0x9a: {  	_ =	strace s3  }
0x9b: {  	s3 =	sld [smem:$0x3FFD];
	_ =	sdelay $0x3  }
0x9c: {  	_ =	strace s3  }
0x9d: {  	_ =	strace $0x8FFFFFFF  }
0x9e: {  	s18 =	sld [smem:$0x3FDB];
	_ =	sdelay $0x1  }
0x9f: {  	s19 =	simm.s32 $_scs_section_size  }
0xa0: {  	s5 =	simm.s32 $_size__tile_overlayer_lowered;
	s6 =	simm.s32 $_tile_overlayer_lowered  }
0xa1: {  	s22 =	simm.s32 $0x1BFF;
	s21 =	sshll.u32 s6, $0x1;
	s3 =	sadd.s32 s19, s18  }
0xa2: {  	s7 =	simm.s32 $0x0;
	s20 =	sshll.u32 s5, $0x1;
	s5 =	sadd.s32 s21, s3  }
0xa3: {  	[timem:s7], [sflag:s22] =	dma.local [hbm:s5], s20  }
0xa4: {  	_ =	swait.ge [sflag:s22], s20  }
0xa5: {  	s4 =	ssub.s32 $0x0, s20;
	[sflag:s22] =	ssyncset.done $0x0  }
0xa6: {  	[sflag:s22] =	ssyncadd.s32 s4;
	_ =	sdelay $0x1  }
0xa7: {  	s23 =	simm.s32 $0x1B8B  }
0xa8: {  	_ =	swait.ge [sflag:s23], $0x1  }
0xa9: {  	[sflag:s23] =	ssyncset.done $0x0  }
0xaa: {  	s25 =	simm.s32 $0x1B8E;
	s24 =	sld [smem:$0x3FFE];
	[sflag:s23] =	ssyncadd.s32 $0xFFFFFFFF  }
0xab: {  	s26 =	simm.s32 $execute0_lowered;
	[smem:$0x3FD2] =	sst s25  }
0xac: {  	s5 =	sshll.u32 s26, $0x1;
	_ =	strace $0x80000046;
	[dreg:$0x1] =	wrdreg $0xFFFFFFFF  }
0xad: {  	s28 =	simm.s32 $_size_execute0_lowered;
	s3 =	sadd.s32 s3, s5;
	[dreg:$0x0] =	wrdreg $0x0  }
0xae: {  	s5 =	sshll.u32 s28, $0x1;
	[dreg:$0x2] =	wrdreg s3  }
0xaf: {  	[dreg:$0x3] =	wrdreg s5  }
0xb0: {  	[dreg:$0x4] =	wrdreg $0xC0  }
0xb1: {  	_ =	task [dreg:s7], $0x5FFFF  }
0xb2: {  	[dreg:$0x1] =	wrdreg $0xFFFFFFFF  }
0xb3: {  	[dreg:$0x0] =	wrdreg $0x60  }
0xb4: {  	[dreg:$0x2] =	wrdreg s24  }
0xb5: {  	[dreg:$0x3] =	wrdreg s16  }
0xb6: {  	[dreg:$0x4] =	wrdreg $0x9  }
0xb7: {  	_ =	task.clear_ibuf [dreg:s7], $0x5FFFF;
	_ =	strace $0x90000046  }
0xb8: {  	s29 =	simm.s32 $0x9;
	_ =	strace $0x80000048  }
0xb9: {  	_ =	swait.ge [sflag:s29], $0x1  }
0xba: {  	[sflag:s29] =	ssyncadd.s32 $0xFFFFFFFF  }
0xbb: {  	_ =	strace $0x90000048  }
0xbc: {  	_ =	sfence  }
0xbd: {  	s30 =	sld [smem:$0x0];
	_ =	sdelay $0x2  }
0xbe: {  	s31 =	sshll.u32 s1, $0xD;
	s1 =	sshrl.u32 s1, $0x2  }
0xbf: {  	s3 =	sand.u32 $0x4000, s31;
	s1 =	sadd.s32 s1, s30  }
0xc0: {  	s0 =	sor.u32 s3, s0;
	s1 =	sshll.u32 s1, $0x11  }
0xc1: {  	s0 =	sor.u32 s1, s0  }
0xc2: {  	s0 =	sadd.s32 $0x8F2B, s0  }
0xc3: {  	[sflag:s0] =	ssyncadd.remote.s32 $0x1  }
0xc4: {  	_ =	sfence.sel $0xFFFF  }
0xc5: {  	[dreg:$0x0] =	wrdreg $0xFFFFFFFF;
	(pc) =	sbr.abs _section_cstart, $3  }
0xc6: {  	[dreg:$0x1] =	wrdreg $0xFFFFFFFF  }
0xc7: {  	_ =	task.clear_ibuf [dreg:s7], $0x2FFFF;
	_ =	strace $0x9FFFFFFF  }
0xc8: {  	(tm) =	ssettm $0x7FFFFFFF  }
0xc9: {  	_ =	shalt  }
tec
execute0_lowered:
.L_overlay_start_1:
0x0: {  	(tag) =	ssettag $0x1  }
0x1: {  	s3 =	rddreg [dreg:$0x0]  }
0x2: {  	s5 =	rddreg [dreg:$0x1]  }
0x3: {  	s0 =	rddreg [dreg:$0x2]  }
0x4: {  	s2 =	simm.s32 $0x0;
	s4 =	srdreg.scid;
	s1 =	stileid.u32  }
0x5: {  	s10 =	simm.s32 $0x4000;
	s11 =	simm.s32 $0x8000;
	s12 =	simm.s32 $0x8800  }
0x6: {  	s13 =	simm.s32 $0x400;
	s14 =	simm.s32 $0x9000;
	s15 =	simm.s32 $0x9800  }
0x7: {  	s16 =	simm.s32 $0x0;
	[smem:$0x7FF] =	sst s2;
	s4 =	sand.u32 $0x1, s4  }
0x8: {  	s6 =	sshll.u32 s1, $0x8;
	s7 =	sshrl.u32 s1, $0x2;
	s8 =	sshll.u32 s4, $0x7  }
0x9: {  	s6 =	sand.u32 $0x300, s6;
	s28 =	sshll.u32 s7, $0x11;
	s7 =	sshll.u32 s7, $0xE  }
0xa: {  	_ =	strace $0x80000047;
	s4 =	ssub.s32 $0x2, s4;
	s6 =	sor.u32 s8, s6  }
0xb: {  	s31 =	sshrl.u32 s4, $0x1;
	s8 =	sor.u32 s28, s6;
	s6 =	sor.u32 s7, s6  }
0xc: {  	s9 =	ssub.s32 s4, s31;
	s29 =	sshrl.u32 s8, $0x3;
	s6 =	sshrl.u32 s6, $0x3  }
0xd: {  	s8 =	simm.s32 $0x80;
	s7 =	sadd.s32 s29, s3;
	s30 =	sadd.s32 s6, s3  }
0xe: {  	v0 =	vimm.s32 $0x0;
	v3 =	vimm.s32 $0x3;
	s5 =	sadd.s32 s5, s6;
	s3 =	sadd.s32 $0xA00, s7;
	s4 =	sadd.s32 $0x10A00, s7  }
0xf: {  	v5 =	vimm.s32 $0x5;
	v7 =	vimm.s32 $0x7;
	v2 =	vlaneseq.u32;
	s6 =	sadd.s32 $0x20A00, s30;
	s7 =	smax.u32 s9, $0x1;
	s9 =	simm.s32 $0x1  }
.LBB2_1:
0x10: {  	[tilespmem:s2], [sflag:$0x1] =	stream.strided.gather [hbm4b:s3+s8], $0x4000, s13, s8, $0x38;
	[tilespmem:$0xA000] =	vst v63  }
0x11: {  	_ =	swait.ge [sflag:s9], $0x4000  }
0x12: {  	[sflag:s9] =	ssyncset.done $0x0  }
0x13: {  	[sflag:s9] =	ssyncadd.s32 $0xFFFFC000  }
0x14: {  	[tilespmem:s10], [sflag:$0x1] =	stream.strided.gather [hbm4b:s4+s8], $0x4000, s13, s8, $0x38;
	[tilespmem:$0xA000] =	vst v63  }
0x15: {  	_ =	swait.ge [sflag:s9], $0x4000  }
0x16: {  	[sflag:s9] =	ssyncset.done $0x0  }
0x17: {  	[sflag:s9] =	ssyncadd.s32 $0xFFFFC000  }
0x18: {  	v1 =	vimm.s32 $0x1;
	[tilespmem:$0x8C00] =	vst v0  }
0x19: {  	[tilespmem:$0x8C10] =	vst v1  }
0x1a: {  	[tilespmem:$0x8C30] =	vst v3  }
0x1b: {  	[tilespmem:$0x8C50] =	vst v5  }
0x1c: {  	v1 =	vimm.s32 $0x2;
	[tilespmem:$0x8C70] =	vst v7  }
0x1d: {  	[tilespmem:$0x8C20] =	vst v1;
	v1 =	vimm.s32 $0x4  }
0x1e: {  	[tilespmem:$0x8C40] =	vst v1;
	v1 =	vimm.s32 $0x6  }
0x1f: {  	[tilespmem:$0x8C60] =	vst v1;
	v1 =	vimm.s32 $0x8  }
0x20: {  	[tilespmem:$0x8C80] =	vst v1;
	v1 =	vimm.s32 $0x9  }
0x21: {  	[tilespmem:$0x8C90] =	vst v1;
	v1 =	vimm.s32 $0xA  }
0x22: {  	[tilespmem:$0x8CA0] =	vst v1;
	v1 =	vimm.s32 $0xB  }
0x23: {  	[tilespmem:$0x8CB0] =	vst v1;
	v1 =	vimm.s32 $0xC  }
0x24: {  	[tilespmem:$0x8CC0] =	vst v1;
	v1 =	vimm.s32 $0xD  }
0x25: {  	[tilespmem:$0x8CD0] =	vst v1;
	v1 =	vimm.s32 $0xE  }
0x26: {  	[tilespmem:$0x8CE0] =	vst v1;
	v1 =	vimm.s32 $0xF  }
0x27: {  	[tilespmem:$0x8CF0] =	vst v1;
	v1 =	vimm.s32 $0x10  }
0x28: {  	[tilespmem:$0x8D00] =	vst v1;
	v1 =	vimm.s32 $0x11  }
0x29: {  	[tilespmem:$0x8D10] =	vst v1;
	v1 =	vimm.s32 $0x12  }
0x2a: {  	[tilespmem:$0x8D20] =	vst v1;
	v1 =	vimm.s32 $0x13  }
0x2b: {  	[tilespmem:$0x8D30] =	vst v1;
	v1 =	vimm.s32 $0x14  }
0x2c: {  	[tilespmem:$0x8D40] =	vst v1;
	v1 =	vimm.s32 $0x15  }
0x2d: {  	[tilespmem:$0x8D50] =	vst v1;
	v1 =	vimm.s32 $0x16  }
0x2e: {  	[tilespmem:$0x8D60] =	vst v1;
	v1 =	vimm.s32 $0x17  }
0x2f: {  	[tilespmem:$0x8D70] =	vst v1;
	v1 =	vimm.s32 $0x18  }
0x30: {  	[tilespmem:$0x8D80] =	vst v1;
	v1 =	vimm.s32 $0x19  }
0x31: {  	[tilespmem:$0x8D90] =	vst v1;
	v1 =	vimm.s32 $0x1A  }
0x32: {  	[tilespmem:$0x8DA0] =	vst v1;
	v1 =	vimm.s32 $0x1B  }
0x33: {  	[tilespmem:$0x8DB0] =	vst v1;
	v1 =	vimm.s32 $0x1C  }
0x34: {  	[tilespmem:$0x8DC0] =	vst v1;
	v1 =	vimm.s32 $0x1D  }
0x35: {  	[tilespmem:$0x8DD0] =	vst v1;
	v1 =	vimm.s32 $0x1E  }
0x36: {  	[tilespmem:$0x8DE0] =	vst v1;
	v1 =	vimm.s32 $0x1F  }
0x37: {  	[tilespmem:$0x8DF0] =	vst v1;
	v1 =	vimm.s32 $0x20  }
0x38: {  	[tilespmem:$0x8E00] =	vst v1;
	v1 =	vimm.s32 $0x21  }
0x39: {  	[tilespmem:$0x8E10] =	vst v1;
	v1 =	vimm.s32 $0x22  }
0x3a: {  	[tilespmem:$0x8E20] =	vst v1;
	v1 =	vimm.s32 $0x23  }
0x3b: {  	[tilespmem:$0x8E30] =	vst v1;
	v1 =	vimm.s32 $0x24  }
0x3c: {  	[tilespmem:$0x8E40] =	vst v1;
	v1 =	vimm.s32 $0x25  }
0x3d: {  	[tilespmem:$0x8E50] =	vst v1;
	v1 =	vimm.s32 $0x26  }
0x3e: {  	[tilespmem:$0x8E60] =	vst v1;
	v1 =	vimm.s32 $0x27  }
0x3f: {  	[tilespmem:$0x8E70] =	vst v1;
	v1 =	vimm.s32 $0x28  }
0x40: {  	[tilespmem:$0x8E80] =	vst v1;
	v1 =	vimm.s32 $0x29  }
0x41: {  	[tilespmem:$0x8E90] =	vst v1;
	v1 =	vimm.s32 $0x2A  }
0x42: {  	[tilespmem:$0x8EA0] =	vst v1;
	v1 =	vimm.s32 $0x2B  }
0x43: {  	[tilespmem:$0x8EB0] =	vst v1;
	v1 =	vimm.s32 $0x2C  }
0x44: {  	[tilespmem:$0x8EC0] =	vst v1;
	v1 =	vimm.s32 $0x2D  }
0x45: {  	[tilespmem:$0x8ED0] =	vst v1;
	v1 =	vimm.s32 $0x2E  }
0x46: {  	[tilespmem:$0x8EE0] =	vst v1;
	v1 =	vimm.s32 $0x2F  }
0x47: {  	[tilespmem:$0x8EF0] =	vst v1;
	v1 =	vimm.s32 $0x30  }
0x48: {  	[tilespmem:$0x8F00] =	vst v1;
	v1 =	vimm.s32 $0x31  }
0x49: {  	[tilespmem:$0x8F10] =	vst v1;
	v1 =	vimm.s32 $0x32  }
0x4a: {  	[tilespmem:$0x8F20] =	vst v1;
	v1 =	vimm.s32 $0x33  }
0x4b: {  	[tilespmem:$0x8F30] =	vst v1;
	v1 =	vimm.s32 $0x34  }
0x4c: {  	[tilespmem:$0x8F40] =	vst v1;
	v1 =	vimm.s32 $0x35  }
0x4d: {  	[tilespmem:$0x8F50] =	vst v1;
	v1 =	vimm.s32 $0x36  }
0x4e: {  	[tilespmem:$0x8F60] =	vst v1;
	v1 =	vimm.s32 $0x37  }
0x4f: {  	[tilespmem:$0x8F70] =	vst v1;
	v1 =	vimm.s32 $0x38  }
0x50: {  	[tilespmem:$0x8F80] =	vst v1;
	v1 =	vimm.s32 $0x39  }
0x51: {  	[tilespmem:$0x8F90] =	vst v1;
	v1 =	vimm.s32 $0x3A  }
0x52: {  	[tilespmem:$0x8FA0] =	vst v1;
	v1 =	vimm.s32 $0x3B  }
0x53: {  	[tilespmem:$0x8FB0] =	vst v1;
	v1 =	vimm.s32 $0x3C  }
0x54: {  	[tilespmem:$0x8FC0] =	vst v1;
	v1 =	vimm.s32 $0x3D  }
0x55: {  	[tilespmem:$0x8FD0] =	vst v1;
	v1 =	vimm.s32 $0x3E  }
0x56: {  	s17 =	simm.s32 $0x9C00;
	[tilespmem:$0x8FE0] =	vst v1;
	v1 =	vimm.s32 $0x3F  }
0x57: {  	s18 =	simm.s32 $0x9400;
	s19 =	simm.s32 $0x400;
	s20 =	simm.s32 $0x0;
	[tilespmem:$0x8FF0] =	vst v1  }
.LBB2_2:
0x58: {  	v4 =	vld [tilespmem:s19+$0xFFFFFC00]  }
0x59: {  	v6 =	vld [tilespmem:s19+$0xFFFFFD00]  }
0x5a: {  	v8 =	vld [tilespmem:s19+$0xFFFFFE00]  }
0x5b: {  	v9 =	vld [tilespmem:s19+$0xFFFFFF00]  }
0x5c: {  	v10 =	vld [tilespmem:s19+$0x0]  }
0x5d: {  	v11 =	vld [tilespmem:s19+$0x100]  }
0x5e: {  	v12 =	vld [tilespmem:s19+$0x200];
	s21 =	sand.u32 $0xF0, s20  }
0x5f: {  	v14 =	vld [tilespmem:s21+$0x800]  }
0x60: {  	v15 =	vld [tilespmem:s21+$0x900]  }
0x61: {  	v16 =	vld [tilespmem:s21+$0xA00]  }
0x62: {  	v17 =	vld [tilespmem:s21+$0xB00]  }
0x63: {  	v40 =	vld [tilespmem:s21+$0x1000]  }
0x64: {  	v42 =	vld [tilespmem:s21+$0x1100]  }
0x65: {  	v18 =	vld [tilespmem:s21+$0xC00]  }
0x66: {  	v44 =	vld [tilespmem:s21+$0x1200]  }
0x67: {  	v54 =	vld [tilespmem:s21+$0x1800];
	v21 =	vmax.f32 v4, v6;
	v6 =	vmin.f32 v4, v6  }
0x68: {  	v56 =	vld [tilespmem:s21+$0x1900];
	v23 =	vmin.f32 v21, v8;
	v8 =	vmax.f32 v21, v8;
	v50 =	vmax.f32 v14, v15  }
0x69: {  	v34 =	vld [tilespmem:s21+$0x2000];
	v14 =	vmin.f32 v14, v15;
	v27 =	vmax.f32 v40, v42;
	v6 =	vmax.f32 v6, v23  }
0x6a: {  	v36 =	vld [tilespmem:s21+$0x2100];
	v41 =	vmin.f32 v8, v9;
	v8 =	vmax.f32 v8, v9;
	v51 =	vmin.f32 v50, v16  }
0x6b: {  	v46 =	vld [tilespmem:s21+$0x1300];
	v16 =	vmax.f32 v50, v16;
	v9 =	vmin.f32 v40, v42;
	v29 =	vmin.f32 v27, v44  }
0x6c: {  	v58 =	vld [tilespmem:s21+$0x1A00];
	v6 =	vmax.f32 v6, v41;
	v43 =	vmin.f32 v8, v10;
	v8 =	vmax.f32 v8, v10  }
0x6d: {  	v38 =	vld [tilespmem:s21+$0x2200];
	v14 =	vmax.f32 v14, v51;
	v53 =	vmin.f32 v16, v17;
	v16 =	vmax.f32 v16, v17  }
0x6e: {  	v13 =	vld [tilespmem:s19+$0x300];
	v10 =	vmax.f32 v27, v44;
	v9 =	vmax.f32 v9, v29;
	v41 =	vmax.f32 v54, v56  }
0x6f: {  	v19 =	vld [tilespmem:s21+$0xD00];
	v17 =	vmin.f32 v54, v56;
	v54 =	vmax.f32 v34, v36;
	v6 =	vmax.f32 v6, v43  }
0x70: {  	v48 =	vld [tilespmem:s21+$0x1400];
	v45 =	vmin.f32 v8, v11;
	v8 =	vmax.f32 v8, v11;
	v14 =	vmax.f32 v14, v53  }
0x71: {  	v20 =	vld [tilespmem:s21+$0xE00];
	v55 =	vmin.f32 v16, v18;
	v16 =	vmax.f32 v16, v18;
	v31 =	vmin.f32 v10, v46  }
0x72: {  	v22 =	vld [tilespmem:s21+$0xF00];
	v10 =	vmax.f32 v10, v46;
	v43 =	vmin.f32 v41, v58;
	v56 =	vmin.f32 v54, v38  }
0x73: {  	v24 =	vld [tilespmem:s21+$0x1500];
	v6 =	vmax.f32 v6, v45;
	v47 =	vmin.f32 v8, v12;
	v8 =	vmax.f32 v8, v12  }
0x74: {  	v25 =	vld [tilespmem:s21+$0x1600];
	v14 =	vmax.f32 v14, v55;
	v57 =	vmin.f32 v16, v19;
	v16 =	vmax.f32 v16, v19  }
0x75: {  	v52 =	vld [tilespmem:s21+$0x1700];
	v9 =	vmax.f32 v9, v31;
	v33 =	vmin.f32 v10, v48;
	v10 =	vmax.f32 v10, v48  }
0x76: {  	v60 =	vld [tilespmem:s21+$0x1B00];
	v17 =	vmax.f32 v17, v43;
	v12 =	vmin.f32 v34, v36;
	v6 =	vmax.f32 v6, v47  }
0x77: {  	v63 =	vld [tilespmem:s21+$0x1C00];
	v49 =	vmin.f32 v8, v13;
	v14 =	vmax.f32 v14, v57;
	v59 =	vmin.f32 v16, v20  }
0x78: {  	v28 =	vld [tilespmem:s21+$0x1D00];
	v16 =	vmax.f32 v16, v20;
	v8 =	vmax.f32 v8, v13;
	v9 =	vmax.f32 v9, v33  }
0x79: {  	v30 =	vld [tilespmem:s21+$0x1E00];
	v35 =	vmin.f32 v10, v24;
	v10 =	vmax.f32 v10, v24;
	v12 =	vmax.f32 v12, v56  }
0x7a: {  	v32 =	vld [tilespmem:s21+$0x1F00];
	v6 =	vmax.f32 v6, v49;
	v61 =	vmax.f32 v14, v59;
	v62 =	vmin.f32 v16, v22  }
0x7b: {  	v40 =	vld [tilespmem:s21+$0x2300];
	v9 =	vmax.f32 v9, v35;
	v37 =	vmin.f32 v10, v25;
	v10 =	vmax.f32 v10, v25  }
0x7c: {  	v51 =	vld [tilespmem:s21+$0x2900];
	v16 =	vmax.f32 v16, v22;
	v6 =	vadd.f32 v6, v8;
	v8 =	vmax.f32 v61, v62  }
0x7d: {  	v49 =	vld [tilespmem:s21+$0x2800];
	v9 =	vmax.f32 v9, v37;
	v39 =	vmin.f32 v10, v52;
	v10 =	vmax.f32 v10, v52  }
0x7e: {  	v42 =	vld [tilespmem:s21+$0x2400];
	v8 =	vadd.f32 v8, v16;
	v9 =	vmax.f32 v9, v39;
	v16 =	vmax.f32 v41, v58  }
0x7f: {  	v53 =	vld [tilespmem:s21+$0x2A00];
	v45 =	vmin.f32 v16, v60;
	v16 =	vmax.f32 v16, v60;
	v9 =	vadd.f32 v9, v10  }
0x80: {  	v44 =	vld [tilespmem:s21+$0x2500];
	v17 =	vmax.f32 v17, v45;
	v47 =	vmin.f32 v16, v63;
	v15 =	vmax.f32 v16, v63  }
0x81: {  	v55 =	vld [tilespmem:s21+$0x2B00];
	vm1 =	vge.f32 v6, v8;
	v17 =	vmax.f32 v17, v47;
	v48 =	vmin.f32 v15, v28  }
0x82: {  	v31 =	vld [tilespmem:s21+$0x3100];
	v14 =	vmax.f32 v15, v28;
	v26 =	vmax.f32 v49, v51;
	v17 =	vmax.f32 v17, v48  }
0x83: {  	v57 =	vld [tilespmem:s21+$0x2C00];
	v50 =	vmin.f32 v14, v30;
	v13 =	vmax.f32 v14, v30;
	v14 =	vmin.f32 v49, v51  }
0x84: {  	v59 =	vld [tilespmem:s21+$0x2D00];
	v33 =	vmin.f32 v26, v53;
	v23 =	vmax.f32 v26, v53;
	v17 =	vmax.f32 v17, v50  }
0x85: {  	v61 =	vld [tilespmem:s21+$0x2E00];
	v52 =	vmin.f32 v13, v32;
	v11 =	vmax.f32 v13, v32;
	v13 =	vmax.f32 v54, v38  }
0x86: {  	v63 =	vld [tilespmem:s21+$0x3000];
	v14 =	vmax.f32 v14, v33;
	v35 =	vmin.f32 v23, v55;
	v18 =	vmax.f32 v23, v55  }
0x87: {  	v45 =	vld [tilespmem:s21+$0x3800];
	v17 =	vmax.f32 v17, v52;
	v58 =	vmin.f32 v13, v40;
	v13 =	vmax.f32 v13, v40  }
0x88: {  	v47 =	vld [tilespmem:s21+$0x3900];
	v14 =	vmax.f32 v14, v35;
	v37 =	vmin.f32 v18, v57;
	v18 =	vmax.f32 v18, v57  }
0x89: {  	v46 =	vld [tilespmem:s21+$0x2600];
	v12 =	vmax.f32 v12, v58;
	v60 =	vmin.f32 v13, v42;
	v13 =	vmax.f32 v13, v42  }
0x8a: {  	v27 =	vld [tilespmem:s21+$0x3200];
	v14 =	vmax.f32 v14, v37;
	v39 =	vmin.f32 v18, v59;
	v18 =	vmax.f32 v18, v59  }
0x8b: {  	v49 =	vld [tilespmem:s21+$0x3A00];
	v19 =	vmin.f32 v63, v31;
	v12 =	vmax.f32 v12, v60;
	v62 =	vmin.f32 v13, v44  }
0x8c: {  	v16 =	vld [tilespmem:s21+$0x2700];
	v13 =	vmax.f32 v13, v44;
	v14 =	vmax.f32 v14, v39;
	v41 =	vmin.f32 v18, v61  }
0x8d: {  	v34 =	vld [tilespmem:s21+$0x3300];
	v43 =	vmax.f32 v18, v61;
	v44 =	vmax.f32 v63, v31;
	v28 =	vmax.f32 v45, v47  }
0x8e: {  	v51 =	vld [tilespmem:s21+$0x3B00];
	v21 =	vmin.f32 v45, v47;
	v12 =	vmax.f32 v12, v62;
	v30 =	vmin.f32 v13, v46  }
0x8f: {  	v36 =	vld [tilespmem:s21+$0x3400];
	v13 =	vmax.f32 v13, v46;
	v14 =	vmax.f32 v14, v41;
	v46 =	vmin.f32 v44, v27  }
0x90: {  	v53 =	vld [tilespmem:s21+$0x3C00];
	v18 =	vmax.f32 v44, v27;
	v57 =	vmin.f32 v28, v49;
	v26 =	vmax.f32 v28, v49  }
0x91: {  	v38 =	vld [tilespmem:s21+$0x3500];
	v12 =	vmax.f32 v12, v30;
	v32 =	vmin.f32 v13, v16;
	v19 =	vmax.f32 v19, v46  }
0x92: {  	v55 =	vld [tilespmem:s21+$0x3D00];
	v48 =	vmin.f32 v18, v34;
	v18 =	vmax.f32 v18, v34;
	v21 =	vmax.f32 v21, v57  }
0x93: {  	v29 =	vld [tilespmem:s21+$0x3E00];
	v59 =	vmin.f32 v26, v51;
	v23 =	vmax.f32 v26, v51;
	v13 =	vmax.f32 v13, v16  }
0x94: {  	v40 =	vld [tilespmem:s21+$0x3600];
	v12 =	vmax.f32 v12, v32;
	v19 =	vmax.f32 v19, v48;
	v50 =	vmin.f32 v18, v36  }
0x95: {  	v60 =	vld [tilespmem:s21+$0x2F00];
	v18 =	vmax.f32 v18, v36;
	v21 =	vmax.f32 v21, v59;
	v61 =	vmin.f32 v23, v53  }
0x96: {  	v42 =	vld [tilespmem:s21+$0x3700];
	v23 =	vmax.f32 v23, v53;
	v19 =	vmax.f32 v19, v50;
	v52 =	vmin.f32 v18, v38  }
0x97: {  	v58 =	vld [tilespmem:s21+$0x3F00];
	v18 =	vmax.f32 v18, v38;
	v21 =	vmax.f32 v21, v61;
	v25 =	vmin.f32 v23, v55  }
0x98: {  	v22 =	vmax.f32 v23, v55;
	v12 =	vadd.f32 v12, v13;
	v19 =	vmax.f32 v19, v52  }
0x99: {  	v54 =	vmin.f32 v18, v40;
	v18 =	vmax.f32 v18, v40;
	v21 =	vmax.f32 v21, v25  }
0x9a: {  	v23 =	vmin.f32 v22, v29;
	v22 =	vmax.f32 v22, v29;
	v25 =	vmin.f32 v43, v60  }
0x9b: {  	v15 =	vmax.f32 v43, v60;
	v29 =	vadd.f32 v17, v11;
	v19 =	vmax.f32 v19, v54  }
0x9c: {  	v56 =	vmin.f32 v18, v42;
	v62 =	vmax.f32 v21, v23;
	v63 =	vmin.f32 v22, v58  }
0x9d: {  	v18 =	vmax.f32 v18, v42;
	v24 =	vmax.f32 v22, v58;
	v14 =	vmax.f32 v14, v25  }
0x9e: {  	v19 =	vmax.f32 v19, v56;
	v20 =	vmax.f32 v62, v63;
	v28 =	vadd.f32 v14, v15  }
0x9f: {  	vm1 =	vmneg vm1;
	v18 =	vadd.f32 v19, v18;
	v27 =	vadd.f32 v20, v24  }
0xa0: {  	v33 =	vsel vm1, v8, v6;
	v35 =	vsel vm1, $0x1, v0;
	vm2 =	vge.f32 v9, v29  }
0xa1: {  	v17 =	vsel vm2, v9, v29;
	vm13 =	vge.f32 v12, v28;
	vm0 =	vge.f32 v18, v27  }
0xa2: {  	v34 =	vsel vm2, $0x2, v3;
	v15 =	vsel vm13, v12, v28;
	v30 =	vsel vm0, v18, v27  }
0xa3: {  	vm15 =	vge.f32 v33, v17;
	v32 =	vsel vm13, $0x4, v5;
	vm14 =	vge.f32 v15, v30  }
0xa4: {  	v36 =	vsel vm15, v33, v17;
	v31 =	vsel vm0, $0x6, v7;
	v11 =	vsel vm14, v15, v30  }
0xa5: {  	v37 =	vsel vm15, v35, v34;
	v14 =	vsel vm14, v32, v31;
	vm4 =	vge.f32 v36, v11  }
0xa6: {  	v11 =	vsel vm4, v37, v14  }
0xa7: {  	vm0 =	veq.s32 v11, $0x0;
	vm5 =	veq.s32 v11, $0x1;
	vm6 =	veq.s32 v11, $0x2  }
0xa8: {  	vm7 =	veq.s32 v11, $0x3;
	vm8 =	veq.s32 v11, $0x6;
	vm9 =	veq.s32 v11, $0x7  }
0xa9: {  	vm10 =	veq.s32 v11, $0x4;
	vm11 =	veq.s32 v11, $0x5;
	v6 =	vsel vm0, $0xFF800000, v6  }
0xaa: {  	v8 =	vsel vm5, $0xFF800000, v8;
	v9 =	vsel vm6, $0xFF800000, v9;
	v38 =	vsel vm8, $0xFF800000, v18  }
0xab: {  	v39 =	vsel vm9, $0xFF800000, v27;
	v40 =	vsel vm10, $0xFF800000, v12;
	v41 =	vsel vm11, $0xFF800000, v28  }
0xac: {  	v10 =	vsel vm7, $0xFF800000, v29;
	vm2 =	vge.f32 v38, v39;
	vm0 =	vge.f32 v40, v41  }
0xad: {  	vm12 =	vge.f32 v6, v8;
	vm13 =	vge.f32 v9, v10;
	v42 =	vsel vm2, v38, v39  }
0xae: {  	v43 =	vsel vm2, $0x6, v7;
	v44 =	vsel vm0, v40, v41;
	vm1 =	vmneg vm12  }
0xaf: {  	v45 =	vsel vm0, $0x4, v5;
	v46 =	vsel vm13, v9, v10;
	v47 =	vsel vm1, v8, v6  }
0xb0: {  	v48 =	vsel vm13, $0x2, v3;
	vm14 =	vge.f32 v44, v42;
	vm15 =	vge.f32 v47, v46  }
0xb1: {  	v49 =	vsel vm1, $0x1, v0;
	v13 =	vsel vm14, v44, v42;
	v50 =	vsel vm15, v47, v46  }
0xb2: {  	v16 =	vsel vm14, v45, v43;
	v51 =	vsel vm15, v49, v48;
	vm4 =	vge.f32 v50, v13  }
0xb3: {  	v13 =	vsel vm4, v51, v16  }
0xb4: {  	vm0 =	veq.s32 v13, $0x0;
	vm5 =	veq.s32 v13, $0x1;
	vm6 =	veq.s32 v13, $0x2  }
0xb5: {  	vm7 =	veq.s32 v13, $0x3;
	vm8 =	veq.s32 v13, $0x6;
	vm9 =	veq.s32 v13, $0x7  }
0xb6: {  	vm10 =	veq.s32 v13, $0x4;
	vm11 =	veq.s32 v13, $0x5;
	v6 =	vsel vm0, $0xFF800000, v6  }
0xb7: {  	v8 =	vsel vm5, $0xFF800000, v8;
	v9 =	vsel vm6, $0xFF800000, v9;
	v14 =	vsel vm8, $0xFF800000, v38  }
0xb8: {  	v15 =	vsel vm9, $0xFF800000, v39;
	v11 =	vsel vm10, $0xFF800000, v40;
	v12 =	vsel vm11, $0xFF800000, v41  }
0xb9: {  	v10 =	vsel vm7, $0xFF800000, v10;
	vm2 =	vge.f32 v14, v15;
	vm0 =	vge.f32 v11, v12  }
0xba: {  	vm12 =	vge.f32 v6, v8;
	vm13 =	vge.f32 v9, v10;
	v52 =	vsel vm2, v14, v15  }
0xbb: {  	v53 =	vsel vm2, $0x6, v7;
	v54 =	vsel vm0, v11, v12;
	vm1 =	vmneg vm12  }
0xbc: {  	v55 =	vsel vm0, $0x4, v5;
	v56 =	vsel vm13, v9, v10;
	v57 =	vsel vm1, v8, v6  }
0xbd: {  	v58 =	vsel vm13, $0x2, v3;
	vm14 =	vge.f32 v54, v52;
	vm15 =	vge.f32 v57, v56  }
0xbe: {  	v59 =	vsel vm1, $0x1, v0;
	v13 =	vsel vm14, v54, v52;
	v60 =	vsel vm15, v57, v56  }
0xbf: {  	v16 =	vsel vm14, v55, v53;
	v61 =	vsel vm15, v59, v58;
	vm4 =	vge.f32 v60, v13  }
0xc0: {  	v13 =	vsel vm4, v61, v16  }
0xc1: {  	vm0 =	veq.s32 v13, $0x0;
	vm5 =	veq.s32 v13, $0x1;
	vm6 =	veq.s32 v13, $0x2  }
0xc2: {  	vm7 =	veq.s32 v13, $0x3;
	vm8 =	veq.s32 v13, $0x6;
	vm9 =	veq.s32 v13, $0x7  }
0xc3: {  	vm10 =	veq.s32 v13, $0x4;
	vm11 =	veq.s32 v13, $0x5;
	v62 =	vsel vm0, $0xFF800000, v6  }
0xc4: {  	v63 =	vsel vm5, $0xFF800000, v8;
	v24 =	vsel vm6, $0xFF800000, v9;
	v8 =	vsel vm8, $0xFF800000, v14  }
0xc5: {  	v6 =	vsel vm9, $0xFF800000, v15;
	v11 =	vsel vm10, $0xFF800000, v11;
	v26 =	vsel vm11, $0xFF800000, v12  }
0xc6: {  	v25 =	vsel vm7, $0xFF800000, v10;
	vm2 =	vge.f32 v8, v6;
	vm0 =	vge.f32 v11, v26  }
0xc7: {  	vm12 =	vge.f32 v62, v63;
	vm13 =	vge.f32 v24, v25;
	v27 =	vsel vm2, v8, v6  }
0xc8: {  	v28 =	vsel vm2, $0x6, v7;
	v29 =	vsel vm0, v11, v26;
	vm1 =	vmneg vm12  }
0xc9: {  	v30 =	vsel vm0, $0x4, v5;
	v31 =	vsel vm13, v24, v25;
	v32 =	vsel vm1, v63, v62  }
0xca: {  	v33 =	vsel vm13, $0x2, v3;
	vm14 =	vge.f32 v29, v27;
	vm15 =	vge.f32 v32, v31  }
0xcb: {  	v34 =	vsel vm1, $0x1, v0;
	v9 =	vsel vm14, v29, v27;
	v35 =	vsel vm15, v32, v31  }
0xcc: {  	v12 =	vsel vm14, v30, v28;
	v36 =	vsel vm15, v34, v33;
	vm4 =	vge.f32 v35, v9  }
0xcd: {  	v9 =	vsel vm4, v36, v12  }
0xce: {  	vm5 =	veq.f32 v62, $-Inf;
	vm0 =	veq.s32 v9, $0x0  }
0xcf: {  	vm0 =	vmor vm0, vm5  }
0xd0: {  	v4 =	vnsel vm0, $0xFF800000, v4  }
0xd1: {  	[tilespmem:$0x8400] =	vst v4  }
0xd2: {  	v4 =	vld [tilespmem:s19+$0xFFFFFD00];
	_ =	sdelay $0x4  }
0xd3: {  	v4 =	vnsel vm0, $0xFF800000, v4  }
0xd4: {  	[tilespmem:$0x8410] =	vst v4  }
0xd5: {  	v4 =	vld [tilespmem:s19+$0xFFFFFE00];
	_ =	sdelay $0x4  }
0xd6: {  	v4 =	vnsel vm0, $0xFF800000, v4  }
0xd7: {  	[tilespmem:$0x8420] =	vst v4  }
0xd8: {  	v4 =	vld [tilespmem:s19+$0xFFFFFF00];
	_ =	sdelay $0x4  }
0xd9: {  	v4 =	vnsel vm0, $0xFF800000, v4  }
0xda: {  	[tilespmem:$0x8430] =	vst v4  }
0xdb: {  	v4 =	vld [tilespmem:s19+$0x0];
	_ =	sdelay $0x4  }
0xdc: {  	v4 =	vnsel vm0, $0xFF800000, v4  }
0xdd: {  	[tilespmem:$0x8440] =	vst v4  }
0xde: {  	v4 =	vld [tilespmem:s19+$0x100];
	_ =	sdelay $0x4  }
0xdf: {  	v4 =	vnsel vm0, $0xFF800000, v4  }
0xe0: {  	[tilespmem:$0x8450] =	vst v4  }
0xe1: {  	v4 =	vld [tilespmem:s19+$0x200];
	_ =	sdelay $0x4  }
0xe2: {  	v4 =	vnsel vm0, $0xFF800000, v4  }
0xe3: {  	[tilespmem:$0x8460] =	vst v4  }
0xe4: {  	v4 =	vld [tilespmem:s19+$0x300];
	_ =	sdelay $0x4  }
0xe5: {  	v4 =	vnsel vm0, $0xFF800000, v4  }
0xe6: {  	[tilespmem:$0x8470] =	vst v4  }
0xe7: {  	v4 =	vld [tilespmem:s21+$0x800];
	_ =	sdelay $0x2  }
0xe8: {  	vm7 =	veq.f32 v63, $-Inf;
	vm6 =	veq.s32 v9, $0x1  }
0xe9: {  	vm0 =	vmor vm6, vm7  }
0xea: {  	v4 =	vnsel vm0, $0xFF800000, v4  }
0xeb: {  	[tilespmem:$0x8480] =	vst v4  }
0xec: {  	v4 =	vld [tilespmem:s21+$0x900];
	_ =	sdelay $0x4  }
0xed: {  	v4 =	vnsel vm0, $0xFF800000, v4  }
0xee: {  	[tilespmem:$0x8490] =	vst v4  }
0xef: {  	v4 =	vld [tilespmem:s21+$0xA00];
	_ =	sdelay $0x4  }
0xf0: {  	v4 =	vnsel vm0, $0xFF800000, v4  }
0xf1: {  	[tilespmem:$0x84A0] =	vst v4  }
0xf2: {  	v4 =	vld [tilespmem:s21+$0xB00];
	_ =	sdelay $0x4  }
0xf3: {  	v4 =	vnsel vm0, $0xFF800000, v4  }
0xf4: {  	[tilespmem:$0x84B0] =	vst v4  }
0xf5: {  	v4 =	vld [tilespmem:s21+$0xC00];
	_ =	sdelay $0x4  }
0xf6: {  	v4 =	vnsel vm0, $0xFF800000, v4  }
0xf7: {  	[tilespmem:$0x84C0] =	vst v4  }
0xf8: {  	v4 =	vld [tilespmem:s21+$0xD00];
	_ =	sdelay $0x4  }
0xf9: {  	v4 =	vnsel vm0, $0xFF800000, v4  }
0xfa: {  	[tilespmem:$0x84D0] =	vst v4  }
0xfb: {  	v4 =	vld [tilespmem:s21+$0xE00];
	_ =	sdelay $0x4  }
0xfc: {  	v4 =	vnsel vm0, $0xFF800000, v4  }
0xfd: {  	[tilespmem:$0x84E0] =	vst v4  }
0xfe: {  	v4 =	vld [tilespmem:s21+$0xF00];
	_ =	sdelay $0x4  }
0xff: {  	v4 =	vnsel vm0, $0xFF800000, v4  }
0x100: {  	[tilespmem:$0x84F0] =	vst v4  }
0x101: {  	v4 =	vld [tilespmem:s21+$0x1000];
	_ =	sdelay $0x2  }
0x102: {  	vm9 =	veq.f32 v24, $-Inf;
	vm8 =	veq.s32 v9, $0x2  }
0x103: {  	vm0 =	vmor vm8, vm9  }
0x104: {  	v4 =	vnsel vm0, $0xFF800000, v4  }
0x105: {  	[tilespmem:$0x8500] =	vst v4  }
0x106: {  	v4 =	vld [tilespmem:s21+$0x1100];
	_ =	sdelay $0x4  }
0x107: {  	v4 =	vnsel vm0, $0xFF800000, v4  }
0x108: {  	[tilespmem:$0x8510] =	vst v4  }
0x109: {  	v4 =	vld [tilespmem:s21+$0x1200];
	_ =	sdelay $0x4  }
0x10a: {  	v4 =	vnsel vm0, $0xFF800000, v4  }
0x10b: {  	[tilespmem:$0x8520] =	vst v4  }
0x10c: {  	v4 =	vld [tilespmem:s21+$0x1300];
	_ =	sdelay $0x4  }
0x10d: {  	v4 =	vnsel vm0, $0xFF800000, v4  }
0x10e: {  	[tilespmem:$0x8530] =	vst v4  }
0x10f: {  	v4 =	vld [tilespmem:s21+$0x1400];
	_ =	sdelay $0x4  }
0x110: {  	v4 =	vnsel vm0, $0xFF800000, v4  }
0x111: {  	[tilespmem:$0x8540] =	vst v4  }
0x112: {  	v4 =	vld [tilespmem:s21+$0x1500];
	_ =	sdelay $0x4  }
0x113: {  	v4 =	vnsel vm0, $0xFF800000, v4  }
0x114: {  	[tilespmem:$0x8550] =	vst v4  }
0x115: {  	v4 =	vld [tilespmem:s21+$0x1600];
	_ =	sdelay $0x4  }
0x116: {  	v4 =	vnsel vm0, $0xFF800000, v4  }
0x117: {  	[tilespmem:$0x8560] =	vst v4  }
0x118: {  	v4 =	vld [tilespmem:s21+$0x1700];
	_ =	sdelay $0x4  }
0x119: {  	v4 =	vnsel vm0, $0xFF800000, v4  }
0x11a: {  	[tilespmem:$0x8570] =	vst v4  }
0x11b: {  	v4 =	vld [tilespmem:s21+$0x1800];
	_ =	sdelay $0x2  }
0x11c: {  	vm11 =	veq.f32 v25, $-Inf;
	vm10 =	veq.s32 v9, $0x3  }
0x11d: {  	vm0 =	vmor vm10, vm11  }
0x11e: {  	v4 =	vnsel vm0, $0xFF800000, v4  }
0x11f: {  	[tilespmem:$0x8580] =	vst v4  }
0x120: {  	v4 =	vld [tilespmem:s21+$0x1900];
	_ =	sdelay $0x4  }
0x121: {  	v4 =	vnsel vm0, $0xFF800000, v4  }
0x122: {  	[tilespmem:$0x8590] =	vst v4  }
0x123: {  	v4 =	vld [tilespmem:s21+$0x1A00];
	_ =	sdelay $0x4  }
0x124: {  	v4 =	vnsel vm0, $0xFF800000, v4  }
0x125: {  	[tilespmem:$0x85A0] =	vst v4  }
0x126: {  	v4 =	vld [tilespmem:s21+$0x1B00];
	_ =	sdelay $0x4  }
0x127: {  	v4 =	vnsel vm0, $0xFF800000, v4  }
0x128: {  	[tilespmem:$0x85B0] =	vst v4  }
0x129: {  	v4 =	vld [tilespmem:s21+$0x1C00];
	_ =	sdelay $0x4  }
0x12a: {  	v4 =	vnsel vm0, $0xFF800000, v4  }
0x12b: {  	[tilespmem:$0x85C0] =	vst v4  }
0x12c: {  	v4 =	vld [tilespmem:s21+$0x1D00];
	_ =	sdelay $0x4  }
0x12d: {  	v4 =	vnsel vm0, $0xFF800000, v4  }
0x12e: {  	[tilespmem:$0x85D0] =	vst v4  }
0x12f: {  	v4 =	vld [tilespmem:s21+$0x1E00];
	_ =	sdelay $0x4  }
0x130: {  	v4 =	vnsel vm0, $0xFF800000, v4  }
0x131: {  	[tilespmem:$0x85E0] =	vst v4  }
0x132: {  	v4 =	vld [tilespmem:s21+$0x1F00];
	_ =	sdelay $0x4  }
0x133: {  	v4 =	vnsel vm0, $0xFF800000, v4  }
0x134: {  	[tilespmem:$0x85F0] =	vst v4  }
0x135: {  	v4 =	vld [tilespmem:s21+$0x2000];
	_ =	sdelay $0x2  }
0x136: {  	vm13 =	veq.f32 v11, $-Inf;
	vm12 =	veq.s32 v9, $0x4  }
0x137: {  	vm0 =	vmor vm12, vm13  }
0x138: {  	v4 =	vnsel vm0, $0xFF800000, v4  }
0x139: {  	[tilespmem:$0x8600] =	vst v4  }
0x13a: {  	v4 =	vld [tilespmem:s21+$0x2100];
	_ =	sdelay $0x4  }
0x13b: {  	v4 =	vnsel vm0, $0xFF800000, v4  }
0x13c: {  	[tilespmem:$0x8610] =	vst v4  }
0x13d: {  	v4 =	vld [tilespmem:s21+$0x2200];
	_ =	sdelay $0x4  }
0x13e: {  	v4 =	vnsel vm0, $0xFF800000, v4  }
0x13f: {  	[tilespmem:$0x8620] =	vst v4  }
0x140: {  	v4 =	vld [tilespmem:s21+$0x2300];
	_ =	sdelay $0x4  }
0x141: {  	v4 =	vnsel vm0, $0xFF800000, v4  }
0x142: {  	[tilespmem:$0x8630] =	vst v4  }
0x143: {  	v4 =	vld [tilespmem:s21+$0x2400];
	_ =	sdelay $0x4  }
0x144: {  	v4 =	vnsel vm0, $0xFF800000, v4  }
0x145: {  	[tilespmem:$0x8640] =	vst v4  }
0x146: {  	v4 =	vld [tilespmem:s21+$0x2500];
	_ =	sdelay $0x4  }
0x147: {  	v4 =	vnsel vm0, $0xFF800000, v4  }
0x148: {  	[tilespmem:$0x8650] =	vst v4  }
0x149: {  	v4 =	vld [tilespmem:s21+$0x2600];
	_ =	sdelay $0x4  }
0x14a: {  	v4 =	vnsel vm0, $0xFF800000, v4  }
0x14b: {  	[tilespmem:$0x8660] =	vst v4  }
0x14c: {  	v4 =	vld [tilespmem:s21+$0x2700];
	_ =	sdelay $0x4  }
0x14d: {  	v4 =	vnsel vm0, $0xFF800000, v4  }
0x14e: {  	[tilespmem:$0x8670] =	vst v4  }
0x14f: {  	v4 =	vld [tilespmem:s21+$0x2800];
	_ =	sdelay $0x2  }
0x150: {  	vm15 =	veq.f32 v26, $-Inf;
	vm14 =	veq.s32 v9, $0x5  }
0x151: {  	vm0 =	vmor vm14, vm15  }
0x152: {  	v4 =	vnsel vm0, $0xFF800000, v4  }
0x153: {  	[tilespmem:$0x8680] =	vst v4  }
0x154: {  	v4 =	vld [tilespmem:s21+$0x2900];
	_ =	sdelay $0x4  }
0x155: {  	v4 =	vnsel vm0, $0xFF800000, v4  }
0x156: {  	[tilespmem:$0x8690] =	vst v4  }
0x157: {  	v4 =	vld [tilespmem:s21+$0x2A00];
	_ =	sdelay $0x4  }
0x158: {  	v4 =	vnsel vm0, $0xFF800000, v4  }
0x159: {  	[tilespmem:$0x86A0] =	vst v4  }
0x15a: {  	v4 =	vld [tilespmem:s21+$0x2B00];
	_ =	sdelay $0x4  }
0x15b: {  	v4 =	vnsel vm0, $0xFF800000, v4  }
0x15c: {  	[tilespmem:$0x86B0] =	vst v4  }
0x15d: {  	v4 =	vld [tilespmem:s21+$0x2C00];
	_ =	sdelay $0x4  }
0x15e: {  	v4 =	vnsel vm0, $0xFF800000, v4  }
0x15f: {  	[tilespmem:$0x86C0] =	vst v4  }
0x160: {  	v4 =	vld [tilespmem:s21+$0x2D00];
	_ =	sdelay $0x4  }
0x161: {  	v4 =	vnsel vm0, $0xFF800000, v4  }
0x162: {  	[tilespmem:$0x86D0] =	vst v4  }
0x163: {  	v4 =	vld [tilespmem:s21+$0x2E00];
	_ =	sdelay $0x4  }
0x164: {  	v4 =	vnsel vm0, $0xFF800000, v4  }
0x165: {  	[tilespmem:$0x86E0] =	vst v4  }
0x166: {  	v4 =	vld [tilespmem:s21+$0x2F00];
	_ =	sdelay $0x4  }
0x167: {  	v4 =	vnsel vm0, $0xFF800000, v4  }
0x168: {  	[tilespmem:$0x86F0] =	vst v4  }
0x169: {  	v4 =	vld [tilespmem:s21+$0x3000];
	_ =	sdelay $0x2  }
0x16a: {  	vm4 =	veq.s32 v9, $0x6;
	vm5 =	veq.f32 v8, $-Inf  }
0x16b: {  	vm0 =	vmor vm4, vm5  }
0x16c: {  	v4 =	vnsel vm0, $0xFF800000, v4  }
0x16d: {  	[tilespmem:$0x8700] =	vst v4  }
0x16e: {  	v4 =	vld [tilespmem:s21+$0x3100];
	_ =	sdelay $0x4  }
0x16f: {  	v4 =	vnsel vm0, $0xFF800000, v4  }
0x170: {  	[tilespmem:$0x8710] =	vst v4  }
0x171: {  	v4 =	vld [tilespmem:s21+$0x3200];
	_ =	sdelay $0x4  }
0x172: {  	v4 =	vnsel vm0, $0xFF800000, v4  }
0x173: {  	[tilespmem:$0x8720] =	vst v4  }
0x174: {  	v4 =	vld [tilespmem:s21+$0x3300];
	_ =	sdelay $0x4  }
0x175: {  	v4 =	vnsel vm0, $0xFF800000, v4  }
0x176: {  	[tilespmem:$0x8730] =	vst v4  }
0x177: {  	v4 =	vld [tilespmem:s21+$0x3400];
	_ =	sdelay $0x4  }
0x178: {  	v4 =	vnsel vm0, $0xFF800000, v4  }
0x179: {  	[tilespmem:$0x8740] =	vst v4  }
0x17a: {  	v4 =	vld [tilespmem:s21+$0x3500];
	_ =	sdelay $0x4  }
0x17b: {  	v4 =	vnsel vm0, $0xFF800000, v4  }
0x17c: {  	[tilespmem:$0x8750] =	vst v4  }
0x17d: {  	v4 =	vld [tilespmem:s21+$0x3600];
	_ =	sdelay $0x1  }
0x17e: {  	v21 =	vld [tilespmem:$0x8F90]  }
0x17f: {  	v20 =	vld [tilespmem:$0x8F80]  }
0x180: {  	v17 =	vld [tilespmem:$0x8FB0]  }
0x181: {  	v37 =	vld [tilespmem:$0x8F10];
	v4 =	vnsel vm0, $0xFF800000, v4  }
0x182: {  	v44 =	vld [tilespmem:$0x8EC0];
	[tilespmem:$0x8760] =	vst v4  }
0x183: {  	v4 =	vld [tilespmem:s21+$0x3700]  }
0x184: {  	v45 =	vld [tilespmem:$0x8ED0]  }
0x185: {  	v48 =	vld [tilespmem:$0x8EA0]  }
0x186: {  	v49 =	vld [tilespmem:$0x8EB0]  }
0x187: {  	v40 =	vld [tilespmem:$0x8EE0]  }
0x188: {  	v41 =	vld [tilespmem:$0x8EF0];
	v4 =	vnsel vm0, $0xFF800000, v4  }
0x189: {  	v52 =	vld [tilespmem:$0x8E80];
	[tilespmem:$0x8770] =	vst v4  }
0x18a: {  	v4 =	vld [tilespmem:s21+$0x3800]  }
0x18b: {  	v53 =	vld [tilespmem:$0x8E90]  }
0x18c: {  	v56 =	vld [tilespmem:$0x8E60]  }
0x18d: {  	v57 =	vld [tilespmem:$0x8E70];
	vm6 =	veq.s32 v9, $0x7;
	vm7 =	veq.f32 v6, $-Inf  }
0x18e: {  	v60 =	vld [tilespmem:$0x8E40];
	vm0 =	vmor vm6, vm7  }
0x18f: {  	v16 =	vld [tilespmem:$0x8FA0];
	v4 =	vnsel vm0, $0xFF800000, v4  }
0x190: {  	v61 =	vld [tilespmem:$0x8E50];
	[tilespmem:$0x8780] =	vst v4  }
0x191: {  	v4 =	vld [tilespmem:s21+$0x3900]  }
0x192: {  	v13 =	vld [tilespmem:$0x8FD0]  }
0x193: {  	v24 =	vld [tilespmem:$0x8F60]  }
0x194: {  	v25 =	vld [tilespmem:$0x8F70]  }
0x195: {  	v3 =	vld [tilespmem:$0x8E30]  }
0x196: {  	v0 =	vld [tilespmem:$0x8E20];
	v4 =	vnsel vm0, $0xFF800000, v4  }
0x197: {  	v28 =	vld [tilespmem:$0x8F40];
	[tilespmem:$0x8790] =	vst v4  }
0x198: {  	v4 =	vld [tilespmem:s21+$0x3A00]  }
0x199: {  	v29 =	vld [tilespmem:$0x8F50]  }
0x19a: {  	v32 =	vld [tilespmem:$0x8F20]  }
0x19b: {  	v33 =	vld [tilespmem:$0x8F30]  }
0x19c: {  	v12 =	vld [tilespmem:$0x8FC0]  }
0x19d: {  	v36 =	vld [tilespmem:$0x8F00];
	v4 =	vnsel vm0, $0xFF800000, v4  }
0x19e: {  	v8 =	vld [tilespmem:$0x8FE0];
	[tilespmem:$0x87A0] =	vst v4  }
0x19f: {  	v4 =	vld [tilespmem:s21+$0x3B00]  }
0x1a0: {  	v9 =	vld [tilespmem:$0x8FF0]  }
0x1a1: {  	v5 =	vld [tilespmem:$0x8600]  }
0x1a2: {  	v62 =	vld [tilespmem:$0x8620]  }
0x1a3: {  	v63 =	vld [tilespmem:$0x8630]  }
0x1a4: {  	v58 =	vld [tilespmem:$0x8640];
	v4 =	vnsel vm0, $0xFF800000, v4  }
0x1a5: {  	v59 =	vld [tilespmem:$0x8650];
	[tilespmem:$0x87B0] =	vst v4  }
0x1a6: {  	v4 =	vld [tilespmem:s21+$0x3C00]  }
0x1a7: {  	v54 =	vld [tilespmem:$0x8660]  }
0x1a8: {  	v55 =	vld [tilespmem:$0x8670]  }
0x1a9: {  	v50 =	vld [tilespmem:$0x8680]  }
0x1aa: {  	v51 =	vld [tilespmem:$0x8690]  }
0x1ab: {  	v46 =	vld [tilespmem:$0x86A0];
	v4 =	vnsel vm0, $0xFF800000, v4  }
0x1ac: {  	v47 =	vld [tilespmem:$0x86B0];
	[tilespmem:$0x87C0] =	vst v4  }
0x1ad: {  	v4 =	vld [tilespmem:s21+$0x3D00]  }
0x1ae: {  	v42 =	vld [tilespmem:$0x86C0]  }
0x1af: {  	v43 =	vld [tilespmem:$0x86D0]  }
0x1b0: {  	v38 =	vld [tilespmem:$0x86E0]  }
0x1b1: {  	v39 =	vld [tilespmem:$0x86F0]  }
0x1b2: {  	v34 =	vld [tilespmem:$0x8700];
	v4 =	vnsel vm0, $0xFF800000, v4  }
0x1b3: {  	v35 =	vld [tilespmem:$0x8710];
	[tilespmem:$0x87D0] =	vst v4  }
0x1b4: {  	v4 =	vld [tilespmem:s21+$0x3E00]  }
0x1b5: {  	v30 =	vld [tilespmem:$0x8720]  }
0x1b6: {  	v31 =	vld [tilespmem:$0x8730]  }
0x1b7: {  	v26 =	vld [tilespmem:$0x8740]  }
0x1b8: {  	v27 =	vld [tilespmem:$0x8750]  }
0x1b9: {  	v22 =	vld [tilespmem:$0x8760];
	v4 =	vnsel vm0, $0xFF800000, v4  }
0x1ba: {  	v23 =	vld [tilespmem:$0x8770];
	[tilespmem:$0x87E0] =	vst v4  }
0x1bb: {  	v6 =	vld [tilespmem:s21+$0x3F00]  }
0x1bc: {  	v18 =	vld [tilespmem:$0x8780]  }
0x1bd: {  	v19 =	vld [tilespmem:$0x8790]  }
0x1be: {  	v10 =	vld [tilespmem:$0x87C0]  }
0x1bf: {  	v11 =	vld [tilespmem:$0x87D0]  }
0x1c0: {  	v14 =	vld [tilespmem:$0x87A0];
	v6 =	vnsel vm0, $0xFF800000, v6  }
0x1c1: {  	v15 =	vld [tilespmem:$0x87B0];
	vm0 =	vge.f32 v4, v6  }
0x1c2: {  	[tilespmem:$0x87F0] =	vst v6;
	v4 =	vsel vm0, v4, v6;
	v6 =	vld [tilespmem:$0x8610]  }
0x1c3: {  	[tilespmem:$0x83F0] =	vst v4;
	v4 =	vsel vm0, v8, v9;
	v8 =	vld [tilespmem:$0x8E00]  }
0x1c4: {  	vm8 =	vge.f32 v10, v11;
	v9 =	vld [tilespmem:$0x8E10]  }
0x1c5: {  	[tilespmem:$0x8BF0] =	vst v4;
	v4 =	vsel vm8, v10, v11;
	v10 =	vld [tilespmem:$0x85E0]  }
0x1c6: {  	v11 =	vld [tilespmem:$0x85F0]  }
0x1c7: {  	[tilespmem:$0x83E0] =	vst v4;
	v4 =	vsel vm8, v12, v13;
	v12 =	vld [tilespmem:$0x8DE0]  }
0x1c8: {  	vm9 =	vge.f32 v14, v15;
	v13 =	vld [tilespmem:$0x8DF0]  }
0x1c9: {  	[tilespmem:$0x8BE0] =	vst v4;
	v4 =	vsel vm9, v14, v15;
	v14 =	vld [tilespmem:$0x85C0]  }
0x1ca: {  	v15 =	vld [tilespmem:$0x85D0]  }
0x1cb: {  	[tilespmem:$0x83D0] =	vst v4;
	v4 =	vsel vm9, v16, v17;
	v16 =	vld [tilespmem:$0x8DC0]  }
0x1cc: {  	vm10 =	vge.f32 v18, v19;
	v17 =	vld [tilespmem:$0x8DD0]  }
0x1cd: {  	[tilespmem:$0x8BD0] =	vst v4;
	v4 =	vsel vm10, v18, v19;
	v18 =	vld [tilespmem:$0x85A0]  }
0x1ce: {  	vm9 =	vge.f32 v62, v63;
	v19 =	vld [tilespmem:$0x85B0]  }
0x1cf: {  	v0 =	vsel vm9, v0, v3;
	v3 =	vld [tilespmem:$0x8D20]  }
0x1d0: {  	[tilespmem:$0x83C0] =	vst v4;
	v4 =	vsel vm10, v20, v21;
	v20 =	vld [tilespmem:$0x8DA0]  }
0x1d1: {  	v21 =	vld [tilespmem:$0x8DB0];
	vm10 =	vge.f32 v5, v6  }
0x1d2: {  	vm11 =	vge.f32 v22, v23;
	[tilespmem:$0x8B10] =	vst v0;
	v0 =	vsel vm10, v5, v6;
	v5 =	vld [tilespmem:$0x8500]  }
0x1d3: {  	[tilespmem:$0x8BC0] =	vst v4;
	v4 =	vsel vm11, v22, v23;
	v6 =	vld [tilespmem:$0x8510]  }
0x1d4: {  	v22 =	vld [tilespmem:$0x8C30];
	[tilespmem:$0x83B0] =	vst v4  }
0x1d5: {  	v4 =	vsel vm11, v24, v25;
	[tilespmem:$0x8300] =	vst v0;
	v0 =	vsel vm10, v8, v9;
	v8 =	vld [tilespmem:$0x8D00]  }
0x1d6: {  	vm12 =	vge.f32 v26, v27;
	vm11 =	vge.f32 v10, v11;
	v9 =	vld [tilespmem:$0x8C40];
	[tilespmem:$0x8BB0] =	vst v4  }
0x1d7: {  	v4 =	vsel vm12, v26, v27;
	[tilespmem:$0x8B00] =	vst v0;
	v0 =	vsel vm11, v10, v11;
	v10 =	vld [tilespmem:$0x8C50]  }
0x1d8: {  	v11 =	vld [tilespmem:$0x8420];
	[tilespmem:$0x83A0] =	vst v4  }
0x1d9: {  	v4 =	vsel vm12, v28, v29;
	[tilespmem:$0x82F0] =	vst v0;
	v0 =	vsel vm11, v12, v13;
	v13 =	vld [tilespmem:$0x8C90]  }
0x1da: {  	vm13 =	vge.f32 v30, v31;
	v12 =	vld [tilespmem:$0x8430];
	[tilespmem:$0x8BA0] =	vst v4  }
0x1db: {  	vm12 =	vge.f32 v14, v15;
	v29 =	vld [tilespmem:$0x8C20];
	v4 =	vsel vm13, v30, v31;
	[tilespmem:$0x8AF0] =	vst v0  }
0x1dc: {  	vm14 =	vge.f32 v34, v35;
	v0 =	vsel vm12, v14, v15;
	v14 =	vld [tilespmem:$0x8C70];
	[tilespmem:$0x8390] =	vst v4;
	v4 =	vsel vm13, v32, v33  }
0x1dd: {  	v15 =	vld [tilespmem:$0x8400];
	[tilespmem:$0x8B90] =	vst v4;
	v4 =	vsel vm14, v34, v35  }
0x1de: {  	vm15 =	vge.f32 v38, v39;
	[tilespmem:$0x8380] =	vst v4;
	v4 =	vsel vm14, v36, v37;
	v37 =	vld [tilespmem:$0x8580]  }
0x1df: {  	[tilespmem:$0x8B80] =	vst v4;
	v4 =	vsel vm15, v38, v39;
	v39 =	vld [tilespmem:$0x8590]  }
0x1e0: {  	vm4 =	vge.f32 v42, v43;
	[tilespmem:$0x8370] =	vst v4;
	v4 =	vsel vm15, v40, v41;
	v41 =	vld [tilespmem:$0x8D80]  }
0x1e1: {  	[tilespmem:$0x8B70] =	vst v4;
	v4 =	vsel vm4, v42, v43;
	v42 =	vld [tilespmem:$0x8D90]  }
0x1e2: {  	v43 =	vld [tilespmem:$0x8560]  }
0x1e3: {  	[tilespmem:$0x8360] =	vst v4;
	v4 =	vsel vm4, v44, v45;
	v44 =	vld [tilespmem:$0x8570]  }
0x1e4: {  	vm5 =	vge.f32 v46, v47;
	[tilespmem:$0x82E0] =	vst v0;
	v45 =	vld [tilespmem:$0x8D60]  }
0x1e5: {  	v0 =	vsel vm12, v16, v17;
	[tilespmem:$0x8B60] =	vst v4;
	v4 =	vsel vm5, v46, v47;
	v46 =	vld [tilespmem:$0x8D70]  }
0x1e6: {  	vm13 =	vge.f32 v18, v19;
	[tilespmem:$0x8AE0] =	vst v0;
	v47 =	vld [tilespmem:$0x8540]  }
0x1e7: {  	v0 =	vsel vm13, v18, v19;
	[tilespmem:$0x8350] =	vst v4;
	v4 =	vsel vm5, v48, v49;
	v48 =	vld [tilespmem:$0x8550]  }
0x1e8: {  	vm6 =	vge.f32 v50, v51;
	[tilespmem:$0x82D0] =	vst v0;
	v49 =	vld [tilespmem:$0x8D40]  }
0x1e9: {  	v0 =	vsel vm13, v20, v21;
	[tilespmem:$0x8B50] =	vst v4;
	v4 =	vsel vm6, v50, v51;
	v50 =	vld [tilespmem:$0x8D50]  }
0x1ea: {  	[tilespmem:$0x8AD0] =	vst v0;
	vm14 =	vge.f32 v37, v39;
	v51 =	vld [tilespmem:$0x8520]  }
0x1eb: {  	v0 =	vsel vm14, v37, v39;
	[tilespmem:$0x8340] =	vst v4;
	v4 =	vsel vm6, v52, v53;
	v52 =	vld [tilespmem:$0x8530]  }
0x1ec: {  	vm7 =	vge.f32 v54, v55;
	v53 =	vld [tilespmem:$0x8D10];
	[tilespmem:$0x82C0] =	vst v0  }
0x1ed: {  	v0 =	vsel vm14, v41, v42;
	[tilespmem:$0x8B40] =	vst v4;
	v4 =	vsel vm7, v54, v55;
	v54 =	vld [tilespmem:$0x84E0]  }
0x1ee: {  	v55 =	vld [tilespmem:$0x84F0];
	[tilespmem:$0x8AC0] =	vst v0  }
0x1ef: {  	vm8 =	vge.f32 v58, v59;
	[tilespmem:$0x8330] =	vst v4;
	v4 =	vsel vm7, v56, v57;
	v56 =	vld [tilespmem:$0x8CE0]  }
0x1f0: {  	v57 =	vld [tilespmem:$0x8CF0];
	[tilespmem:$0x8B30] =	vst v4;
	v4 =	vsel vm8, v58, v59  }
0x1f1: {  	v58 =	vld [tilespmem:$0x84C0];
	[tilespmem:$0x8320] =	vst v4;
	v4 =	vsel vm8, v60, v61  }
0x1f2: {  	vm15 =	vge.f32 v43, v44;
	v59 =	vld [tilespmem:$0x84D0];
	[tilespmem:$0x8B20] =	vst v4;
	v4 =	vsel vm9, v62, v63  }
0x1f3: {  	v0 =	vsel vm15, v43, v44;
	[tilespmem:$0x8310] =	vst v4;
	v4 =	vld [tilespmem:$0x8D30]  }
0x1f4: {  	[tilespmem:$0x82B0] =	vst v0;
	v0 =	vsel vm15, v45, v46;
	vm4 =	vge.f32 v47, v48;
	v60 =	vld [tilespmem:$0x8CC0]  }
0x1f5: {  	[tilespmem:$0x8AB0] =	vst v0;
	v0 =	vsel vm4, v47, v48;
	v61 =	vld [tilespmem:$0x8CD0]  }
0x1f6: {  	[tilespmem:$0x82A0] =	vst v0;
	v0 =	vsel vm4, v49, v50;
	vm5 =	vge.f32 v51, v52;
	v62 =	vld [tilespmem:$0x84A0]  }
0x1f7: {  	v63 =	vld [tilespmem:$0x84B0];
	[tilespmem:$0x8AA0] =	vst v0;
	v0 =	vsel vm5, v51, v52  }
0x1f8: {  	vm6 =	vge.f32 v5, v6;
	[tilespmem:$0x8290] =	vst v0;
	v0 =	vsel vm5, v3, v4;
	v3 =	vld [tilespmem:$0x8CA0]  }
0x1f9: {  	v4 =	vld [tilespmem:$0x8CB0];
	[tilespmem:$0x8A90] =	vst v0;
	v0 =	vsel vm6, v5, v6  }
0x1fa: {  	vm7 =	vge.f32 v54, v55;
	v5 =	vld [tilespmem:$0x8480];
	[tilespmem:$0x8280] =	vst v0;
	v0 =	vsel vm6, v8, v53  }
0x1fb: {  	v6 =	vld [tilespmem:$0x8490];
	[tilespmem:$0x8A80] =	vst v0;
	v0 =	vsel vm7, v54, v55  }
0x1fc: {  	v16 =	vld [tilespmem:$0x8410];
	vm8 =	vge.f32 v58, v59;
	[tilespmem:$0x8270] =	vst v0;
	v0 =	vsel vm7, v56, v57  }
0x1fd: {  	v8 =	vld [tilespmem:$0x8C80];
	[tilespmem:$0x8A70] =	vst v0;
	v0 =	vsel vm8, v58, v59  }
0x1fe: {  	v17 =	vld [tilespmem:$0x8C00];
	vm9 =	vge.f32 v62, v63;
	[tilespmem:$0x8260] =	vst v0;
	v0 =	vsel vm8, v60, v61  }
0x1ff: {  	v21 =	vld [tilespmem:$0x8C60];
	[tilespmem:$0x8A60] =	vst v0;
	v0 =	vsel vm9, v62, v63  }
0x200: {  	vm10 =	vge.f32 v5, v6;
	[tilespmem:$0x8250] =	vst v0;
	v0 =	vsel vm9, v3, v4;
	v3 =	vld [tilespmem:$0x8470]  }
0x201: {  	[tilespmem:$0x8A50] =	vst v0;
	v0 =	vsel vm10, v5, v6;
	v6 =	vld [tilespmem:$0x8440]  }
0x202: {  	[tilespmem:$0x8240] =	vst v0;
	v0 =	vsel vm10, v8, v13;
	v8 =	vld [tilespmem:$0x8450]  }
0x203: {  	[tilespmem:$0x8A40] =	vst v0;
	v0 =	vld [tilespmem:$0x8460]  }
0x204: {  	v18 =	vld [tilespmem:$0x8C10]  }
0x205: {  	v19 =	vld [tilespmem:$0x83E0]  }
0x206: {  	v20 =	vld [tilespmem:$0x83F0]  }
0x207: {  	v37 =	vld [tilespmem:$0x8BE0]  }
0x208: {  	v30 =	vld [tilespmem:$0x8BF0]  }
0x209: {  	v23 =	vld [tilespmem:$0x83C0]  }
0x20a: {  	v24 =	vld [tilespmem:$0x83D0]  }
0x20b: {  	v25 =	vld [tilespmem:$0x8BC0]  }
0x20c: {  	v26 =	vld [tilespmem:$0x8BD0]  }
0x20d: {  	v27 =	vld [tilespmem:$0x83A0]  }
0x20e: {  	v28 =	vld [tilespmem:$0x83B0]  }
0x20f: {  	v45 =	vld [tilespmem:$0x8BA0]  }
0x210: {  	v38 =	vld [tilespmem:$0x8BB0]  }
0x211: {  	v31 =	vld [tilespmem:$0x8380]  }
0x212: {  	v32 =	vld [tilespmem:$0x8390]  }
0x213: {  	v33 =	vld [tilespmem:$0x8B80]  }
0x214: {  	v34 =	vld [tilespmem:$0x8B90]  }
0x215: {  	v35 =	vld [tilespmem:$0x8360]  }
0x216: {  	v36 =	vld [tilespmem:$0x8370]  }
0x217: {  	v53 =	vld [tilespmem:$0x8B60]  }
0x218: {  	v46 =	vld [tilespmem:$0x8B70]  }
0x219: {  	v39 =	vld [tilespmem:$0x8340]  }
0x21a: {  	v40 =	vld [tilespmem:$0x8350]  }
0x21b: {  	v41 =	vld [tilespmem:$0x8B40]  }
0x21c: {  	v42 =	vld [tilespmem:$0x8B50]  }
0x21d: {  	v43 =	vld [tilespmem:$0x8320]  }
0x21e: {  	v44 =	vld [tilespmem:$0x8330]  }
0x21f: {  	v61 =	vld [tilespmem:$0x8B20]  }
0x220: {  	v54 =	vld [tilespmem:$0x8B30]  }
0x221: {  	v47 =	vld [tilespmem:$0x8300]  }
0x222: {  	v48 =	vld [tilespmem:$0x8310]  }
0x223: {  	v49 =	vld [tilespmem:$0x8B00]  }
0x224: {  	v50 =	vld [tilespmem:$0x8B10]  }
0x225: {  	v51 =	vld [tilespmem:$0x82E0]  }
0x226: {  	v52 =	vld [tilespmem:$0x82F0]  }
0x227: {  	v1 =	vld [tilespmem:$0x8AE0]  }
0x228: {  	v55 =	vld [tilespmem:$0x82C0]  }
0x229: {  	v56 =	vld [tilespmem:$0x82D0]  }
0x22a: {  	v57 =	vld [tilespmem:$0x8AC0]  }
0x22b: {  	v58 =	vld [tilespmem:$0x8AD0]  }
0x22c: {  	v59 =	vld [tilespmem:$0x82A0]  }
0x22d: {  	v60 =	vld [tilespmem:$0x82B0]  }
0x22e: {  	v63 =	vld [tilespmem:$0x8280]  }
0x22f: {  	v7 =	vld [tilespmem:$0x8290]  }
0x230: {  	v62 =	vld [tilespmem:$0x8A90]  }
0x231: {  	vm13 =	vge.f32 v15, v16;
	v13 =	vld [tilespmem:$0x8260]  }
0x232: {  	v16 =	vsel vm13, v15, v16;
	vm14 =	vge.f32 v11, v12;
	v5 =	vld [tilespmem:$0x8270]  }
0x233: {  	v11 =	vsel vm14, v11, v12;
	v4 =	vld [tilespmem:$0x8240];
	[tilespmem:$0x8200] =	vst v16  }
0x234: {  	[tilespmem:$0x8210] =	vst v11;
	v11 =	vld [tilespmem:$0x8200]  }
0x235: {  	v22 =	vsel vm14, v29, v22;
	v12 =	vld [tilespmem:$0x8210];
	vm11 =	vge.f32 v6, v8  }
0x236: {  	[tilespmem:$0x8A10] =	vst v22;
	v6 =	vsel vm11, v6, v8;
	v8 =	vld [tilespmem:$0x8A40]  }
0x237: {  	vm12 =	vge.f32 v0, v3;
	[tilespmem:$0x1FF90] =	vst v1;
	v1 =	vld [tilespmem:$0x8AF0]  }
0x238: {  	v0 =	vsel vm12, v0, v3;
	[tilespmem:$0x8220] =	vst v6;
	v3 =	vld [tilespmem:$0x8A50]  }
0x239: {  	v14 =	vsel vm12, v21, v14;
	[tilespmem:$0x8230] =	vst v0;
	v0 =	vld [tilespmem:$0x8220]  }
0x23a: {  	v6 =	vsel vm11, v9, v10;
	[tilespmem:$0x8A30] =	vst v14;
	v14 =	vld [tilespmem:$0x8A10]  }
0x23b: {  	[tilespmem:$0x8A20] =	vst v6;
	v6 =	vld [tilespmem:$0x8230]  }
0x23c: {  	v21 =	vsel vm13, v17, v18;
	vm15 =	vge.f32 v23, v24;
	v10 =	vld [tilespmem:$0x8A20]  }
0x23d: {  	vm6 =	vge.f32 v27, v28;
	[tilespmem:$0x8A00] =	vst v21;
	v23 =	vsel vm15, v23, v24;
	v9 =	vld [tilespmem:$0x8A30]  }
0x23e: {  	vm4 =	vge.f32 v19, v20;
	v38 =	vsel vm6, v45, v38;
	v15 =	vld [tilespmem:$0x8A00];
	[tilespmem:$0x81E0] =	vst v23  }
0x23f: {  	v24 =	vsel vm4, v19, v20;
	[tilespmem:$0x89D0] =	vst v38;
	v38 =	vld [tilespmem:$0x1FF90]  }
0x240: {  	v29 =	vsel vm15, v25, v26;
	[tilespmem:$0x81F0] =	vst v24;
	v16 =	vld [tilespmem:$0x81E0]  }
0x241: {  	vm5 =	vge.f32 v31, v32;
	v30 =	vsel vm4, v37, v30;
	[tilespmem:$0x89E0] =	vst v29;
	v17 =	vld [tilespmem:$0x81F0]  }
0x242: {  	v31 =	vsel vm5, v31, v32;
	[tilespmem:$0x89F0] =	vst v30;
	v19 =	vld [tilespmem:$0x89E0]  }
0x243: {  	v32 =	vsel vm6, v27, v28;
	[tilespmem:$0x81C0] =	vst v31;
	v18 =	vld [tilespmem:$0x89F0]  }
0x244: {  	[tilespmem:$0x81D0] =	vst v32;
	v20 =	vld [tilespmem:$0x81C0]  }
0x245: {  	v37 =	vsel vm5, v33, v34;
	[tilespmem:$0x1FFA0] =	vst v1;
	v1 =	vld [tilespmem:$0x8AA0]  }
0x246: {  	vm7 =	vge.f32 v39, v40;
	[tilespmem:$0x89C0] =	vst v37;
	v21 =	vld [tilespmem:$0x81D0]  }
0x247: {  	vm8 =	vge.f32 v35, v36;
	v39 =	vsel vm7, v39, v40;
	v23 =	vld [tilespmem:$0x89C0]  }
0x248: {  	v40 =	vsel vm8, v35, v36;
	[tilespmem:$0x81A0] =	vst v39;
	v22 =	vld [tilespmem:$0x89D0]  }
0x249: {  	[tilespmem:$0x81B0] =	vst v40;
	v24 =	vld [tilespmem:$0x81A0]  }
0x24a: {  	v45 =	vsel vm7, v41, v42;
	[tilespmem:$0x1FFC0] =	vst v1;
	v1 =	vld [tilespmem:$0x8AB0]  }
0x24b: {  	vm9 =	vge.f32 v47, v48;
	v46 =	vsel vm8, v53, v46;
	[tilespmem:$0x89A0] =	vst v45;
	v25 =	vld [tilespmem:$0x81B0]  }
0x24c: {  	vm10 =	vge.f32 v43, v44;
	v47 =	vsel vm9, v47, v48;
	[tilespmem:$0x89B0] =	vst v46;
	v27 =	vld [tilespmem:$0x89A0]  }
0x24d: {  	v48 =	vsel vm10, v43, v44;
	[tilespmem:$0x8180] =	vst v47;
	v26 =	vld [tilespmem:$0x89B0]  }
0x24e: {  	[tilespmem:$0x8190] =	vst v48;
	v28 =	vld [tilespmem:$0x8180]  }
0x24f: {  	v53 =	vsel vm9, v49, v50;
	[tilespmem:$0x1FFD0] =	vst v1;
	v1 =	vld [tilespmem:$0x8A80]  }
0x250: {  	vm11 =	vge.f32 v55, v56;
	v54 =	vsel vm10, v61, v54;
	[tilespmem:$0x8980] =	vst v53;
	v29 =	vld [tilespmem:$0x8190]  }
0x251: {  	vm12 =	vge.f32 v51, v52;
	v61 =	vsel vm11, v55, v56;
	[tilespmem:$0x8990] =	vst v54;
	v31 =	vld [tilespmem:$0x8980]  }
0x252: {  	v36 =	vsel vm12, v51, v52;
	[tilespmem:$0x8160] =	vst v61;
	v30 =	vld [tilespmem:$0x8990]  }
0x253: {  	vm13 =	vge.f32 v63, v7;
	[tilespmem:$0x8170] =	vst v36;
	v32 =	vld [tilespmem:$0x8160]  }
0x254: {  	vm14 =	vge.f32 v59, v60;
	v7 =	vsel vm13, v63, v7;
	[tilespmem:$0x1FFB0] =	vst v1;
	v1 =	vld [tilespmem:$0x8A60]  }
0x255: {  	v42 =	vsel vm14, v59, v60;
	[tilespmem:$0x8140] =	vst v7;
	v40 =	vld [tilespmem:$0x8170]  }
0x256: {  	v37 =	vsel vm11, v57, v58;
	[tilespmem:$0x8150] =	vst v42;
	v44 =	vld [tilespmem:$0x8140]  }
0x257: {  	[tilespmem:$0x8960] =	vst v37;
	v47 =	vld [tilespmem:$0x8150]  }
0x258: {  	v41 =	vld [tilespmem:$0x8960];
	vm6 =	vge.f32 v0, v6  }
0x259: {  	v9 =	vsel vm6, v10, v9;
	[tilespmem:$0x1FFE0] =	vst v1;
	v1 =	vld [tilespmem:$0x8A70]  }
0x25a: {  	v39 =	vld [tilespmem:$0x1FFA0];
	vm7 =	vge.f32 v20, v21;
	[tilespmem:$0x8910] =	vst v9  }
0x25b: {  	vm8 =	vge.f32 v16, v17;
	v50 =	vsel vm7, v20, v21;
	v53 =	vld [tilespmem:$0x8910]  }
0x25c: {  	v52 =	vsel vm8, v16, v17;
	[tilespmem:$0x80E0] =	vst v50;
	v45 =	vld [tilespmem:$0x1FFC0]  }
0x25d: {  	[tilespmem:$0x80F0] =	vst v52;
	v55 =	vld [tilespmem:$0x80E0]  }
0x25e: {  	v54 =	vsel vm7, v23, v22;
	[tilespmem:$0x1FFF0] =	vst v1;
	v1 =	vld [tilespmem:$0x8250]  }
0x25f: {  	[tilespmem:$0x88E0] =	vst v54;
	v57 =	vld [tilespmem:$0x80F0]  }
0x260: {  	vm4 =	vge.f32 v13, v5;
	v56 =	vsel vm8, v19, v18;
	v59 =	vld [tilespmem:$0x88E0]  }
0x261: {  	v5 =	vsel vm4, v13, v5;
	[tilespmem:$0x88F0] =	vst v56;
	v43 =	vld [tilespmem:$0x1FFB0]  }
0x262: {  	[tilespmem:$0x8130] =	vst v5;
	v0 =	vsel vm6, v0, v6;
	vm9 =	vge.f32 v28, v29;
	v61 =	vld [tilespmem:$0x88F0]  }
0x263: {  	vm10 =	vge.f32 v24, v25;
	[tilespmem:$0x8110] =	vst v0;
	v58 =	vsel vm9, v28, v29;
	v48 =	vld [tilespmem:$0x1FFF0];
	vm15 =	vge.f32 v4, v1  }
0x264: {  	v60 =	vsel vm10, v24, v25;
	[tilespmem:$0x80C0] =	vst v58;
	v3 =	vsel vm15, v8, v3;
	v8 =	vld [tilespmem:$0x1FFE0]  }
0x265: {  	[tilespmem:$0x80D0] =	vst v60;
	v34 =	vsel vm12, v38, v39;
	v63 =	vld [tilespmem:$0x80C0]  }
0x266: {  	[tilespmem:$0x8970] =	vst v34;
	v46 =	vld [tilespmem:$0x1FFD0];
	v36 =	vsel vm13, v43, v62  }
0x267: {  	v23 =	vld [tilespmem:$0x80D0];
	[tilespmem:$0x8940] =	vst v36;
	v1 =	vsel vm15, v4, v1  }
0x268: {  	v7 =	vld [tilespmem:$0x8970];
	[tilespmem:$0x8120] =	vst v1  }
0x269: {  	vm5 =	vge.f32 v11, v12;
	[tilespmem:$0x8920] =	vst v3;
	v3 =	vld [tilespmem:$0x8130];
	v8 =	vsel vm4, v8, v48  }
0x26a: {  	v5 =	vld [tilespmem:$0x8120];
	[tilespmem:$0x8930] =	vst v8;
	v8 =	vsel vm5, v11, v12  }
0x26b: {  	v37 =	vsel vm14, v45, v46;
	v4 =	vld [tilespmem:$0x8940];
	[tilespmem:$0x8100] =	vst v8  }
0x26c: {  	[tilespmem:$0x8950] =	vst v37;
	v8 =	vsel vm5, v15, v14;
	v0 =	vld [tilespmem:$0x8100]  }
0x26d: {  	[tilespmem:$0x8900] =	vst v8;
	v8 =	vld [tilespmem:$0x8110]  }
0x26e: {  	vm11 =	vge.f32 v44, v47;
	v1 =	vld [tilespmem:$0x8950]  }
0x26f: {  	v22 =	vsel vm11, v44, v47;
	v49 =	vld [tilespmem:$0x8920];
	vm3 =	vge.f32 v5, v3  }
0x270: {  	[tilespmem:$0x80A0] =	vst v22;
	vm4 =	vge.f32 v32, v40;
	v6 =	vld [tilespmem:$0x8930];
	v3 =	vsel vm3, v5, v3  }
0x271: {  	v5 =	vsel vm4, v32, v40;
	v51 =	vld [tilespmem:$0x8900];
	[tilespmem:$0x8090] =	vst v3  }
0x272: {  	v24 =	vsel vm10, v27, v26;
	[tilespmem:$0x80B0] =	vst v5;
	v5 =	vld [tilespmem:$0x8090];
	vm12 =	vge.f32 v0, v8  }
0x273: {  	[tilespmem:$0x88D0] =	vst v24;
	v1 =	vsel vm11, v4, v1;
	v4 =	vld [tilespmem:$0x80B0];
	v0 =	vsel vm12, v0, v8  }
0x274: {  	v62 =	vsel vm9, v31, v30;
	[tilespmem:$0x8080] =	vst v0;
	v0 =	vld [tilespmem:$0x80A0]  }
0x275: {  	[tilespmem:$0x88C0] =	vst v62;
	v3 =	vld [tilespmem:$0x8080]  }
0x276: {  	v7 =	vsel vm4, v41, v7;
	[tilespmem:$0x88A0] =	vst v1;
	v1 =	vld [tilespmem:$0x88D0]  }
0x277: {  	vm13 =	vge.f32 v63, v23;
	[tilespmem:$0x88B0] =	vst v7;
	v25 =	vld [tilespmem:$0x88A0];
	v6 =	vsel vm3, v49, v6  }
0x278: {  	[tilespmem:$0x8890] =	vst v6;
	v6 =	vsel vm13, v63, v23;
	v8 =	vld [tilespmem:$0x88C0]  }
0x279: {  	v7 =	vsel vm12, v51, v53;
	[tilespmem:$0x8060] =	vst v6;
	v6 =	vld [tilespmem:$0x8890];
	vm15 =	vge.f32 v0, v4  }
0x27a: {  	[tilespmem:$0x8880] =	vst v7;
	v7 =	vld [tilespmem:$0x88B0];
	vm14 =	vge.f32 v3, v5;
	v0 =	vsel vm15, v0, v4  }
0x27b: {  	vm6 =	vge.f32 v55, v57;
	v26 =	vld [tilespmem:$0x8880];
	v3 =	vsel vm14, v3, v5;
	[tilespmem:$0x8050] =	vst v0  }
0x27c: {  	v4 =	vsel vm6, v55, v57;
	[tilespmem:$0x8040] =	vst v3;
	v3 =	vld [tilespmem:$0x8060]  }
0x27d: {  	[tilespmem:$0x8070] =	vst v4;
	v4 =	vld [tilespmem:$0x8050]  }
0x27e: {  	v1 =	vsel vm13, v8, v1;
	v0 =	vld [tilespmem:$0x8040]  }
0x27f: {  	[tilespmem:$0x8860] =	vst v1;
	v5 =	vsel vm6, v59, v61;
	v1 =	vld [tilespmem:$0x8070]  }
0x280: {  	[tilespmem:$0x8870] =	vst v5;
	v5 =	vld [tilespmem:$0x8860]  }
0x281: {  	v8 =	vld [tilespmem:$0x8870]  }
0x282: {  	v6 =	vsel vm14, v26, v6  }
0x283: {  	v7 =	vsel vm15, v25, v7;
	[tilespmem:$0x8840] =	vst v6;
	vm7 =	vge.f32 v0, v4  }
0x284: {  	[tilespmem:$0x8850] =	vst v7;
	v6 =	vld [tilespmem:$0x8840];
	vm8 =	vge.f32 v3, v1;
	v0 =	vsel vm7, v0, v4  }
0x285: {  	v1 =	vsel vm8, v3, v1;
	v3 =	vld [tilespmem:$0x8850];
	[tilespmem:$0x8020] =	vst v0  }
0x286: {  	[tilespmem:$0x8030] =	vst v1;
	v0 =	vsel vm8, v5, v8;
	v1 =	vld [tilespmem:$0x8020]  }
0x287: {  	[tilespmem:$0x8830] =	vst v0;
	v0 =	vld [tilespmem:$0x8030]  }
0x288: {  	v4 =	vld [tilespmem:$0x8830];
	_ =	sdelay $0x3  }
0x289: {  	v3 =	vsel vm7, v6, v3;
	vm9 =	vge.f32 v1, v0  }
0x28a: {  	v5 =	vsel vm9, v3, v4;
	v4 =	vmov s20  }
0x28b: {  	v7 =	vor.u32 s20, v2;
	v6 =	vshll.u32 v5, $0x8;
	v4 =	vand.u32 $0x80, v4  }
0x28c: {  	v8 =	vor.u32 v4, v6;
	v6 =	vand.u32 $0x7F, v7;
	v7 =	vadd.s32 $0x40, v5  }
0x28d: {  	v0 =	vsel vm9, v1, v0;
	v27 =	vshll.u32 v7, $0x4;
	v28 =	vshrl.u32 v7, $0x1  }
0x28e: {  	[tilespmem:$0x8820] =	vst v3;
	v8 =	vor.u32 v6, v8;
	v1 =	vor.u32 v2, v27;
	v3 =	vshll.u32 v28, $0x5  }
0x28f: {  	v9 =	vor.u32 $0x10, v2;
	[tilespmem:$0x8010] =	vst v0;
	v0 =	vor.u32 v2, v3  }
0x290: {  	v3 =	vor.u32 v9, v3  }
0x291: {  	[tilespmem:$0x8810] =	vst v5  }
0x292: {  	v21 =	vimm.f32 $-Inf;
	[tilespmem:s17+$0xFFFFFC00] =	vst v5  }
0x293: {  	v8 =	vld.idx.msk [tilespmem:v8+s10+$0x0], $0xffff;
	[tilespmem:v1+s11+$0x0] =	vst.idx.msk $0xffff, v21  }
0x294: {  	v1 =	vld.idx.msk [tilespmem:v0+s11+$0x0], $0xffff  }
0x295: {  	v5 =	vld.idx.msk [tilespmem:v3+s11+$0x0], $0xffff  }
0x296: {  	v29 =	vshll.u32 v28, $0x4;
	v0 =	vld.idx.msk [tilespmem:v0+s12+$0x0], $0xffff  }
0x297: {  	v30 =	vshrl.u32 v7, $0x2;
	v11 =	vor.u32 v2, v29;
	v3 =	vld.idx.msk [tilespmem:v3+s12+$0x0], $0xffff  }
0x298: {  	v31 =	vshll.u32 v30, $0x5  }
0x299: {  	v32 =	vor.u32 v2, v31  }
0x29a: {  	v13 =	vor.u32 v9, v31;
	vm10 =	vge.f32 v1, v5  }
0x29b: {  	v1 =	vsel vm10, v1, v5  }
0x29c: {  	v0 =	vsel vm10, v0, v3;
	[tilespmem:v11+s11+$0x0] =	vst.idx.msk $0xffff, v1  }
0x29d: {  	[tilespmem:v11+s12+$0x0] =	vst.idx.msk $0xffff, v0  }
0x29e: {  	v0 =	vld.idx.msk [tilespmem:v32+s11+$0x0], $0xffff  }
0x29f: {  	v1 =	vld.idx.msk [tilespmem:v13+s11+$0x0], $0xffff  }
0x2a0: {  	v5 =	vshll.u32 v30, $0x4;
	v3 =	vld.idx.msk [tilespmem:v32+s12+$0x0], $0xffff  }
0x2a1: {  	v33 =	vshrl.u32 v7, $0x3;
	v5 =	vor.u32 v2, v5;
	v11 =	vld.idx.msk [tilespmem:v13+s12+$0x0], $0xffff  }
0x2a2: {  	v34 =	vshll.u32 v33, $0x5  }
0x2a3: {  	v35 =	vor.u32 v2, v34  }
0x2a4: {  	v14 =	vor.u32 v9, v34;
	vm11 =	vge.f32 v0, v1  }
0x2a5: {  	v0 =	vsel vm11, v0, v1  }
0x2a6: {  	[tilespmem:v5+s11+$0x0] =	vst.idx.msk $0xffff, v0;
	v0 =	vsel vm11, v3, v11  }
0x2a7: {  	[tilespmem:v5+s12+$0x0] =	vst.idx.msk $0xffff, v0  }
0x2a8: {  	v0 =	vld.idx.msk [tilespmem:v35+s11+$0x0], $0xffff  }
0x2a9: {  	v1 =	vld.idx.msk [tilespmem:v14+s11+$0x0], $0xffff  }
0x2aa: {  	v5 =	vshll.u32 v33, $0x4;
	v3 =	vld.idx.msk [tilespmem:v35+s12+$0x0], $0xffff  }
0x2ab: {  	v37 =	vshll.u32 v7, $0x1;
	v36 =	vld.idx.msk [tilespmem:v14+s12+$0x0], $0xffff;
	v5 =	vor.u32 v2, v5  }
0x2ac: {  	v13 =	vand.u32 $0xFFFFFFE0, v37  }
0x2ad: {  	v38 =	vor.u32 v2, v13  }
0x2ae: {  	v13 =	vor.u32 v9, v13;
	vm12 =	vge.f32 v0, v1  }
0x2af: {  	v0 =	vsel vm12, v0, v1  }
0x2b0: {  	[tilespmem:v5+s11+$0x0] =	vst.idx.msk $0xffff, v0;
	v0 =	vsel vm12, v3, v36  }
0x2b1: {  	[tilespmem:v5+s12+$0x0] =	vst.idx.msk $0xffff, v0  }
0x2b2: {  	v0 =	vld.idx.msk [tilespmem:v38+s11+$0x0], $0xffff  }
0x2b3: {  	v1 =	vld.idx.msk [tilespmem:v13+s11+$0x0], $0xffff  }
0x2b4: {  	v39 =	vand.u32 $0xFFFFFFE0, v7;
	v5 =	vand.u32 $0xFFFFFFF0, v7;
	v3 =	vld.idx.msk [tilespmem:v38+s12+$0x0], $0xffff  }
0x2b5: {  	v40 =	vor.u32 v2, v39;
	v13 =	vld.idx.msk [tilespmem:v13+s12+$0x0], $0xffff;
	v5 =	vor.u32 v2, v5  }
0x2b6: {  	v41 =	vand.u32 $0xFFFFFF80, v7;
	v11 =	vor.u32 v9, v39;
	v14 =	vand.u32 $0x6F, v40  }
0x2b7: {  	v11 =	vand.u32 $0x7F, v11;
	v14 =	vor.u32 v41, v14  }
0x2b8: {  	v11 =	vor.u32 v41, v11;
	vm13 =	vge.f32 v0, v1  }
0x2b9: {  	v0 =	vsel vm13, v0, v1  }
0x2ba: {  	[tilespmem:v5+s11+$0x0] =	vst.idx.msk $0xffff, v0;
	v0 =	vsel vm13, v3, v13  }
0x2bb: {  	[tilespmem:v5+s12+$0x0] =	vst.idx.msk $0xffff, v0  }
0x2bc: {  	v0 =	vld.idx.msk [tilespmem:v14+s11+$0x0], $0xffff  }
0x2bd: {  	v3 =	vshrl.u32 v7, $0x6;
	v1 =	vld.idx.msk [tilespmem:v11+s11+$0x0], $0xffff  }
0x2be: {  	v7 =	vand.u32 $0x7FFFFFF0, v28;
	v42 =	vshll.u32 v3, $0x5;
	v5 =	vld.idx.msk [tilespmem:v14+s12+$0x0], $0xffff  }
0x2bf: {  	v7 =	vor.u32 v2, v7;
	v11 =	vld.idx.msk [tilespmem:v11+s12+$0x0], $0xffff;
	v43 =	vor.u32 v2, v42  }
0x2c0: {  	v10 =	vand.u32 $0x7FFFFF80, v28;
	v13 =	vor.u32 v9, v42;
	v14 =	vand.u32 $0x6F, v43  }
0x2c1: {  	v13 =	vand.u32 $0x7F, v13;
	v14 =	vor.u32 v10, v14  }
0x2c2: {  	v10 =	vor.u32 v10, v13;
	vm14 =	vge.f32 v0, v1  }
0x2c3: {  	v0 =	vsel vm14, v0, v1  }
0x2c4: {  	[tilespmem:v7+s11+$0x0] =	vst.idx.msk $0xffff, v0;
	v0 =	vsel vm14, v5, v11  }
0x2c5: {  	[tilespmem:v7+s12+$0x0] =	vst.idx.msk $0xffff, v0  }
0x2c6: {  	v1 =	vshll.u32 v3, $0x4;
	v0 =	vld.idx.msk [tilespmem:v14+s11+$0x0], $0xffff  }
0x2c7: {  	v1 =	vor.u32 v2, v1;
	v3 =	vld.idx.msk [tilespmem:v10+s11+$0x0], $0xffff  }
0x2c8: {  	v1 =	vand.u32 $0x7F, v1;
	v7 =	vand.u32 $0x3FFFFF80, v30;
	v5 =	vld.idx.msk [tilespmem:v14+s12+$0x0], $0xffff  }
0x2c9: {  	v10 =	vld.idx.msk [tilespmem:v10+s12+$0x0], $0xffff;
	v1 =	vor.u32 v7, v1;
	_ =	sdelay $0x2  }
0x2ca: {  	vm15 =	vge.f32 v0, v3  }
0x2cb: {  	v0 =	vsel vm15, v0, v3  }
0x2cc: {  	[tilespmem:v1+s11+$0x0] =	vst.idx.msk $0xffff, v0;
	v0 =	vsel vm15, v5, v10  }
0x2cd: {  	[tilespmem:v1+s12+$0x0] =	vst.idx.msk $0xffff, v0  }
0x2ce: {  	v0 =	vld [tilespmem:$0x8810];
	_ =	sdelay $0x4  }
0x2cf: {  	v1 =	vshll.u32 v0, $0x8;
	v3 =	vadd.s32 $0x40, v0  }
0x2d0: {  	v1 =	vor.u32 v4, v1;
	v5 =	vshll.u32 v3, $0x4;
	v7 =	vshrl.u32 v3, $0x1  }
0x2d1: {  	v1 =	vor.u32 v6, v1;
	v5 =	vor.u32 v2, v5;
	v44 =	vshll.u32 v7, $0x5  }
0x2d2: {  	v45 =	vor.u32 v2, v44  }
0x2d3: {  	v46 =	vor.u32 v9, v44;
	_ =	sdelay $0x1  }
0x2d4: {  	[tilespmem:s17+$0xFFFFFD00] =	vst v0  }
0x2d5: {  	v10 =	vld.idx.msk [tilespmem:v1+s10+$0x0], $0xffff;
	[tilespmem:v5+s11+$0x0] =	vst.idx.msk $0xffff, v21  }
0x2d6: {  	v0 =	vld.idx.msk [tilespmem:v45+s11+$0x0], $0xffff  }
0x2d7: {  	v1 =	vld.idx.msk [tilespmem:v46+s11+$0x0], $0xffff  }
0x2d8: {  	v47 =	vshll.u32 v7, $0x4;
	v5 =	vld.idx.msk [tilespmem:v45+s12+$0x0], $0xffff  }
0x2d9: {  	v48 =	vshrl.u32 v3, $0x2;
	v11 =	vor.u32 v2, v47;
	v12 =	vld.idx.msk [tilespmem:v46+s12+$0x0], $0xffff  }
0x2da: {  	v49 =	vshll.u32 v48, $0x5  }
0x2db: {  	v50 =	vor.u32 v2, v49  }
0x2dc: {  	v14 =	vor.u32 v9, v49;
	vm4 =	vge.f32 v0, v1  }
0x2dd: {  	v0 =	vsel vm4, v0, v1  }
0x2de: {  	[tilespmem:v11+s11+$0x0] =	vst.idx.msk $0xffff, v0;
	v0 =	vsel vm4, v5, v12  }
0x2df: {  	[tilespmem:v11+s12+$0x0] =	vst.idx.msk $0xffff, v0  }
0x2e0: {  	v0 =	vld.idx.msk [tilespmem:v50+s11+$0x0], $0xffff  }
0x2e1: {  	v1 =	vld.idx.msk [tilespmem:v14+s11+$0x0], $0xffff  }
0x2e2: {  	v51 =	vshll.u32 v48, $0x4;
	v5 =	vld.idx.msk [tilespmem:v50+s12+$0x0], $0xffff  }
0x2e3: {  	v53 =	vshrl.u32 v3, $0x3;
	v11 =	vor.u32 v2, v51;
	v52 =	vld.idx.msk [tilespmem:v14+s12+$0x0], $0xffff  }
0x2e4: {  	v54 =	vshll.u32 v53, $0x5  }
0x2e5: {  	v55 =	vor.u32 v2, v54  }
0x2e6: {  	v15 =	vor.u32 v9, v54;
	vm5 =	vge.f32 v0, v1  }
0x2e7: {  	v0 =	vsel vm5, v0, v1  }
0x2e8: {  	[tilespmem:v11+s11+$0x0] =	vst.idx.msk $0xffff, v0;
	v0 =	vsel vm5, v5, v52  }
0x2e9: {  	[tilespmem:v11+s12+$0x0] =	vst.idx.msk $0xffff, v0  }
0x2ea: {  	v0 =	vld.idx.msk [tilespmem:v55+s11+$0x0], $0xffff  }
0x2eb: {  	v1 =	vld.idx.msk [tilespmem:v15+s11+$0x0], $0xffff  }
0x2ec: {  	v56 =	vshll.u32 v53, $0x4;
	v5 =	vld.idx.msk [tilespmem:v55+s12+$0x0], $0xffff  }
0x2ed: {  	v58 =	vshll.u32 v3, $0x1;
	v11 =	vor.u32 v2, v56;
	v57 =	vld.idx.msk [tilespmem:v15+s12+$0x0], $0xffff  }
0x2ee: {  	v14 =	vand.u32 $0xFFFFFFE0, v58  }
0x2ef: {  	v59 =	vor.u32 v2, v14  }
0x2f0: {  	v14 =	vor.u32 v9, v14;
	vm6 =	vge.f32 v0, v1  }
0x2f1: {  	v0 =	vsel vm6, v0, v1  }
0x2f2: {  	[tilespmem:v11+s11+$0x0] =	vst.idx.msk $0xffff, v0;
	v0 =	vsel vm6, v5, v57  }
0x2f3: {  	[tilespmem:v11+s12+$0x0] =	vst.idx.msk $0xffff, v0  }
0x2f4: {  	v0 =	vld.idx.msk [tilespmem:v59+s11+$0x0], $0xffff  }
0x2f5: {  	v1 =	vld.idx.msk [tilespmem:v14+s11+$0x0], $0xffff  }
0x2f6: {  	v60 =	vand.u32 $0xFFFFFFF0, v3;
	v61 =	vand.u32 $0xFFFFFFE0, v3;
	v5 =	vld.idx.msk [tilespmem:v59+s12+$0x0], $0xffff  }
0x2f7: {  	v62 =	vor.u32 v2, v61;
	v11 =	vor.u32 v2, v60;
	v14 =	vld.idx.msk [tilespmem:v14+s12+$0x0], $0xffff  }
0x2f8: {  	v63 =	vand.u32 $0xFFFFFF80, v3;
	v12 =	vor.u32 v9, v61;
	v15 =	vand.u32 $0x6F, v62  }
0x2f9: {  	v12 =	vand.u32 $0x7F, v12;
	v15 =	vor.u32 v63, v15  }
0x2fa: {  	v12 =	vor.u32 v63, v12;
	vm7 =	vge.f32 v0, v1  }
0x2fb: {  	v0 =	vsel vm7, v0, v1  }
0x2fc: {  	[tilespmem:v11+s11+$0x0] =	vst.idx.msk $0xffff, v0;
	v0 =	vsel vm7, v5, v14  }
0x2fd: {  	[tilespmem:v11+s12+$0x0] =	vst.idx.msk $0xffff, v0  }
0x2fe: {  	v0 =	vld.idx.msk [tilespmem:v15+s11+$0x0], $0xffff  }
0x2ff: {  	v3 =	vshrl.u32 v3, $0x6;
	v1 =	vld.idx.msk [tilespmem:v12+s11+$0x0], $0xffff  }
0x300: {  	v20 =	vand.u32 $0x7FFFFFF0, v7;
	v22 =	vshll.u32 v3, $0x5;
	v5 =	vld.idx.msk [tilespmem:v15+s12+$0x0], $0xffff  }
0x301: {  	v23 =	vor.u32 v2, v22;
	v11 =	vor.u32 v2, v20;
	v12 =	vld.idx.msk [tilespmem:v12+s12+$0x0], $0xffff  }
0x302: {  	v7 =	vand.u32 $0x7FFFFF80, v7;
	v14 =	vor.u32 v9, v22;
	v15 =	vand.u32 $0x6F, v23  }
0x303: {  	v14 =	vand.u32 $0x7F, v14;
	v15 =	vor.u32 v7, v15  }
0x304: {  	v7 =	vor.u32 v7, v14;
	vm8 =	vge.f32 v0, v1  }
0x305: {  	v0 =	vsel vm8, v0, v1  }
0x306: {  	[tilespmem:v11+s11+$0x0] =	vst.idx.msk $0xffff, v0;
	v0 =	vsel vm8, v5, v12  }
0x307: {  	[tilespmem:v11+s12+$0x0] =	vst.idx.msk $0xffff, v0  }
0x308: {  	v1 =	vshll.u32 v3, $0x4;
	v0 =	vld.idx.msk [tilespmem:v15+s11+$0x0], $0xffff  }
0x309: {  	v1 =	vor.u32 v2, v1;
	v3 =	vld.idx.msk [tilespmem:v7+s11+$0x0], $0xffff  }
0x30a: {  	v24 =	vand.u32 $0x3FFFFF80, v48;
	v1 =	vand.u32 $0x7F, v1;
	v5 =	vld.idx.msk [tilespmem:v15+s12+$0x0], $0xffff  }
0x30b: {  	v7 =	vld.idx.msk [tilespmem:v7+s12+$0x0], $0xffff;
	v1 =	vor.u32 v24, v1;
	_ =	sdelay $0x2  }
0x30c: {  	vm9 =	vge.f32 v0, v3  }
0x30d: {  	v0 =	vsel vm9, v0, v3  }
0x30e: {  	[tilespmem:v1+s11+$0x0] =	vst.idx.msk $0xffff, v0;
	v0 =	vsel vm9, v5, v7  }
0x30f: {  	[tilespmem:v1+s12+$0x0] =	vst.idx.msk $0xffff, v0  }
0x310: {  	v0 =	vld [tilespmem:$0x8810];
	_ =	sdelay $0x4  }
0x311: {  	v1 =	vshll.u32 v0, $0x8;
	v3 =	vadd.s32 $0x40, v0  }
0x312: {  	v1 =	vor.u32 v4, v1;
	v5 =	vshll.u32 v3, $0x4;
	v7 =	vshrl.u32 v3, $0x1  }
0x313: {  	v1 =	vor.u32 v6, v1;
	v5 =	vor.u32 v2, v5;
	v25 =	vshll.u32 v7, $0x5  }
0x314: {  	v26 =	vor.u32 v2, v25  }
0x315: {  	v27 =	vor.u32 v9, v25;
	_ =	sdelay $0x1  }
0x316: {  	[tilespmem:s17+$0xFFFFFE00] =	vst v0  }
0x317: {  	v11 =	vld.idx.msk [tilespmem:v1+s10+$0x0], $0xffff;
	[tilespmem:v5+s11+$0x0] =	vst.idx.msk $0xffff, v21  }
0x318: {  	v0 =	vld.idx.msk [tilespmem:v26+s11+$0x0], $0xffff  }
0x319: {  	v1 =	vld.idx.msk [tilespmem:v27+s11+$0x0], $0xffff  }
0x31a: {  	v28 =	vshll.u32 v7, $0x4;
	v5 =	vld.idx.msk [tilespmem:v26+s12+$0x0], $0xffff  }
0x31b: {  	v29 =	vshrl.u32 v3, $0x2;
	v12 =	vor.u32 v2, v28;
	v13 =	vld.idx.msk [tilespmem:v27+s12+$0x0], $0xffff  }
0x31c: {  	v30 =	vshll.u32 v29, $0x5  }
0x31d: {  	v31 =	vor.u32 v2, v30  }
0x31e: {  	v15 =	vor.u32 v9, v30;
	vm10 =	vge.f32 v0, v1  }
0x31f: {  	v0 =	vsel vm10, v0, v1  }
0x320: {  	[tilespmem:v12+s11+$0x0] =	vst.idx.msk $0xffff, v0;
	v0 =	vsel vm10, v5, v13  }
0x321: {  	[tilespmem:v12+s12+$0x0] =	vst.idx.msk $0xffff, v0  }
0x322: {  	v0 =	vld.idx.msk [tilespmem:v31+s11+$0x0], $0xffff  }
0x323: {  	v1 =	vld.idx.msk [tilespmem:v15+s11+$0x0], $0xffff  }
0x324: {  	v32 =	vshll.u32 v29, $0x4;
	v5 =	vld.idx.msk [tilespmem:v31+s12+$0x0], $0xffff  }
0x325: {  	v34 =	vshrl.u32 v3, $0x3;
	v12 =	vor.u32 v2, v32;
	v33 =	vld.idx.msk [tilespmem:v15+s12+$0x0], $0xffff  }
0x326: {  	v35 =	vshll.u32 v34, $0x5  }
0x327: {  	v36 =	vor.u32 v2, v35  }
0x328: {  	v16 =	vor.u32 v9, v35;
	vm11 =	vge.f32 v0, v1  }
0x329: {  	v0 =	vsel vm11, v0, v1  }
0x32a: {  	[tilespmem:v12+s11+$0x0] =	vst.idx.msk $0xffff, v0;
	v0 =	vsel vm11, v5, v33  }
0x32b: {  	[tilespmem:v12+s12+$0x0] =	vst.idx.msk $0xffff, v0  }
0x32c: {  	v0 =	vld.idx.msk [tilespmem:v36+s11+$0x0], $0xffff  }
0x32d: {  	v1 =	vld.idx.msk [tilespmem:v16+s11+$0x0], $0xffff  }
0x32e: {  	v37 =	vshll.u32 v34, $0x4;
	v5 =	vld.idx.msk [tilespmem:v36+s12+$0x0], $0xffff  }
0x32f: {  	v39 =	vshll.u32 v3, $0x1;
	v12 =	vor.u32 v2, v37;
	v38 =	vld.idx.msk [tilespmem:v16+s12+$0x0], $0xffff  }
0x330: {  	v15 =	vand.u32 $0xFFFFFFE0, v39  }
0x331: {  	v40 =	vor.u32 v2, v15  }
0x332: {  	v15 =	vor.u32 v9, v15;
	vm12 =	vge.f32 v0, v1  }
0x333: {  	v0 =	vsel vm12, v0, v1  }
0x334: {  	[tilespmem:v12+s11+$0x0] =	vst.idx.msk $0xffff, v0;
	v0 =	vsel vm12, v5, v38  }
0x335: {  	[tilespmem:v12+s12+$0x0] =	vst.idx.msk $0xffff, v0  }
0x336: {  	v0 =	vld.idx.msk [tilespmem:v40+s11+$0x0], $0xffff  }
0x337: {  	v1 =	vld.idx.msk [tilespmem:v15+s11+$0x0], $0xffff  }
0x338: {  	v41 =	vand.u32 $0xFFFFFFF0, v3;
	v42 =	vand.u32 $0xFFFFFFE0, v3;
	v5 =	vld.idx.msk [tilespmem:v40+s12+$0x0], $0xffff  }
0x339: {  	v43 =	vor.u32 v2, v42;
	v12 =	vor.u32 v2, v41;
	v15 =	vld.idx.msk [tilespmem:v15+s12+$0x0], $0xffff  }
0x33a: {  	v44 =	vand.u32 $0xFFFFFF80, v3;
	v13 =	vor.u32 v9, v42;
	v16 =	vand.u32 $0x6F, v43  }
0x33b: {  	v13 =	vand.u32 $0x7F, v13;
	v16 =	vor.u32 v44, v16  }
0x33c: {  	v13 =	vor.u32 v44, v13;
	vm13 =	vge.f32 v0, v1  }
0x33d: {  	v0 =	vsel vm13, v0, v1  }
0x33e: {  	[tilespmem:v12+s11+$0x0] =	vst.idx.msk $0xffff, v0;
	v0 =	vsel vm13, v5, v15  }
0x33f: {  	[tilespmem:v12+s12+$0x0] =	vst.idx.msk $0xffff, v0  }
0x340: {  	v0 =	vld.idx.msk [tilespmem:v16+s11+$0x0], $0xffff  }
0x341: {  	v3 =	vshrl.u32 v3, $0x6;
	v1 =	vld.idx.msk [tilespmem:v13+s11+$0x0], $0xffff  }
0x342: {  	v45 =	vand.u32 $0x7FFFFFF0, v7;
	v46 =	vshll.u32 v3, $0x5;
	v5 =	vld.idx.msk [tilespmem:v16+s12+$0x0], $0xffff  }
0x343: {  	v47 =	vor.u32 v2, v46;
	v12 =	vor.u32 v2, v45;
	v13 =	vld.idx.msk [tilespmem:v13+s12+$0x0], $0xffff  }
0x344: {  	v7 =	vand.u32 $0x7FFFFF80, v7;
	v15 =	vor.u32 v9, v46;
	v16 =	vand.u32 $0x6F, v47  }
0x345: {  	v15 =	vand.u32 $0x7F, v15;
	v16 =	vor.u32 v7, v16  }
0x346: {  	v7 =	vor.u32 v7, v15;
	vm14 =	vge.f32 v0, v1  }
0x347: {  	v0 =	vsel vm14, v0, v1  }
0x348: {  	[tilespmem:v12+s11+$0x0] =	vst.idx.msk $0xffff, v0;
	v0 =	vsel vm14, v5, v13  }
0x349: {  	[tilespmem:v12+s12+$0x0] =	vst.idx.msk $0xffff, v0  }
0x34a: {  	v1 =	vshll.u32 v3, $0x4;
	v0 =	vld.idx.msk [tilespmem:v16+s11+$0x0], $0xffff  }
0x34b: {  	v1 =	vor.u32 v2, v1;
	v3 =	vld.idx.msk [tilespmem:v7+s11+$0x0], $0xffff  }
0x34c: {  	v48 =	vand.u32 $0x3FFFFF80, v29;
	v1 =	vand.u32 $0x7F, v1;
	v5 =	vld.idx.msk [tilespmem:v16+s12+$0x0], $0xffff  }
0x34d: {  	v7 =	vld.idx.msk [tilespmem:v7+s12+$0x0], $0xffff;
	v1 =	vor.u32 v48, v1;
	_ =	sdelay $0x2  }
0x34e: {  	vm15 =	vge.f32 v0, v3  }
0x34f: {  	v0 =	vsel vm15, v0, v3  }
0x350: {  	[tilespmem:v1+s11+$0x0] =	vst.idx.msk $0xffff, v0;
	v0 =	vsel vm15, v5, v7  }
0x351: {  	[tilespmem:v1+s12+$0x0] =	vst.idx.msk $0xffff, v0  }
0x352: {  	v0 =	vld [tilespmem:$0x8810];
	_ =	sdelay $0x4  }
0x353: {  	v1 =	vshll.u32 v0, $0x8;
	v3 =	vadd.s32 $0x40, v0  }
0x354: {  	v1 =	vor.u32 v4, v1;
	v5 =	vshll.u32 v3, $0x4;
	v7 =	vshrl.u32 v3, $0x1  }
0x355: {  	v1 =	vor.u32 v6, v1;
	v5 =	vor.u32 v2, v5;
	v49 =	vshll.u32 v7, $0x5  }
0x356: {  	v50 =	vor.u32 v2, v49  }
0x357: {  	v51 =	vor.u32 v9, v49;
	_ =	sdelay $0x1  }
0x358: {  	[tilespmem:s17+$0xFFFFFF00] =	vst v0  }
0x359: {  	v12 =	vld.idx.msk [tilespmem:v1+s10+$0x0], $0xffff;
	[tilespmem:v5+s11+$0x0] =	vst.idx.msk $0xffff, v21  }
0x35a: {  	v0 =	vld.idx.msk [tilespmem:v50+s11+$0x0], $0xffff  }
0x35b: {  	v1 =	vld.idx.msk [tilespmem:v51+s11+$0x0], $0xffff  }
0x35c: {  	v52 =	vshll.u32 v7, $0x4;
	v5 =	vld.idx.msk [tilespmem:v50+s12+$0x0], $0xffff  }
0x35d: {  	v53 =	vshrl.u32 v3, $0x2;
	v13 =	vor.u32 v2, v52;
	v14 =	vld.idx.msk [tilespmem:v51+s12+$0x0], $0xffff  }
0x35e: {  	v54 =	vshll.u32 v53, $0x5  }
0x35f: {  	v55 =	vor.u32 v2, v54  }
0x360: {  	v16 =	vor.u32 v9, v54;
	vm4 =	vge.f32 v0, v1  }
0x361: {  	v0 =	vsel vm4, v0, v1  }
0x362: {  	[tilespmem:v13+s11+$0x0] =	vst.idx.msk $0xffff, v0;
	v0 =	vsel vm4, v5, v14  }
0x363: {  	[tilespmem:v13+s12+$0x0] =	vst.idx.msk $0xffff, v0  }
0x364: {  	v0 =	vld.idx.msk [tilespmem:v55+s11+$0x0], $0xffff  }
0x365: {  	v1 =	vld.idx.msk [tilespmem:v16+s11+$0x0], $0xffff  }
0x366: {  	v56 =	vshll.u32 v53, $0x4;
	v5 =	vld.idx.msk [tilespmem:v55+s12+$0x0], $0xffff  }
0x367: {  	v58 =	vshrl.u32 v3, $0x3;
	v13 =	vor.u32 v2, v56;
	v57 =	vld.idx.msk [tilespmem:v16+s12+$0x0], $0xffff  }
0x368: {  	v59 =	vshll.u32 v58, $0x5  }
0x369: {  	v60 =	vor.u32 v2, v59  }
0x36a: {  	v17 =	vor.u32 v9, v59;
	vm5 =	vge.f32 v0, v1  }
0x36b: {  	v0 =	vsel vm5, v0, v1  }
0x36c: {  	[tilespmem:v13+s11+$0x0] =	vst.idx.msk $0xffff, v0;
	v0 =	vsel vm5, v5, v57  }
0x36d: {  	[tilespmem:v13+s12+$0x0] =	vst.idx.msk $0xffff, v0  }
0x36e: {  	v0 =	vld.idx.msk [tilespmem:v60+s11+$0x0], $0xffff  }
0x36f: {  	v1 =	vld.idx.msk [tilespmem:v17+s11+$0x0], $0xffff  }
0x370: {  	v61 =	vshll.u32 v58, $0x4;
	v5 =	vld.idx.msk [tilespmem:v60+s12+$0x0], $0xffff  }
0x371: {  	v63 =	vshll.u32 v3, $0x1;
	v13 =	vor.u32 v2, v61;
	v62 =	vld.idx.msk [tilespmem:v17+s12+$0x0], $0xffff  }
0x372: {  	v16 =	vand.u32 $0xFFFFFFE0, v63  }
0x373: {  	v20 =	vor.u32 v2, v16  }
0x374: {  	v16 =	vor.u32 v9, v16;
	vm6 =	vge.f32 v0, v1  }
0x375: {  	v0 =	vsel vm6, v0, v1  }
0x376: {  	[tilespmem:v13+s11+$0x0] =	vst.idx.msk $0xffff, v0;
	v0 =	vsel vm6, v5, v62  }
0x377: {  	[tilespmem:v13+s12+$0x0] =	vst.idx.msk $0xffff, v0  }
0x378: {  	v0 =	vld.idx.msk [tilespmem:v20+s11+$0x0], $0xffff  }
0x379: {  	v1 =	vld.idx.msk [tilespmem:v16+s11+$0x0], $0xffff  }
0x37a: {  	v22 =	vand.u32 $0xFFFFFFF0, v3;
	v23 =	vand.u32 $0xFFFFFFE0, v3;
	v5 =	vld.idx.msk [tilespmem:v20+s12+$0x0], $0xffff  }
0x37b: {  	v24 =	vor.u32 v2, v23;
	v13 =	vor.u32 v2, v22;
	v16 =	vld.idx.msk [tilespmem:v16+s12+$0x0], $0xffff  }
0x37c: {  	v25 =	vand.u32 $0xFFFFFF80, v3;
	v14 =	vor.u32 v9, v23;
	v17 =	vand.u32 $0x6F, v24  }
0x37d: {  	v14 =	vand.u32 $0x7F, v14;
	v17 =	vor.u32 v25, v17  }
0x37e: {  	v14 =	vor.u32 v25, v14;
	vm7 =	vge.f32 v0, v1  }
0x37f: {  	v0 =	vsel vm7, v0, v1  }
0x380: {  	[tilespmem:v13+s11+$0x0] =	vst.idx.msk $0xffff, v0;
	v0 =	vsel vm7, v5, v16  }
0x381: {  	[tilespmem:v13+s12+$0x0] =	vst.idx.msk $0xffff, v0  }
0x382: {  	v0 =	vld.idx.msk [tilespmem:v17+s11+$0x0], $0xffff  }
0x383: {  	v3 =	vshrl.u32 v3, $0x6;
	v1 =	vld.idx.msk [tilespmem:v14+s11+$0x0], $0xffff  }
0x384: {  	v26 =	vand.u32 $0x7FFFFFF0, v7;
	v27 =	vshll.u32 v3, $0x5;
	v5 =	vld.idx.msk [tilespmem:v17+s12+$0x0], $0xffff  }
0x385: {  	v28 =	vor.u32 v2, v27;
	v13 =	vor.u32 v2, v26;
	v14 =	vld.idx.msk [tilespmem:v14+s12+$0x0], $0xffff  }
0x386: {  	v7 =	vand.u32 $0x7FFFFF80, v7;
	v16 =	vor.u32 v9, v27;
	v17 =	vand.u32 $0x6F, v28  }
0x387: {  	v16 =	vand.u32 $0x7F, v16;
	v17 =	vor.u32 v7, v17  }
0x388: {  	v7 =	vor.u32 v7, v16;
	vm8 =	vge.f32 v0, v1  }
0x389: {  	v0 =	vsel vm8, v0, v1  }
0x38a: {  	[tilespmem:v13+s11+$0x0] =	vst.idx.msk $0xffff, v0;
	v0 =	vsel vm8, v5, v14  }
0x38b: {  	[tilespmem:v13+s12+$0x0] =	vst.idx.msk $0xffff, v0  }
0x38c: {  	v1 =	vshll.u32 v3, $0x4;
	v0 =	vld.idx.msk [tilespmem:v17+s11+$0x0], $0xffff  }
0x38d: {  	v1 =	vor.u32 v2, v1;
	v3 =	vld.idx.msk [tilespmem:v7+s11+$0x0], $0xffff  }
0x38e: {  	v29 =	vand.u32 $0x3FFFFF80, v53;
	v1 =	vand.u32 $0x7F, v1;
	v5 =	vld.idx.msk [tilespmem:v17+s12+$0x0], $0xffff  }
0x38f: {  	v7 =	vld.idx.msk [tilespmem:v7+s12+$0x0], $0xffff;
	v1 =	vor.u32 v29, v1;
	_ =	sdelay $0x2  }
0x390: {  	vm9 =	vge.f32 v0, v3  }
0x391: {  	v0 =	vsel vm9, v0, v3  }
0x392: {  	[tilespmem:v1+s11+$0x0] =	vst.idx.msk $0xffff, v0;
	v0 =	vsel vm9, v5, v7  }
0x393: {  	[tilespmem:v1+s12+$0x0] =	vst.idx.msk $0xffff, v0  }
0x394: {  	v0 =	vld [tilespmem:$0x8810];
	_ =	sdelay $0x4  }
0x395: {  	v1 =	vshll.u32 v0, $0x8;
	v3 =	vadd.s32 $0x40, v0  }
0x396: {  	v1 =	vor.u32 v4, v1;
	v5 =	vshll.u32 v3, $0x4;
	v7 =	vshrl.u32 v3, $0x1  }
0x397: {  	v1 =	vor.u32 v6, v1;
	v5 =	vor.u32 v2, v5;
	v30 =	vshll.u32 v7, $0x5  }
0x398: {  	v31 =	vor.u32 v2, v30  }
0x399: {  	v32 =	vor.u32 v9, v30;
	_ =	sdelay $0x1  }
0x39a: {  	[tilespmem:s17+$0x0] =	vst v0  }
0x39b: {  	v13 =	vld.idx.msk [tilespmem:v1+s10+$0x0], $0xffff;
	[tilespmem:v5+s11+$0x0] =	vst.idx.msk $0xffff, v21  }
0x39c: {  	v0 =	vld.idx.msk [tilespmem:v31+s11+$0x0], $0xffff  }
0x39d: {  	v1 =	vld.idx.msk [tilespmem:v32+s11+$0x0], $0xffff  }
0x39e: {  	v33 =	vshll.u32 v7, $0x4;
	v5 =	vld.idx.msk [tilespmem:v31+s12+$0x0], $0xffff  }
0x39f: {  	v34 =	vshrl.u32 v3, $0x2;
	v14 =	vor.u32 v2, v33;
	v15 =	vld.idx.msk [tilespmem:v32+s12+$0x0], $0xffff  }
0x3a0: {  	v35 =	vshll.u32 v34, $0x5  }
0x3a1: {  	v36 =	vor.u32 v2, v35  }
0x3a2: {  	v17 =	vor.u32 v9, v35;
	vm10 =	vge.f32 v0, v1  }
0x3a3: {  	v0 =	vsel vm10, v0, v1  }
0x3a4: {  	[tilespmem:v14+s11+$0x0] =	vst.idx.msk $0xffff, v0;
	v0 =	vsel vm10, v5, v15  }
0x3a5: {  	[tilespmem:v14+s12+$0x0] =	vst.idx.msk $0xffff, v0  }
0x3a6: {  	v0 =	vld.idx.msk [tilespmem:v36+s11+$0x0], $0xffff  }
0x3a7: {  	v1 =	vld.idx.msk [tilespmem:v17+s11+$0x0], $0xffff  }
0x3a8: {  	v37 =	vshll.u32 v34, $0x4;
	v5 =	vld.idx.msk [tilespmem:v36+s12+$0x0], $0xffff  }
0x3a9: {  	v39 =	vshrl.u32 v3, $0x3;
	v14 =	vor.u32 v2, v37;
	v38 =	vld.idx.msk [tilespmem:v17+s12+$0x0], $0xffff  }
0x3aa: {  	v40 =	vshll.u32 v39, $0x5  }
0x3ab: {  	v41 =	vor.u32 v2, v40  }
0x3ac: {  	v18 =	vor.u32 v9, v40;
	vm11 =	vge.f32 v0, v1  }
0x3ad: {  	v0 =	vsel vm11, v0, v1  }
0x3ae: {  	[tilespmem:v14+s11+$0x0] =	vst.idx.msk $0xffff, v0;
	v0 =	vsel vm11, v5, v38  }
0x3af: {  	[tilespmem:v14+s12+$0x0] =	vst.idx.msk $0xffff, v0  }
0x3b0: {  	v0 =	vld.idx.msk [tilespmem:v41+s11+$0x0], $0xffff  }
0x3b1: {  	v1 =	vld.idx.msk [tilespmem:v18+s11+$0x0], $0xffff  }
0x3b2: {  	v42 =	vshll.u32 v39, $0x4;
	v5 =	vld.idx.msk [tilespmem:v41+s12+$0x0], $0xffff  }
0x3b3: {  	v44 =	vshll.u32 v3, $0x1;
	v14 =	vor.u32 v2, v42;
	v43 =	vld.idx.msk [tilespmem:v18+s12+$0x0], $0xffff  }
0x3b4: {  	v17 =	vand.u32 $0xFFFFFFE0, v44  }
0x3b5: {  	v45 =	vor.u32 v2, v17  }
0x3b6: {  	v17 =	vor.u32 v9, v17;
	vm12 =	vge.f32 v0, v1  }
0x3b7: {  	v0 =	vsel vm12, v0, v1  }
0x3b8: {  	[tilespmem:v14+s11+$0x0] =	vst.idx.msk $0xffff, v0;
	v0 =	vsel vm12, v5, v43  }
0x3b9: {  	[tilespmem:v14+s12+$0x0] =	vst.idx.msk $0xffff, v0  }
0x3ba: {  	v0 =	vld.idx.msk [tilespmem:v45+s11+$0x0], $0xffff  }
0x3bb: {  	v1 =	vld.idx.msk [tilespmem:v17+s11+$0x0], $0xffff  }
0x3bc: {  	v46 =	vand.u32 $0xFFFFFFF0, v3;
	v47 =	vand.u32 $0xFFFFFFE0, v3;
	v5 =	vld.idx.msk [tilespmem:v45+s12+$0x0], $0xffff  }
0x3bd: {  	v48 =	vor.u32 v2, v47;
	v14 =	vor.u32 v2, v46;
	v17 =	vld.idx.msk [tilespmem:v17+s12+$0x0], $0xffff  }
0x3be: {  	v49 =	vand.u32 $0xFFFFFF80, v3;
	v15 =	vor.u32 v9, v47;
	v18 =	vand.u32 $0x6F, v48  }
0x3bf: {  	v15 =	vand.u32 $0x7F, v15;
	v18 =	vor.u32 v49, v18  }
0x3c0: {  	v15 =	vor.u32 v49, v15;
	vm13 =	vge.f32 v0, v1  }
0x3c1: {  	v0 =	vsel vm13, v0, v1  }
0x3c2: {  	[tilespmem:v14+s11+$0x0] =	vst.idx.msk $0xffff, v0;
	v0 =	vsel vm13, v5, v17  }
0x3c3: {  	[tilespmem:v14+s12+$0x0] =	vst.idx.msk $0xffff, v0  }
0x3c4: {  	v0 =	vld.idx.msk [tilespmem:v18+s11+$0x0], $0xffff  }
0x3c5: {  	v3 =	vshrl.u32 v3, $0x6;
	v1 =	vld.idx.msk [tilespmem:v15+s11+$0x0], $0xffff  }
0x3c6: {  	v50 =	vand.u32 $0x7FFFFFF0, v7;
	v51 =	vshll.u32 v3, $0x5;
	v5 =	vld.idx.msk [tilespmem:v18+s12+$0x0], $0xffff  }
0x3c7: {  	v52 =	vor.u32 v2, v51;
	v14 =	vor.u32 v2, v50;
	v15 =	vld.idx.msk [tilespmem:v15+s12+$0x0], $0xffff  }
0x3c8: {  	v7 =	vand.u32 $0x7FFFFF80, v7;
	v17 =	vor.u32 v9, v51;
	v18 =	vand.u32 $0x6F, v52  }
0x3c9: {  	v17 =	vand.u32 $0x7F, v17;
	v18 =	vor.u32 v7, v18  }
0x3ca: {  	v7 =	vor.u32 v7, v17;
	vm14 =	vge.f32 v0, v1  }
0x3cb: {  	v0 =	vsel vm14, v0, v1  }
0x3cc: {  	[tilespmem:v14+s11+$0x0] =	vst.idx.msk $0xffff, v0;
	v0 =	vsel vm14, v5, v15  }
0x3cd: {  	[tilespmem:v14+s12+$0x0] =	vst.idx.msk $0xffff, v0  }
0x3ce: {  	v1 =	vshll.u32 v3, $0x4;
	v0 =	vld.idx.msk [tilespmem:v18+s11+$0x0], $0xffff  }
0x3cf: {  	v1 =	vor.u32 v2, v1;
	v3 =	vld.idx.msk [tilespmem:v7+s11+$0x0], $0xffff  }
0x3d0: {  	v53 =	vand.u32 $0x3FFFFF80, v34;
	v1 =	vand.u32 $0x7F, v1;
	v5 =	vld.idx.msk [tilespmem:v18+s12+$0x0], $0xffff  }
0x3d1: {  	v7 =	vld.idx.msk [tilespmem:v7+s12+$0x0], $0xffff;
	v1 =	vor.u32 v53, v1;
	_ =	sdelay $0x2  }
0x3d2: {  	vm15 =	vge.f32 v0, v3  }
0x3d3: {  	v0 =	vsel vm15, v0, v3  }
0x3d4: {  	[tilespmem:v1+s11+$0x0] =	vst.idx.msk $0xffff, v0;
	v0 =	vsel vm15, v5, v7  }
0x3d5: {  	[tilespmem:v1+s12+$0x0] =	vst.idx.msk $0xffff, v0  }
0x3d6: {  	v0 =	vld [tilespmem:$0x8810];
	_ =	sdelay $0x4  }
0x3d7: {  	v1 =	vshll.u32 v0, $0x8;
	v3 =	vadd.s32 $0x40, v0  }
0x3d8: {  	v1 =	vor.u32 v4, v1;
	v5 =	vshll.u32 v3, $0x4;
	v7 =	vshrl.u32 v3, $0x1  }
0x3d9: {  	v1 =	vor.u32 v6, v1;
	v5 =	vor.u32 v2, v5;
	v54 =	vshll.u32 v7, $0x5  }
0x3da: {  	v55 =	vor.u32 v2, v54  }
0x3db: {  	v56 =	vor.u32 v9, v54;
	_ =	sdelay $0x1  }
0x3dc: {  	[tilespmem:s17+$0x100] =	vst v0  }
0x3dd: {  	v14 =	vld.idx.msk [tilespmem:v1+s10+$0x0], $0xffff;
	[tilespmem:v5+s11+$0x0] =	vst.idx.msk $0xffff, v21  }
0x3de: {  	v0 =	vld.idx.msk [tilespmem:v55+s11+$0x0], $0xffff  }
0x3df: {  	v1 =	vld.idx.msk [tilespmem:v56+s11+$0x0], $0xffff  }
0x3e0: {  	v57 =	vshll.u32 v7, $0x4;
	v5 =	vld.idx.msk [tilespmem:v55+s12+$0x0], $0xffff  }
0x3e1: {  	v58 =	vshrl.u32 v3, $0x2;
	v15 =	vor.u32 v2, v57;
	v16 =	vld.idx.msk [tilespmem:v56+s12+$0x0], $0xffff  }
0x3e2: {  	v59 =	vshll.u32 v58, $0x5  }
0x3e3: {  	v60 =	vor.u32 v2, v59  }
0x3e4: {  	v18 =	vor.u32 v9, v59;
	vm4 =	vge.f32 v0, v1  }
0x3e5: {  	v0 =	vsel vm4, v0, v1  }
0x3e6: {  	[tilespmem:v15+s11+$0x0] =	vst.idx.msk $0xffff, v0;
	v0 =	vsel vm4, v5, v16  }
0x3e7: {  	[tilespmem:v15+s12+$0x0] =	vst.idx.msk $0xffff, v0  }
0x3e8: {  	v0 =	vld.idx.msk [tilespmem:v60+s11+$0x0], $0xffff  }
0x3e9: {  	v1 =	vld.idx.msk [tilespmem:v18+s11+$0x0], $0xffff  }
0x3ea: {  	v61 =	vshll.u32 v58, $0x4;
	v5 =	vld.idx.msk [tilespmem:v60+s12+$0x0], $0xffff  }
0x3eb: {  	v63 =	vshrl.u32 v3, $0x3;
	v15 =	vor.u32 v2, v61;
	v62 =	vld.idx.msk [tilespmem:v18+s12+$0x0], $0xffff  }
0x3ec: {  	v24 =	vshll.u32 v63, $0x5  }
0x3ed: {  	v25 =	vor.u32 v2, v24  }
0x3ee: {  	v19 =	vor.u32 v9, v24;
	vm5 =	vge.f32 v0, v1  }
0x3ef: {  	v0 =	vsel vm5, v0, v1  }
0x3f0: {  	[tilespmem:v15+s11+$0x0] =	vst.idx.msk $0xffff, v0;
	v0 =	vsel vm5, v5, v62  }
0x3f1: {  	[tilespmem:v15+s12+$0x0] =	vst.idx.msk $0xffff, v0  }
0x3f2: {  	v0 =	vld.idx.msk [tilespmem:v25+s11+$0x0], $0xffff  }
0x3f3: {  	v1 =	vld.idx.msk [tilespmem:v19+s11+$0x0], $0xffff  }
0x3f4: {  	v26 =	vshll.u32 v63, $0x4;
	v5 =	vld.idx.msk [tilespmem:v25+s12+$0x0], $0xffff  }
0x3f5: {  	v28 =	vshll.u32 v3, $0x1;
	v15 =	vor.u32 v2, v26;
	v27 =	vld.idx.msk [tilespmem:v19+s12+$0x0], $0xffff  }
0x3f6: {  	v18 =	vand.u32 $0xFFFFFFE0, v28  }
0x3f7: {  	v29 =	vor.u32 v2, v18  }
0x3f8: {  	v18 =	vor.u32 v9, v18;
	vm6 =	vge.f32 v0, v1  }
0x3f9: {  	v0 =	vsel vm6, v0, v1  }
0x3fa: {  	[tilespmem:v15+s11+$0x0] =	vst.idx.msk $0xffff, v0;
	v0 =	vsel vm6, v5, v27  }
0x3fb: {  	[tilespmem:v15+s12+$0x0] =	vst.idx.msk $0xffff, v0  }
0x3fc: {  	v0 =	vld.idx.msk [tilespmem:v29+s11+$0x0], $0xffff  }
0x3fd: {  	v1 =	vld.idx.msk [tilespmem:v18+s11+$0x0], $0xffff  }
0x3fe: {  	v30 =	vand.u32 $0xFFFFFFF0, v3;
	v31 =	vand.u32 $0xFFFFFFE0, v3;
	v5 =	vld.idx.msk [tilespmem:v29+s12+$0x0], $0xffff  }
0x3ff: {  	v32 =	vor.u32 v2, v31;
	v15 =	vor.u32 v2, v30;
	v18 =	vld.idx.msk [tilespmem:v18+s12+$0x0], $0xffff  }
0x400: {  	v33 =	vand.u32 $0xFFFFFF80, v3;
	v16 =	vor.u32 v9, v31;
	v19 =	vand.u32 $0x6F, v32  }
0x401: {  	v16 =	vand.u32 $0x7F, v16;
	v19 =	vor.u32 v33, v19  }
0x402: {  	v16 =	vor.u32 v33, v16;
	vm7 =	vge.f32 v0, v1  }
0x403: {  	v0 =	vsel vm7, v0, v1  }
0x404: {  	[tilespmem:v15+s11+$0x0] =	vst.idx.msk $0xffff, v0;
	v0 =	vsel vm7, v5, v18  }
0x405: {  	[tilespmem:v15+s12+$0x0] =	vst.idx.msk $0xffff, v0  }
0x406: {  	v0 =	vld.idx.msk [tilespmem:v19+s11+$0x0], $0xffff  }
0x407: {  	v3 =	vshrl.u32 v3, $0x6;
	v1 =	vld.idx.msk [tilespmem:v16+s11+$0x0], $0xffff  }
0x408: {  	v34 =	vand.u32 $0x7FFFFFF0, v7;
	v35 =	vshll.u32 v3, $0x5;
	v5 =	vld.idx.msk [tilespmem:v19+s12+$0x0], $0xffff  }
0x409: {  	v36 =	vor.u32 v2, v35;
	v15 =	vor.u32 v2, v34;
	v16 =	vld.idx.msk [tilespmem:v16+s12+$0x0], $0xffff  }
0x40a: {  	v7 =	vand.u32 $0x7FFFFF80, v7;
	v18 =	vor.u32 v9, v35;
	v19 =	vand.u32 $0x6F, v36  }
0x40b: {  	v18 =	vand.u32 $0x7F, v18;
	v19 =	vor.u32 v7, v19  }
0x40c: {  	v7 =	vor.u32 v7, v18;
	vm8 =	vge.f32 v0, v1  }
0x40d: {  	v0 =	vsel vm8, v0, v1  }
0x40e: {  	[tilespmem:v15+s11+$0x0] =	vst.idx.msk $0xffff, v0;
	v0 =	vsel vm8, v5, v16  }
0x40f: {  	[tilespmem:v15+s12+$0x0] =	vst.idx.msk $0xffff, v0  }
0x410: {  	v1 =	vshll.u32 v3, $0x4;
	v0 =	vld.idx.msk [tilespmem:v19+s11+$0x0], $0xffff  }
0x411: {  	v1 =	vor.u32 v2, v1;
	v3 =	vld.idx.msk [tilespmem:v7+s11+$0x0], $0xffff  }
0x412: {  	v37 =	vand.u32 $0x3FFFFF80, v58;
	v1 =	vand.u32 $0x7F, v1;
	v5 =	vld.idx.msk [tilespmem:v19+s12+$0x0], $0xffff  }
0x413: {  	v7 =	vld.idx.msk [tilespmem:v7+s12+$0x0], $0xffff;
	v1 =	vor.u32 v37, v1;
	_ =	sdelay $0x2  }
0x414: {  	vm9 =	vge.f32 v0, v3  }
0x415: {  	v0 =	vsel vm9, v0, v3  }
0x416: {  	[tilespmem:v1+s11+$0x0] =	vst.idx.msk $0xffff, v0;
	v0 =	vsel vm9, v5, v7  }
0x417: {  	[tilespmem:v1+s12+$0x0] =	vst.idx.msk $0xffff, v0  }
0x418: {  	v0 =	vld [tilespmem:$0x8810];
	_ =	sdelay $0x4  }
0x419: {  	v1 =	vshll.u32 v0, $0x8;
	v3 =	vadd.s32 $0x40, v0  }
0x41a: {  	v1 =	vor.u32 v4, v1;
	v5 =	vshll.u32 v3, $0x4;
	v7 =	vshrl.u32 v3, $0x1  }
0x41b: {  	v1 =	vor.u32 v6, v1;
	v5 =	vor.u32 v2, v5;
	v38 =	vshll.u32 v7, $0x5  }
0x41c: {  	v39 =	vor.u32 v2, v38  }
0x41d: {  	v40 =	vor.u32 v9, v38;
	_ =	sdelay $0x1  }
0x41e: {  	[tilespmem:s17+$0x200] =	vst v0  }
0x41f: {  	v41 =	vld.idx.msk [tilespmem:v1+s10+$0x0], $0xffff;
	[tilespmem:v5+s11+$0x0] =	vst.idx.msk $0xffff, v21  }
0x420: {  	v0 =	vld.idx.msk [tilespmem:v39+s11+$0x0], $0xffff  }
0x421: {  	v1 =	vld.idx.msk [tilespmem:v40+s11+$0x0], $0xffff  }
0x422: {  	v42 =	vshll.u32 v7, $0x4;
	v5 =	vld.idx.msk [tilespmem:v39+s12+$0x0], $0xffff  }
0x423: {  	v43 =	vshrl.u32 v3, $0x2;
	v16 =	vor.u32 v2, v42;
	v17 =	vld.idx.msk [tilespmem:v40+s12+$0x0], $0xffff  }
0x424: {  	v44 =	vshll.u32 v43, $0x5  }
0x425: {  	v45 =	vor.u32 v2, v44  }
0x426: {  	v19 =	vor.u32 v9, v44;
	vm10 =	vge.f32 v0, v1  }
0x427: {  	v0 =	vsel vm10, v0, v1  }
0x428: {  	[tilespmem:v16+s11+$0x0] =	vst.idx.msk $0xffff, v0;
	v0 =	vsel vm10, v5, v17  }
0x429: {  	[tilespmem:v16+s12+$0x0] =	vst.idx.msk $0xffff, v0  }
0x42a: {  	v0 =	vld.idx.msk [tilespmem:v45+s11+$0x0], $0xffff  }
0x42b: {  	v1 =	vld.idx.msk [tilespmem:v19+s11+$0x0], $0xffff  }
0x42c: {  	v46 =	vshll.u32 v43, $0x4;
	v5 =	vld.idx.msk [tilespmem:v45+s12+$0x0], $0xffff  }
0x42d: {  	v48 =	vshrl.u32 v3, $0x3;
	v16 =	vor.u32 v2, v46;
	v47 =	vld.idx.msk [tilespmem:v19+s12+$0x0], $0xffff  }
0x42e: {  	v49 =	vshll.u32 v48, $0x5  }
0x42f: {  	v50 =	vor.u32 v2, v49  }
0x430: {  	v20 =	vor.u32 v9, v49;
	vm11 =	vge.f32 v0, v1  }
0x431: {  	v0 =	vsel vm11, v0, v1  }
0x432: {  	[tilespmem:v16+s11+$0x0] =	vst.idx.msk $0xffff, v0;
	v0 =	vsel vm11, v5, v47  }
0x433: {  	[tilespmem:v16+s12+$0x0] =	vst.idx.msk $0xffff, v0  }
0x434: {  	v0 =	vld.idx.msk [tilespmem:v50+s11+$0x0], $0xffff  }
0x435: {  	v1 =	vld.idx.msk [tilespmem:v20+s11+$0x0], $0xffff  }
0x436: {  	v51 =	vshll.u32 v48, $0x4;
	v5 =	vld.idx.msk [tilespmem:v50+s12+$0x0], $0xffff  }
0x437: {  	v53 =	vshll.u32 v3, $0x1;
	v16 =	vor.u32 v2, v51;
	v52 =	vld.idx.msk [tilespmem:v20+s12+$0x0], $0xffff  }
0x438: {  	v19 =	vand.u32 $0xFFFFFFE0, v53  }
0x439: {  	v54 =	vor.u32 v2, v19  }
0x43a: {  	v19 =	vor.u32 v9, v19;
	vm12 =	vge.f32 v0, v1  }
0x43b: {  	v0 =	vsel vm12, v0, v1  }
0x43c: {  	[tilespmem:v16+s11+$0x0] =	vst.idx.msk $0xffff, v0;
	v0 =	vsel vm12, v5, v52  }
0x43d: {  	[tilespmem:v16+s12+$0x0] =	vst.idx.msk $0xffff, v0  }
0x43e: {  	v0 =	vld.idx.msk [tilespmem:v54+s11+$0x0], $0xffff  }
0x43f: {  	v1 =	vld.idx.msk [tilespmem:v19+s11+$0x0], $0xffff  }
0x440: {  	v55 =	vand.u32 $0xFFFFFFF0, v3;
	v56 =	vand.u32 $0xFFFFFFE0, v3;
	v5 =	vld.idx.msk [tilespmem:v54+s12+$0x0], $0xffff  }
0x441: {  	v57 =	vor.u32 v2, v56;
	v16 =	vor.u32 v2, v55;
	v19 =	vld.idx.msk [tilespmem:v19+s12+$0x0], $0xffff  }
0x442: {  	v58 =	vand.u32 $0xFFFFFF80, v3;
	v17 =	vor.u32 v9, v56;
	v20 =	vand.u32 $0x6F, v57  }
0x443: {  	v17 =	vand.u32 $0x7F, v17;
	v20 =	vor.u32 v58, v20  }
0x444: {  	v17 =	vor.u32 v58, v17;
	vm13 =	vge.f32 v0, v1  }
0x445: {  	v0 =	vsel vm13, v0, v1  }
0x446: {  	[tilespmem:v16+s11+$0x0] =	vst.idx.msk $0xffff, v0;
	v0 =	vsel vm13, v5, v19  }
0x447: {  	[tilespmem:v16+s12+$0x0] =	vst.idx.msk $0xffff, v0  }
0x448: {  	v0 =	vld.idx.msk [tilespmem:v20+s11+$0x0], $0xffff  }
0x449: {  	v3 =	vshrl.u32 v3, $0x6;
	v1 =	vld.idx.msk [tilespmem:v17+s11+$0x0], $0xffff  }
0x44a: {  	v59 =	vand.u32 $0x7FFFFFF0, v7;
	v60 =	vshll.u32 v3, $0x5;
	v5 =	vld.idx.msk [tilespmem:v20+s12+$0x0], $0xffff  }
0x44b: {  	v61 =	vor.u32 v2, v60;
	v16 =	vor.u32 v2, v59;
	v17 =	vld.idx.msk [tilespmem:v17+s12+$0x0], $0xffff  }
0x44c: {  	v7 =	vand.u32 $0x7FFFFF80, v7;
	v62 =	vand.u32 $0x6F, v61;
	v9 =	vor.u32 v9, v60  }
0x44d: {  	v9 =	vand.u32 $0x7F, v9;
	v19 =	vor.u32 v7, v62  }
0x44e: {  	v7 =	vor.u32 v7, v9;
	vm14 =	vge.f32 v0, v1  }
0x44f: {  	v0 =	vsel vm14, v0, v1  }
0x450: {  	[tilespmem:v16+s11+$0x0] =	vst.idx.msk $0xffff, v0;
	v0 =	vsel vm14, v5, v17  }
0x451: {  	[tilespmem:v16+s12+$0x0] =	vst.idx.msk $0xffff, v0  }
0x452: {  	v1 =	vshll.u32 v3, $0x4;
	v0 =	vld.idx.msk [tilespmem:v19+s11+$0x0], $0xffff  }
0x453: {  	v1 =	vor.u32 v2, v1;
	v3 =	vld.idx.msk [tilespmem:v7+s11+$0x0], $0xffff  }
0x454: {  	v63 =	vand.u32 $0x3FFFFF80, v43;
	v1 =	vand.u32 $0x7F, v1;
	v5 =	vld.idx.msk [tilespmem:v19+s12+$0x0], $0xffff  }
0x455: {  	v7 =	vld.idx.msk [tilespmem:v7+s12+$0x0], $0xffff;
	v1 =	vor.u32 v63, v1;
	_ =	sdelay $0x2  }
0x456: {  	vm15 =	vge.f32 v0, v3  }
0x457: {  	v0 =	vsel vm15, v0, v3  }
0x458: {  	[tilespmem:v1+s11+$0x0] =	vst.idx.msk $0xffff, v0;
	v0 =	vsel vm15, v5, v7  }
0x459: {  	[tilespmem:v1+s12+$0x0] =	vst.idx.msk $0xffff, v0  }
0x45a: {  	v0 =	vld [tilespmem:$0x8810];
	_ =	sdelay $0x2  }
0x45b: {  	v1 =	vadd.f32 $0.0e+00, v8;
	_ =	sdelay $0x1  }
0x45c: {  	v1 =	vadd.f32 v10, v1;
	v3 =	vshll.u32 v0, $0x8  }
0x45d: {  	v3 =	vor.u32 v4, v3  }
0x45e: {  	v1 =	vadd.f32 v11, v1;
	v3 =	vor.u32 v6, v3;
	_ =	sdelay $0x1  }
0x45f: {  	v1 =	vadd.f32 v12, v1;
	_ =	sdelay $0x1  }
0x460: {  	[tilespmem:s17+$0x300] =	vst v0;
	v1 =	vadd.f32 v13, v1  }
0x461: {  	v0 =	vld.idx.msk [tilespmem:v3+s10+$0x0], $0xffff  }
0x462: {  	v1 =	vadd.f32 v14, v1;
	_ =	sdelay $0x1  }
0x463: {  	v1 =	vadd.f32 v41, v1;
	_ =	sdelay $0x1  }
0x464: {  	v1 =	vadd.f32 v0, v1;
	_ =	sdelay $0x1  }
0x465: {  	(erf) = vrcp.f32 v1;
	_ =	sdelay $0x8  }
0x466: {  	v1 =	vpop (erf)  }
0x467: {  	v3 =	vmul.f32 v1, v8  }
0x468: {  	v4 =	vmul.f32 v1, v10  }
0x469: {  	v0 =	vmul.f32 v1, v0;
	v3 =	vmul.f32 $2.500000000e+00, v3  }
0x46a: {  	v5 =	vmul.f32 v1, v11;
	v4 =	vmul.f32 $2.500000000e+00, v4  }
0x46b: {  	v6 =	vmul.f32 v1, v12;
	v0 =	vmul.f32 $2.500000000e+00, v0;
	[tilespmem:s18+$0xFFFFFC00] =	vst v3  }
0x46c: {  	v3 =	vmul.f32 $2.500000000e+00, v5;
	v5 =	vmul.f32 v1, v13;
	[tilespmem:s18+$0xFFFFFD00] =	vst v4  }
0x46d: {  	p0 =	sne.s32 s20, $0xF0;
	v4 =	vmul.f32 $2.500000000e+00, v6;
	v6 =	vmul.f32 v1, v14;
	[tilespmem:s18+$0x300] =	vst v0  }
.Ltmp0:
0x46e: {  	[tilespmem:s18+$0xFFFFFE00] =	vst v3;
	v3 =	vmul.f32 $2.500000000e+00, v5;
	v5 =	vmul.f32 v1, v41;
	(pc) =	sbr.rel @p0 .LBB2_2-.Ltmp0, $4  }
0x46f: {  	[tilespmem:s18+$0xFFFFFF00] =	vst v4;
	v4 =	vmul.f32 $2.500000000e+00, v6  }
0x470: {  	[tilespmem:s18+$0x0] =	vst v3;
	v1 =	vmul.f32 $2.500000000e+00, v5  }
0x471: {  	s19 =	sadd.s32 $0x10, s19;
	v7 =	vimm.s32 $0x7;
	[tilespmem:s18+$0x100] =	vst v4  }
0x472: {  	s20 =	sadd.s32 $0x10, s20;
	s17 =	sadd.s32 $0x10, s17;
	v0 =	vimm.s32 $0x0;
	v3 =	vimm.s32 $0x3;
	v5 =	vimm.s32 $0x5;
	[tilespmem:s18+$0x200] =	vst v1;
	s18 =	sadd.s32 $0x10, s18  }
0x473: {  	[hbm4b:s5+s8] =	stream.strided.scatter [tilespmem:s14], [sflag:$0x1], $0x800, s13, s8, $0x38;
	[tilespmem:$0xA000] =	vst v63  }
0x474: {  	s16 =	sadd.s32 $0x1, s16;
	_ =	swait.ge [sflag:s9], $0x800  }
0x475: {  	p0 =	sne.s32 s16, s7;
	[sflag:s9] =	ssyncset.done $0x0  }
.Ltmp1:
0x476: {  	[sflag:s9] =	ssyncadd.s32 $0xFFFFF800;
	(pc) =	sbr.rel @p0 .LBB2_1-.Ltmp1, $4  }
0x477: {  	[hbm4b:s6+s8] =	stream.strided.scatter [tilespmem:s15], [sflag:$0x1], $0x800, s13, s8, $0x38;
	[tilespmem:$0xA000] =	vst v63  }
0x478: {  	_ =	swait.ge [sflag:s9], $0x800  }
0x479: {  	[sflag:s9] =	ssyncset.done $0x0  }
0x47a: {  	[sflag:s9] =	ssyncadd.s32 $0xFFFFF800  }
0x47b: {  	_ =	sfence.sel $0x180000  }
0x47c: {  	[bflag:$0x0] =	sbarrier.arrive $0xFFFF  }
0x47d: {  	p0 =	sne.s32 s1, $0x0;
	_ =	strace $0x90000047  }
0x47e: {  	s0 =	sadd.s32 @!p0 $0x100000, s0;
	[bflag:$0x2] =	sbarrier.arrive $0xFFFF  }
0x47f: {  	[sflag:s0] =	ssyncadd.tile.s32 @!p0 $0x1;
	_ =	shalt  }
.Lfunc_end2:
_tile_overlayer_lowered:
.L_overlay_start_2:
0x480: {  	(tag) =	ssettag $0x2  }
0x481: {  	s0 =	rddreg [dreg:$0x0];
	s2 =	stileid.u32  }
0x482: {  	s1 =	rddreg [dreg:$0x1];
	p0 =	sne.s32 s2, $0x0  }
0x483: {  	s3 =	rddreg [dreg:$0x2];
	[bflag:$0x3] =	sbarrier.arrive $0xFFFF;
	s2 =	simm.s32 @!p0 $0x1C01  }
0x484: {  	[timem:s3], [sflag:s2] =	dma.local @!p0 [hbm:s0], s1  }
0x485: {  	s0 =	simm.s32 @!p0 $0x1  }
0x486: {  	_ =	swait.ge @!p0 [sflag:s0], s1  }
0x487: {  	s1 =	ssub.s32 @!p0 $0x0, s1;
	[sflag:s0] =	ssyncset.done @!p0 $0x0  }
0x488: {  	[sflag:s0] =	ssyncadd.s32 @!p0 s1  }
0x489: {  	[bflag:$0x3] =	sbarrier.arrive $0xFFFF  }
0x48a: {  	_ =	shalt  }

</sc_bundles>
